<compile_context>
chip_gen: v7x
topology: tpu7x:2x2x1
jax: 0.10.2.dev20260603
libtpu: 0.0.44.dev20260713+nightly
codegen_flags: <defaults>
</compile_context>

<pallas_src>
import jax
import jax.numpy as jnp
import numpy as np
from jax import lax
from jax.experimental import pallas as pl
from jax.experimental.pallas import tpu as pltpu
from jax.experimental.pallas import tpu_sc as plsc

_B, _K, _F, _NN = 8, 64, 1024, 3
_SIGMA = 0.2
_NEG_INV = -1.0 / (2.0 * _SIGMA * _SIGMA)
_INV_S2 = 1.0 / (_SIGMA * _SIGMA)
_NWORKERS = 16
_CHUNKS_PER_B = _NWORKERS // _B
_CHUNK = _F // _CHUNKS_PER_B


def _sc_gather_body(normals_hbm, idx_hbm, out_hbm, tbl_v, idx_v, out_v, sem):
    wid = lax.axis_index("s")
    b = wid // _CHUNKS_PER_B
    q = wid % _CHUNKS_PER_B
    cps = [
        pltpu.async_copy(normals_hbm.at[pl.ds(b * 3 * _F, 3 * _F)], tbl_v, sem),
        pltpu.async_copy(
            idx_hbm.at[pl.ds((b * _CHUNKS_PER_B + q) * _NN * _CHUNK,
                             _NN * _CHUNK)], idx_v, sem),
    ]
    for cp in cps:
        cp.wait()
    for c in range(3):
        for j in range(_NN):
            for i in range(_CHUNK // 16):
                iv = idx_v[pl.ds(j * _CHUNK + i * 16, 16)]
                out_v[pl.ds((c * _NN + j) * _CHUNK + i * 16, 16)] = (
                    plsc.load_gather(tbl_v, [iv + c * _F]))
    pltpu.sync_copy(
        out_v,
        out_hbm.at[pl.ds((b * _CHUNKS_PER_B + q) * 9 * _CHUNK, 9 * _CHUNK)])


_sc_gather_cache = []


def _sc_gather(normals_flat, idx_flat):
    if not _sc_gather_cache:
        _sc_gather_cache.append(pl.kernel(
            _sc_gather_body,
            mesh=plsc.VectorSubcoreMesh(core_axis_name="c", subcore_axis_name="s",
                                        num_cores=1),
            out_type=jax.ShapeDtypeStruct((_B * _CHUNKS_PER_B * 9 * _CHUNK,),
                                          jnp.float32),
            scratch_types=[
                pltpu.VMEM((3 * _F,), jnp.float32),
                pltpu.VMEM((_NN * _CHUNK,), jnp.int32),
                pltpu.VMEM((9 * _CHUNK,), jnp.float32),
                pltpu.SemaphoreType.DMA,
            ],
            compiler_params=pltpu.CompilerParams(needs_layout_passes=False),
        ))
    return _sc_gather_cache[0](normals_flat, idx_flat)


def _weights(wa_ref, wb_ref):
    alpha = wa_ref[...]
    beta = wb_ref[...]
    sa = jnp.sin(alpha)
    wx = sa * jnp.cos(beta)
    wy = sa * jnp.sin(beta)
    wz = jnp.cos(alpha)
    wxs = wx * _INV_S2
    wys = wy * _INV_S2
    wzs = wz * _INV_S2
    sw = (wx * wx + wy * wy + wz * wz) * _NEG_INV
    return wxs, wys, wzs, sw


def _accum_point(acc, px, py, pz, wxs, wys, wzs, sw):
    sp = (px * px + py * py + pz * pz) * _NEG_INV
    pxb = px[:, None, :]
    pyb = py[:, None, :]
    pzb = pz[:, None, :]
    spb = sp[:, None, :]
    for m in range(4):
        e = spb + sw[m][None, :, None]
        t = pxb * wxs[m][None, :, None] + pyb * wys[m][None, :, None] \
            + pzb * wzs[m][None, :, None] + e
        acc = acc + jnp.exp(t)
    return acc


def _tc_center_body(normals_ref, wa_ref, wb_ref, acc_ref):
    wxs, wys, wzs, sw = _weights(wa_ref, wb_ref)
    acc = jnp.zeros((_B, _K, _F), jnp.float32)
    acc_ref[...] = _accum_point(acc, normals_ref[:, 0, :], normals_ref[:, 1, :],
                                normals_ref[:, 2, :], wxs, wys, wzs, sw)


def _slab(gathered_ref, row):
    parts = []
    for b in range(_B):
        rows = []
        for q in range(_CHUNKS_PER_B):
            base = ((b * _CHUNKS_PER_B + q) * 9 + row) * _CHUNK
            rows.append(gathered_ref[pl.ds(base, _CHUNK)])
        parts.append(jnp.concatenate(rows))
    return jnp.stack(parts)


def _tc_main_body(acc0_ref, gathered_ref, wa_ref, wb_ref, g_ref, bb_ref,
                  out_ref):
    wxs, wys, wzs, sw = _weights(wa_ref, wb_ref)
    acc = acc0_ref[...]
    for p in range(_NN):
        acc = _accum_point(acc, _slab(gathered_ref, 0 * _NN + p),
                           _slab(gathered_ref, 1 * _NN + p),
                           _slab(gathered_ref, 2 * _NN + p),
                           wxs, wys, wzs, sw)
    n = float(_B * _F)
    s1 = jnp.sum(jnp.sum(acc, axis=2, keepdims=True), axis=0, keepdims=True)
    s2 = jnp.sum(jnp.sum(acc * acc, axis=2, keepdims=True), axis=0,
                 keepdims=True)
    mu = s1 * (1.0 / n)
    var = s2 * (1.0 / n) - mu * mu
    inv16 = lax.rsqrt(var + 1e-5 * 256.0)
    gamma = g_ref[...][0][None, :, None]
    bshift = bb_ref[...][0][None, :, None]
    scale = inv16 * gamma
    shift = bshift - mu * scale
    out_ref[...] = jnp.maximum(acc * scale + shift, 0.0)


def kernel(normals, neighbor_index, weight_alpha, weight_beta, bn_gamma, bn_beta):
    idx_pre = neighbor_index.astype(jnp.int32).reshape(
        _B, _CHUNKS_PER_B, _CHUNK, _NN)
    idx_flat = jnp.transpose(idx_pre, (0, 1, 3, 2)).reshape(-1)
    gathered = _sc_gather(normals.reshape(-1), idx_flat)
    wa = jnp.transpose(weight_alpha[0])
    wb = jnp.transpose(weight_beta[0])
    acc0 = pl.pallas_call(
        _tc_center_body,
        out_shape=jax.ShapeDtypeStruct((_B, _K, _F), jnp.float32),
    )(normals, wa, wb)
    return pl.pallas_call(
        _tc_main_body,
        out_shape=jax.ShapeDtypeStruct((_B, _K, _F), jnp.float32),
    )(acc0, gathered, wa, wb, bn_gamma.reshape(1, _K), bn_beta.reshape(1, _K))

# --- scband reference (transcript-rebuilt; emitter-appended) ---
"""Pipeline reference for scband-face-kernel-correlation-62826781605925 (READ-ONLY COPY).

The authoritative reference and input builder live on the scoring server;
editing this copy changes nothing except your own understanding.
"""

import jax, jax.numpy as jnp
import numpy as np

B, K, F, NN = 8, 64, 1024, 3
SIGMA = 0.2

def setup_inputs(seed: int = 0):
    key = jax.random.key(seed)
    k1, k2, k3, k4 = jax.random.split(key, 4)
    normals = jax.random.normal(k1, (B, 3, F), dtype=jnp.float32)
    neighbor_index = jax.random.randint(k2, (B, F, NN), 0, F, dtype=jnp.int32)
    weight_alpha = jax.random.uniform(k3, (1, K, 4), dtype=jnp.float32) * np.pi
    weight_beta = jax.random.uniform(k4, (1, K, 4), dtype=jnp.float32) * 2.0 * np.pi
    bn_gamma = jnp.ones((K,), dtype=jnp.float32)
    bn_beta = jnp.zeros((K,), dtype=jnp.float32)
    return {"normals": normals, "neighbor_index": neighbor_index,
            "weight_alpha": weight_alpha, "weight_beta": weight_beta,
            "bn_gamma": bn_gamma, "bn_beta": bn_beta}

def _fkc(normals, weight_alpha, weight_beta, bn_gamma, bn_beta, neighbor_index):
    b, _, f = normals.shape
    nn = neighbor_index.shape[-1]
    k = weight_alpha.shape[1]
    # gather neighbor normals: neighbor[b,c,i,j] = normals[b,c, neighbor_index[b,i,j]]
    idx = jnp.broadcast_to(neighbor_index[:, None, :, :], (b, 3, f, nn))
    src = jnp.broadcast_to(normals[:, :, :, None], (b, 3, f, nn))
    neighbor = jnp.take_along_axis(src, idx, axis=2)                    # [b,3,f,nn]
    center = jnp.broadcast_to(normals[:, :, None, :, None], (b, 3, k, f, 1))
    neighbor = jnp.broadcast_to(neighbor[:, :, None, :, :], (b, 3, k, f, nn))
    feature = jnp.concatenate([center, neighbor], axis=4)               # [b,3,k,f,nn+1]
    feature = feature[..., None]                                        # [b,3,k,f,nn+1,1]
    weight = jnp.concatenate([jnp.sin(weight_alpha) * jnp.cos(weight_beta),
                              jnp.sin(weight_alpha) * jnp.sin(weight_beta),
                              jnp.cos(weight_alpha)], axis=0)           # [3,k,4]
    weight = weight[None, :, :, None, None, :]                          # broadcast to [b,3,k,f,nn+1,4]
    distance = jnp.sum((feature - weight) ** 2, axis=1)                 # [b,k,f,nn+1,4]
    feat = jnp.sum(jnp.exp(distance / (-2.0 * SIGMA ** 2)), axis=(3, 4)) / float((nn + 1) * 4)
    # BatchNorm1d in training mode: batch stats over (batch, faces) per channel
    mean = jnp.mean(feat, axis=(0, 2), keepdims=True)
    var = jnp.var(feat, axis=(0, 2), keepdims=True)
    norm = (feat - mean) / jnp.sqrt(var + 1e-5)
    out = norm * bn_gamma[None, :, None] + bn_beta[None, :, None]
    return jax.nn.relu(out)

def reference(normals, neighbor_index, weight_alpha, weight_beta, bn_gamma, bn_beta):
    return _fkc(normals, weight_alpha, weight_beta, bn_gamma, bn_beta, neighbor_index)

if __name__ == "__main__":
    import jax
    _d = setup_inputs()
    print(jax.jit(kernel)(*tuple(_d.values())))

</pallas_src>

<mosaic_0001>
#map = affine_map<(d0, d1) -> (0)>
module attributes {stable_mosaic.version = 14 : i64} {
  func.func @_sc_gather_body(%arg0: i32, %arg1: i32, %arg2: memref<24576xf32, #tpu.memory_space<hbm>>, %arg3: memref<24576xi32, #tpu.memory_space<hbm>>, %arg4: memref<73728xf32, #tpu.memory_space<hbm>>, %arg5: memref<3072xf32, #tpu.memory_space<vmem>>, %arg6: memref<1536xi32, #tpu.memory_space<vmem>>, %arg7: memref<4608xf32, #tpu.memory_space<vmem>>, %arg8: memref<!tpu.dma_semaphore, #tpu.memory_space<semaphore_mem>>) attributes {dimension_semantics = [#tpu.dimension_semantics<core_parallel>, #tpu.dimension_semantics<subcore_parallel>], iteration_bounds = array<i64: 1, 16>, scalar_prefetch = 0 : i64, scratch_operands = 4 : i64, tpu.core_type = #tpu.core_type<sc_vector_subcore>, window_params = [{transform_indices = #map}, {transform_indices = #map}, {transform_indices = #map}]} {
    %jit3A = arith.constant 2 : i32
    %div3A = arith.divsi %arg1, %jit3A : i32
    %sign3A = arith.constant 0 : i32
    %sign3A_0 = arith.cmpi sgt, %arg1, %sign3A : i32
    %sign3A_1 = arith.extui %sign3A_0 : i1 to i32
    %sign3A_2 = arith.constant 0 : i32
    %sign3A_3 = arith.cmpi slt, %arg1, %sign3A_2 : i32
    %sign3A_4 = arith.extui %sign3A_3 : i1 to i32
    %sign3A_5 = arith.subi %sign3A_1, %sign3A_4 : i32
    %sign3A_6 = arith.constant 0 : i32
    %sign3A_7 = arith.cmpi sgt, %jit3A, %sign3A_6 : i32
    %sign3A_8 = arith.extui %sign3A_7 : i1 to i32
    %sign3A_9 = arith.constant 0 : i32
    %sign3A_10 = arith.cmpi slt, %jit3A, %sign3A_9 : i32
    %sign3A_11 = arith.extui %sign3A_10 : i1 to i32
    %sign3A_12 = arith.subi %sign3A_8, %sign3A_11 : i32
    %ne3A = arith.cmpi ne, %sign3A_5, %sign3A_12 : i32
    %rem3A = arith.remsi %arg1, %jit3A : i32
    %ne3A_13 = arith.constant 0 : i32
    %ne3A_14 = arith.cmpi ne, %rem3A, %ne3A_13 : i32
    %and3A = arith.andi %ne3A, %ne3A_14 : i1
    %sub3A = arith.constant 1 : i32
    %sub3A_15 = arith.subi %div3A, %sub3A : i32
    %select_n3A = arith.select %and3A, %sub3A_15, %div3A : i32
    %jit3A_16 = arith.constant 2 : i32
    %eq3A = arith.constant 0 : i32
    %eq3A_17 = arith.cmpi eq, %jit3A_16, %eq3A : i32
    %jit3A_18 = arith.constant 1 : i32
    %select_n3A_19 = arith.select %eq3A_17, %jit3A_18, %jit3A_16 : i32
    %rem3A_20 = arith.remsi %arg1, %select_n3A_19 : i32
    %ne3A_21 = arith.constant 0 : i32
    %ne3A_22 = arith.cmpi ne, %rem3A_20, %ne3A_21 : i32
    %lt3A = arith.constant 0 : i32
    %lt3A_23 = arith.cmpi slt, %rem3A_20, %lt3A : i32
    %lt3A_24 = arith.constant 0 : i32
    %lt3A_25 = arith.cmpi slt, %select_n3A_19, %lt3A_24 : i32
    %ne3A_26 = arith.xori %lt3A_23, %lt3A_25 : i1
    %and3A_27 = arith.andi %ne3A_26, %ne3A_22 : i1
    %add3A = arith.addi %rem3A_20, %select_n3A_19 : i32
    %select_n3A_28 = arith.select %and3A_27, %add3A, %rem3A_20 : i32
    %mul3A = arith.constant 3 : i32
    %mul3A_29 = arith.muli %select_n3A, %mul3A : i32
    %mul3A_30 = arith.constant 1024 : i32
    %mul3A_31 = arith.muli %mul3A_29, %mul3A_30 : i32
    %dma_start3A = tpu.memref_slice %arg2[%mul3A_31] : memref<24576xf32, #tpu.memory_space<hbm>> -> memref<3072xf32, #tpu.memory_space<hbm>>
    %dma_start3A_32 = tpu.memref_slice %arg2[%mul3A_31] : memref<24576xf32, #tpu.memory_space<hbm>> -> memref<3072xf32, #tpu.memory_space<hbm>>
    tpu.enqueue_dma source(%dma_start3A_32 : memref<3072xf32, #tpu.memory_space<hbm>>) target(%arg5 : memref<3072xf32, #tpu.memory_space<vmem>>) target_semaphore(%arg8 : memref<!tpu.dma_semaphore, #tpu.memory_space<semaphore_mem>>)
    %mul3A_33 = arith.constant 2 : i32
    %mul3A_34 = arith.muli %select_n3A, %mul3A_33 : i32
    %add3A_35 = arith.addi %mul3A_34, %select_n3A_28 : i32
    %mul3A_36 = arith.constant 3 : i32
    %mul3A_37 = arith.muli %add3A_35, %mul3A_36 : i32
    %mul3A_38 = arith.constant 512 : i32
    %mul3A_39 = arith.muli %mul3A_37, %mul3A_38 : i32
    %dma_start3A_40 = tpu.memref_slice %arg3[%mul3A_39] : memref<24576xi32, #tpu.memory_space<hbm>> -> memref<1536xi32, #tpu.memory_space<hbm>>
    %dma_start3A_41 = tpu.memref_slice %arg3[%mul3A_39] : memref<24576xi32, #tpu.memory_space<hbm>> -> memref<1536xi32, #tpu.memory_space<hbm>>
    tpu.enqueue_dma source(%dma_start3A_41 : memref<1536xi32, #tpu.memory_space<hbm>>) target(%arg6 : memref<1536xi32, #tpu.memory_space<vmem>>) target_semaphore(%arg8 : memref<!tpu.dma_semaphore, #tpu.memory_space<semaphore_mem>>)
    %dma_wait3A = tpu.memref_slice %arg2[%mul3A_31] : memref<24576xf32, #tpu.memory_space<hbm>> -> memref<3072xf32, #tpu.memory_space<hbm>>
    %dma_wait3A_42 = tpu.memref_slice %arg2[%mul3A_31] : memref<24576xf32, #tpu.memory_space<hbm>> -> memref<3072xf32, #tpu.memory_space<hbm>>
    tpu.wait_dma2 semaphore(%arg8 : memref<!tpu.dma_semaphore, #tpu.memory_space<semaphore_mem>>) src(%dma_wait3A_42 : memref<3072xf32, #tpu.memory_space<hbm>>) dst(%arg5 : memref<3072xf32, #tpu.memory_space<vmem>>)
    %dma_wait3A_43 = tpu.memref_slice %arg3[%mul3A_39] : memref<24576xi32, #tpu.memory_space<hbm>> -> memref<1536xi32, #tpu.memory_space<hbm>>
    %dma_wait3A_44 = tpu.memref_slice %arg3[%mul3A_39] : memref<24576xi32, #tpu.memory_space<hbm>> -> memref<1536xi32, #tpu.memory_space<hbm>>
    tpu.wait_dma2 semaphore(%arg8 : memref<!tpu.dma_semaphore, #tpu.memory_space<semaphore_mem>>) src(%dma_wait3A_44 : memref<1536xi32, #tpu.memory_space<hbm>>) dst(%arg6 : memref<1536xi32, #tpu.memory_space<vmem>>)
    %get3A = arith.constant 0 : index
    %get3A_45 = tpu.vector_load %arg6[%get3A] {strides = array<i32>} : memref<1536xi32, #tpu.memory_space<vmem>>, vector<16xi32>,
    %add3A_46 = arith.constant 0 : i32
    %add3A_47 = vector.broadcast %add3A_46 : i32 to vector<16xi32>
    %add3A_48 = arith.addi %get3A_45, %add3A_47 : vector<16xi32>
    %gather3A = tpu.vector_load_idx %arg5[%add3A_48] : memref<3072xf32, #tpu.memory_space<vmem>>[vector<16xi32>], vector<16xf32>,
    %swap3A = arith.constant 0 : index
    %swap3A_49 = tpu.vector_load %arg7[%swap3A] {strides = array<i32>} : memref<4608xf32, #tpu.memory_space<vmem>>, vector<16xf32>,
    tpu.vector_store %arg7[%swap3A], %gather3A {strides = array<i32>} : memref<4608xf32, #tpu.memory_space<vmem>>, vector<16xf32>,
    %get3A_50 = arith.constant 16 : index
    %get3A_51 = tpu.vector_load %arg6[%get3A_50] {strides = array<i32>} : memref<1536xi32, #tpu.memory_space<vmem>>, vector<16xi32>,
    %add3A_52 = arith.constant 0 : i32
    %add3A_53 = vector.broadcast %add3A_52 : i32 to vector<16xi32>
    %add3A_54 = arith.addi %get3A_51, %add3A_53 : vector<16xi32>
    %gather3A_55 = tpu.vector_load_idx %arg5[%add3A_54] : memref<3072xf32, #tpu.memory_space<vmem>>[vector<16xi32>], vector<16xf32>,
    %swap3A_56 = arith.constant 16 : index
    %swap3A_57 = tpu.vector_load %arg7[%swap3A_56] {strides = array<i32>} : memref<4608xf32, #tpu.memory_space<vmem>>, vector<16xf32>,
    tpu.vector_store %arg7[%swap3A_56], %gather3A_55 {strides = array<i32>} : memref<4608xf32, #tpu.memory_space<vmem>>, vector<16xf32>,
    %get3A_58 = arith.constant 32 : index
    %get3A_59 = tpu.vector_load %arg6[%get3A_58] {strides = array<i32>} : memref<1536xi32, #tpu.memory_space<vmem>>, vector<16xi32>,
    %add3A_60 = arith.constant 0 : i32
    %add3A_61 = vector.broadcast %add3A_60 : i32 to vector<16xi32>
    %add3A_62 = arith.addi %get3A_59, %add3A_61 : vector<16xi32>
    %gather3A_63 = tpu.vector_load_idx %arg5[%add3A_62] : memref<3072xf32, #tpu.memory_space<vmem>>[vector<16xi32>], vector<16xf32>,
    %swap3A_64 = arith.constant 32 : index
    %swap3A_65 = tpu.vector_load %arg7[%swap3A_64] {strides = array<i32>} : memref<4608xf32, #tpu.memory_space<vmem>>, vector<16xf32>,
    tpu.vector_store %arg7[%swap3A_64], %gather3A_63 {strides = array<i32>} : memref<4608xf32, #tpu.memory_space<vmem>>, vector<16xf32>,
    %get3A_66 = arith.constant 48 : index
    %get3A_67 = tpu.vector_load %arg6[%get3A_66] {strides = array<i32>} : memref<1536xi32, #tpu.memory_space<vmem>>, vector<16xi32>,
    %add3A_68 = arith.constant 0 : i32
    %add3A_69 = vector.broadcast %add3A_68 : i32 to vector<16xi32>
    %add3A_70 = arith.addi %get3A_67, %add3A_69 : vector<16xi32>
    %gather3A_71 = tpu.vector_load_idx %arg5[%add3A_70] : memref<3072xf32, #tpu.memory_space<vmem>>[vector<16xi32>], vector<16xf32>,
    %swap3A_72 = arith.constant 48 : index
    %swap3A_73 = tpu.vector_load %arg7[%swap3A_72] {strides = array<i32>} : memref<4608xf32, #tpu.memory_space<vmem>>, vector<16xf32>,
    tpu.vector_store %arg7[%swap3A_72], %gather3A_71 {strides = array<i32>} : memref<4608xf32, #tpu.memory_space<vmem>>, vector<16xf32>,
    %get3A_74 = arith.constant 64 : index
    %get3A_75 = tpu.vector_load %arg6[%get3A_74] {strides = array<i32>} : memref<1536xi32, #tpu.memory_space<vmem>>, vector<16xi32>,
    %add3A_76 = arith.constant 0 : i32
    %add3A_77 = vector.broadcast %add3A_76 : i32 to vector<16xi32>
    %add3A_78 = arith.addi %get3A_75, %add3A_77 : vector<16xi32>
    %gather3A_79 = tpu.vector_load_idx %arg5[%add3A_78] : memref<3072xf32, #tpu.memory_space<vmem>>[vector<16xi32>], vector<16xf32>,
    %swap3A_80 = arith.constant 64 : index
    %swap3A_81 = tpu.vector_load %arg7[%swap3A_80] {strides = array<i32>} : memref<4608xf32, #tpu.memory_space<vmem>>, vector<16xf32>,
    tpu.vector_store %arg7[%swap3A_80], %gather3A_79 {strides = array<i32>} : memref<4608xf32, #tpu.memory_space<vmem>>, vector<16xf32>,
    %get3A_82 = arith.constant 80 : index
    %get3A_83 = tpu.vector_load %arg6[%get3A_82] {strides = array<i32>} : memref<1536xi32, #tpu.memory_space<vmem>>, vector<16xi32>,
    %add3A_84 = arith.constant 0 : i32
    %add3A_85 = vector.broadcast %add3A_84 : i32 to vector<16xi32>
    %add3A_86 = arith.addi %get3A_83, %add3A_85 : vector<16xi32>
    %gather3A_87 = tpu.vector_load_idx %arg5[%add3A_86] : memref<3072xf32, #tpu.memory_space<vmem>>[vector<16xi32>], vector<16xf32>,
    %swap3A_88 = arith.constant 80 : index
    %swap3A_89 = tpu.vector_load %arg7[%swap3A_88] {strides = array<i32>} : memref<4608xf32, #tpu.memory_space<vmem>>, vector<16xf32>,
    tpu.vector_store %arg7[%swap3A_88], %gather3A_87 {strides = array<i32>} : memref<4608xf32, #tpu.memory_space<vmem>>, vector<16xf32>,
    %get3A_90 = arith.constant 96 : index
    %get3A_91 = tpu.vector_load %arg6[%get3A_90] {strides = array<i32>} : memref<1536xi32, #tpu.memory_space<vmem>>, vector<16xi32>,
    %add3A_92 = arith.constant 0 : i32
    %add3A_93 = vector.broadcast %add3A_92 : i32 to vector<16xi32>
    %add3A_94 = arith.addi %get3A_91, %add3A_93 : vector<16xi32>
    %gather3A_95 = tpu.vector_load_idx %arg5[%add3A_94] : memref<3072xf32, #tpu.memory_space<vmem>>[vector<16xi32>], vector<16xf32>,
    %swap3A_96 = arith.constant 96 : index
    %swap3A_97 = tpu.vector_load %arg7[%swap3A_96] {strides = array<i32>} : memref<4608xf32, #tpu.memory_space<vmem>>, vector<16xf32>,
    tpu.vector_store %arg7[%swap3A_96], %gather3A_95 {strides = array<i32>} : memref<4608xf32, #tpu.memory_space<vmem>>, vector<16xf32>,
    %get3A_98 = arith.constant 112 : index
    %get3A_99 = tpu.vector_load %arg6[%get3A_98] {strides = array<i32>} : memref<1536xi32, #tpu.memory_space<vmem>>, vector<16xi32>,
    %add3A_100 = arith.constant 0 : i32
    %add3A_101 = vector.broadcast %add3A_100 : i32 to vector<16xi32>
    %add3A_102 = arith.addi %get3A_99, %add3A_101 : vector<16xi32>
    %gather3A_103 = tpu.vector_load_idx %arg5[%add3A_102] : memref<3072xf32, #tpu.memory_space<vmem>>[vector<16xi32>], vector<16xf32>,
    %swap3A_104 = arith.constant 112 : index
    %swap3A_105 = tpu.vector_load %arg7[%swap3A_104] {strides = array<i32>} : memref<4608xf32, #tpu.memory_space<vmem>>, vector<16xf32>,
    tpu.vector_store %arg7[%swap3A_104], %gather3A_103 {strides = array<i32>} : memref<4608xf32, #tpu.memory_space<vmem>>, vector<16xf32>,
    %get3A_106 = arith.constant 128 : index
    %get3A_107 = tpu.vector_load %arg6[%get3A_106] {strides = array<i32>} : memref<1536xi32, #tpu.memory_space<vmem>>, vector<16xi32>,
    %add3A_108 = arith.constant 0 : i32
    %add3A_109 = vector.broadcast %add3A_108 : i32 to vector<16xi32>
    %add3A_110 = arith.addi %get3A_107, %add3A_109 : vector<16xi32>
    %gather3A_111 = tpu.vector_load_idx %arg5[%add3A_110] : memref<3072xf32, #tpu.memory_space<vmem>>[vector<16xi32>], vector<16xf32>,
    %swap3A_112 = arith.constant 128 : index
    %swap3A_113 = tpu.vector_load %arg7[%swap3A_112] {strides = array<i32>} : memref<4608xf32, #tpu.memory_space<vmem>>, vector<16xf32>,
    tpu.vector_store %arg7[%swap3A_112], %gather3A_111 {strides = array<i32>} : memref<4608xf32, #tpu.memory_space<vmem>>, vector<16xf32>,
    %get3A_114 = arith.constant 144 : index
    %get3A_115 = tpu.vector_load %arg6[%get3A_114] {strides = array<i32>} : memref<1536xi32, #tpu.memory_space<vmem>>, vector<16xi32>,
    %add3A_116 = arith.constant 0 : i32
    %add3A_117 = vector.broadcast %add3A_116 : i32 to vector<16xi32>
    %add3A_118 = arith.addi %get3A_115, %add3A_117 : vector<16xi32>
    %gather3A_119 = tpu.vector_load_idx %arg5[%add3A_118] : memref<3072xf32, #tpu.memory_space<vmem>>[vector<16xi32>], vector<16xf32>,
    %swap3A_120 = arith.constant 144 : index
    %swap3A_121 = tpu.vector_load %arg7[%swap3A_120] {strides = array<i32>} : memref<4608xf32, #tpu.memory_space<vmem>>, vector<16xf32>,
    tpu.vector_store %arg7[%swap3A_120], %gather3A_119 {strides = array<i32>} : memref<4608xf32, #tpu.memory_space<vmem>>, vector<16xf32>,
    %get3A_122 = arith.constant 160 : index
    %get3A_123 = tpu.vector_load %arg6[%get3A_122] {strides = array<i32>} : memref<1536xi32, #tpu.memory_space<vmem>>, vector<16xi32>,
    %add3A_124 = arith.constant 0 : i32
    %add3A_125 = vector.broadcast %add3A_124 : i32 to vector<16xi32>
    %add3A_126 = arith.addi %get3A_123, %add3A_125 : vector<16xi32>
    %gather3A_127 = tpu.vector_load_idx %arg5[%add3A_126] : memref<3072xf32, #tpu.memory_space<vmem>>[vector<16xi32>], vector<16xf32>,
    %swap3A_128 = arith.constant 160 : index
    %swap3A_129 = tpu.vector_load %arg7[%swap3A_128] {strides = array<i32>} : memref<4608xf32, #tpu.memory_space<vmem>>, vector<16xf32>,
    tpu.vector_store %arg7[%swap3A_128], %gather3A_127 {strides = array<i32>} : memref<4608xf32, #tpu.memory_space<vmem>>, vector<16xf32>,
    %get3A_130 = arith.constant 176 : index
    %get3A_131 = tpu.vector_load %arg6[%get3A_130] {strides = array<i32>} : memref<1536xi32, #tpu.memory_space<vmem>>, vector<16xi32>,
    %add3A_132 = arith.constant 0 : i32
    %add3A_133 = vector.broadcast %add3A_132 : i32 to vector<16xi32>
    %add3A_134 = arith.addi %get3A_131, %add3A_133 : vector<16xi32>
    %gather3A_135 = tpu.vector_load_idx %arg5[%add3A_134] : memref<3072xf32, #tpu.memory_space<vmem>>[vector<16xi32>], vector<16xf32>,
    %swap3A_136 = arith.constant 176 : index
    %swap3A_137 = tpu.vector_load %arg7[%swap3A_136] {strides = array<i32>} : memref<4608xf32, #tpu.memory_space<vmem>>, vector<16xf32>,
    tpu.vector_store %arg7[%swap3A_136], %gather3A_135 {strides = array<i32>} : memref<4608xf32, #tpu.memory_space<vmem>>, vector<16xf32>,
    %get3A_138 = arith.constant 192 : index
    %get3A_139 = tpu.vector_load %arg6[%get3A_138] {strides = array<i32>} : memref<1536xi32, #tpu.memory_space<vmem>>, vector<16xi32>,
    %add3A_140 = arith.constant 0 : i32
    %add3A_141 = vector.broadcast %add3A_140 : i32 to vector<16xi32>
    %add3A_142 = arith.addi %get3A_139, %add3A_141 : vector<16xi32>
    %gather3A_143 = tpu.vector_load_idx %arg5[%add3A_142] : memref<3072xf32, #tpu.memory_space<vmem>>[vector<16xi32>], vector<16xf32>,
    %swap3A_144 = arith.constant 192 : index
    %swap3A_145 = tpu.vector_load %arg7[%swap3A_144] {strides = array<i32>} : memref<4608xf32, #tpu.memory_space<vmem>>, vector<16xf32>,
    tpu.vector_store %arg7[%swap3A_144], %gather3A_143 {strides = array<i32>} : memref<4608xf32, #tpu.memory_space<vmem>>, vector<16xf32>,
    %get3A_146 = arith.constant 208 : index
    %get3A_147 = tpu.vector_load %arg6[%get3A_146] {strides = array<i32>} : memref<1536xi32, #tpu.memory_space<vmem>>, vector<16xi32>,
    %add3A_148 = arith.constant 0 : i32
    %add3A_149 = vector.broadcast %add3A_148 : i32 to vector<16xi32>
    %add3A_150 = arith.addi %get3A_147, %add3A_149 : vector<16xi32>
    %gather3A_151 = tpu.vector_load_idx %arg5[%add3A_150] : memref<3072xf32, #tpu.memory_space<vmem>>[vector<16xi32>], vector<16xf32>,
    %swap3A_152 = arith.constant 208 : index
    %swap3A_153 = tpu.vector_load %arg7[%swap3A_152] {strides = array<i32>} : memref<4608xf32, #tpu.memory_space<vmem>>, vector<16xf32>,
    tpu.vector_store %arg7[%swap3A_152], %gather3A_151 {strides = array<i32>} : memref<4608xf32, #tpu.memory_space<vmem>>, vector<16xf32>,
    %get3A_154 = arith.constant 224 : index
    %get3A_155 = tpu.vector_load %arg6[%get3A_154] {strides = array<i32>} : memref<1536xi32, #tpu.memory_space<vmem>>, vector<16xi32>,
    %add3A_156 = arith.constant 0 : i32
    %add3A_157 = vector.broadcast %add3A_156 : i32 to vector<16xi32>
    %add3A_158 = arith.addi %get3A_155, %add3A_157 : vector<16xi32>
    %gather3A_159 = tpu.vector_load_idx %arg5[%add3A_158] : memref<3072xf32, #tpu.memory_space<vmem>>[vector<16xi32>], vector<16xf32>,
    %swap3A_160 = arith.constant 224 : index
    %swap3A_161 = tpu.vector_load %arg7[%swap3A_160] {strides = array<i32>} : memref<4608xf32, #tpu.memory_space<vmem>>, vector<16xf32>,
    tpu.vector_store %arg7[%swap3A_160], %gather3A_159 {strides = array<i32>} : memref<4608xf32, #tpu.memory_space<vmem>>, vector<16xf32>,
    %get3A_162 = arith.constant 240 : index
    %get3A_163 = tpu.vector_load %arg6[%get3A_162] {strides = array<i32>} : memref<1536xi32, #tpu.memory_space<vmem>>, vector<16xi32>,
    %add3A_164 = arith.constant 0 : i32
    %add3A_165 = vector.broadcast %add3A_164 : i32 to vector<16xi32>
    %add3A_166 = arith.addi %get3A_163, %add3A_165 : vector<16xi32>
    %gather3A_167 = tpu.vector_load_idx %arg5[%add3A_166] : memref<3072xf32, #tpu.memory_space<vmem>>[vector<16xi32>], vector<16xf32>,
    %swap3A_168 = arith.constant 240 : index
    %swap3A_169 = tpu.vector_load %arg7[%swap3A_168] {strides = array<i32>} : memref<4608xf32, #tpu.memory_space<vmem>>, vector<16xf32>,
    tpu.vector_store %arg7[%swap3A_168], %gather3A_167 {strides = array<i32>} : memref<4608xf32, #tpu.memory_space<vmem>>, vector<16xf32>,
    %get3A_170 = arith.constant 256 : index
    %get3A_171 = tpu.vector_load %arg6[%get3A_170] {strides = array<i32>} : memref<1536xi32, #tpu.memory_space<vmem>>, vector<16xi32>,
    %add3A_172 = arith.constant 0 : i32
    %add3A_173 = vector.broadcast %add3A_172 : i32 to vector<16xi32>
    %add3A_174 = arith.addi %get3A_171, %add3A_173 : vector<16xi32>
    %gather3A_175 = tpu.vector_load_idx %arg5[%add3A_174] : memref<3072xf32, #tpu.memory_space<vmem>>[vector<16xi32>], vector<16xf32>,
    %swap3A_176 = arith.constant 256 : index
    %swap3A_177 = tpu.vector_load %arg7[%swap3A_176] {strides = array<i32>} : memref<4608xf32, #tpu.memory_space<vmem>>, vector<16xf32>,
    tpu.vector_store %arg7[%swap3A_176], %gather3A_175 {strides = array<i32>} : memref<4608xf32, #tpu.memory_space<vmem>>, vector<16xf32>,
    %get3A_178 = arith.constant 272 : index
    %get3A_179 = tpu.vector_load %arg6[%get3A_178] {strides = array<i32>} : memref<1536xi32, #tpu.memory_space<vmem>>, vector<16xi32>,
    %add3A_180 = arith.constant 0 : i32
    %add3A_181 = vector.broadcast %add3A_180 : i32 to vector<16xi32>
    %add3A_182 = arith.addi %get3A_179, %add3A_181 : vector<16xi32>
    %gather3A_183 = tpu.vector_load_idx %arg5[%add3A_182] : memref<3072xf32, #tpu.memory_space<vmem>>[vector<16xi32>], vector<16xf32>,
    %swap3A_184 = arith.constant 272 : index
    %swap3A_185 = tpu.vector_load %arg7[%swap3A_184] {strides = array<i32>} : memref<4608xf32, #tpu.memory_space<vmem>>, vector<16xf32>,
    tpu.vector_store %arg7[%swap3A_184], %gather3A_183 {strides = array<i32>} : memref<4608xf32, #tpu.memory_space<vmem>>, vector<16xf32>,
    %get3A_186 = arith.constant 288 : index
    %get3A_187 = tpu.vector_load %arg6[%get3A_186] {strides = array<i32>} : memref<1536xi32, #tpu.memory_space<vmem>>, vector<16xi32>,
    %add3A_188 = arith.constant 0 : i32
    %add3A_189 = vector.broadcast %add3A_188 : i32 to vector<16xi32>
    %add3A_190 = arith.addi %get3A_187, %add3A_189 : vector<16xi32>
    %gather3A_191 = tpu.vector_load_idx %arg5[%add3A_190] : memref<3072xf32, #tpu.memory_space<vmem>>[vector<16xi32>], vector<16xf32>,
    %swap3A_192 = arith.constant 288 : index
    %swap3A_193 = tpu.vector_load %arg7[%swap3A_192] {strides = array<i32>} : memref<4608xf32, #tpu.memory_space<vmem>>, vector<16xf32>,
    tpu.vector_store %arg7[%swap3A_192], %gather3A_191 {strides = array<i32>} : memref<4608xf32, #tpu.memory_space<vmem>>, vector<16xf32>,
    %get3A_194 = arith.constant 304 : index
    %get3A_195 = tpu.vector_load %arg6[%get3A_194] {strides = array<i32>} : memref<1536xi32, #tpu.memory_space<vmem>>, vector<16xi32>,
    %add3A_196 = arith.constant 0 : i32
    %add3A_197 = vector.broadcast %add3A_196 : i32 to vector<16xi32>
    %add3A_198 = arith.addi %get3A_195, %add3A_197 : vector<16xi32>
    %gather3A_199 = tpu.vector_load_idx %arg5[%add3A_198] : memref<3072xf32, #tpu.memory_space<vmem>>[vector<16xi32>], vector<16xf32>,
    %swap3A_200 = arith.constant 304 : index
    %swap3A_201 = tpu.vector_load %arg7[%swap3A_200] {strides = array<i32>} : memref<4608xf32, #tpu.memory_space<vmem>>, vector<16xf32>,
    tpu.vector_store %arg7[%swap3A_200], %gather3A_199 {strides = array<i32>} : memref<4608xf32, #tpu.memory_space<vmem>>, vector<16xf32>,
    %get3A_202 = arith.constant 320 : index
    %get3A_203 = tpu.vector_load %arg6[%get3A_202] {strides = array<i32>} : memref<1536xi32, #tpu.memory_space<vmem>>, vector<16xi32>,
    %add3A_204 = arith.constant 0 : i32
    %add3A_205 = vector.broadcast %add3A_204 : i32 to vector<16xi32>
    %add3A_206 = arith.addi %get3A_203, %add3A_205 : vector<16xi32>
    %gather3A_207 = tpu.vector_load_idx %arg5[%add3A_206] : memref<3072xf32, #tpu.memory_space<vmem>>[vector<16xi32>], vector<16xf32>,
    %swap3A_208 = arith.constant 320 : index
    %swap3A_209 = tpu.vector_load %arg7[%swap3A_208] {strides = array<i32>} : memref<4608xf32, #tpu.memory_space<vmem>>, vector<16xf32>,
    tpu.vector_store %arg7[%swap3A_208], %gather3A_207 {strides = array<i32>} : memref<4608xf32, #tpu.memory_space<vmem>>, vector<16xf32>,
    %get3A_210 = arith.constant 336 : index
    %get3A_211 = tpu.vector_load %arg6[%get3A_210] {strides = array<i32>} : memref<1536xi32, #tpu.memory_space<vmem>>, vector<16xi32>,
    %add3A_212 = arith.constant 0 : i32
    %add3A_213 = vector.broadcast %add3A_212 : i32 to vector<16xi32>
    %add3A_214 = arith.addi %get3A_211, %add3A_213 : vector<16xi32>
    %gather3A_215 = tpu.vector_load_idx %arg5[%add3A_214] : memref<3072xf32, #tpu.memory_space<vmem>>[vector<16xi32>], vector<16xf32>,
    %swap3A_216 = arith.constant 336 : index
    %swap3A_217 = tpu.vector_load %arg7[%swap3A_216] {strides = array<i32>} : memref<4608xf32, #tpu.memory_space<vmem>>, vector<16xf32>,
    tpu.vector_store %arg7[%swap3A_216], %gather3A_215 {strides = array<i32>} : memref<4608xf32, #tpu.memory_space<vmem>>, vector<16xf32>,
    %get3A_218 = arith.constant 352 : index
    %get3A_219 = tpu.vector_load %arg6[%get3A_218] {strides = array<i32>} : memref<1536xi32, #tpu.memory_space<vmem>>, vector<16xi32>,
    %add3A_220 = arith.constant 0 : i32
    %add3A_221 = vector.broadcast %add3A_220 : i32 to vector<16xi32>
    %add3A_222 = arith.addi %get3A_219, %add3A_221 : vector<16xi32>
    %gather3A_223 = tpu.vector_load_idx %arg5[%add3A_222] : memref<3072xf32, #tpu.memory_space<vmem>>[vector<16xi32>], vector<16xf32>,
    %swap3A_224 = arith.constant 352 : index
    %swap3A_225 = tpu.vector_load %arg7[%swap3A_224] {strides = array<i32>} : memref<4608xf32, #tpu.memory_space<vmem>>, vector<16xf32>,
    tpu.vector_store %arg7[%swap3A_224], %gather3A_223 {strides = array<i32>} : memref<4608xf32, #tpu.memory_space<vmem>>, vector<16xf32>,
    %get3A_226 = arith.constant 368 : index
    %get3A_227 = tpu.vector_load %arg6[%get3A_226] {strides = array<i32>} : memref<1536xi32, #tpu.memory_space<vmem>>, vector<16xi32>,
    %add3A_228 = arith.constant 0 : i32
    %add3A_229 = vector.broadcast %add3A_228 : i32 to vector<16xi32>
    %add3A_230 = arith.addi %get3A_227, %add3A_229 : vector<16xi32>
    %gather3A_231 = tpu.vector_load_idx %arg5[%add3A_230] : memref<3072xf32, #tpu.memory_space<vmem>>[vector<16xi32>], vector<16xf32>,
    %swap3A_232 = arith.constant 368 : index
    %swap3A_233 = tpu.vector_load %arg7[%swap3A_232] {strides = array<i32>} : memref<4608xf32, #tpu.memory_space<vmem>>, vector<16xf32>,
    tpu.vector_store %arg7[%swap3A_232], %gather3A_231 {strides = array<i32>} : memref<4608xf32, #tpu.memory_space<vmem>>, vector<16xf32>,
    %get3A_234 = arith.constant 384 : index
    %get3A_235 = tpu.vector_load %arg6[%get3A_234] {strides = array<i32>} : memref<1536xi32, #tpu.memory_space<vmem>>, vector<16xi32>,
    %add3A_236 = arith.constant 0 : i32
    %add3A_237 = vector.broadcast %add3A_236 : i32 to vector<16xi32>
    %add3A_238 = arith.addi %get3A_235, %add3A_237 : vector<16xi32>
    %gather3A_239 = tpu.vector_load_idx %arg5[%add3A_238] : memref<3072xf32, #tpu.memory_space<vmem>>[vector<16xi32>], vector<16xf32>,
    %swap3A_240 = arith.constant 384 : index
    %swap3A_241 = tpu.vector_load %arg7[%swap3A_240] {strides = array<i32>} : memref<4608xf32, #tpu.memory_space<vmem>>, vector<16xf32>,
    tpu.vector_store %arg7[%swap3A_240], %gather3A_239 {strides = array<i32>} : memref<4608xf32, #tpu.memory_space<vmem>>, vector<16xf32>,
    %get3A_242 = arith.constant 400 : index
    %get3A_243 = tpu.vector_load %arg6[%get3A_242] {strides = array<i32>} : memref<1536xi32, #tpu.memory_space<vmem>>, vector<16xi32>,
    %add3A_244 = arith.constant 0 : i32
    %add3A_245 = vector.broadcast %add3A_244 : i32 to vector<16xi32>
    %add3A_246 = arith.addi %get3A_243, %add3A_245 : vector<16xi32>
    %gather3A_247 = tpu.vector_load_idx %arg5[%add3A_246] : memref<3072xf32, #tpu.memory_space<vmem>>[vector<16xi32>], vector<16xf32>,
    %swap3A_248 = arith.constant 400 : index
    %swap3A_249 = tpu.vector_load %arg7[%swap3A_248] {strides = array<i32>} : memref<4608xf32, #tpu.memory_space<vmem>>, vector<16xf32>,
    tpu.vector_store %arg7[%swap3A_248], %gather3A_247 {strides = array<i32>} : memref<4608xf32, #tpu.memory_space<vmem>>, vector<16xf32>,
    %get3A_250 = arith.constant 416 : index
    %get3A_251 = tpu.vector_load %arg6[%get3A_250] {strides = array<i32>} : memref<1536xi32, #tpu.memory_space<vmem>>, vector<16xi32>,
    %add3A_252 = arith.constant 0 : i32
    %add3A_253 = vector.broadcast %add3A_252 : i32 to vector<16xi32>
    %add3A_254 = arith.addi %get3A_251, %add3A_253 : vector<16xi32>
    %gather3A_255 = tpu.vector_load_idx %arg5[%add3A_254] : memref<3072xf32, #tpu.memory_space<vmem>>[vector<16xi32>], vector<16xf32>,
    %swap3A_256 = arith.constant 416 : index
    %swap3A_257 = tpu.vector_load %arg7[%swap3A_256] {strides = array<i32>} : memref<4608xf32, #tpu.memory_space<vmem>>, vector<16xf32>,
    tpu.vector_store %arg7[%swap3A_256], %gather3A_255 {strides = array<i32>} : memref<4608xf32, #tpu.memory_space<vmem>>, vector<16xf32>,
    %get3A_258 = arith.constant 432 : index
    %get3A_259 = tpu.vector_load %arg6[%get3A_258] {strides = array<i32>} : memref<1536xi32, #tpu.memory_space<vmem>>, vector<16xi32>,
    %add3A_260 = arith.constant 0 : i32
    %add3A_261 = vector.broadcast %add3A_260 : i32 to vector<16xi32>
    %add3A_262 = arith.addi %get3A_259, %add3A_261 : vector<16xi32>
    %gather3A_263 = tpu.vector_load_idx %arg5[%add3A_262] : memref<3072xf32, #tpu.memory_space<vmem>>[vector<16xi32>], vector<16xf32>,
    %swap3A_264 = arith.constant 432 : index
    %swap3A_265 = tpu.vector_load %arg7[%swap3A_264] {strides = array<i32>} : memref<4608xf32, #tpu.memory_space<vmem>>, vector<16xf32>,
    tpu.vector_store %arg7[%swap3A_264], %gather3A_263 {strides = array<i32>} : memref<4608xf32, #tpu.memory_space<vmem>>, vector<16xf32>,
    %get3A_266 = arith.constant 448 : index
    %get3A_267 = tpu.vector_load %arg6[%get3A_266] {strides = array<i32>} : memref<1536xi32, #tpu.memory_space<vmem>>, vector<16xi32>,
    %add3A_268 = arith.constant 0 : i32
    %add3A_269 = vector.broadcast %add3A_268 : i32 to vector<16xi32>
    %add3A_270 = arith.addi %get3A_267, %add3A_269 : vector<16xi32>
    %gather3A_271 = tpu.vector_load_idx %arg5[%add3A_270] : memref<3072xf32, #tpu.memory_space<vmem>>[vector<16xi32>], vector<16xf32>,
    %swap3A_272 = arith.constant 448 : index
    %swap3A_273 = tpu.vector_load %arg7[%swap3A_272] {strides = array<i32>} : memref<4608xf32, #tpu.memory_space<vmem>>, vector<16xf32>,
    tpu.vector_store %arg7[%swap3A_272], %gather3A_271 {strides = array<i32>} : memref<4608xf32, #tpu.memory_space<vmem>>, vector<16xf32>,
    %get3A_274 = arith.constant 464 : index
    %get3A_275 = tpu.vector_load %arg6[%get3A_274] {strides = array<i32>} : memref<1536xi32, #tpu.memory_space<vmem>>, vector<16xi32>,
    %add3A_276 = arith.constant 0 : i32
    %add3A_277 = vector.broadcast %add3A_276 : i32 to vector<16xi32>
    %add3A_278 = arith.addi %get3A_275, %add3A_277 : vector<16xi32>
    %gather3A_279 = tpu.vector_load_idx %arg5[%add3A_278] : memref<3072xf32, #tpu.memory_space<vmem>>[vector<16xi32>], vector<16xf32>,
    %swap3A_280 = arith.constant 464 : index
    %swap3A_281 = tpu.vector_load %arg7[%swap3A_280] {strides = array<i32>} : memref<4608xf32, #tpu.memory_space<vmem>>, vector<16xf32>,
    tpu.vector_store %arg7[%swap3A_280], %gather3A_279 {strides = array<i32>} : memref<4608xf32, #tpu.memory_space<vmem>>, vector<16xf32>,
    %get3A_282 = arith.constant 480 : index
    %get3A_283 = tpu.vector_load %arg6[%get3A_282] {strides = array<i32>} : memref<1536xi32, #tpu.memory_space<vmem>>, vector<16xi32>,
    %add3A_284 = arith.constant 0 : i32
    %add3A_285 = vector.broadcast %add3A_284 : i32 to vector<16xi32>
    %add3A_286 = arith.addi %get3A_283, %add3A_285 : vector<16xi32>
    %gather3A_287 = tpu.vector_load_idx %arg5[%add3A_286] : memref<3072xf32, #tpu.memory_space<vmem>>[vector<16xi32>], vector<16xf32>,
    %swap3A_288 = arith.constant 480 : index
    %swap3A_289 = tpu.vector_load %arg7[%swap3A_288] {strides = array<i32>} : memref<4608xf32, #tpu.memory_space<vmem>>, vector<16xf32>,
    tpu.vector_store %arg7[%swap3A_288], %gather3A_287 {strides = array<i32>} : memref<4608xf32, #tpu.memory_space<vmem>>, vector<16xf32>,
    %get3A_290 = arith.constant 496 : index
    %get3A_291 = tpu.vector_load %arg6[%get3A_290] {strides = array<i32>} : memref<1536xi32, #tpu.memory_space<vmem>>, vector<16xi32>,
    %add3A_292 = arith.constant 0 : i32
    %add3A_293 = vector.broadcast %add3A_292 : i32 to vector<16xi32>
    %add3A_294 = arith.addi %get3A_291, %add3A_293 : vector<16xi32>
    %gather3A_295 = tpu.vector_load_idx %arg5[%add3A_294] : memref<3072xf32, #tpu.memory_space<vmem>>[vector<16xi32>], vector<16xf32>,
    %swap3A_296 = arith.constant 496 : index
    %swap3A_297 = tpu.vector_load %arg7[%swap3A_296] {strides = array<i32>} : memref<4608xf32, #tpu.memory_space<vmem>>, vector<16xf32>,
    tpu.vector_store %arg7[%swap3A_296], %gather3A_295 {strides = array<i32>} : memref<4608xf32, #tpu.memory_space<vmem>>, vector<16xf32>,
    %get3A_298 = arith.constant 512 : index
    %get3A_299 = tpu.vector_load %arg6[%get3A_298] {strides = array<i32>} : memref<1536xi32, #tpu.memory_space<vmem>>, vector<16xi32>,
    %add3A_300 = arith.constant 0 : i32
    %add3A_301 = vector.broadcast %add3A_300 : i32 to vector<16xi32>
    %add3A_302 = arith.addi %get3A_299, %add3A_301 : vector<16xi32>
    %gather3A_303 = tpu.vector_load_idx %arg5[%add3A_302] : memref<3072xf32, #tpu.memory_space<vmem>>[vector<16xi32>], vector<16xf32>,
    %swap3A_304 = arith.constant 512 : index
    %swap3A_305 = tpu.vector_load %arg7[%swap3A_304] {strides = array<i32>} : memref<4608xf32, #tpu.memory_space<vmem>>, vector<16xf32>,
    tpu.vector_store %arg7[%swap3A_304], %gather3A_303 {strides = array<i32>} : memref<4608xf32, #tpu.memory_space<vmem>>, vector<16xf32>,
    %get3A_306 = arith.constant 528 : index
    %get3A_307 = tpu.vector_load %arg6[%get3A_306] {strides = array<i32>} : memref<1536xi32, #tpu.memory_space<vmem>>, vector<16xi32>,
    %add3A_308 = arith.constant 0 : i32
    %add3A_309 = vector.broadcast %add3A_308 : i32 to vector<16xi32>
    %add3A_310 = arith.addi %get3A_307, %add3A_309 : vector<16xi32>
    %gather3A_311 = tpu.vector_load_idx %arg5[%add3A_310] : memref<3072xf32, #tpu.memory_space<vmem>>[vector<16xi32>], vector<16xf32>,
    %swap3A_312 = arith.constant 528 : index
    %swap3A_313 = tpu.vector_load %arg7[%swap3A_312] {strides = array<i32>} : memref<4608xf32, #tpu.memory_space<vmem>>, vector<16xf32>,
    tpu.vector_store %arg7[%swap3A_312], %gather3A_311 {strides = array<i32>} : memref<4608xf32, #tpu.memory_space<vmem>>, vector<16xf32>,
    %get3A_314 = arith.constant 544 : index
    %get3A_315 = tpu.vector_load %arg6[%get3A_314] {strides = array<i32>} : memref<1536xi32, #tpu.memory_space<vmem>>, vector<16xi32>,
    %add3A_316 = arith.constant 0 : i32
    %add3A_317 = vector.broadcast %add3A_316 : i32 to vector<16xi32>
    %add3A_318 = arith.addi %get3A_315, %add3A_317 : vector<16xi32>
    %gather3A_319 = tpu.vector_load_idx %arg5[%add3A_318] : memref<3072xf32, #tpu.memory_space<vmem>>[vector<16xi32>], vector<16xf32>,
    %swap3A_320 = arith.constant 544 : index
    %swap3A_321 = tpu.vector_load %arg7[%swap3A_320] {strides = array<i32>} : memref<4608xf32, #tpu.memory_space<vmem>>, vector<16xf32>,
    tpu.vector_store %arg7[%swap3A_320], %gather3A_319 {strides = array<i32>} : memref<4608xf32, #tpu.memory_space<vmem>>, vector<16xf32>,
    %get3A_322 = arith.constant 560 : index
    %get3A_323 = tpu.vector_load %arg6[%get3A_322] {strides = array<i32>} : memref<1536xi32, #tpu.memory_space<vmem>>, vector<16xi32>,
    %add3A_324 = arith.constant 0 : i32
    %add3A_325 = vector.broadcast %add3A_324 : i32 to vector<16xi32>
    %add3A_326 = arith.addi %get3A_323, %add3A_325 : vector<16xi32>
    %gather3A_327 = tpu.vector_load_idx %arg5[%add3A_326] : memref<3072xf32, #tpu.memory_space<vmem>>[vector<16xi32>], vector<16xf32>,
    %swap3A_328 = arith.constant 560 : index
    %swap3A_329 = tpu.vector_load %arg7[%swap3A_328] {strides = array<i32>} : memref<4608xf32, #tpu.memory_space<vmem>>, vector<16xf32>,
    tpu.vector_store %arg7[%swap3A_328], %gather3A_327 {strides = array<i32>} : memref<4608xf32, #tpu.memory_space<vmem>>, vector<16xf32>,
    %get3A_330 = arith.constant 576 : index
    %get3A_331 = tpu.vector_load %arg6[%get3A_330] {strides = array<i32>} : memref<1536xi32, #tpu.memory_space<vmem>>, vector<16xi32>,
    %add3A_332 = arith.constant 0 : i32
    %add3A_333 = vector.broadcast %add3A_332 : i32 to vector<16xi32>
    %add3A_334 = arith.addi %get3A_331, %add3A_333 : vector<16xi32>
    %gather3A_335 = tpu.vector_load_idx %arg5[%add3A_334] : memref<3072xf32, #tpu.memory_space<vmem>>[vector<16xi32>], vector<16xf32>,
    %swap3A_336 = arith.constant 576 : index
    %swap3A_337 = tpu.vector_load %arg7[%swap3A_336] {strides = array<i32>} : memref<4608xf32, #tpu.memory_space<vmem>>, vector<16xf32>,
    tpu.vector_store %arg7[%swap3A_336], %gather3A_335 {strides = array<i32>} : memref<4608xf32, #tpu.memory_space<vmem>>, vector<16xf32>,
    %get3A_338 = arith.constant 592 : index
    %get3A_339 = tpu.vector_load %arg6[%get3A_338] {strides = array<i32>} : memref<1536xi32, #tpu.memory_space<vmem>>, vector<16xi32>,
    %add3A_340 = arith.constant 0 : i32
    %add3A_341 = vector.broadcast %add3A_340 : i32 to vector<16xi32>
    %add3A_342 = arith.addi %get3A_339, %add3A_341 : vector<16xi32>
    %gather3A_343 = tpu.vector_load_idx %arg5[%add3A_342] : memref<3072xf32, #tpu.memory_space<vmem>>[vector<16xi32>], vector<16xf32>,
    %swap3A_344 = arith.constant 592 : index
    %swap3A_345 = tpu.vector_load %arg7[%swap3A_344] {strides = array<i32>} : memref<4608xf32, #tpu.memory_space<vmem>>, vector<16xf32>,
    tpu.vector_store %arg7[%swap3A_344], %gather3A_343 {strides = array<i32>} : memref<4608xf32, #tpu.memory_space<vmem>>, vector<16xf32>,
    %get3A_346 = arith.constant 608 : index
    %get3A_347 = tpu.vector_load %arg6[%get3A_346] {strides = array<i32>} : memref<1536xi32, #tpu.memory_space<vmem>>, vector<16xi32>,
    %add3A_348 = arith.constant 0 : i32
    %add3A_349 = vector.broadcast %add3A_348 : i32 to vector<16xi32>
    %add3A_350 = arith.addi %get3A_347, %add3A_349 : vector<16xi32>
    %gather3A_351 = tpu.vector_load_idx %arg5[%add3A_350] : memref<3072xf32, #tpu.memory_space<vmem>>[vector<16xi32>], vector<16xf32>,
    %swap3A_352 = arith.constant 608 : index
    %swap3A_353 = tpu.vector_load %arg7[%swap3A_352] {strides = array<i32>} : memref<4608xf32, #tpu.memory_space<vmem>>, vector<16xf32>,
    tpu.vector_store %arg7[%swap3A_352], %gather3A_351 {strides = array<i32>} : memref<4608xf32, #tpu.memory_space<vmem>>, vector<16xf32>,
    %get3A_354 = arith.constant 624 : index
    %get3A_355 = tpu.vector_load %arg6[%get3A_354] {strides = array<i32>} : memref<1536xi32, #tpu.memory_space<vmem>>, vector<16xi32>,
    %add3A_356 = arith.constant 0 : i32
    %add3A_357 = vector.broadcast %add3A_356 : i32 to vector<16xi32>
    %add3A_358 = arith.addi %get3A_355, %add3A_357 : vector<16xi32>
    %gather3A_359 = tpu.vector_load_idx %arg5[%add3A_358] : memref<3072xf32, #tpu.memory_space<vmem>>[vector<16xi32>], vector<16xf32>,
    %swap3A_360 = arith.constant 624 : index
    %swap3A_361 = tpu.vector_load %arg7[%swap3A_360] {strides = array<i32>} : memref<4608xf32, #tpu.memory_space<vmem>>, vector<16xf32>,
    tpu.vector_store %arg7[%swap3A_360], %gather3A_359 {strides = array<i32>} : memref<4608xf32, #tpu.memory_space<vmem>>, vector<16xf32>,
    %get3A_362 = arith.constant 640 : index
    %get3A_363 = tpu.vector_load %arg6[%get3A_362] {strides = array<i32>} : memref<1536xi32, #tpu.memory_space<vmem>>, vector<16xi32>,
    %add3A_364 = arith.constant 0 : i32
    %add3A_365 = vector.broadcast %add3A_364 : i32 to vector<16xi32>
    %add3A_366 = arith.addi %get3A_363, %add3A_365 : vector<16xi32>
    %gather3A_367 = tpu.vector_load_idx %arg5[%add3A_366] : memref<3072xf32, #tpu.memory_space<vmem>>[vector<16xi32>], vector<16xf32>,
    %swap3A_368 = arith.constant 640 : index
    %swap3A_369 = tpu.vector_load %arg7[%swap3A_368] {strides = array<i32>} : memref<4608xf32, #tpu.memory_space<vmem>>, vector<16xf32>,
    tpu.vector_store %arg7[%swap3A_368], %gather3A_367 {strides = array<i32>} : memref<4608xf32, #tpu.memory_space<vmem>>, vector<16xf32>,
    %get3A_370 = arith.constant 656 : index
    %get3A_371 = tpu.vector_load %arg6[%get3A_370] {strides = array<i32>} : memref<1536xi32, #tpu.memory_space<vmem>>, vector<16xi32>,
    %add3A_372 = arith.constant 0 : i32
    %add3A_373 = vector.broadcast %add3A_372 : i32 to vector<16xi32>
    %add3A_374 = arith.addi %get3A_371, %add3A_373 : vector<16xi32>
    %gather3A_375 = tpu.vector_load_idx %arg5[%add3A_374] : memref<3072xf32, #tpu.memory_space<vmem>>[vector<16xi32>], vector<16xf32>,
    %swap3A_376 = arith.constant 656 : index
    %swap3A_377 = tpu.vector_load %arg7[%swap3A_376] {strides = array<i32>} : memref<4608xf32, #tpu.memory_space<vmem>>, vector<16xf32>,
    tpu.vector_store %arg7[%swap3A_376], %gather3A_375 {strides = array<i32>} : memref<4608xf32, #tpu.memory_space<vmem>>, vector<16xf32>,
    %get3A_378 = arith.constant 672 : index
    %get3A_379 = tpu.vector_load %arg6[%get3A_378] {strides = array<i32>} : memref<1536xi32, #tpu.memory_space<vmem>>, vector<16xi32>,
    %add3A_380 = arith.constant 0 : i32
    %add3A_381 = vector.broadcast %add3A_380 : i32 to vector<16xi32>
    %add3A_382 = arith.addi %get3A_379, %add3A_381 : vector<16xi32>
    %gather3A_383 = tpu.vector_load_idx %arg5[%add3A_382] : memref<3072xf32, #tpu.memory_space<vmem>>[vector<16xi32>], vector<16xf32>,
    %swap3A_384 = arith.constant 672 : index
    %swap3A_385 = tpu.vector_load %arg7[%swap3A_384] {strides = array<i32>} : memref<4608xf32, #tpu.memory_space<vmem>>, vector<16xf32>,
    tpu.vector_store %arg7[%swap3A_384], %gather3A_383 {strides = array<i32>} : memref<4608xf32, #tpu.memory_space<vmem>>, vector<16xf32>,
    %get3A_386 = arith.constant 688 : index
    %get3A_387 = tpu.vector_load %arg6[%get3A_386] {strides = array<i32>} : memref<1536xi32, #tpu.memory_space<vmem>>, vector<16xi32>,
    %add3A_388 = arith.constant 0 : i32
    %add3A_389 = vector.broadcast %add3A_388 : i32 to vector<16xi32>
    %add3A_390 = arith.addi %get3A_387, %add3A_389 : vector<16xi32>
    %gather3A_391 = tpu.vector_load_idx %arg5[%add3A_390] : memref<3072xf32, #tpu.memory_space<vmem>>[vector<16xi32>], vector<16xf32>,
    %swap3A_392 = arith.constant 688 : index
    %swap3A_393 = tpu.vector_load %arg7[%swap3A_392] {strides = array<i32>} : memref<4608xf32, #tpu.memory_space<vmem>>, vector<16xf32>,
    tpu.vector_store %arg7[%swap3A_392], %gather3A_391 {strides = array<i32>} : memref<4608xf32, #tpu.memory_space<vmem>>, vector<16xf32>,
    %get3A_394 = arith.constant 704 : index
    %get3A_395 = tpu.vector_load %arg6[%get3A_394] {strides = array<i32>} : memref<1536xi32, #tpu.memory_space<vmem>>, vector<16xi32>,
    %add3A_396 = arith.constant 0 : i32
    %add3A_397 = vector.broadcast %add3A_396 : i32 to vector<16xi32>
    %add3A_398 = arith.addi %get3A_395, %add3A_397 : vector<16xi32>
    %gather3A_399 = tpu.vector_load_idx %arg5[%add3A_398] : memref<3072xf32, #tpu.memory_space<vmem>>[vector<16xi32>], vector<16xf32>,
    %swap3A_400 = arith.constant 704 : index
    %swap3A_401 = tpu.vector_load %arg7[%swap3A_400] {strides = array<i32>} : memref<4608xf32, #tpu.memory_space<vmem>>, vector<16xf32>,
    tpu.vector_store %arg7[%swap3A_400], %gather3A_399 {strides = array<i32>} : memref<4608xf32, #tpu.memory_space<vmem>>, vector<16xf32>,
    %get3A_402 = arith.constant 720 : index
    %get3A_403 = tpu.vector_load %arg6[%get3A_402] {strides = array<i32>} : memref<1536xi32, #tpu.memory_space<vmem>>, vector<16xi32>,
    %add3A_404 = arith.constant 0 : i32
    %add3A_405 = vector.broadcast %add3A_404 : i32 to vector<16xi32>
    %add3A_406 = arith.addi %get3A_403, %add3A_405 : vector<16xi32>
    %gather3A_407 = tpu.vector_load_idx %arg5[%add3A_406] : memref<3072xf32, #tpu.memory_space<vmem>>[vector<16xi32>], vector<16xf32>,
    %swap3A_408 = arith.constant 720 : index
    %swap3A_409 = tpu.vector_load %arg7[%swap3A_408] {strides = array<i32>} : memref<4608xf32, #tpu.memory_space<vmem>>, vector<16xf32>,
    tpu.vector_store %arg7[%swap3A_408], %gather3A_407 {strides = array<i32>} : memref<4608xf32, #tpu.memory_space<vmem>>, vector<16xf32>,
    %get3A_410 = arith.constant 736 : index
    %get3A_411 = tpu.vector_load %arg6[%get3A_410] {strides = array<i32>} : memref<1536xi32, #tpu.memory_space<vmem>>, vector<16xi32>,
    %add3A_412 = arith.constant 0 : i32
    %add3A_413 = vector.broadcast %add3A_412 : i32 to vector<16xi32>
    %add3A_414 = arith.addi %get3A_411, %add3A_413 : vector<16xi32>
    %gather3A_415 = tpu.vector_load_idx %arg5[%add3A_414] : memref<3072xf32, #tpu.memory_space<vmem>>[vector<16xi32>], vector<16xf32>,
    %swap3A_416 = arith.constant 736 : index
    %swap3A_417 = tpu.vector_load %arg7[%swap3A_416] {strides = array<i32>} : memref<4608xf32, #tpu.memory_space<vmem>>, vector<16xf32>,
    tpu.vector_store %arg7[%swap3A_416], %gather3A_415 {strides = array<i32>} : memref<4608xf32, #tpu.memory_space<vmem>>, vector<16xf32>,
    %get3A_418 = arith.constant 752 : index
    %get3A_419 = tpu.vector_load %arg6[%get3A_418] {strides = array<i32>} : memref<1536xi32, #tpu.memory_space<vmem>>, vector<16xi32>,
    %add3A_420 = arith.constant 0 : i32
    %add3A_421 = vector.broadcast %add3A_420 : i32 to vector<16xi32>
    %add3A_422 = arith.addi %get3A_419, %add3A_421 : vector<16xi32>
    %gather3A_423 = tpu.vector_load_idx %arg5[%add3A_422] : memref<3072xf32, #tpu.memory_space<vmem>>[vector<16xi32>], vector<16xf32>,
    %swap3A_424 = arith.constant 752 : index
    %swap3A_425 = tpu.vector_load %arg7[%swap3A_424] {strides = array<i32>} : memref<4608xf32, #tpu.memory_space<vmem>>, vector<16xf32>,
    tpu.vector_store %arg7[%swap3A_424], %gather3A_423 {strides = array<i32>} : memref<4608xf32, #tpu.memory_space<vmem>>, vector<16xf32>,
    %get3A_426 = arith.constant 768 : index
    %get3A_427 = tpu.vector_load %arg6[%get3A_426] {strides = array<i32>} : memref<1536xi32, #tpu.memory_space<vmem>>, vector<16xi32>,
    %add3A_428 = arith.constant 0 : i32
    %add3A_429 = vector.broadcast %add3A_428 : i32 to vector<16xi32>
    %add3A_430 = arith.addi %get3A_427, %add3A_429 : vector<16xi32>
    %gather3A_431 = tpu.vector_load_idx %arg5[%add3A_430] : memref<3072xf32, #tpu.memory_space<vmem>>[vector<16xi32>], vector<16xf32>,
    %swap3A_432 = arith.constant 768 : index
    %swap3A_433 = tpu.vector_load %arg7[%swap3A_432] {strides = array<i32>} : memref<4608xf32, #tpu.memory_space<vmem>>, vector<16xf32>,
    tpu.vector_store %arg7[%swap3A_432], %gather3A_431 {strides = array<i32>} : memref<4608xf32, #tpu.memory_space<vmem>>, vector<16xf32>,
    %get3A_434 = arith.constant 784 : index
    %get3A_435 = tpu.vector_load %arg6[%get3A_434] {strides = array<i32>} : memref<1536xi32, #tpu.memory_space<vmem>>, vector<16xi32>,
    %add3A_436 = arith.constant 0 : i32
    %add3A_437 = vector.broadcast %add3A_436 : i32 to vector<16xi32>
    %add3A_438 = arith.addi %get3A_435, %add3A_437 : vector<16xi32>
    %gather3A_439 = tpu.vector_load_idx %arg5[%add3A_438] : memref<3072xf32, #tpu.memory_space<vmem>>[vector<16xi32>], vector<16xf32>,
    %swap3A_440 = arith.constant 784 : index
    %swap3A_441 = tpu.vector_load %arg7[%swap3A_440] {strides = array<i32>} : memref<4608xf32, #tpu.memory_space<vmem>>, vector<16xf32>,
    tpu.vector_store %arg7[%swap3A_440], %gather3A_439 {strides = array<i32>} : memref<4608xf32, #tpu.memory_space<vmem>>, vector<16xf32>,
    %get3A_442 = arith.constant 800 : index
    %get3A_443 = tpu.vector_load %arg6[%get3A_442] {strides = array<i32>} : memref<1536xi32, #tpu.memory_space<vmem>>, vector<16xi32>,
    %add3A_444 = arith.constant 0 : i32
    %add3A_445 = vector.broadcast %add3A_444 : i32 to vector<16xi32>
    %add3A_446 = arith.addi %get3A_443, %add3A_445 : vector<16xi32>
    %gather3A_447 = tpu.vector_load_idx %arg5[%add3A_446] : memref<3072xf32, #tpu.memory_space<vmem>>[vector<16xi32>], vector<16xf32>,
    %swap3A_448 = arith.constant 800 : index
    %swap3A_449 = tpu.vector_load %arg7[%swap3A_448] {strides = array<i32>} : memref<4608xf32, #tpu.memory_space<vmem>>, vector<16xf32>,
    tpu.vector_store %arg7[%swap3A_448], %gather3A_447 {strides = array<i32>} : memref<4608xf32, #tpu.memory_space<vmem>>, vector<16xf32>,
    %get3A_450 = arith.constant 816 : index
    %get3A_451 = tpu.vector_load %arg6[%get3A_450] {strides = array<i32>} : memref<1536xi32, #tpu.memory_space<vmem>>, vector<16xi32>,
    %add3A_452 = arith.constant 0 : i32
    %add3A_453 = vector.broadcast %add3A_452 : i32 to vector<16xi32>
    %add3A_454 = arith.addi %get3A_451, %add3A_453 : vector<16xi32>
    %gather3A_455 = tpu.vector_load_idx %arg5[%add3A_454] : memref<3072xf32, #tpu.memory_space<vmem>>[vector<16xi32>], vector<16xf32>,
    %swap3A_456 = arith.constant 816 : index
    %swap3A_457 = tpu.vector_load %arg7[%swap3A_456] {strides = array<i32>} : memref<4608xf32, #tpu.memory_space<vmem>>, vector<16xf32>,
    tpu.vector_store %arg7[%swap3A_456], %gather3A_455 {strides = array<i32>} : memref<4608xf32, #tpu.memory_space<vmem>>, vector<16xf32>,
    %get3A_458 = arith.constant 832 : index
    %get3A_459 = tpu.vector_load %arg6[%get3A_458] {strides = array<i32>} : memref<1536xi32, #tpu.memory_space<vmem>>, vector<16xi32>,
    %add3A_460 = arith.constant 0 : i32
    %add3A_461 = vector.broadcast %add3A_460 : i32 to vector<16xi32>
    %add3A_462 = arith.addi %get3A_459, %add3A_461 : vector<16xi32>
    %gather3A_463 = tpu.vector_load_idx %arg5[%add3A_462] : memref<3072xf32, #tpu.memory_space<vmem>>[vector<16xi32>], vector<16xf32>,
    %swap3A_464 = arith.constant 832 : index
    %swap3A_465 = tpu.vector_load %arg7[%swap3A_464] {strides = array<i32>} : memref<4608xf32, #tpu.memory_space<vmem>>, vector<16xf32>,
    tpu.vector_store %arg7[%swap3A_464], %gather3A_463 {strides = array<i32>} : memref<4608xf32, #tpu.memory_space<vmem>>, vector<16xf32>,
    %get3A_466 = arith.constant 848 : index
    %get3A_467 = tpu.vector_load %arg6[%get3A_466] {strides = array<i32>} : memref<1536xi32, #tpu.memory_space<vmem>>, vector<16xi32>,
    %add3A_468 = arith.constant 0 : i32
    %add3A_469 = vector.broadcast %add3A_468 : i32 to vector<16xi32>
    %add3A_470 = arith.addi %get3A_467, %add3A_469 : vector<16xi32>
    %gather3A_471 = tpu.vector_load_idx %arg5[%add3A_470] : memref<3072xf32, #tpu.memory_space<vmem>>[vector<16xi32>], vector<16xf32>,
    %swap3A_472 = arith.constant 848 : index
    %swap3A_473 = tpu.vector_load %arg7[%swap3A_472] {strides = array<i32>} : memref<4608xf32, #tpu.memory_space<vmem>>, vector<16xf32>,
    tpu.vector_store %arg7[%swap3A_472], %gather3A_471 {strides = array<i32>} : memref<4608xf32, #tpu.memory_space<vmem>>, vector<16xf32>,
    %get3A_474 = arith.constant 864 : index
    %get3A_475 = tpu.vector_load %arg6[%get3A_474] {strides = array<i32>} : memref<1536xi32, #tpu.memory_space<vmem>>, vector<16xi32>,
    %add3A_476 = arith.constant 0 : i32
    %add3A_477 = vector.broadcast %add3A_476 : i32 to vector<16xi32>
    %add3A_478 = arith.addi %get3A_475, %add3A_477 : vector<16xi32>
    %gather3A_479 = tpu.vector_load_idx %arg5[%add3A_478] : memref<3072xf32, #tpu.memory_space<vmem>>[vector<16xi32>], vector<16xf32>,
    %swap3A_480 = arith.constant 864 : index
    %swap3A_481 = tpu.vector_load %arg7[%swap3A_480] {strides = array<i32>} : memref<4608xf32, #tpu.memory_space<vmem>>, vector<16xf32>,
    tpu.vector_store %arg7[%swap3A_480], %gather3A_479 {strides = array<i32>} : memref<4608xf32, #tpu.memory_space<vmem>>, vector<16xf32>,
    %get3A_482 = arith.constant 880 : index
    %get3A_483 = tpu.vector_load %arg6[%get3A_482] {strides = array<i32>} : memref<1536xi32, #tpu.memory_space<vmem>>, vector<16xi32>,
    %add3A_484 = arith.constant 0 : i32
    %add3A_485 = vector.broadcast %add3A_484 : i32 to vector<16xi32>
    %add3A_486 = arith.addi %get3A_483, %add3A_485 : vector<16xi32>
    %gather3A_487 = tpu.vector_load_idx %arg5[%add3A_486] : memref<3072xf32, #tpu.memory_space<vmem>>[vector<16xi32>], vector<16xf32>,
    %swap3A_488 = arith.constant 880 : index
    %swap3A_489 = tpu.vector_load %arg7[%swap3A_488] {strides = array<i32>} : memref<4608xf32, #tpu.memory_space<vmem>>, vector<16xf32>,
    tpu.vector_store %arg7[%swap3A_488], %gather3A_487 {strides = array<i32>} : memref<4608xf32, #tpu.memory_space<vmem>>, vector<16xf32>,
    %get3A_490 = arith.constant 896 : index
    %get3A_491 = tpu.vector_load %arg6[%get3A_490] {strides = array<i32>} : memref<1536xi32, #tpu.memory_space<vmem>>, vector<16xi32>,
    %add3A_492 = arith.constant 0 : i32
    %add3A_493 = vector.broadcast %add3A_492 : i32 to vector<16xi32>
    %add3A_494 = arith.addi %get3A_491, %add3A_493 : vector<16xi32>
    %gather3A_495 = tpu.vector_load_idx %arg5[%add3A_494] : memref<3072xf32, #tpu.memory_space<vmem>>[vector<16xi32>], vector<16xf32>,
    %swap3A_496 = arith.constant 896 : index
    %swap3A_497 = tpu.vector_load %arg7[%swap3A_496] {strides = array<i32>} : memref<4608xf32, #tpu.memory_space<vmem>>, vector<16xf32>,
    tpu.vector_store %arg7[%swap3A_496], %gather3A_495 {strides = array<i32>} : memref<4608xf32, #tpu.memory_space<vmem>>, vector<16xf32>,
    %get3A_498 = arith.constant 912 : index
    %get3A_499 = tpu.vector_load %arg6[%get3A_498] {strides = array<i32>} : memref<1536xi32, #tpu.memory_space<vmem>>, vector<16xi32>,
    %add3A_500 = arith.constant 0 : i32
    %add3A_501 = vector.broadcast %add3A_500 : i32 to vector<16xi32>
    %add3A_502 = arith.addi %get3A_499, %add3A_501 : vector<16xi32>
    %gather3A_503 = tpu.vector_load_idx %arg5[%add3A_502] : memref<3072xf32, #tpu.memory_space<vmem>>[vector<16xi32>], vector<16xf32>,
    %swap3A_504 = arith.constant 912 : index
    %swap3A_505 = tpu.vector_load %arg7[%swap3A_504] {strides = array<i32>} : memref<4608xf32, #tpu.memory_space<vmem>>, vector<16xf32>,
    tpu.vector_store %arg7[%swap3A_504], %gather3A_503 {strides = array<i32>} : memref<4608xf32, #tpu.memory_space<vmem>>, vector<16xf32>,
    %get3A_506 = arith.constant 928 : index
    %get3A_507 = tpu.vector_load %arg6[%get3A_506] {strides = array<i32>} : memref<1536xi32, #tpu.memory_space<vmem>>, vector<16xi32>,
    %add3A_508 = arith.constant 0 : i32
    %add3A_509 = vector.broadcast %add3A_508 : i32 to vector<16xi32>
    %add3A_510 = arith.addi %get3A_507, %add3A_509 : vector<16xi32>
    %gather3A_511 = tpu.vector_load_idx %arg5[%add3A_510] : memref<3072xf32, #tpu.memory_space<vmem>>[vector<16xi32>], vector<16xf32>,
    %swap3A_512 = arith.constant 928 : index
    %swap3A_513 = tpu.vector_load %arg7[%swap3A_512] {strides = array<i32>} : memref<4608xf32, #tpu.memory_space<vmem>>, vector<16xf32>,
    tpu.vector_store %arg7[%swap3A_512], %gather3A_511 {strides = array<i32>} : memref<4608xf32, #tpu.memory_space<vmem>>, vector<16xf32>,
    %get3A_514 = arith.constant 944 : index
    %get3A_515 = tpu.vector_load %arg6[%get3A_514] {strides = array<i32>} : memref<1536xi32, #tpu.memory_space<vmem>>, vector<16xi32>,
    %add3A_516 = arith.constant 0 : i32
    %add3A_517 = vector.broadcast %add3A_516 : i32 to vector<16xi32>
    %add3A_518 = arith.addi %get3A_515, %add3A_517 : vector<16xi32>
    %gather3A_519 = tpu.vector_load_idx %arg5[%add3A_518] : memref<3072xf32, #tpu.memory_space<vmem>>[vector<16xi32>], vector<16xf32>,
    %swap3A_520 = arith.constant 944 : index
    %swap3A_521 = tpu.vector_load %arg7[%swap3A_520] {strides = array<i32>} : memref<4608xf32, #tpu.memory_space<vmem>>, vector<16xf32>,
    tpu.vector_store %arg7[%swap3A_520], %gather3A_519 {strides = array<i32>} : memref<4608xf32, #tpu.memory_space<vmem>>, vector<16xf32>,
    %get3A_522 = arith.constant 960 : index
    %get3A_523 = tpu.vector_load %arg6[%get3A_522] {strides = array<i32>} : memref<1536xi32, #tpu.memory_space<vmem>>, vector<16xi32>,
    %add3A_524 = arith.constant 0 : i32
    %add3A_525 = vector.broadcast %add3A_524 : i32 to vector<16xi32>
    %add3A_526 = arith.addi %get3A_523, %add3A_525 : vector<16xi32>
    %gather3A_527 = tpu.vector_load_idx %arg5[%add3A_526] : memref<3072xf32, #tpu.memory_space<vmem>>[vector<16xi32>], vector<16xf32>,
    %swap3A_528 = arith.constant 960 : index
    %swap3A_529 = tpu.vector_load %arg7[%swap3A_528] {strides = array<i32>} : memref<4608xf32, #tpu.memory_space<vmem>>, vector<16xf32>,
    tpu.vector_store %arg7[%swap3A_528], %gather3A_527 {strides = array<i32>} : memref<4608xf32, #tpu.memory_space<vmem>>, vector<16xf32>,
    %get3A_530 = arith.constant 976 : index
    %get3A_531 = tpu.vector_load %arg6[%get3A_530] {strides = array<i32>} : memref<1536xi32, #tpu.memory_space<vmem>>, vector<16xi32>,
    %add3A_532 = arith.constant 0 : i32
    %add3A_533 = vector.broadcast %add3A_532 : i32 to vector<16xi32>
    %add3A_534 = arith.addi %get3A_531, %add3A_533 : vector<16xi32>
    %gather3A_535 = tpu.vector_load_idx %arg5[%add3A_534] : memref<3072xf32, #tpu.memory_space<vmem>>[vector<16xi32>], vector<16xf32>,
    %swap3A_536 = arith.constant 976 : index
    %swap3A_537 = tpu.vector_load %arg7[%swap3A_536] {strides = array<i32>} : memref<4608xf32, #tpu.memory_space<vmem>>, vector<16xf32>,
    tpu.vector_store %arg7[%swap3A_536], %gather3A_535 {strides = array<i32>} : memref<4608xf32, #tpu.memory_space<vmem>>, vector<16xf32>,
    %get3A_538 = arith.constant 992 : index
    %get3A_539 = tpu.vector_load %arg6[%get3A_538] {strides = array<i32>} : memref<1536xi32, #tpu.memory_space<vmem>>, vector<16xi32>,
    %add3A_540 = arith.constant 0 : i32
    %add3A_541 = vector.broadcast %add3A_540 : i32 to vector<16xi32>
    %add3A_542 = arith.addi %get3A_539, %add3A_541 : vector<16xi32>
    %gather3A_543 = tpu.vector_load_idx %arg5[%add3A_542] : memref<3072xf32, #tpu.memory_space<vmem>>[vector<16xi32>], vector<16xf32>,
    %swap3A_544 = arith.constant 992 : index
    %swap3A_545 = tpu.vector_load %arg7[%swap3A_544] {strides = array<i32>} : memref<4608xf32, #tpu.memory_space<vmem>>, vector<16xf32>,
    tpu.vector_store %arg7[%swap3A_544], %gather3A_543 {strides = array<i32>} : memref<4608xf32, #tpu.memory_space<vmem>>, vector<16xf32>,
    %get3A_546 = arith.constant 1008 : index
    %get3A_547 = tpu.vector_load %arg6[%get3A_546] {strides = array<i32>} : memref<1536xi32, #tpu.memory_space<vmem>>, vector<16xi32>,
    %add3A_548 = arith.constant 0 : i32
    %add3A_549 = vector.broadcast %add3A_548 : i32 to vector<16xi32>
    %add3A_550 = arith.addi %get3A_547, %add3A_549 : vector<16xi32>
    %gather3A_551 = tpu.vector_load_idx %arg5[%add3A_550] : memref<3072xf32, #tpu.memory_space<vmem>>[vector<16xi32>], vector<16xf32>,
    %swap3A_552 = arith.constant 1008 : index
    %swap3A_553 = tpu.vector_load %arg7[%swap3A_552] {strides = array<i32>} : memref<4608xf32, #tpu.memory_space<vmem>>, vector<16xf32>,
    tpu.vector_store %arg7[%swap3A_552], %gather3A_551 {strides = array<i32>} : memref<4608xf32, #tpu.memory_space<vmem>>, vector<16xf32>,
    %get3A_554 = arith.constant 1024 : index
    %get3A_555 = tpu.vector_load %arg6[%get3A_554] {strides = array<i32>} : memref<1536xi32, #tpu.memory_space<vmem>>, vector<16xi32>,
    %add3A_556 = arith.constant 0 : i32
    %add3A_557 = vector.broadcast %add3A_556 : i32 to vector<16xi32>
    %add3A_558 = arith.addi %get3A_555, %add3A_557 : vector<16xi32>
    %gather3A_559 = tpu.vector_load_idx %arg5[%add3A_558] : memref<3072xf32, #tpu.memory_space<vmem>>[vector<16xi32>], vector<16xf32>,
    %swap3A_560 = arith.constant 1024 : index
    %swap3A_561 = tpu.vector_load %arg7[%swap3A_560] {strides = array<i32>} : memref<4608xf32, #tpu.memory_space<vmem>>, vector<16xf32>,
    tpu.vector_store %arg7[%swap3A_560], %gather3A_559 {strides = array<i32>} : memref<4608xf32, #tpu.memory_space<vmem>>, vector<16xf32>,
    %get3A_562 = arith.constant 1040 : index
    %get3A_563 = tpu.vector_load %arg6[%get3A_562] {strides = array<i32>} : memref<1536xi32, #tpu.memory_space<vmem>>, vector<16xi32>,
    %add3A_564 = arith.constant 0 : i32
    %add3A_565 = vector.broadcast %add3A_564 : i32 to vector<16xi32>
    %add3A_566 = arith.addi %get3A_563, %add3A_565 : vector<16xi32>
    %gather3A_567 = tpu.vector_load_idx %arg5[%add3A_566] : memref<3072xf32, #tpu.memory_space<vmem>>[vector<16xi32>], vector<16xf32>,
    %swap3A_568 = arith.constant 1040 : index
    %swap3A_569 = tpu.vector_load %arg7[%swap3A_568] {strides = array<i32>} : memref<4608xf32, #tpu.memory_space<vmem>>, vector<16xf32>,
    tpu.vector_store %arg7[%swap3A_568], %gather3A_567 {strides = array<i32>} : memref<4608xf32, #tpu.memory_space<vmem>>, vector<16xf32>,
    %get3A_570 = arith.constant 1056 : index
    %get3A_571 = tpu.vector_load %arg6[%get3A_570] {strides = array<i32>} : memref<1536xi32, #tpu.memory_space<vmem>>, vector<16xi32>,
    %add3A_572 = arith.constant 0 : i32
    %add3A_573 = vector.broadcast %add3A_572 : i32 to vector<16xi32>
    %add3A_574 = arith.addi %get3A_571, %add3A_573 : vector<16xi32>
    %gather3A_575 = tpu.vector_load_idx %arg5[%add3A_574] : memref<3072xf32, #tpu.memory_space<vmem>>[vector<16xi32>], vector<16xf32>,
    %swap3A_576 = arith.constant 1056 : index
    %swap3A_577 = tpu.vector_load %arg7[%swap3A_576] {strides = array<i32>} : memref<4608xf32, #tpu.memory_space<vmem>>, vector<16xf32>,
    tpu.vector_store %arg7[%swap3A_576], %gather3A_575 {strides = array<i32>} : memref<4608xf32, #tpu.memory_space<vmem>>, vector<16xf32>,
    %get3A_578 = arith.constant 1072 : index
    %get3A_579 = tpu.vector_load %arg6[%get3A_578] {strides = array<i32>} : memref<1536xi32, #tpu.memory_space<vmem>>, vector<16xi32>,
    %add3A_580 = arith.constant 0 : i32
    %add3A_581 = vector.broadcast %add3A_580 : i32 to vector<16xi32>
    %add3A_582 = arith.addi %get3A_579, %add3A_581 : vector<16xi32>
    %gather3A_583 = tpu.vector_load_idx %arg5[%add3A_582] : memref<3072xf32, #tpu.memory_space<vmem>>[vector<16xi32>], vector<16xf32>,
    %swap3A_584 = arith.constant 1072 : index
    %swap3A_585 = tpu.vector_load %arg7[%swap3A_584] {strides = array<i32>} : memref<4608xf32, #tpu.memory_space<vmem>>, vector<16xf32>,
    tpu.vector_store %arg7[%swap3A_584], %gather3A_583 {strides = array<i32>} : memref<4608xf32, #tpu.memory_space<vmem>>, vector<16xf32>,
    %get3A_586 = arith.constant 1088 : index
    %get3A_587 = tpu.vector_load %arg6[%get3A_586] {strides = array<i32>} : memref<1536xi32, #tpu.memory_space<vmem>>, vector<16xi32>,
    %add3A_588 = arith.constant 0 : i32
    %add3A_589 = vector.broadcast %add3A_588 : i32 to vector<16xi32>
    %add3A_590 = arith.addi %get3A_587, %add3A_589 : vector<16xi32>
    %gather3A_591 = tpu.vector_load_idx %arg5[%add3A_590] : memref<3072xf32, #tpu.memory_space<vmem>>[vector<16xi32>], vector<16xf32>,
    %swap3A_592 = arith.constant 1088 : index
    %swap3A_593 = tpu.vector_load %arg7[%swap3A_592] {strides = array<i32>} : memref<4608xf32, #tpu.memory_space<vmem>>, vector<16xf32>,
    tpu.vector_store %arg7[%swap3A_592], %gather3A_591 {strides = array<i32>} : memref<4608xf32, #tpu.memory_space<vmem>>, vector<16xf32>,
    %get3A_594 = arith.constant 1104 : index
    %get3A_595 = tpu.vector_load %arg6[%get3A_594] {strides = array<i32>} : memref<1536xi32, #tpu.memory_space<vmem>>, vector<16xi32>,
    %add3A_596 = arith.constant 0 : i32
    %add3A_597 = vector.broadcast %add3A_596 : i32 to vector<16xi32>
    %add3A_598 = arith.addi %get3A_595, %add3A_597 : vector<16xi32>
    %gather3A_599 = tpu.vector_load_idx %arg5[%add3A_598] : memref<3072xf32, #tpu.memory_space<vmem>>[vector<16xi32>], vector<16xf32>,
    %swap3A_600 = arith.constant 1104 : index
    %swap3A_601 = tpu.vector_load %arg7[%swap3A_600] {strides = array<i32>} : memref<4608xf32, #tpu.memory_space<vmem>>, vector<16xf32>,
    tpu.vector_store %arg7[%swap3A_600], %gather3A_599 {strides = array<i32>} : memref<4608xf32, #tpu.memory_space<vmem>>, vector<16xf32>,
    %get3A_602 = arith.constant 1120 : index
    %get3A_603 = tpu.vector_load %arg6[%get3A_602] {strides = array<i32>} : memref<1536xi32, #tpu.memory_space<vmem>>, vector<16xi32>,
    %add3A_604 = arith.constant 0 : i32
    %add3A_605 = vector.broadcast %add3A_604 : i32 to vector<16xi32>
    %add3A_606 = arith.addi %get3A_603, %add3A_605 : vector<16xi32>
    %gather3A_607 = tpu.vector_load_idx %arg5[%add3A_606] : memref<3072xf32, #tpu.memory_space<vmem>>[vector<16xi32>], vector<16xf32>,
    %swap3A_608 = arith.constant 1120 : index
    %swap3A_609 = tpu.vector_load %arg7[%swap3A_608] {strides = array<i32>} : memref<4608xf32, #tpu.memory_space<vmem>>, vector<16xf32>,
    tpu.vector_store %arg7[%swap3A_608], %gather3A_607 {strides = array<i32>} : memref<4608xf32, #tpu.memory_space<vmem>>, vector<16xf32>,
    %get3A_610 = arith.constant 1136 : index
    %get3A_611 = tpu.vector_load %arg6[%get3A_610] {strides = array<i32>} : memref<1536xi32, #tpu.memory_space<vmem>>, vector<16xi32>,
    %add3A_612 = arith.constant 0 : i32
    %add3A_613 = vector.broadcast %add3A_612 : i32 to vector<16xi32>
    %add3A_614 = arith.addi %get3A_611, %add3A_613 : vector<16xi32>
    %gather3A_615 = tpu.vector_load_idx %arg5[%add3A_614] : memref<3072xf32, #tpu.memory_space<vmem>>[vector<16xi32>], vector<16xf32>,
    %swap3A_616 = arith.constant 1136 : index
    %swap3A_617 = tpu.vector_load %arg7[%swap3A_616] {strides = array<i32>} : memref<4608xf32, #tpu.memory_space<vmem>>, vector<16xf32>,
    tpu.vector_store %arg7[%swap3A_616], %gather3A_615 {strides = array<i32>} : memref<4608xf32, #tpu.memory_space<vmem>>, vector<16xf32>,
    %get3A_618 = arith.constant 1152 : index
    %get3A_619 = tpu.vector_load %arg6[%get3A_618] {strides = array<i32>} : memref<1536xi32, #tpu.memory_space<vmem>>, vector<16xi32>,
    %add3A_620 = arith.constant 0 : i32
    %add3A_621 = vector.broadcast %add3A_620 : i32 to vector<16xi32>
    %add3A_622 = arith.addi %get3A_619, %add3A_621 : vector<16xi32>
    %gather3A_623 = tpu.vector_load_idx %arg5[%add3A_622] : memref<3072xf32, #tpu.memory_space<vmem>>[vector<16xi32>], vector<16xf32>,
    %swap3A_624 = arith.constant 1152 : index
    %swap3A_625 = tpu.vector_load %arg7[%swap3A_624] {strides = array<i32>} : memref<4608xf32, #tpu.memory_space<vmem>>, vector<16xf32>,
    tpu.vector_store %arg7[%swap3A_624], %gather3A_623 {strides = array<i32>} : memref<4608xf32, #tpu.memory_space<vmem>>, vector<16xf32>,
    %get3A_626 = arith.constant 1168 : index
    %get3A_627 = tpu.vector_load %arg6[%get3A_626] {strides = array<i32>} : memref<1536xi32, #tpu.memory_space<vmem>>, vector<16xi32>,
    %add3A_628 = arith.constant 0 : i32
    %add3A_629 = vector.broadcast %add3A_628 : i32 to vector<16xi32>
    %add3A_630 = arith.addi %get3A_627, %add3A_629 : vector<16xi32>
    %gather3A_631 = tpu.vector_load_idx %arg5[%add3A_630] : memref<3072xf32, #tpu.memory_space<vmem>>[vector<16xi32>], vector<16xf32>,
    %swap3A_632 = arith.constant 1168 : index
    %swap3A_633 = tpu.vector_load %arg7[%swap3A_632] {strides = array<i32>} : memref<4608xf32, #tpu.memory_space<vmem>>, vector<16xf32>,
    tpu.vector_store %arg7[%swap3A_632], %gather3A_631 {strides = array<i32>} : memref<4608xf32, #tpu.memory_space<vmem>>, vector<16xf32>,
    %get3A_634 = arith.constant 1184 : index
    %get3A_635 = tpu.vector_load %arg6[%get3A_634] {strides = array<i32>} : memref<1536xi32, #tpu.memory_space<vmem>>, vector<16xi32>,
    %add3A_636 = arith.constant 0 : i32
    %add3A_637 = vector.broadcast %add3A_636 : i32 to vector<16xi32>
    %add3A_638 = arith.addi %get3A_635, %add3A_637 : vector<16xi32>
    %gather3A_639 = tpu.vector_load_idx %arg5[%add3A_638] : memref<3072xf32, #tpu.memory_space<vmem>>[vector<16xi32>], vector<16xf32>,
    %swap3A_640 = arith.constant 1184 : index
    %swap3A_641 = tpu.vector_load %arg7[%swap3A_640] {strides = array<i32>} : memref<4608xf32, #tpu.memory_space<vmem>>, vector<16xf32>,
    tpu.vector_store %arg7[%swap3A_640], %gather3A_639 {strides = array<i32>} : memref<4608xf32, #tpu.memory_space<vmem>>, vector<16xf32>,
    %get3A_642 = arith.constant 1200 : index
    %get3A_643 = tpu.vector_load %arg6[%get3A_642] {strides = array<i32>} : memref<1536xi32, #tpu.memory_space<vmem>>, vector<16xi32>,
    %add3A_644 = arith.constant 0 : i32
    %add3A_645 = vector.broadcast %add3A_644 : i32 to vector<16xi32>
    %add3A_646 = arith.addi %get3A_643, %add3A_645 : vector<16xi32>
    %gather3A_647 = tpu.vector_load_idx %arg5[%add3A_646] : memref<3072xf32, #tpu.memory_space<vmem>>[vector<16xi32>], vector<16xf32>,
    %swap3A_648 = arith.constant 1200 : index
    %swap3A_649 = tpu.vector_load %arg7[%swap3A_648] {strides = array<i32>} : memref<4608xf32, #tpu.memory_space<vmem>>, vector<16xf32>,
    tpu.vector_store %arg7[%swap3A_648], %gather3A_647 {strides = array<i32>} : memref<4608xf32, #tpu.memory_space<vmem>>, vector<16xf32>,
    %get3A_650 = arith.constant 1216 : index
    %get3A_651 = tpu.vector_load %arg6[%get3A_650] {strides = array<i32>} : memref<1536xi32, #tpu.memory_space<vmem>>, vector<16xi32>,
    %add3A_652 = arith.constant 0 : i32
    %add3A_653 = vector.broadcast %add3A_652 : i32 to vector<16xi32>
    %add3A_654 = arith.addi %get3A_651, %add3A_653 : vector<16xi32>
    %gather3A_655 = tpu.vector_load_idx %arg5[%add3A_654] : memref<3072xf32, #tpu.memory_space<vmem>>[vector<16xi32>], vector<16xf32>,
    %swap3A_656 = arith.constant 1216 : index
    %swap3A_657 = tpu.vector_load %arg7[%swap3A_656] {strides = array<i32>} : memref<4608xf32, #tpu.memory_space<vmem>>, vector<16xf32>,
    tpu.vector_store %arg7[%swap3A_656], %gather3A_655 {strides = array<i32>} : memref<4608xf32, #tpu.memory_space<vmem>>, vector<16xf32>,
    %get3A_658 = arith.constant 1232 : index
    %get3A_659 = tpu.vector_load %arg6[%get3A_658] {strides = array<i32>} : memref<1536xi32, #tpu.memory_space<vmem>>, vector<16xi32>,
    %add3A_660 = arith.constant 0 : i32
    %add3A_661 = vector.broadcast %add3A_660 : i32 to vector<16xi32>
    %add3A_662 = arith.addi %get3A_659, %add3A_661 : vector<16xi32>
    %gather3A_663 = tpu.vector_load_idx %arg5[%add3A_662] : memref<3072xf32, #tpu.memory_space<vmem>>[vector<16xi32>], vector<16xf32>,
    %swap3A_664 = arith.constant 1232 : index
    %swap3A_665 = tpu.vector_load %arg7[%swap3A_664] {strides = array<i32>} : memref<4608xf32, #tpu.memory_space<vmem>>, vector<16xf32>,
    tpu.vector_store %arg7[%swap3A_664], %gather3A_663 {strides = array<i32>} : memref<4608xf32, #tpu.memory_space<vmem>>, vector<16xf32>,
    %get3A_666 = arith.constant 1248 : index
    %get3A_667 = tpu.vector_load %arg6[%get3A_666] {strides = array<i32>} : memref<1536xi32, #tpu.memory_space<vmem>>, vector<16xi32>,
    %add3A_668 = arith.constant 0 : i32
    %add3A_669 = vector.broadcast %add3A_668 : i32 to vector<16xi32>
    %add3A_670 = arith.addi %get3A_667, %add3A_669 : vector<16xi32>
    %gather3A_671 = tpu.vector_load_idx %arg5[%add3A_670] : memref<3072xf32, #tpu.memory_space<vmem>>[vector<16xi32>], vector<16xf32>,
    %swap3A_672 = arith.constant 1248 : index
    %swap3A_673 = tpu.vector_load %arg7[%swap3A_672] {strides = array<i32>} : memref<4608xf32, #tpu.memory_space<vmem>>, vector<16xf32>,
    tpu.vector_store %arg7[%swap3A_672], %gather3A_671 {strides = array<i32>} : memref<4608xf32, #tpu.memory_space<vmem>>, vector<16xf32>,
    %get3A_674 = arith.constant 1264 : index
    %get3A_675 = tpu.vector_load %arg6[%get3A_674] {strides = array<i32>} : memref<1536xi32, #tpu.memory_space<vmem>>, vector<16xi32>,
    %add3A_676 = arith.constant 0 : i32
    %add3A_677 = vector.broadcast %add3A_676 : i32 to vector<16xi32>
    %add3A_678 = arith.addi %get3A_675, %add3A_677 : vector<16xi32>
    %gather3A_679 = tpu.vector_load_idx %arg5[%add3A_678] : memref<3072xf32, #tpu.memory_space<vmem>>[vector<16xi32>], vector<16xf32>,
    %swap3A_680 = arith.constant 1264 : index
    %swap3A_681 = tpu.vector_load %arg7[%swap3A_680] {strides = array<i32>} : memref<4608xf32, #tpu.memory_space<vmem>>, vector<16xf32>,
    tpu.vector_store %arg7[%swap3A_680], %gather3A_679 {strides = array<i32>} : memref<4608xf32, #tpu.memory_space<vmem>>, vector<16xf32>,
    %get3A_682 = arith.constant 1280 : index
    %get3A_683 = tpu.vector_load %arg6[%get3A_682] {strides = array<i32>} : memref<1536xi32, #tpu.memory_space<vmem>>, vector<16xi32>,
    %add3A_684 = arith.constant 0 : i32
    %add3A_685 = vector.broadcast %add3A_684 : i32 to vector<16xi32>
    %add3A_686 = arith.addi %get3A_683, %add3A_685 : vector<16xi32>
    %gather3A_687 = tpu.vector_load_idx %arg5[%add3A_686] : memref<3072xf32, #tpu.memory_space<vmem>>[vector<16xi32>], vector<16xf32>,
    %swap3A_688 = arith.constant 1280 : index
    %swap3A_689 = tpu.vector_load %arg7[%swap3A_688] {strides = array<i32>} : memref<4608xf32, #tpu.memory_space<vmem>>, vector<16xf32>,
    tpu.vector_store %arg7[%swap3A_688], %gather3A_687 {strides = array<i32>} : memref<4608xf32, #tpu.memory_space<vmem>>, vector<16xf32>,
    %get3A_690 = arith.constant 1296 : index
    %get3A_691 = tpu.vector_load %arg6[%get3A_690] {strides = array<i32>} : memref<1536xi32, #tpu.memory_space<vmem>>, vector<16xi32>,
    %add3A_692 = arith.constant 0 : i32
    %add3A_693 = vector.broadcast %add3A_692 : i32 to vector<16xi32>
    %add3A_694 = arith.addi %get3A_691, %add3A_693 : vector<16xi32>
    %gather3A_695 = tpu.vector_load_idx %arg5[%add3A_694] : memref<3072xf32, #tpu.memory_space<vmem>>[vector<16xi32>], vector<16xf32>,
    %swap3A_696 = arith.constant 1296 : index
    %swap3A_697 = tpu.vector_load %arg7[%swap3A_696] {strides = array<i32>} : memref<4608xf32, #tpu.memory_space<vmem>>, vector<16xf32>,
    tpu.vector_store %arg7[%swap3A_696], %gather3A_695 {strides = array<i32>} : memref<4608xf32, #tpu.memory_space<vmem>>, vector<16xf32>,
    %get3A_698 = arith.constant 1312 : index
    %get3A_699 = tpu.vector_load %arg6[%get3A_698] {strides = array<i32>} : memref<1536xi32, #tpu.memory_space<vmem>>, vector<16xi32>,
    %add3A_700 = arith.constant 0 : i32
    %add3A_701 = vector.broadcast %add3A_700 : i32 to vector<16xi32>
    %add3A_702 = arith.addi %get3A_699, %add3A_701 : vector<16xi32>
    %gather3A_703 = tpu.vector_load_idx %arg5[%add3A_702] : memref<3072xf32, #tpu.memory_space<vmem>>[vector<16xi32>], vector<16xf32>,
    %swap3A_704 = arith.constant 1312 : index
    %swap3A_705 = tpu.vector_load %arg7[%swap3A_704] {strides = array<i32>} : memref<4608xf32, #tpu.memory_space<vmem>>, vector<16xf32>,
    tpu.vector_store %arg7[%swap3A_704], %gather3A_703 {strides = array<i32>} : memref<4608xf32, #tpu.memory_space<vmem>>, vector<16xf32>,
    %get3A_706 = arith.constant 1328 : index
    %get3A_707 = tpu.vector_load %arg6[%get3A_706] {strides = array<i32>} : memref<1536xi32, #tpu.memory_space<vmem>>, vector<16xi32>,
    %add3A_708 = arith.constant 0 : i32
    %add3A_709 = vector.broadcast %add3A_708 : i32 to vector<16xi32>
    %add3A_710 = arith.addi %get3A_707, %add3A_709 : vector<16xi32>
    %gather3A_711 = tpu.vector_load_idx %arg5[%add3A_710] : memref<3072xf32, #tpu.memory_space<vmem>>[vector<16xi32>], vector<16xf32>,
    %swap3A_712 = arith.constant 1328 : index
    %swap3A_713 = tpu.vector_load %arg7[%swap3A_712] {strides = array<i32>} : memref<4608xf32, #tpu.memory_space<vmem>>, vector<16xf32>,
    tpu.vector_store %arg7[%swap3A_712], %gather3A_711 {strides = array<i32>} : memref<4608xf32, #tpu.memory_space<vmem>>, vector<16xf32>,
    %get3A_714 = arith.constant 1344 : index
    %get3A_715 = tpu.vector_load %arg6[%get3A_714] {strides = array<i32>} : memref<1536xi32, #tpu.memory_space<vmem>>, vector<16xi32>,
    %add3A_716 = arith.constant 0 : i32
    %add3A_717 = vector.broadcast %add3A_716 : i32 to vector<16xi32>
    %add3A_718 = arith.addi %get3A_715, %add3A_717 : vector<16xi32>
    %gather3A_719 = tpu.vector_load_idx %arg5[%add3A_718] : memref<3072xf32, #tpu.memory_space<vmem>>[vector<16xi32>], vector<16xf32>,
    %swap3A_720 = arith.constant 1344 : index
    %swap3A_721 = tpu.vector_load %arg7[%swap3A_720] {strides = array<i32>} : memref<4608xf32, #tpu.memory_space<vmem>>, vector<16xf32>,
    tpu.vector_store %arg7[%swap3A_720], %gather3A_719 {strides = array<i32>} : memref<4608xf32, #tpu.memory_space<vmem>>, vector<16xf32>,
    %get3A_722 = arith.constant 1360 : index
    %get3A_723 = tpu.vector_load %arg6[%get3A_722] {strides = array<i32>} : memref<1536xi32, #tpu.memory_space<vmem>>, vector<16xi32>,
    %add3A_724 = arith.constant 0 : i32
    %add3A_725 = vector.broadcast %add3A_724 : i32 to vector<16xi32>
    %add3A_726 = arith.addi %get3A_723, %add3A_725 : vector<16xi32>
    %gather3A_727 = tpu.vector_load_idx %arg5[%add3A_726] : memref<3072xf32, #tpu.memory_space<vmem>>[vector<16xi32>], vector<16xf32>,
    %swap3A_728 = arith.constant 1360 : index
    %swap3A_729 = tpu.vector_load %arg7[%swap3A_728] {strides = array<i32>} : memref<4608xf32, #tpu.memory_space<vmem>>, vector<16xf32>,
    tpu.vector_store %arg7[%swap3A_728], %gather3A_727 {strides = array<i32>} : memref<4608xf32, #tpu.memory_space<vmem>>, vector<16xf32>,
    %get3A_730 = arith.constant 1376 : index
    %get3A_731 = tpu.vector_load %arg6[%get3A_730] {strides = array<i32>} : memref<1536xi32, #tpu.memory_space<vmem>>, vector<16xi32>,
    %add3A_732 = arith.constant 0 : i32
    %add3A_733 = vector.broadcast %add3A_732 : i32 to vector<16xi32>
    %add3A_734 = arith.addi %get3A_731, %add3A_733 : vector<16xi32>
    %gather3A_735 = tpu.vector_load_idx %arg5[%add3A_734] : memref<3072xf32, #tpu.memory_space<vmem>>[vector<16xi32>], vector<16xf32>,
    %swap3A_736 = arith.constant 1376 : index
    %swap3A_737 = tpu.vector_load %arg7[%swap3A_736] {strides = array<i32>} : memref<4608xf32, #tpu.memory_space<vmem>>, vector<16xf32>,
    tpu.vector_store %arg7[%swap3A_736], %gather3A_735 {strides = array<i32>} : memref<4608xf32, #tpu.memory_space<vmem>>, vector<16xf32>,
    %get3A_738 = arith.constant 1392 : index
    %get3A_739 = tpu.vector_load %arg6[%get3A_738] {strides = array<i32>} : memref<1536xi32, #tpu.memory_space<vmem>>, vector<16xi32>,
    %add3A_740 = arith.constant 0 : i32
    %add3A_741 = vector.broadcast %add3A_740 : i32 to vector<16xi32>
    %add3A_742 = arith.addi %get3A_739, %add3A_741 : vector<16xi32>
    %gather3A_743 = tpu.vector_load_idx %arg5[%add3A_742] : memref<3072xf32, #tpu.memory_space<vmem>>[vector<16xi32>], vector<16xf32>,
    %swap3A_744 = arith.constant 1392 : index
    %swap3A_745 = tpu.vector_load %arg7[%swap3A_744] {strides = array<i32>} : memref<4608xf32, #tpu.memory_space<vmem>>, vector<16xf32>,
    tpu.vector_store %arg7[%swap3A_744], %gather3A_743 {strides = array<i32>} : memref<4608xf32, #tpu.memory_space<vmem>>, vector<16xf32>,
    %get3A_746 = arith.constant 1408 : index
    %get3A_747 = tpu.vector_load %arg6[%get3A_746] {strides = array<i32>} : memref<1536xi32, #tpu.memory_space<vmem>>, vector<16xi32>,
    %add3A_748 = arith.constant 0 : i32
    %add3A_749 = vector.broadcast %add3A_748 : i32 to vector<16xi32>
    %add3A_750 = arith.addi %get3A_747, %add3A_749 : vector<16xi32>
    %gather3A_751 = tpu.vector_load_idx %arg5[%add3A_750] : memref<3072xf32, #tpu.memory_space<vmem>>[vector<16xi32>], vector<16xf32>,
    %swap3A_752 = arith.constant 1408 : index
    %swap3A_753 = tpu.vector_load %arg7[%swap3A_752] {strides = array<i32>} : memref<4608xf32, #tpu.memory_space<vmem>>, vector<16xf32>,
    tpu.vector_store %arg7[%swap3A_752], %gather3A_751 {strides = array<i32>} : memref<4608xf32, #tpu.memory_space<vmem>>, vector<16xf32>,
    %get3A_754 = arith.constant 1424 : index
    %get3A_755 = tpu.vector_load %arg6[%get3A_754] {strides = array<i32>} : memref<1536xi32, #tpu.memory_space<vmem>>, vector<16xi32>,
    %add3A_756 = arith.constant 0 : i32
    %add3A_757 = vector.broadcast %add3A_756 : i32 to vector<16xi32>
    %add3A_758 = arith.addi %get3A_755, %add3A_757 : vector<16xi32>
    %gather3A_759 = tpu.vector_load_idx %arg5[%add3A_758] : memref<3072xf32, #tpu.memory_space<vmem>>[vector<16xi32>], vector<16xf32>,
    %swap3A_760 = arith.constant 1424 : index
    %swap3A_761 = tpu.vector_load %arg7[%swap3A_760] {strides = array<i32>} : memref<4608xf32, #tpu.memory_space<vmem>>, vector<16xf32>,
    tpu.vector_store %arg7[%swap3A_760], %gather3A_759 {strides = array<i32>} : memref<4608xf32, #tpu.memory_space<vmem>>, vector<16xf32>,
    %get3A_762 = arith.constant 1440 : index
    %get3A_763 = tpu.vector_load %arg6[%get3A_762] {strides = array<i32>} : memref<1536xi32, #tpu.memory_space<vmem>>, vector<16xi32>,
    %add3A_764 = arith.constant 0 : i32
    %add3A_765 = vector.broadcast %add3A_764 : i32 to vector<16xi32>
    %add3A_766 = arith.addi %get3A_763, %add3A_765 : vector<16xi32>
    %gather3A_767 = tpu.vector_load_idx %arg5[%add3A_766] : memref<3072xf32, #tpu.memory_space<vmem>>[vector<16xi32>], vector<16xf32>,
    %swap3A_768 = arith.constant 1440 : index
    %swap3A_769 = tpu.vector_load %arg7[%swap3A_768] {strides = array<i32>} : memref<4608xf32, #tpu.memory_space<vmem>>, vector<16xf32>,
    tpu.vector_store %arg7[%swap3A_768], %gather3A_767 {strides = array<i32>} : memref<4608xf32, #tpu.memory_space<vmem>>, vector<16xf32>,
    %get3A_770 = arith.constant 1456 : index
    %get3A_771 = tpu.vector_load %arg6[%get3A_770] {strides = array<i32>} : memref<1536xi32, #tpu.memory_space<vmem>>, vector<16xi32>,
    %add3A_772 = arith.constant 0 : i32
    %add3A_773 = vector.broadcast %add3A_772 : i32 to vector<16xi32>
    %add3A_774 = arith.addi %get3A_771, %add3A_773 : vector<16xi32>
    %gather3A_775 = tpu.vector_load_idx %arg5[%add3A_774] : memref<3072xf32, #tpu.memory_space<vmem>>[vector<16xi32>], vector<16xf32>,
    %swap3A_776 = arith.constant 1456 : index
    %swap3A_777 = tpu.vector_load %arg7[%swap3A_776] {strides = array<i32>} : memref<4608xf32, #tpu.memory_space<vmem>>, vector<16xf32>,
    tpu.vector_store %arg7[%swap3A_776], %gather3A_775 {strides = array<i32>} : memref<4608xf32, #tpu.memory_space<vmem>>, vector<16xf32>,
    %get3A_778 = arith.constant 1472 : index
    %get3A_779 = tpu.vector_load %arg6[%get3A_778] {strides = array<i32>} : memref<1536xi32, #tpu.memory_space<vmem>>, vector<16xi32>,
    %add3A_780 = arith.constant 0 : i32
    %add3A_781 = vector.broadcast %add3A_780 : i32 to vector<16xi32>
    %add3A_782 = arith.addi %get3A_779, %add3A_781 : vector<16xi32>
    %gather3A_783 = tpu.vector_load_idx %arg5[%add3A_782] : memref<3072xf32, #tpu.memory_space<vmem>>[vector<16xi32>], vector<16xf32>,
    %swap3A_784 = arith.constant 1472 : index
    %swap3A_785 = tpu.vector_load %arg7[%swap3A_784] {strides = array<i32>} : memref<4608xf32, #tpu.memory_space<vmem>>, vector<16xf32>,
    tpu.vector_store %arg7[%swap3A_784], %gather3A_783 {strides = array<i32>} : memref<4608xf32, #tpu.memory_space<vmem>>, vector<16xf32>,
    %get3A_786 = arith.constant 1488 : index
    %get3A_787 = tpu.vector_load %arg6[%get3A_786] {strides = array<i32>} : memref<1536xi32, #tpu.memory_space<vmem>>, vector<16xi32>,
    %add3A_788 = arith.constant 0 : i32
    %add3A_789 = vector.broadcast %add3A_788 : i32 to vector<16xi32>
    %add3A_790 = arith.addi %get3A_787, %add3A_789 : vector<16xi32>
    %gather3A_791 = tpu.vector_load_idx %arg5[%add3A_790] : memref<3072xf32, #tpu.memory_space<vmem>>[vector<16xi32>], vector<16xf32>,
    %swap3A_792 = arith.constant 1488 : index
    %swap3A_793 = tpu.vector_load %arg7[%swap3A_792] {strides = array<i32>} : memref<4608xf32, #tpu.memory_space<vmem>>, vector<16xf32>,
    tpu.vector_store %arg7[%swap3A_792], %gather3A_791 {strides = array<i32>} : memref<4608xf32, #tpu.memory_space<vmem>>, vector<16xf32>,
    %get3A_794 = arith.constant 1504 : index
    %get3A_795 = tpu.vector_load %arg6[%get3A_794] {strides = array<i32>} : memref<1536xi32, #tpu.memory_space<vmem>>, vector<16xi32>,
    %add3A_796 = arith.constant 0 : i32
    %add3A_797 = vector.broadcast %add3A_796 : i32 to vector<16xi32>
    %add3A_798 = arith.addi %get3A_795, %add3A_797 : vector<16xi32>
    %gather3A_799 = tpu.vector_load_idx %arg5[%add3A_798] : memref<3072xf32, #tpu.memory_space<vmem>>[vector<16xi32>], vector<16xf32>,
    %swap3A_800 = arith.constant 1504 : index
    %swap3A_801 = tpu.vector_load %arg7[%swap3A_800] {strides = array<i32>} : memref<4608xf32, #tpu.memory_space<vmem>>, vector<16xf32>,
    tpu.vector_store %arg7[%swap3A_800], %gather3A_799 {strides = array<i32>} : memref<4608xf32, #tpu.memory_space<vmem>>, vector<16xf32>,
    %get3A_802 = arith.constant 1520 : index
    %get3A_803 = tpu.vector_load %arg6[%get3A_802] {strides = array<i32>} : memref<1536xi32, #tpu.memory_space<vmem>>, vector<16xi32>,
    %add3A_804 = arith.constant 0 : i32
    %add3A_805 = vector.broadcast %add3A_804 : i32 to vector<16xi32>
    %add3A_806 = arith.addi %get3A_803, %add3A_805 : vector<16xi32>
    %gather3A_807 = tpu.vector_load_idx %arg5[%add3A_806] : memref<3072xf32, #tpu.memory_space<vmem>>[vector<16xi32>], vector<16xf32>,
    %swap3A_808 = arith.constant 1520 : index
    %swap3A_809 = tpu.vector_load %arg7[%swap3A_808] {strides = array<i32>} : memref<4608xf32, #tpu.memory_space<vmem>>, vector<16xf32>,
    tpu.vector_store %arg7[%swap3A_808], %gather3A_807 {strides = array<i32>} : memref<4608xf32, #tpu.memory_space<vmem>>, vector<16xf32>,
    %get3A_810 = arith.constant 0 : index
    %get3A_811 = tpu.vector_load %arg6[%get3A_810] {strides = array<i32>} : memref<1536xi32, #tpu.memory_space<vmem>>, vector<16xi32>,
    %add3A_812 = arith.constant 1024 : i32
    %add3A_813 = vector.broadcast %add3A_812 : i32 to vector<16xi32>
    %add3A_814 = arith.addi %get3A_811, %add3A_813 : vector<16xi32>
    %gather3A_815 = tpu.vector_load_idx %arg5[%add3A_814] : memref<3072xf32, #tpu.memory_space<vmem>>[vector<16xi32>], vector<16xf32>,
    %swap3A_816 = arith.constant 1536 : index
    %swap3A_817 = tpu.vector_load %arg7[%swap3A_816] {strides = array<i32>} : memref<4608xf32, #tpu.memory_space<vmem>>, vector<16xf32>,
    tpu.vector_store %arg7[%swap3A_816], %gather3A_815 {strides = array<i32>} : memref<4608xf32, #tpu.memory_space<vmem>>, vector<16xf32>,
    %get3A_818 = arith.constant 16 : index
    %get3A_819 = tpu.vector_load %arg6[%get3A_818] {strides = array<i32>} : memref<1536xi32, #tpu.memory_space<vmem>>, vector<16xi32>,
    %add3A_820 = arith.constant 1024 : i32
    %add3A_821 = vector.broadcast %add3A_820 : i32 to vector<16xi32>
    %add3A_822 = arith.addi %get3A_819, %add3A_821 : vector<16xi32>
    %gather3A_823 = tpu.vector_load_idx %arg5[%add3A_822] : memref<3072xf32, #tpu.memory_space<vmem>>[vector<16xi32>], vector<16xf32>,
    %swap3A_824 = arith.constant 1552 : index
    %swap3A_825 = tpu.vector_load %arg7[%swap3A_824] {strides = array<i32>} : memref<4608xf32, #tpu.memory_space<vmem>>, vector<16xf32>,
    tpu.vector_store %arg7[%swap3A_824], %gather3A_823 {strides = array<i32>} : memref<4608xf32, #tpu.memory_space<vmem>>, vector<16xf32>,
    %get3A_826 = arith.constant 32 : index
    %get3A_827 = tpu.vector_load %arg6[%get3A_826] {strides = array<i32>} : memref<1536xi32, #tpu.memory_space<vmem>>, vector<16xi32>,
    %add3A_828 = arith.constant 1024 : i32
    %add3A_829 = vector.broadcast %add3A_828 : i32 to vector<16xi32>
    %add3A_830 = arith.addi %get3A_827, %add3A_829 : vector<16xi32>
    %gather3A_831 = tpu.vector_load_idx %arg5[%add3A_830] : memref<3072xf32, #tpu.memory_space<vmem>>[vector<16xi32>], vector<16xf32>,
    %swap3A_832 = arith.constant 1568 : index
    %swap3A_833 = tpu.vector_load %arg7[%swap3A_832] {strides = array<i32>} : memref<4608xf32, #tpu.memory_space<vmem>>, vector<16xf32>,
    tpu.vector_store %arg7[%swap3A_832], %gather3A_831 {strides = array<i32>} : memref<4608xf32, #tpu.memory_space<vmem>>, vector<16xf32>,
    %get3A_834 = arith.constant 48 : index
    %get3A_835 = tpu.vector_load %arg6[%get3A_834] {strides = array<i32>} : memref<1536xi32, #tpu.memory_space<vmem>>, vector<16xi32>,
    %add3A_836 = arith.constant 1024 : i32
    %add3A_837 = vector.broadcast %add3A_836 : i32 to vector<16xi32>
    %add3A_838 = arith.addi %get3A_835, %add3A_837 : vector<16xi32>
    %gather3A_839 = tpu.vector_load_idx %arg5[%add3A_838] : memref<3072xf32, #tpu.memory_space<vmem>>[vector<16xi32>], vector<16xf32>,
    %swap3A_840 = arith.constant 1584 : index
    %swap3A_841 = tpu.vector_load %arg7[%swap3A_840] {strides = array<i32>} : memref<4608xf32, #tpu.memory_space<vmem>>, vector<16xf32>,
    tpu.vector_store %arg7[%swap3A_840], %gather3A_839 {strides = array<i32>} : memref<4608xf32, #tpu.memory_space<vmem>>, vector<16xf32>,
    %get3A_842 = arith.constant 64 : index
    %get3A_843 = tpu.vector_load %arg6[%get3A_842] {strides = array<i32>} : memref<1536xi32, #tpu.memory_space<vmem>>, vector<16xi32>,
    %add3A_844 = arith.constant 1024 : i32
    %add3A_845 = vector.broadcast %add3A_844 : i32 to vector<16xi32>
    %add3A_846 = arith.addi %get3A_843, %add3A_845 : vector<16xi32>
    %gather3A_847 = tpu.vector_load_idx %arg5[%add3A_846] : memref<3072xf32, #tpu.memory_space<vmem>>[vector<16xi32>], vector<16xf32>,
    %swap3A_848 = arith.constant 1600 : index
    %swap3A_849 = tpu.vector_load %arg7[%swap3A_848] {strides = array<i32>} : memref<4608xf32, #tpu.memory_space<vmem>>, vector<16xf32>,
    tpu.vector_store %arg7[%swap3A_848], %gather3A_847 {strides = array<i32>} : memref<4608xf32, #tpu.memory_space<vmem>>, vector<16xf32>,
    %get3A_850 = arith.constant 80 : index
    %get3A_851 = tpu.vector_load %arg6[%get3A_850] {strides = array<i32>} : memref<1536xi32, #tpu.memory_space<vmem>>, vector<16xi32>,
    %add3A_852 = arith.constant 1024 : i32
    %add3A_853 = vector.broadcast %add3A_852 : i32 to vector<16xi32>
    %add3A_854 = arith.addi %get3A_851, %add3A_853 : vector<16xi32>
    %gather3A_855 = tpu.vector_load_idx %arg5[%add3A_854] : memref<3072xf32, #tpu.memory_space<vmem>>[vector<16xi32>], vector<16xf32>,
    %swap3A_856 = arith.constant 1616 : index
    %swap3A_857 = tpu.vector_load %arg7[%swap3A_856] {strides = array<i32>} : memref<4608xf32, #tpu.memory_space<vmem>>, vector<16xf32>,
    tpu.vector_store %arg7[%swap3A_856], %gather3A_855 {strides = array<i32>} : memref<4608xf32, #tpu.memory_space<vmem>>, vector<16xf32>,
    %get3A_858 = arith.constant 96 : index
    %get3A_859 = tpu.vector_load %arg6[%get3A_858] {strides = array<i32>} : memref<1536xi32, #tpu.memory_space<vmem>>, vector<16xi32>,
    %add3A_860 = arith.constant 1024 : i32
    %add3A_861 = vector.broadcast %add3A_860 : i32 to vector<16xi32>
    %add3A_862 = arith.addi %get3A_859, %add3A_861 : vector<16xi32>
    %gather3A_863 = tpu.vector_load_idx %arg5[%add3A_862] : memref<3072xf32, #tpu.memory_space<vmem>>[vector<16xi32>], vector<16xf32>,
    %swap3A_864 = arith.constant 1632 : index
    %swap3A_865 = tpu.vector_load %arg7[%swap3A_864] {strides = array<i32>} : memref<4608xf32, #tpu.memory_space<vmem>>, vector<16xf32>,
    tpu.vector_store %arg7[%swap3A_864], %gather3A_863 {strides = array<i32>} : memref<4608xf32, #tpu.memory_space<vmem>>, vector<16xf32>,
    %get3A_866 = arith.constant 112 : index
    %get3A_867 = tpu.vector_load %arg6[%get3A_866] {strides = array<i32>} : memref<1536xi32, #tpu.memory_space<vmem>>, vector<16xi32>,
    %add3A_868 = arith.constant 1024 : i32
    %add3A_869 = vector.broadcast %add3A_868 : i32 to vector<16xi32>
    %add3A_870 = arith.addi %get3A_867, %add3A_869 : vector<16xi32>
    %gather3A_871 = tpu.vector_load_idx %arg5[%add3A_870] : memref<3072xf32, #tpu.memory_space<vmem>>[vector<16xi32>], vector<16xf32>,
    %swap3A_872 = arith.constant 1648 : index
    %swap3A_873 = tpu.vector_load %arg7[%swap3A_872] {strides = array<i32>} : memref<4608xf32, #tpu.memory_space<vmem>>, vector<16xf32>,
    tpu.vector_store %arg7[%swap3A_872], %gather3A_871 {strides = array<i32>} : memref<4608xf32, #tpu.memory_space<vmem>>, vector<16xf32>,
    %get3A_874 = arith.constant 128 : index
    %get3A_875 = tpu.vector_load %arg6[%get3A_874] {strides = array<i32>} : memref<1536xi32, #tpu.memory_space<vmem>>, vector<16xi32>,
    %add3A_876 = arith.constant 1024 : i32
    %add3A_877 = vector.broadcast %add3A_876 : i32 to vector<16xi32>
    %add3A_878 = arith.addi %get3A_875, %add3A_877 : vector<16xi32>
    %gather3A_879 = tpu.vector_load_idx %arg5[%add3A_878] : memref<3072xf32, #tpu.memory_space<vmem>>[vector<16xi32>], vector<16xf32>,
    %swap3A_880 = arith.constant 1664 : index
    %swap3A_881 = tpu.vector_load %arg7[%swap3A_880] {strides = array<i32>} : memref<4608xf32, #tpu.memory_space<vmem>>, vector<16xf32>,
    tpu.vector_store %arg7[%swap3A_880], %gather3A_879 {strides = array<i32>} : memref<4608xf32, #tpu.memory_space<vmem>>, vector<16xf32>,
    %get3A_882 = arith.constant 144 : index
    %get3A_883 = tpu.vector_load %arg6[%get3A_882] {strides = array<i32>} : memref<1536xi32, #tpu.memory_space<vmem>>, vector<16xi32>,
    %add3A_884 = arith.constant 1024 : i32
    %add3A_885 = vector.broadcast %add3A_884 : i32 to vector<16xi32>
    %add3A_886 = arith.addi %get3A_883, %add3A_885 : vector<16xi32>
    %gather3A_887 = tpu.vector_load_idx %arg5[%add3A_886] : memref<3072xf32, #tpu.memory_space<vmem>>[vector<16xi32>], vector<16xf32>,
    %swap3A_888 = arith.constant 1680 : index
    %swap3A_889 = tpu.vector_load %arg7[%swap3A_888] {strides = array<i32>} : memref<4608xf32, #tpu.memory_space<vmem>>, vector<16xf32>,
    tpu.vector_store %arg7[%swap3A_888], %gather3A_887 {strides = array<i32>} : memref<4608xf32, #tpu.memory_space<vmem>>, vector<16xf32>,
    %get3A_890 = arith.constant 160 : index
    %get3A_891 = tpu.vector_load %arg6[%get3A_890] {strides = array<i32>} : memref<1536xi32, #tpu.memory_space<vmem>>, vector<16xi32>,
    %add3A_892 = arith.constant 1024 : i32
    %add3A_893 = vector.broadcast %add3A_892 : i32 to vector<16xi32>
    %add3A_894 = arith.addi %get3A_891, %add3A_893 : vector<16xi32>
    %gather3A_895 = tpu.vector_load_idx %arg5[%add3A_894] : memref<3072xf32, #tpu.memory_space<vmem>>[vector<16xi32>], vector<16xf32>,
    %swap3A_896 = arith.constant 1696 : index
    %swap3A_897 = tpu.vector_load %arg7[%swap3A_896] {strides = array<i32>} : memref<4608xf32, #tpu.memory_space<vmem>>, vector<16xf32>,
    tpu.vector_store %arg7[%swap3A_896], %gather3A_895 {strides = array<i32>} : memref<4608xf32, #tpu.memory_space<vmem>>, vector<16xf32>,
    %get3A_898 = arith.constant 176 : index
    %get3A_899 = tpu.vector_load %arg6[%get3A_898] {strides = array<i32>} : memref<1536xi32, #tpu.memory_space<vmem>>, vector<16xi32>,
    %add3A_900 = arith.constant 1024 : i32
    %add3A_901 = vector.broadcast %add3A_900 : i32 to vector<16xi32>
    %add3A_902 = arith.addi %get3A_899, %add3A_901 : vector<16xi32>
    %gather3A_903 = tpu.vector_load_idx %arg5[%add3A_902] : memref<3072xf32, #tpu.memory_space<vmem>>[vector<16xi32>], vector<16xf32>,
    %swap3A_904 = arith.constant 1712 : index
    %swap3A_905 = tpu.vector_load %arg7[%swap3A_904] {strides = array<i32>} : memref<4608xf32, #tpu.memory_space<vmem>>, vector<16xf32>,
    tpu.vector_store %arg7[%swap3A_904], %gather3A_903 {strides = array<i32>} : memref<4608xf32, #tpu.memory_space<vmem>>, vector<16xf32>,
    %get3A_906 = arith.constant 192 : index
    %get3A_907 = tpu.vector_load %arg6[%get3A_906] {strides = array<i32>} : memref<1536xi32, #tpu.memory_space<vmem>>, vector<16xi32>,
    %add3A_908 = arith.constant 1024 : i32
    %add3A_909 = vector.broadcast %add3A_908 : i32 to vector<16xi32>
    %add3A_910 = arith.addi %get3A_907, %add3A_909 : vector<16xi32>
    %gather3A_911 = tpu.vector_load_idx %arg5[%add3A_910] : memref<3072xf32, #tpu.memory_space<vmem>>[vector<16xi32>], vector<16xf32>,
    %swap3A_912 = arith.constant 1728 : index
    %swap3A_913 = tpu.vector_load %arg7[%swap3A_912] {strides = array<i32>} : memref<4608xf32, #tpu.memory_space<vmem>>, vector<16xf32>,
    tpu.vector_store %arg7[%swap3A_912], %gather3A_911 {strides = array<i32>} : memref<4608xf32, #tpu.memory_space<vmem>>, vector<16xf32>,
    %get3A_914 = arith.constant 208 : index
    %get3A_915 = tpu.vector_load %arg6[%get3A_914] {strides = array<i32>} : memref<1536xi32, #tpu.memory_space<vmem>>, vector<16xi32>,
    %add3A_916 = arith.constant 1024 : i32
    %add3A_917 = vector.broadcast %add3A_916 : i32 to vector<16xi32>
    %add3A_918 = arith.addi %get3A_915, %add3A_917 : vector<16xi32>
    %gather3A_919 = tpu.vector_load_idx %arg5[%add3A_918] : memref<3072xf32, #tpu.memory_space<vmem>>[vector<16xi32>], vector<16xf32>,
    %swap3A_920 = arith.constant 1744 : index
    %swap3A_921 = tpu.vector_load %arg7[%swap3A_920] {strides = array<i32>} : memref<4608xf32, #tpu.memory_space<vmem>>, vector<16xf32>,
    tpu.vector_store %arg7[%swap3A_920], %gather3A_919 {strides = array<i32>} : memref<4608xf32, #tpu.memory_space<vmem>>, vector<16xf32>,
    %get3A_922 = arith.constant 224 : index
    %get3A_923 = tpu.vector_load %arg6[%get3A_922] {strides = array<i32>} : memref<1536xi32, #tpu.memory_space<vmem>>, vector<16xi32>,
    %add3A_924 = arith.constant 1024 : i32
    %add3A_925 = vector.broadcast %add3A_924 : i32 to vector<16xi32>
    %add3A_926 = arith.addi %get3A_923, %add3A_925 : vector<16xi32>
    %gather3A_927 = tpu.vector_load_idx %arg5[%add3A_926] : memref<3072xf32, #tpu.memory_space<vmem>>[vector<16xi32>], vector<16xf32>,
    %swap3A_928 = arith.constant 1760 : index
    %swap3A_929 = tpu.vector_load %arg7[%swap3A_928] {strides = array<i32>} : memref<4608xf32, #tpu.memory_space<vmem>>, vector<16xf32>,
    tpu.vector_store %arg7[%swap3A_928], %gather3A_927 {strides = array<i32>} : memref<4608xf32, #tpu.memory_space<vmem>>, vector<16xf32>,
    %get3A_930 = arith.constant 240 : index
    %get3A_931 = tpu.vector_load %arg6[%get3A_930] {strides = array<i32>} : memref<1536xi32, #tpu.memory_space<vmem>>, vector<16xi32>,
    %add3A_932 = arith.constant 1024 : i32
    %add3A_933 = vector.broadcast %add3A_932 : i32 to vector<16xi32>
    %add3A_934 = arith.addi %get3A_931, %add3A_933 : vector<16xi32>
    %gather3A_935 = tpu.vector_load_idx %arg5[%add3A_934] : memref<3072xf32, #tpu.memory_space<vmem>>[vector<16xi32>], vector<16xf32>,
    %swap3A_936 = arith.constant 1776 : index
    %swap3A_937 = tpu.vector_load %arg7[%swap3A_936] {strides = array<i32>} : memref<4608xf32, #tpu.memory_space<vmem>>, vector<16xf32>,
    tpu.vector_store %arg7[%swap3A_936], %gather3A_935 {strides = array<i32>} : memref<4608xf32, #tpu.memory_space<vmem>>, vector<16xf32>,
    %get3A_938 = arith.constant 256 : index
    %get3A_939 = tpu.vector_load %arg6[%get3A_938] {strides = array<i32>} : memref<1536xi32, #tpu.memory_space<vmem>>, vector<16xi32>,
    %add3A_940 = arith.constant 1024 : i32
    %add3A_941 = vector.broadcast %add3A_940 : i32 to vector<16xi32>
    %add3A_942 = arith.addi %get3A_939, %add3A_941 : vector<16xi32>
    %gather3A_943 = tpu.vector_load_idx %arg5[%add3A_942] : memref<3072xf32, #tpu.memory_space<vmem>>[vector<16xi32>], vector<16xf32>,
    %swap3A_944 = arith.constant 1792 : index
    %swap3A_945 = tpu.vector_load %arg7[%swap3A_944] {strides = array<i32>} : memref<4608xf32, #tpu.memory_space<vmem>>, vector<16xf32>,
    tpu.vector_store %arg7[%swap3A_944], %gather3A_943 {strides = array<i32>} : memref<4608xf32, #tpu.memory_space<vmem>>, vector<16xf32>,
    %get3A_946 = arith.constant 272 : index
    %get3A_947 = tpu.vector_load %arg6[%get3A_946] {strides = array<i32>} : memref<1536xi32, #tpu.memory_space<vmem>>, vector<16xi32>,
    %add3A_948 = arith.constant 1024 : i32
    %add3A_949 = vector.broadcast %add3A_948 : i32 to vector<16xi32>
    %add3A_950 = arith.addi %get3A_947, %add3A_949 : vector<16xi32>
    %gather3A_951 = tpu.vector_load_idx %arg5[%add3A_950] : memref<3072xf32, #tpu.memory_space<vmem>>[vector<16xi32>], vector<16xf32>,
    %swap3A_952 = arith.constant 1808 : index
    %swap3A_953 = tpu.vector_load %arg7[%swap3A_952] {strides = array<i32>} : memref<4608xf32, #tpu.memory_space<vmem>>, vector<16xf32>,
    tpu.vector_store %arg7[%swap3A_952], %gather3A_951 {strides = array<i32>} : memref<4608xf32, #tpu.memory_space<vmem>>, vector<16xf32>,
    %get3A_954 = arith.constant 288 : index
    %get3A_955 = tpu.vector_load %arg6[%get3A_954] {strides = array<i32>} : memref<1536xi32, #tpu.memory_space<vmem>>, vector<16xi32>,
    %add3A_956 = arith.constant 1024 : i32
    %add3A_957 = vector.broadcast %add3A_956 : i32 to vector<16xi32>
    %add3A_958 = arith.addi %get3A_955, %add3A_957 : vector<16xi32>
    %gather3A_959 = tpu.vector_load_idx %arg5[%add3A_958] : memref<3072xf32, #tpu.memory_space<vmem>>[vector<16xi32>], vector<16xf32>,
    %swap3A_960 = arith.constant 1824 : index
    %swap3A_961 = tpu.vector_load %arg7[%swap3A_960] {strides = array<i32>} : memref<4608xf32, #tpu.memory_space<vmem>>, vector<16xf32>,
    tpu.vector_store %arg7[%swap3A_960], %gather3A_959 {strides = array<i32>} : memref<4608xf32, #tpu.memory_space<vmem>>, vector<16xf32>,
    %get3A_962 = arith.constant 304 : index
    %get3A_963 = tpu.vector_load %arg6[%get3A_962] {strides = array<i32>} : memref<1536xi32, #tpu.memory_space<vmem>>, vector<16xi32>,
    %add3A_964 = arith.constant 1024 : i32
    %add3A_965 = vector.broadcast %add3A_964 : i32 to vector<16xi32>
    %add3A_966 = arith.addi %get3A_963, %add3A_965 : vector<16xi32>
    %gather3A_967 = tpu.vector_load_idx %arg5[%add3A_966] : memref<3072xf32, #tpu.memory_space<vmem>>[vector<16xi32>], vector<16xf32>,
    %swap3A_968 = arith.constant 1840 : index
    %swap3A_969 = tpu.vector_load %arg7[%swap3A_968] {strides = array<i32>} : memref<4608xf32, #tpu.memory_space<vmem>>, vector<16xf32>,
    tpu.vector_store %arg7[%swap3A_968], %gather3A_967 {strides = array<i32>} : memref<4608xf32, #tpu.memory_space<vmem>>, vector<16xf32>,
    %get3A_970 = arith.constant 320 : index
    %get3A_971 = tpu.vector_load %arg6[%get3A_970] {strides = array<i32>} : memref<1536xi32, #tpu.memory_space<vmem>>, vector<16xi32>,
    %add3A_972 = arith.constant 1024 : i32
    %add3A_973 = vector.broadcast %add3A_972 : i32 to vector<16xi32>
    %add3A_974 = arith.addi %get3A_971, %add3A_973 : vector<16xi32>
    %gather3A_975 = tpu.vector_load_idx %arg5[%add3A_974] : memref<3072xf32, #tpu.memory_space<vmem>>[vector<16xi32>], vector<16xf32>,
    %swap3A_976 = arith.constant 1856 : index
    %swap3A_977 = tpu.vector_load %arg7[%swap3A_976] {strides = array<i32>} : memref<4608xf32, #tpu.memory_space<vmem>>, vector<16xf32>,
    tpu.vector_store %arg7[%swap3A_976], %gather3A_975 {strides = array<i32>} : memref<4608xf32, #tpu.memory_space<vmem>>, vector<16xf32>,
    %get3A_978 = arith.constant 336 : index
    %get3A_979 = tpu.vector_load %arg6[%get3A_978] {strides = array<i32>} : memref<1536xi32, #tpu.memory_space<vmem>>, vector<16xi32>,
    %add3A_980 = arith.constant 1024 : i32
    %add3A_981 = vector.broadcast %add3A_980 : i32 to vector<16xi32>
    %add3A_982 = arith.addi %get3A_979, %add3A_981 : vector<16xi32>
    %gather3A_983 = tpu.vector_load_idx %arg5[%add3A_982] : memref<3072xf32, #tpu.memory_space<vmem>>[vector<16xi32>], vector<16xf32>,
    %swap3A_984 = arith.constant 1872 : index
    %swap3A_985 = tpu.vector_load %arg7[%swap3A_984] {strides = array<i32>} : memref<4608xf32, #tpu.memory_space<vmem>>, vector<16xf32>,
    tpu.vector_store %arg7[%swap3A_984], %gather3A_983 {strides = array<i32>} : memref<4608xf32, #tpu.memory_space<vmem>>, vector<16xf32>,
    %get3A_986 = arith.constant 352 : index
    %get3A_987 = tpu.vector_load %arg6[%get3A_986] {strides = array<i32>} : memref<1536xi32, #tpu.memory_space<vmem>>, vector<16xi32>,
    %add3A_988 = arith.constant 1024 : i32
    %add3A_989 = vector.broadcast %add3A_988 : i32 to vector<16xi32>
    %add3A_990 = arith.addi %get3A_987, %add3A_989 : vector<16xi32>
    %gather3A_991 = tpu.vector_load_idx %arg5[%add3A_990] : memref<3072xf32, #tpu.memory_space<vmem>>[vector<16xi32>], vector<16xf32>,
    %swap3A_992 = arith.constant 1888 : index
    %swap3A_993 = tpu.vector_load %arg7[%swap3A_992] {strides = array<i32>} : memref<4608xf32, #tpu.memory_space<vmem>>, vector<16xf32>,
    tpu.vector_store %arg7[%swap3A_992], %gather3A_991 {strides = array<i32>} : memref<4608xf32, #tpu.memory_space<vmem>>, vector<16xf32>,
    %get3A_994 = arith.constant 368 : index
    %get3A_995 = tpu.vector_load %arg6[%get3A_994] {strides = array<i32>} : memref<1536xi32, #tpu.memory_space<vmem>>, vector<16xi32>,
    %add3A_996 = arith.constant 1024 : i32
    %add3A_997 = vector.broadcast %add3A_996 : i32 to vector<16xi32>
    %add3A_998 = arith.addi %get3A_995, %add3A_997 : vector<16xi32>
    %gather3A_999 = tpu.vector_load_idx %arg5[%add3A_998] : memref<3072xf32, #tpu.memory_space<vmem>>[vector<16xi32>], vector<16xf32>,
    %swap3A_1000 = arith.constant 1904 : index
    %swap3A_1001 = tpu.vector_load %arg7[%swap3A_1000] {strides = array<i32>} : memref<4608xf32, #tpu.memory_space<vmem>>, vector<16xf32>,
    tpu.vector_store %arg7[%swap3A_1000], %gather3A_999 {strides = array<i32>} : memref<4608xf32, #tpu.memory_space<vmem>>, vector<16xf32>,
    %get3A_1002 = arith.constant 384 : index
    %get3A_1003 = tpu.vector_load %arg6[%get3A_1002] {strides = array<i32>} : memref<1536xi32, #tpu.memory_space<vmem>>, vector<16xi32>,
    %add3A_1004 = arith.constant 1024 : i32
    %add3A_1005 = vector.broadcast %add3A_1004 : i32 to vector<16xi32>
    %add3A_1006 = arith.addi %get3A_1003, %add3A_1005 : vector<16xi32>
    %gather3A_1007 = tpu.vector_load_idx %arg5[%add3A_1006] : memref<3072xf32, #tpu.memory_space<vmem>>[vector<16xi32>], vector<16xf32>,
    %swap3A_1008 = arith.constant 1920 : index
    %swap3A_1009 = tpu.vector_load %arg7[%swap3A_1008] {strides = array<i32>} : memref<4608xf32, #tpu.memory_space<vmem>>, vector<16xf32>,
    tpu.vector_store %arg7[%swap3A_1008], %gather3A_1007 {strides = array<i32>} : memref<4608xf32, #tpu.memory_space<vmem>>, vector<16xf32>,
    %get3A_1010 = arith.constant 400 : index
    %get3A_1011 = tpu.vector_load %arg6[%get3A_1010] {strides = array<i32>} : memref<1536xi32, #tpu.memory_space<vmem>>, vector<16xi32>,
    %add3A_1012 = arith.constant 1024 : i32
    %add3A_1013 = vector.broadcast %add3A_1012 : i32 to vector<16xi32>
    %add3A_1014 = arith.addi %get3A_1011, %add3A_1013 : vector<16xi32>
    %gather3A_1015 = tpu.vector_load_idx %arg5[%add3A_1014] : memref<3072xf32, #tpu.memory_space<vmem>>[vector<16xi32>], vector<16xf32>,
    %swap3A_1016 = arith.constant 1936 : index
    %swap3A_1017 = tpu.vector_load %arg7[%swap3A_1016] {strides = array<i32>} : memref<4608xf32, #tpu.memory_space<vmem>>, vector<16xf32>,
    tpu.vector_store %arg7[%swap3A_1016], %gather3A_1015 {strides = array<i32>} : memref<4608xf32, #tpu.memory_space<vmem>>, vector<16xf32>,
    %get3A_1018 = arith.constant 416 : index
    %get3A_1019 = tpu.vector_load %arg6[%get3A_1018] {strides = array<i32>} : memref<1536xi32, #tpu.memory_space<vmem>>, vector<16xi32>,
    %add3A_1020 = arith.constant 1024 : i32
    %add3A_1021 = vector.broadcast %add3A_1020 : i32 to vector<16xi32>
    %add3A_1022 = arith.addi %get3A_1019, %add3A_1021 : vector<16xi32>
    %gather3A_1023 = tpu.vector_load_idx %arg5[%add3A_1022] : memref<3072xf32, #tpu.memory_space<vmem>>[vector<16xi32>], vector<16xf32>,
    %swap3A_1024 = arith.constant 1952 : index
    %swap3A_1025 = tpu.vector_load %arg7[%swap3A_1024] {strides = array<i32>} : memref<4608xf32, #tpu.memory_space<vmem>>, vector<16xf32>,
    tpu.vector_store %arg7[%swap3A_1024], %gather3A_1023 {strides = array<i32>} : memref<4608xf32, #tpu.memory_space<vmem>>, vector<16xf32>,
    %get3A_1026 = arith.constant 432 : index
    %get3A_1027 = tpu.vector_load %arg6[%get3A_1026] {strides = array<i32>} : memref<1536xi32, #tpu.memory_space<vmem>>, vector<16xi32>,
    %add3A_1028 = arith.constant 1024 : i32
    %add3A_1029 = vector.broadcast %add3A_1028 : i32 to vector<16xi32>
    %add3A_1030 = arith.addi %get3A_1027, %add3A_1029 : vector<16xi32>
    %gather3A_1031 = tpu.vector_load_idx %arg5[%add3A_1030] : memref<3072xf32, #tpu.memory_space<vmem>>[vector<16xi32>], vector<16xf32>,
    %swap3A_1032 = arith.constant 1968 : index
    %swap3A_1033 = tpu.vector_load %arg7[%swap3A_1032] {strides = array<i32>} : memref<4608xf32, #tpu.memory_space<vmem>>, vector<16xf32>,
    tpu.vector_store %arg7[%swap3A_1032], %gather3A_1031 {strides = array<i32>} : memref<4608xf32, #tpu.memory_space<vmem>>, vector<16xf32>,
    %get3A_1034 = arith.constant 448 : index
    %get3A_1035 = tpu.vector_load %arg6[%get3A_1034] {strides = array<i32>} : memref<1536xi32, #tpu.memory_space<vmem>>, vector<16xi32>,
    %add3A_1036 = arith.constant 1024 : i32
    %add3A_1037 = vector.broadcast %add3A_1036 : i32 to vector<16xi32>
    %add3A_1038 = arith.addi %get3A_1035, %add3A_1037 : vector<16xi32>
    %gather3A_1039 = tpu.vector_load_idx %arg5[%add3A_1038] : memref<3072xf32, #tpu.memory_space<vmem>>[vector<16xi32>], vector<16xf32>,
    %swap3A_1040 = arith.constant 1984 : index
    %swap3A_1041 = tpu.vector_load %arg7[%swap3A_1040] {strides = array<i32>} : memref<4608xf32, #tpu.memory_space<vmem>>, vector<16xf32>,
    tpu.vector_store %arg7[%swap3A_1040], %gather3A_1039 {strides = array<i32>} : memref<4608xf32, #tpu.memory_space<vmem>>, vector<16xf32>,
    %get3A_1042 = arith.constant 464 : index
    %get3A_1043 = tpu.vector_load %arg6[%get3A_1042] {strides = array<i32>} : memref<1536xi32, #tpu.memory_space<vmem>>, vector<16xi32>,
    %add3A_1044 = arith.constant 1024 : i32
    %add3A_1045 = vector.broadcast %add3A_1044 : i32 to vector<16xi32>
    %add3A_1046 = arith.addi %get3A_1043, %add3A_1045 : vector<16xi32>
    %gather3A_1047 = tpu.vector_load_idx %arg5[%add3A_1046] : memref<3072xf32, #tpu.memory_space<vmem>>[vector<16xi32>], vector<16xf32>,
    %swap3A_1048 = arith.constant 2000 : index
    %swap3A_1049 = tpu.vector_load %arg7[%swap3A_1048] {strides = array<i32>} : memref<4608xf32, #tpu.memory_space<vmem>>, vector<16xf32>,
    tpu.vector_store %arg7[%swap3A_1048], %gather3A_1047 {strides = array<i32>} : memref<4608xf32, #tpu.memory_space<vmem>>, vector<16xf32>,
    %get3A_1050 = arith.constant 480 : index
    %get3A_1051 = tpu.vector_load %arg6[%get3A_1050] {strides = array<i32>} : memref<1536xi32, #tpu.memory_space<vmem>>, vector<16xi32>,
    %add3A_1052 = arith.constant 1024 : i32
    %add3A_1053 = vector.broadcast %add3A_1052 : i32 to vector<16xi32>
    %add3A_1054 = arith.addi %get3A_1051, %add3A_1053 : vector<16xi32>
    %gather3A_1055 = tpu.vector_load_idx %arg5[%add3A_1054] : memref<3072xf32, #tpu.memory_space<vmem>>[vector<16xi32>], vector<16xf32>,
    %swap3A_1056 = arith.constant 2016 : index
    %swap3A_1057 = tpu.vector_load %arg7[%swap3A_1056] {strides = array<i32>} : memref<4608xf32, #tpu.memory_space<vmem>>, vector<16xf32>,
    tpu.vector_store %arg7[%swap3A_1056], %gather3A_1055 {strides = array<i32>} : memref<4608xf32, #tpu.memory_space<vmem>>, vector<16xf32>,
    %get3A_1058 = arith.constant 496 : index
    %get3A_1059 = tpu.vector_load %arg6[%get3A_1058] {strides = array<i32>} : memref<1536xi32, #tpu.memory_space<vmem>>, vector<16xi32>,
    %add3A_1060 = arith.constant 1024 : i32
    %add3A_1061 = vector.broadcast %add3A_1060 : i32 to vector<16xi32>
    %add3A_1062 = arith.addi %get3A_1059, %add3A_1061 : vector<16xi32>
    %gather3A_1063 = tpu.vector_load_idx %arg5[%add3A_1062] : memref<3072xf32, #tpu.memory_space<vmem>>[vector<16xi32>], vector<16xf32>,
    %swap3A_1064 = arith.constant 2032 : index
    %swap3A_1065 = tpu.vector_load %arg7[%swap3A_1064] {strides = array<i32>} : memref<4608xf32, #tpu.memory_space<vmem>>, vector<16xf32>,
    tpu.vector_store %arg7[%swap3A_1064], %gather3A_1063 {strides = array<i32>} : memref<4608xf32, #tpu.memory_space<vmem>>, vector<16xf32>,
    %get3A_1066 = arith.constant 512 : index
    %get3A_1067 = tpu.vector_load %arg6[%get3A_1066] {strides = array<i32>} : memref<1536xi32, #tpu.memory_space<vmem>>, vector<16xi32>,
    %add3A_1068 = arith.constant 1024 : i32
    %add3A_1069 = vector.broadcast %add3A_1068 : i32 to vector<16xi32>
    %add3A_1070 = arith.addi %get3A_1067, %add3A_1069 : vector<16xi32>
    %gather3A_1071 = tpu.vector_load_idx %arg5[%add3A_1070] : memref<3072xf32, #tpu.memory_space<vmem>>[vector<16xi32>], vector<16xf32>,
    %swap3A_1072 = arith.constant 2048 : index
    %swap3A_1073 = tpu.vector_load %arg7[%swap3A_1072] {strides = array<i32>} : memref<4608xf32, #tpu.memory_space<vmem>>, vector<16xf32>,
    tpu.vector_store %arg7[%swap3A_1072], %gather3A_1071 {strides = array<i32>} : memref<4608xf32, #tpu.memory_space<vmem>>, vector<16xf32>,
    %get3A_1074 = arith.constant 528 : index
    %get3A_1075 = tpu.vector_load %arg6[%get3A_1074] {strides = array<i32>} : memref<1536xi32, #tpu.memory_space<vmem>>, vector<16xi32>,
    %add3A_1076 = arith.constant 1024 : i32
    %add3A_1077 = vector.broadcast %add3A_1076 : i32 to vector<16xi32>
    %add3A_1078 = arith.addi %get3A_1075, %add3A_1077 : vector<16xi32>
    %gather3A_1079 = tpu.vector_load_idx %arg5[%add3A_1078] : memref<3072xf32, #tpu.memory_space<vmem>>[vector<16xi32>], vector<16xf32>,
    %swap3A_1080 = arith.constant 2064 : index
    %swap3A_1081 = tpu.vector_load %arg7[%swap3A_1080] {strides = array<i32>} : memref<4608xf32, #tpu.memory_space<vmem>>, vector<16xf32>,
    tpu.vector_store %arg7[%swap3A_1080], %gather3A_1079 {strides = array<i32>} : memref<4608xf32, #tpu.memory_space<vmem>>, vector<16xf32>,
    %get3A_1082 = arith.constant 544 : index
    %get3A_1083 = tpu.vector_load %arg6[%get3A_1082] {strides = array<i32>} : memref<1536xi32, #tpu.memory_space<vmem>>, vector<16xi32>,
    %add3A_1084 = arith.constant 1024 : i32
    %add3A_1085 = vector.broadcast %add3A_1084 : i32 to vector<16xi32>
    %add3A_1086 = arith.addi %get3A_1083, %add3A_1085 : vector<16xi32>
    %gather3A_1087 = tpu.vector_load_idx %arg5[%add3A_1086] : memref<3072xf32, #tpu.memory_space<vmem>>[vector<16xi32>], vector<16xf32>,
    %swap3A_1088 = arith.constant 2080 : index
    %swap3A_1089 = tpu.vector_load %arg7[%swap3A_1088] {strides = array<i32>} : memref<4608xf32, #tpu.memory_space<vmem>>, vector<16xf32>,
    tpu.vector_store %arg7[%swap3A_1088], %gather3A_1087 {strides = array<i32>} : memref<4608xf32, #tpu.memory_space<vmem>>, vector<16xf32>,
    %get3A_1090 = arith.constant 560 : index
    %get3A_1091 = tpu.vector_load %arg6[%get3A_1090] {strides = array<i32>} : memref<1536xi32, #tpu.memory_space<vmem>>, vector<16xi32>,
    %add3A_1092 = arith.constant 1024 : i32
    %add3A_1093 = vector.broadcast %add3A_1092 : i32 to vector<16xi32>
    %add3A_1094 = arith.addi %get3A_1091, %add3A_1093 : vector<16xi32>
    %gather3A_1095 = tpu.vector_load_idx %arg5[%add3A_1094] : memref<3072xf32, #tpu.memory_space<vmem>>[vector<16xi32>], vector<16xf32>,
    %swap3A_1096 = arith.constant 2096 : index
    %swap3A_1097 = tpu.vector_load %arg7[%swap3A_1096] {strides = array<i32>} : memref<4608xf32, #tpu.memory_space<vmem>>, vector<16xf32>,
    tpu.vector_store %arg7[%swap3A_1096], %gather3A_1095 {strides = array<i32>} : memref<4608xf32, #tpu.memory_space<vmem>>, vector<16xf32>,
    %get3A_1098 = arith.constant 576 : index
    %get3A_1099 = tpu.vector_load %arg6[%get3A_1098] {strides = array<i32>} : memref<1536xi32, #tpu.memory_space<vmem>>, vector<16xi32>,
    %add3A_1100 = arith.constant 1024 : i32
    %add3A_1101 = vector.broadcast %add3A_1100 : i32 to vector<16xi32>
    %add3A_1102 = arith.addi %get3A_1099, %add3A_1101 : vector<16xi32>
    %gather3A_1103 = tpu.vector_load_idx %arg5[%add3A_1102] : memref<3072xf32, #tpu.memory_space<vmem>>[vector<16xi32>], vector<16xf32>,
    %swap3A_1104 = arith.constant 2112 : index
    %swap3A_1105 = tpu.vector_load %arg7[%swap3A_1104] {strides = array<i32>} : memref<4608xf32, #tpu.memory_space<vmem>>, vector<16xf32>,
    tpu.vector_store %arg7[%swap3A_1104], %gather3A_1103 {strides = array<i32>} : memref<4608xf32, #tpu.memory_space<vmem>>, vector<16xf32>,
    %get3A_1106 = arith.constant 592 : index
    %get3A_1107 = tpu.vector_load %arg6[%get3A_1106] {strides = array<i32>} : memref<1536xi32, #tpu.memory_space<vmem>>, vector<16xi32>,
    %add3A_1108 = arith.constant 1024 : i32
    %add3A_1109 = vector.broadcast %add3A_1108 : i32 to vector<16xi32>
    %add3A_1110 = arith.addi %get3A_1107, %add3A_1109 : vector<16xi32>
    %gather3A_1111 = tpu.vector_load_idx %arg5[%add3A_1110] : memref<3072xf32, #tpu.memory_space<vmem>>[vector<16xi32>], vector<16xf32>,
    %swap3A_1112 = arith.constant 2128 : index
    %swap3A_1113 = tpu.vector_load %arg7[%swap3A_1112] {strides = array<i32>} : memref<4608xf32, #tpu.memory_space<vmem>>, vector<16xf32>,
    tpu.vector_store %arg7[%swap3A_1112], %gather3A_1111 {strides = array<i32>} : memref<4608xf32, #tpu.memory_space<vmem>>, vector<16xf32>,
    %get3A_1114 = arith.constant 608 : index
    %get3A_1115 = tpu.vector_load %arg6[%get3A_1114] {strides = array<i32>} : memref<1536xi32, #tpu.memory_space<vmem>>, vector<16xi32>,
    %add3A_1116 = arith.constant 1024 : i32
    %add3A_1117 = vector.broadcast %add3A_1116 : i32 to vector<16xi32>
    %add3A_1118 = arith.addi %get3A_1115, %add3A_1117 : vector<16xi32>
    %gather3A_1119 = tpu.vector_load_idx %arg5[%add3A_1118] : memref<3072xf32, #tpu.memory_space<vmem>>[vector<16xi32>], vector<16xf32>,
    %swap3A_1120 = arith.constant 2144 : index
    %swap3A_1121 = tpu.vector_load %arg7[%swap3A_1120] {strides = array<i32>} : memref<4608xf32, #tpu.memory_space<vmem>>, vector<16xf32>,
    tpu.vector_store %arg7[%swap3A_1120], %gather3A_1119 {strides = array<i32>} : memref<4608xf32, #tpu.memory_space<vmem>>, vector<16xf32>,
    %get3A_1122 = arith.constant 624 : index
    %get3A_1123 = tpu.vector_load %arg6[%get3A_1122] {strides = array<i32>} : memref<1536xi32, #tpu.memory_space<vmem>>, vector<16xi32>,
    %add3A_1124 = arith.constant 1024 : i32
    %add3A_1125 = vector.broadcast %add3A_1124 : i32 to vector<16xi32>
    %add3A_1126 = arith.addi %get3A_1123, %add3A_1125 : vector<16xi32>
    %gather3A_1127 = tpu.vector_load_idx %arg5[%add3A_1126] : memref<3072xf32, #tpu.memory_space<vmem>>[vector<16xi32>], vector<16xf32>,
    %swap3A_1128 = arith.constant 2160 : index
    %swap3A_1129 = tpu.vector_load %arg7[%swap3A_1128] {strides = array<i32>} : memref<4608xf32, #tpu.memory_space<vmem>>, vector<16xf32>,
    tpu.vector_store %arg7[%swap3A_1128], %gather3A_1127 {strides = array<i32>} : memref<4608xf32, #tpu.memory_space<vmem>>, vector<16xf32>,
    %get3A_1130 = arith.constant 640 : index
    %get3A_1131 = tpu.vector_load %arg6[%get3A_1130] {strides = array<i32>} : memref<1536xi32, #tpu.memory_space<vmem>>, vector<16xi32>,
    %add3A_1132 = arith.constant 1024 : i32
    %add3A_1133 = vector.broadcast %add3A_1132 : i32 to vector<16xi32>
    %add3A_1134 = arith.addi %get3A_1131, %add3A_1133 : vector<16xi32>
    %gather3A_1135 = tpu.vector_load_idx %arg5[%add3A_1134] : memref<3072xf32, #tpu.memory_space<vmem>>[vector<16xi32>], vector<16xf32>,
    %swap3A_1136 = arith.constant 2176 : index
    %swap3A_1137 = tpu.vector_load %arg7[%swap3A_1136] {strides = array<i32>} : memref<4608xf32, #tpu.memory_space<vmem>>, vector<16xf32>,
    tpu.vector_store %arg7[%swap3A_1136], %gather3A_1135 {strides = array<i32>} : memref<4608xf32, #tpu.memory_space<vmem>>, vector<16xf32>,
    %get3A_1138 = arith.constant 656 : index
    %get3A_1139 = tpu.vector_load %arg6[%get3A_1138] {strides = array<i32>} : memref<1536xi32, #tpu.memory_space<vmem>>, vector<16xi32>,
    %add3A_1140 = arith.constant 1024 : i32
    %add3A_1141 = vector.broadcast %add3A_1140 : i32 to vector<16xi32>
    %add3A_1142 = arith.addi %get3A_1139, %add3A_1141 : vector<16xi32>
    %gather3A_1143 = tpu.vector_load_idx %arg5[%add3A_1142] : memref<3072xf32, #tpu.memory_space<vmem>>[vector<16xi32>], vector<16xf32>,
    %swap3A_1144 = arith.constant 2192 : index
    %swap3A_1145 = tpu.vector_load %arg7[%swap3A_1144] {strides = array<i32>} : memref<4608xf32, #tpu.memory_space<vmem>>, vector<16xf32>,
    tpu.vector_store %arg7[%swap3A_1144], %gather3A_1143 {strides = array<i32>} : memref<4608xf32, #tpu.memory_space<vmem>>, vector<16xf32>,
    %get3A_1146 = arith.constant 672 : index
    %get3A_1147 = tpu.vector_load %arg6[%get3A_1146] {strides = array<i32>} : memref<1536xi32, #tpu.memory_space<vmem>>, vector<16xi32>,
    %add3A_1148 = arith.constant 1024 : i32
    %add3A_1149 = vector.broadcast %add3A_1148 : i32 to vector<16xi32>
    %add3A_1150 = arith.addi %get3A_1147, %add3A_1149 : vector<16xi32>
    %gather3A_1151 = tpu.vector_load_idx %arg5[%add3A_1150] : memref<3072xf32, #tpu.memory_space<vmem>>[vector<16xi32>], vector<16xf32>,
    %swap3A_1152 = arith.constant 2208 : index
    %swap3A_1153 = tpu.vector_load %arg7[%swap3A_1152] {strides = array<i32>} : memref<4608xf32, #tpu.memory_space<vmem>>, vector<16xf32>,
    tpu.vector_store %arg7[%swap3A_1152], %gather3A_1151 {strides = array<i32>} : memref<4608xf32, #tpu.memory_space<vmem>>, vector<16xf32>,
    %get3A_1154 = arith.constant 688 : index
    %get3A_1155 = tpu.vector_load %arg6[%get3A_1154] {strides = array<i32>} : memref<1536xi32, #tpu.memory_space<vmem>>, vector<16xi32>,
    %add3A_1156 = arith.constant 1024 : i32
    %add3A_1157 = vector.broadcast %add3A_1156 : i32 to vector<16xi32>
    %add3A_1158 = arith.addi %get3A_1155, %add3A_1157 : vector<16xi32>
    %gather3A_1159 = tpu.vector_load_idx %arg5[%add3A_1158] : memref<3072xf32, #tpu.memory_space<vmem>>[vector<16xi32>], vector<16xf32>,
    %swap3A_1160 = arith.constant 2224 : index
    %swap3A_1161 = tpu.vector_load %arg7[%swap3A_1160] {strides = array<i32>} : memref<4608xf32, #tpu.memory_space<vmem>>, vector<16xf32>,
    tpu.vector_store %arg7[%swap3A_1160], %gather3A_1159 {strides = array<i32>} : memref<4608xf32, #tpu.memory_space<vmem>>, vector<16xf32>,
    %get3A_1162 = arith.constant 704 : index
    %get3A_1163 = tpu.vector_load %arg6[%get3A_1162] {strides = array<i32>} : memref<1536xi32, #tpu.memory_space<vmem>>, vector<16xi32>,
    %add3A_1164 = arith.constant 1024 : i32
    %add3A_1165 = vector.broadcast %add3A_1164 : i32 to vector<16xi32>
    %add3A_1166 = arith.addi %get3A_1163, %add3A_1165 : vector<16xi32>
    %gather3A_1167 = tpu.vector_load_idx %arg5[%add3A_1166] : memref<3072xf32, #tpu.memory_space<vmem>>[vector<16xi32>], vector<16xf32>,
    %swap3A_1168 = arith.constant 2240 : index
    %swap3A_1169 = tpu.vector_load %arg7[%swap3A_1168] {strides = array<i32>} : memref<4608xf32, #tpu.memory_space<vmem>>, vector<16xf32>,
    tpu.vector_store %arg7[%swap3A_1168], %gather3A_1167 {strides = array<i32>} : memref<4608xf32, #tpu.memory_space<vmem>>, vector<16xf32>,
    %get3A_1170 = arith.constant 720 : index
    %get3A_1171 = tpu.vector_load %arg6[%get3A_1170] {strides = array<i32>} : memref<1536xi32, #tpu.memory_space<vmem>>, vector<16xi32>,
    %add3A_1172 = arith.constant 1024 : i32
    %add3A_1173 = vector.broadcast %add3A_1172 : i32 to vector<16xi32>
    %add3A_1174 = arith.addi %get3A_1171, %add3A_1173 : vector<16xi32>
    %gather3A_1175 = tpu.vector_load_idx %arg5[%add3A_1174] : memref<3072xf32, #tpu.memory_space<vmem>>[vector<16xi32>], vector<16xf32>,
    %swap3A_1176 = arith.constant 2256 : index
    %swap3A_1177 = tpu.vector_load %arg7[%swap3A_1176] {strides = array<i32>} : memref<4608xf32, #tpu.memory_space<vmem>>, vector<16xf32>,
    tpu.vector_store %arg7[%swap3A_1176], %gather3A_1175 {strides = array<i32>} : memref<4608xf32, #tpu.memory_space<vmem>>, vector<16xf32>,
    %get3A_1178 = arith.constant 736 : index
    %get3A_1179 = tpu.vector_load %arg6[%get3A_1178] {strides = array<i32>} : memref<1536xi32, #tpu.memory_space<vmem>>, vector<16xi32>,
    %add3A_1180 = arith.constant 1024 : i32
    %add3A_1181 = vector.broadcast %add3A_1180 : i32 to vector<16xi32>
    %add3A_1182 = arith.addi %get3A_1179, %add3A_1181 : vector<16xi32>
    %gather3A_1183 = tpu.vector_load_idx %arg5[%add3A_1182] : memref<3072xf32, #tpu.memory_space<vmem>>[vector<16xi32>], vector<16xf32>,
    %swap3A_1184 = arith.constant 2272 : index
    %swap3A_1185 = tpu.vector_load %arg7[%swap3A_1184] {strides = array<i32>} : memref<4608xf32, #tpu.memory_space<vmem>>, vector<16xf32>,
    tpu.vector_store %arg7[%swap3A_1184], %gather3A_1183 {strides = array<i32>} : memref<4608xf32, #tpu.memory_space<vmem>>, vector<16xf32>,
    %get3A_1186 = arith.constant 752 : index
    %get3A_1187 = tpu.vector_load %arg6[%get3A_1186] {strides = array<i32>} : memref<1536xi32, #tpu.memory_space<vmem>>, vector<16xi32>,
    %add3A_1188 = arith.constant 1024 : i32
    %add3A_1189 = vector.broadcast %add3A_1188 : i32 to vector<16xi32>
    %add3A_1190 = arith.addi %get3A_1187, %add3A_1189 : vector<16xi32>
    %gather3A_1191 = tpu.vector_load_idx %arg5[%add3A_1190] : memref<3072xf32, #tpu.memory_space<vmem>>[vector<16xi32>], vector<16xf32>,
    %swap3A_1192 = arith.constant 2288 : index
    %swap3A_1193 = tpu.vector_load %arg7[%swap3A_1192] {strides = array<i32>} : memref<4608xf32, #tpu.memory_space<vmem>>, vector<16xf32>,
    tpu.vector_store %arg7[%swap3A_1192], %gather3A_1191 {strides = array<i32>} : memref<4608xf32, #tpu.memory_space<vmem>>, vector<16xf32>,
    %get3A_1194 = arith.constant 768 : index
    %get3A_1195 = tpu.vector_load %arg6[%get3A_1194] {strides = array<i32>} : memref<1536xi32, #tpu.memory_space<vmem>>, vector<16xi32>,
    %add3A_1196 = arith.constant 1024 : i32
    %add3A_1197 = vector.broadcast %add3A_1196 : i32 to vector<16xi32>
    %add3A_1198 = arith.addi %get3A_1195, %add3A_1197 : vector<16xi32>
    %gather3A_1199 = tpu.vector_load_idx %arg5[%add3A_1198] : memref<3072xf32, #tpu.memory_space<vmem>>[vector<16xi32>], vector<16xf32>,
    %swap3A_1200 = arith.constant 2304 : index
    %swap3A_1201 = tpu.vector_load %arg7[%swap3A_1200] {strides = array<i32>} : memref<4608xf32, #tpu.memory_space<vmem>>, vector<16xf32>,
    tpu.vector_store %arg7[%swap3A_1200], %gather3A_1199 {strides = array<i32>} : memref<4608xf32, #tpu.memory_space<vmem>>, vector<16xf32>,
    %get3A_1202 = arith.constant 784 : index
    %get3A_1203 = tpu.vector_load %arg6[%get3A_1202] {strides = array<i32>} : memref<1536xi32, #tpu.memory_space<vmem>>, vector<16xi32>,
    %add3A_1204 = arith.constant 1024 : i32
    %add3A_1205 = vector.broadcast %add3A_1204 : i32 to vector<16xi32>
    %add3A_1206 = arith.addi %get3A_1203, %add3A_1205 : vector<16xi32>
    %gather3A_1207 = tpu.vector_load_idx %arg5[%add3A_1206] : memref<3072xf32, #tpu.memory_space<vmem>>[vector<16xi32>], vector<16xf32>,
    %swap3A_1208 = arith.constant 2320 : index
    %swap3A_1209 = tpu.vector_load %arg7[%swap3A_1208] {strides = array<i32>} : memref<4608xf32, #tpu.memory_space<vmem>>, vector<16xf32>,
    tpu.vector_store %arg7[%swap3A_1208], %gather3A_1207 {strides = array<i32>} : memref<4608xf32, #tpu.memory_space<vmem>>, vector<16xf32>,
    %get3A_1210 = arith.constant 800 : index
    %get3A_1211 = tpu.vector_load %arg6[%get3A_1210] {strides = array<i32>} : memref<1536xi32, #tpu.memory_space<vmem>>, vector<16xi32>,
    %add3A_1212 = arith.constant 1024 : i32
    %add3A_1213 = vector.broadcast %add3A_1212 : i32 to vector<16xi32>
    %add3A_1214 = arith.addi %get3A_1211, %add3A_1213 : vector<16xi32>
    %gather3A_1215 = tpu.vector_load_idx %arg5[%add3A_1214] : memref<3072xf32, #tpu.memory_space<vmem>>[vector<16xi32>], vector<16xf32>,
    %swap3A_1216 = arith.constant 2336 : index
    %swap3A_1217 = tpu.vector_load %arg7[%swap3A_1216] {strides = array<i32>} : memref<4608xf32, #tpu.memory_space<vmem>>, vector<16xf32>,
    tpu.vector_store %arg7[%swap3A_1216], %gather3A_1215 {strides = array<i32>} : memref<4608xf32, #tpu.memory_space<vmem>>, vector<16xf32>,
    %get3A_1218 = arith.constant 816 : index
    %get3A_1219 = tpu.vector_load %arg6[%get3A_1218] {strides = array<i32>} : memref<1536xi32, #tpu.memory_space<vmem>>, vector<16xi32>,
    %add3A_1220 = arith.constant 1024 : i32
    %add3A_1221 = vector.broadcast %add3A_1220 : i32 to vector<16xi32>
    %add3A_1222 = arith.addi %get3A_1219, %add3A_1221 : vector<16xi32>
    %gather3A_1223 = tpu.vector_load_idx %arg5[%add3A_1222] : memref<3072xf32, #tpu.memory_space<vmem>>[vector<16xi32>], vector<16xf32>,
    %swap3A_1224 = arith.constant 2352 : index
    %swap3A_1225 = tpu.vector_load %arg7[%swap3A_1224] {strides = array<i32>} : memref<4608xf32, #tpu.memory_space<vmem>>, vector<16xf32>,
    tpu.vector_store %arg7[%swap3A_1224], %gather3A_1223 {strides = array<i32>} : memref<4608xf32, #tpu.memory_space<vmem>>, vector<16xf32>,
    %get3A_1226 = arith.constant 832 : index
    %get3A_1227 = tpu.vector_load %arg6[%get3A_1226] {strides = array<i32>} : memref<1536xi32, #tpu.memory_space<vmem>>, vector<16xi32>,
    %add3A_1228 = arith.constant 1024 : i32
    %add3A_1229 = vector.broadcast %add3A_1228 : i32 to vector<16xi32>
    %add3A_1230 = arith.addi %get3A_1227, %add3A_1229 : vector<16xi32>
    %gather3A_1231 = tpu.vector_load_idx %arg5[%add3A_1230] : memref<3072xf32, #tpu.memory_space<vmem>>[vector<16xi32>], vector<16xf32>,
    %swap3A_1232 = arith.constant 2368 : index
    %swap3A_1233 = tpu.vector_load %arg7[%swap3A_1232] {strides = array<i32>} : memref<4608xf32, #tpu.memory_space<vmem>>, vector<16xf32>,
    tpu.vector_store %arg7[%swap3A_1232], %gather3A_1231 {strides = array<i32>} : memref<4608xf32, #tpu.memory_space<vmem>>, vector<16xf32>,
    %get3A_1234 = arith.constant 848 : index
    %get3A_1235 = tpu.vector_load %arg6[%get3A_1234] {strides = array<i32>} : memref<1536xi32, #tpu.memory_space<vmem>>, vector<16xi32>,
    %add3A_1236 = arith.constant 1024 : i32
    %add3A_1237 = vector.broadcast %add3A_1236 : i32 to vector<16xi32>
    %add3A_1238 = arith.addi %get3A_1235, %add3A_1237 : vector<16xi32>
    %gather3A_1239 = tpu.vector_load_idx %arg5[%add3A_1238] : memref<3072xf32, #tpu.memory_space<vmem>>[vector<16xi32>], vector<16xf32>,
    %swap3A_1240 = arith.constant 2384 : index
    %swap3A_1241 = tpu.vector_load %arg7[%swap3A_1240] {strides = array<i32>} : memref<4608xf32, #tpu.memory_space<vmem>>, vector<16xf32>,
    tpu.vector_store %arg7[%swap3A_1240], %gather3A_1239 {strides = array<i32>} : memref<4608xf32, #tpu.memory_space<vmem>>, vector<16xf32>,
    %get3A_1242 = arith.constant 864 : index
    %get3A_1243 = tpu.vector_load %arg6[%get3A_1242] {strides = array<i32>} : memref<1536xi32, #tpu.memory_space<vmem>>, vector<16xi32>,
    %add3A_1244 = arith.constant 1024 : i32
    %add3A_1245 = vector.broadcast %add3A_1244 : i32 to vector<16xi32>
    %add3A_1246 = arith.addi %get3A_1243, %add3A_1245 : vector<16xi32>
    %gather3A_1247 = tpu.vector_load_idx %arg5[%add3A_1246] : memref<3072xf32, #tpu.memory_space<vmem>>[vector<16xi32>], vector<16xf32>,
    %swap3A_1248 = arith.constant 2400 : index
    %swap3A_1249 = tpu.vector_load %arg7[%swap3A_1248] {strides = array<i32>} : memref<4608xf32, #tpu.memory_space<vmem>>, vector<16xf32>,
    tpu.vector_store %arg7[%swap3A_1248], %gather3A_1247 {strides = array<i32>} : memref<4608xf32, #tpu.memory_space<vmem>>, vector<16xf32>,
    %get3A_1250 = arith.constant 880 : index
    %get3A_1251 = tpu.vector_load %arg6[%get3A_1250] {strides = array<i32>} : memref<1536xi32, #tpu.memory_space<vmem>>, vector<16xi32>,
    %add3A_1252 = arith.constant 1024 : i32
    %add3A_1253 = vector.broadcast %add3A_1252 : i32 to vector<16xi32>
    %add3A_1254 = arith.addi %get3A_1251, %add3A_1253 : vector<16xi32>
    %gather3A_1255 = tpu.vector_load_idx %arg5[%add3A_1254] : memref<3072xf32, #tpu.memory_space<vmem>>[vector<16xi32>], vector<16xf32>,
    %swap3A_1256 = arith.constant 2416 : index
    %swap3A_1257 = tpu.vector_load %arg7[%swap3A_1256] {strides = array<i32>} : memref<4608xf32, #tpu.memory_space<vmem>>, vector<16xf32>,
    tpu.vector_store %arg7[%swap3A_1256], %gather3A_1255 {strides = array<i32>} : memref<4608xf32, #tpu.memory_space<vmem>>, vector<16xf32>,
    %get3A_1258 = arith.constant 896 : index
    %get3A_1259 = tpu.vector_load %arg6[%get3A_1258] {strides = array<i32>} : memref<1536xi32, #tpu.memory_space<vmem>>, vector<16xi32>,
    %add3A_1260 = arith.constant 1024 : i32
    %add3A_1261 = vector.broadcast %add3A_1260 : i32 to vector<16xi32>
    %add3A_1262 = arith.addi %get3A_1259, %add3A_1261 : vector<16xi32>
    %gather3A_1263 = tpu.vector_load_idx %arg5[%add3A_1262] : memref<3072xf32, #tpu.memory_space<vmem>>[vector<16xi32>], vector<16xf32>,
    %swap3A_1264 = arith.constant 2432 : index
    %swap3A_1265 = tpu.vector_load %arg7[%swap3A_1264] {strides = array<i32>} : memref<4608xf32, #tpu.memory_space<vmem>>, vector<16xf32>,
    tpu.vector_store %arg7[%swap3A_1264], %gather3A_1263 {strides = array<i32>} : memref<4608xf32, #tpu.memory_space<vmem>>, vector<16xf32>,
    %get3A_1266 = arith.constant 912 : index
    %get3A_1267 = tpu.vector_load %arg6[%get3A_1266] {strides = array<i32>} : memref<1536xi32, #tpu.memory_space<vmem>>, vector<16xi32>,
    %add3A_1268 = arith.constant 1024 : i32
    %add3A_1269 = vector.broadcast %add3A_1268 : i32 to vector<16xi32>
    %add3A_1270 = arith.addi %get3A_1267, %add3A_1269 : vector<16xi32>
    %gather3A_1271 = tpu.vector_load_idx %arg5[%add3A_1270] : memref<3072xf32, #tpu.memory_space<vmem>>[vector<16xi32>], vector<16xf32>,
    %swap3A_1272 = arith.constant 2448 : index
    %swap3A_1273 = tpu.vector_load %arg7[%swap3A_1272] {strides = array<i32>} : memref<4608xf32, #tpu.memory_space<vmem>>, vector<16xf32>,
    tpu.vector_store %arg7[%swap3A_1272], %gather3A_1271 {strides = array<i32>} : memref<4608xf32, #tpu.memory_space<vmem>>, vector<16xf32>,
    %get3A_1274 = arith.constant 928 : index
    %get3A_1275 = tpu.vector_load %arg6[%get3A_1274] {strides = array<i32>} : memref<1536xi32, #tpu.memory_space<vmem>>, vector<16xi32>,
    %add3A_1276 = arith.constant 1024 : i32
    %add3A_1277 = vector.broadcast %add3A_1276 : i32 to vector<16xi32>
    %add3A_1278 = arith.addi %get3A_1275, %add3A_1277 : vector<16xi32>
    %gather3A_1279 = tpu.vector_load_idx %arg5[%add3A_1278] : memref<3072xf32, #tpu.memory_space<vmem>>[vector<16xi32>], vector<16xf32>,
    %swap3A_1280 = arith.constant 2464 : index
    %swap3A_1281 = tpu.vector_load %arg7[%swap3A_1280] {strides = array<i32>} : memref<4608xf32, #tpu.memory_space<vmem>>, vector<16xf32>,
    tpu.vector_store %arg7[%swap3A_1280], %gather3A_1279 {strides = array<i32>} : memref<4608xf32, #tpu.memory_space<vmem>>, vector<16xf32>,
    %get3A_1282 = arith.constant 944 : index
    %get3A_1283 = tpu.vector_load %arg6[%get3A_1282] {strides = array<i32>} : memref<1536xi32, #tpu.memory_space<vmem>>, vector<16xi32>,
    %add3A_1284 = arith.constant 1024 : i32
    %add3A_1285 = vector.broadcast %add3A_1284 : i32 to vector<16xi32>
    %add3A_1286 = arith.addi %get3A_1283, %add3A_1285 : vector<16xi32>
    %gather3A_1287 = tpu.vector_load_idx %arg5[%add3A_1286] : memref<3072xf32, #tpu.memory_space<vmem>>[vector<16xi32>], vector<16xf32>,
    %swap3A_1288 = arith.constant 2480 : index
    %swap3A_1289 = tpu.vector_load %arg7[%swap3A_1288] {strides = array<i32>} : memref<4608xf32, #tpu.memory_space<vmem>>, vector<16xf32>,
    tpu.vector_store %arg7[%swap3A_1288], %gather3A_1287 {strides = array<i32>} : memref<4608xf32, #tpu.memory_space<vmem>>, vector<16xf32>,
    %get3A_1290 = arith.constant 960 : index
    %get3A_1291 = tpu.vector_load %arg6[%get3A_1290] {strides = array<i32>} : memref<1536xi32, #tpu.memory_space<vmem>>, vector<16xi32>,
    %add3A_1292 = arith.constant 1024 : i32
    %add3A_1293 = vector.broadcast %add3A_1292 : i32 to vector<16xi32>
    %add3A_1294 = arith.addi %get3A_1291, %add3A_1293 : vector<16xi32>
    %gather3A_1295 = tpu.vector_load_idx %arg5[%add3A_1294] : memref<3072xf32, #tpu.memory_space<vmem>>[vector<16xi32>], vector<16xf32>,
    %swap3A_1296 = arith.constant 2496 : index
    %swap3A_1297 = tpu.vector_load %arg7[%swap3A_1296] {strides = array<i32>} : memref<4608xf32, #tpu.memory_space<vmem>>, vector<16xf32>,
    tpu.vector_store %arg7[%swap3A_1296], %gather3A_1295 {strides = array<i32>} : memref<4608xf32, #tpu.memory_space<vmem>>, vector<16xf32>,
    %get3A_1298 = arith.constant 976 : index
    %get3A_1299 = tpu.vector_load %arg6[%get3A_1298] {strides = array<i32>} : memref<1536xi32, #tpu.memory_space<vmem>>, vector<16xi32>,
    %add3A_1300 = arith.constant 1024 : i32
    %add3A_1301 = vector.broadcast %add3A_1300 : i32 to vector<16xi32>
    %add3A_1302 = arith.addi %get3A_1299, %add3A_1301 : vector<16xi32>
    %gather3A_1303 = tpu.vector_load_idx %arg5[%add3A_1302] : memref<3072xf32, #tpu.memory_space<vmem>>[vector<16xi32>], vector<16xf32>,
    %swap3A_1304 = arith.constant 2512 : index
    %swap3A_1305 = tpu.vector_load %arg7[%swap3A_1304] {strides = array<i32>} : memref<4608xf32, #tpu.memory_space<vmem>>, vector<16xf32>,
    tpu.vector_store %arg7[%swap3A_1304], %gather3A_1303 {strides = array<i32>} : memref<4608xf32, #tpu.memory_space<vmem>>, vector<16xf32>,
    %get3A_1306 = arith.constant 992 : index
    %get3A_1307 = tpu.vector_load %arg6[%get3A_1306] {strides = array<i32>} : memref<1536xi32, #tpu.memory_space<vmem>>, vector<16xi32>,
    %add3A_1308 = arith.constant 1024 : i32
    %add3A_1309 = vector.broadcast %add3A_1308 : i32 to vector<16xi32>
    %add3A_1310 = arith.addi %get3A_1307, %add3A_1309 : vector<16xi32>
    %gather3A_1311 = tpu.vector_load_idx %arg5[%add3A_1310] : memref<3072xf32, #tpu.memory_space<vmem>>[vector<16xi32>], vector<16xf32>,
    %swap3A_1312 = arith.constant 2528 : index
    %swap3A_1313 = tpu.vector_load %arg7[%swap3A_1312] {strides = array<i32>} : memref<4608xf32, #tpu.memory_space<vmem>>, vector<16xf32>,
    tpu.vector_store %arg7[%swap3A_1312], %gather3A_1311 {strides = array<i32>} : memref<4608xf32, #tpu.memory_space<vmem>>, vector<16xf32>,
    %get3A_1314 = arith.constant 1008 : index
    %get3A_1315 = tpu.vector_load %arg6[%get3A_1314] {strides = array<i32>} : memref<1536xi32, #tpu.memory_space<vmem>>, vector<16xi32>,
    %add3A_1316 = arith.constant 1024 : i32
    %add3A_1317 = vector.broadcast %add3A_1316 : i32 to vector<16xi32>
    %add3A_1318 = arith.addi %get3A_1315, %add3A_1317 : vector<16xi32>
    %gather3A_1319 = tpu.vector_load_idx %arg5[%add3A_1318] : memref<3072xf32, #tpu.memory_space<vmem>>[vector<16xi32>], vector<16xf32>,
    %swap3A_1320 = arith.constant 2544 : index
    %swap3A_1321 = tpu.vector_load %arg7[%swap3A_1320] {strides = array<i32>} : memref<4608xf32, #tpu.memory_space<vmem>>, vector<16xf32>,
    tpu.vector_store %arg7[%swap3A_1320], %gather3A_1319 {strides = array<i32>} : memref<4608xf32, #tpu.memory_space<vmem>>, vector<16xf32>,
    %get3A_1322 = arith.constant 1024 : index
    %get3A_1323 = tpu.vector_load %arg6[%get3A_1322] {strides = array<i32>} : memref<1536xi32, #tpu.memory_space<vmem>>, vector<16xi32>,
    %add3A_1324 = arith.constant 1024 : i32
    %add3A_1325 = vector.broadcast %add3A_1324 : i32 to vector<16xi32>
    %add3A_1326 = arith.addi %get3A_1323, %add3A_1325 : vector<16xi32>
    %gather3A_1327 = tpu.vector_load_idx %arg5[%add3A_1326] : memref<3072xf32, #tpu.memory_space<vmem>>[vector<16xi32>], vector<16xf32>,
    %swap3A_1328 = arith.constant 2560 : index
    %swap3A_1329 = tpu.vector_load %arg7[%swap3A_1328] {strides = array<i32>} : memref<4608xf32, #tpu.memory_space<vmem>>, vector<16xf32>,
    tpu.vector_store %arg7[%swap3A_1328], %gather3A_1327 {strides = array<i32>} : memref<4608xf32, #tpu.memory_space<vmem>>, vector<16xf32>,
    %get3A_1330 = arith.constant 1040 : index
    %get3A_1331 = tpu.vector_load %arg6[%get3A_1330] {strides = array<i32>} : memref<1536xi32, #tpu.memory_space<vmem>>, vector<16xi32>,
    %add3A_1332 = arith.constant 1024 : i32
    %add3A_1333 = vector.broadcast %add3A_1332 : i32 to vector<16xi32>
    %add3A_1334 = arith.addi %get3A_1331, %add3A_1333 : vector<16xi32>
    %gather3A_1335 = tpu.vector_load_idx %arg5[%add3A_1334] : memref<3072xf32, #tpu.memory_space<vmem>>[vector<16xi32>], vector<16xf32>,
    %swap3A_1336 = arith.constant 2576 : index
    %swap3A_1337 = tpu.vector_load %arg7[%swap3A_1336] {strides = array<i32>} : memref<4608xf32, #tpu.memory_space<vmem>>, vector<16xf32>,
    tpu.vector_store %arg7[%swap3A_1336], %gather3A_1335 {strides = array<i32>} : memref<4608xf32, #tpu.memory_space<vmem>>, vector<16xf32>,
    %get3A_1338 = arith.constant 1056 : index
    %get3A_1339 = tpu.vector_load %arg6[%get3A_1338] {strides = array<i32>} : memref<1536xi32, #tpu.memory_space<vmem>>, vector<16xi32>,
    %add3A_1340 = arith.constant 1024 : i32
    %add3A_1341 = vector.broadcast %add3A_1340 : i32 to vector<16xi32>
    %add3A_1342 = arith.addi %get3A_1339, %add3A_1341 : vector<16xi32>
    %gather3A_1343 = tpu.vector_load_idx %arg5[%add3A_1342] : memref<3072xf32, #tpu.memory_space<vmem>>[vector<16xi32>], vector<16xf32>,
    %swap3A_1344 = arith.constant 2592 : index
    %swap3A_1345 = tpu.vector_load %arg7[%swap3A_1344] {strides = array<i32>} : memref<4608xf32, #tpu.memory_space<vmem>>, vector<16xf32>,
    tpu.vector_store %arg7[%swap3A_1344], %gather3A_1343 {strides = array<i32>} : memref<4608xf32, #tpu.memory_space<vmem>>, vector<16xf32>,
    %get3A_1346 = arith.constant 1072 : index
    %get3A_1347 = tpu.vector_load %arg6[%get3A_1346] {strides = array<i32>} : memref<1536xi32, #tpu.memory_space<vmem>>, vector<16xi32>,
    %add3A_1348 = arith.constant 1024 : i32
    %add3A_1349 = vector.broadcast %add3A_1348 : i32 to vector<16xi32>
    %add3A_1350 = arith.addi %get3A_1347, %add3A_1349 : vector<16xi32>
    %gather3A_1351 = tpu.vector_load_idx %arg5[%add3A_1350] : memref<3072xf32, #tpu.memory_space<vmem>>[vector<16xi32>], vector<16xf32>,
    %swap3A_1352 = arith.constant 2608 : index
    %swap3A_1353 = tpu.vector_load %arg7[%swap3A_1352] {strides = array<i32>} : memref<4608xf32, #tpu.memory_space<vmem>>, vector<16xf32>,
    tpu.vector_store %arg7[%swap3A_1352], %gather3A_1351 {strides = array<i32>} : memref<4608xf32, #tpu.memory_space<vmem>>, vector<16xf32>,
    %get3A_1354 = arith.constant 1088 : index
    %get3A_1355 = tpu.vector_load %arg6[%get3A_1354] {strides = array<i32>} : memref<1536xi32, #tpu.memory_space<vmem>>, vector<16xi32>,
    %add3A_1356 = arith.constant 1024 : i32
    %add3A_1357 = vector.broadcast %add3A_1356 : i32 to vector<16xi32>
    %add3A_1358 = arith.addi %get3A_1355, %add3A_1357 : vector<16xi32>
    %gather3A_1359 = tpu.vector_load_idx %arg5[%add3A_1358] : memref<3072xf32, #tpu.memory_space<vmem>>[vector<16xi32>], vector<16xf32>,
    %swap3A_1360 = arith.constant 2624 : index
    %swap3A_1361 = tpu.vector_load %arg7[%swap3A_1360] {strides = array<i32>} : memref<4608xf32, #tpu.memory_space<vmem>>, vector<16xf32>,
    tpu.vector_store %arg7[%swap3A_1360], %gather3A_1359 {strides = array<i32>} : memref<4608xf32, #tpu.memory_space<vmem>>, vector<16xf32>,
    %get3A_1362 = arith.constant 1104 : index
    %get3A_1363 = tpu.vector_load %arg6[%get3A_1362] {strides = array<i32>} : memref<1536xi32, #tpu.memory_space<vmem>>, vector<16xi32>,
    %add3A_1364 = arith.constant 1024 : i32
    %add3A_1365 = vector.broadcast %add3A_1364 : i32 to vector<16xi32>
    %add3A_1366 = arith.addi %get3A_1363, %add3A_1365 : vector<16xi32>
    %gather3A_1367 = tpu.vector_load_idx %arg5[%add3A_1366] : memref<3072xf32, #tpu.memory_space<vmem>>[vector<16xi32>], vector<16xf32>,
    %swap3A_1368 = arith.constant 2640 : index
    %swap3A_1369 = tpu.vector_load %arg7[%swap3A_1368] {strides = array<i32>} : memref<4608xf32, #tpu.memory_space<vmem>>, vector<16xf32>,
    tpu.vector_store %arg7[%swap3A_1368], %gather3A_1367 {strides = array<i32>} : memref<4608xf32, #tpu.memory_space<vmem>>, vector<16xf32>,
    %get3A_1370 = arith.constant 1120 : index
    %get3A_1371 = tpu.vector_load %arg6[%get3A_1370] {strides = array<i32>} : memref<1536xi32, #tpu.memory_space<vmem>>, vector<16xi32>,
    %add3A_1372 = arith.constant 1024 : i32
    %add3A_1373 = vector.broadcast %add3A_1372 : i32 to vector<16xi32>
    %add3A_1374 = arith.addi %get3A_1371, %add3A_1373 : vector<16xi32>
    %gather3A_1375 = tpu.vector_load_idx %arg5[%add3A_1374] : memref<3072xf32, #tpu.memory_space<vmem>>[vector<16xi32>], vector<16xf32>,
    %swap3A_1376 = arith.constant 2656 : index
    %swap3A_1377 = tpu.vector_load %arg7[%swap3A_1376] {strides = array<i32>} : memref<4608xf32, #tpu.memory_space<vmem>>, vector<16xf32>,
    tpu.vector_store %arg7[%swap3A_1376], %gather3A_1375 {strides = array<i32>} : memref<4608xf32, #tpu.memory_space<vmem>>, vector<16xf32>,
    %get3A_1378 = arith.constant 1136 : index
    %get3A_1379 = tpu.vector_load %arg6[%get3A_1378] {strides = array<i32>} : memref<1536xi32, #tpu.memory_space<vmem>>, vector<16xi32>,
    %add3A_1380 = arith.constant 1024 : i32
    %add3A_1381 = vector.broadcast %add3A_1380 : i32 to vector<16xi32>
    %add3A_1382 = arith.addi %get3A_1379, %add3A_1381 : vector<16xi32>
    %gather3A_1383 = tpu.vector_load_idx %arg5[%add3A_1382] : memref<3072xf32, #tpu.memory_space<vmem>>[vector<16xi32>], vector<16xf32>,
    %swap3A_1384 = arith.constant 2672 : index
    %swap3A_1385 = tpu.vector_load %arg7[%swap3A_1384] {strides = array<i32>} : memref<4608xf32, #tpu.memory_space<vmem>>, vector<16xf32>,
    tpu.vector_store %arg7[%swap3A_1384], %gather3A_1383 {strides = array<i32>} : memref<4608xf32, #tpu.memory_space<vmem>>, vector<16xf32>,
    %get3A_1386 = arith.constant 1152 : index
    %get3A_1387 = tpu.vector_load %arg6[%get3A_1386] {strides = array<i32>} : memref<1536xi32, #tpu.memory_space<vmem>>, vector<16xi32>,
    %add3A_1388 = arith.constant 1024 : i32
    %add3A_1389 = vector.broadcast %add3A_1388 : i32 to vector<16xi32>
    %add3A_1390 = arith.addi %get3A_1387, %add3A_1389 : vector<16xi32>
    %gather3A_1391 = tpu.vector_load_idx %arg5[%add3A_1390] : memref<3072xf32, #tpu.memory_space<vmem>>[vector<16xi32>], vector<16xf32>,
    %swap3A_1392 = arith.constant 2688 : index
    %swap3A_1393 = tpu.vector_load %arg7[%swap3A_1392] {strides = array<i32>} : memref<4608xf32, #tpu.memory_space<vmem>>, vector<16xf32>,
    tpu.vector_store %arg7[%swap3A_1392], %gather3A_1391 {strides = array<i32>} : memref<4608xf32, #tpu.memory_space<vmem>>, vector<16xf32>,
    %get3A_1394 = arith.constant 1168 : index
    %get3A_1395 = tpu.vector_load %arg6[%get3A_1394] {strides = array<i32>} : memref<1536xi32, #tpu.memory_space<vmem>>, vector<16xi32>,
    %add3A_1396 = arith.constant 1024 : i32
    %add3A_1397 = vector.broadcast %add3A_1396 : i32 to vector<16xi32>
    %add3A_1398 = arith.addi %get3A_1395, %add3A_1397 : vector<16xi32>
    %gather3A_1399 = tpu.vector_load_idx %arg5[%add3A_1398] : memref<3072xf32, #tpu.memory_space<vmem>>[vector<16xi32>], vector<16xf32>,
    %swap3A_1400 = arith.constant 2704 : index
    %swap3A_1401 = tpu.vector_load %arg7[%swap3A_1400] {strides = array<i32>} : memref<4608xf32, #tpu.memory_space<vmem>>, vector<16xf32>,
    tpu.vector_store %arg7[%swap3A_1400], %gather3A_1399 {strides = array<i32>} : memref<4608xf32, #tpu.memory_space<vmem>>, vector<16xf32>,
    %get3A_1402 = arith.constant 1184 : index
    %get3A_1403 = tpu.vector_load %arg6[%get3A_1402] {strides = array<i32>} : memref<1536xi32, #tpu.memory_space<vmem>>, vector<16xi32>,
    %add3A_1404 = arith.constant 1024 : i32
    %add3A_1405 = vector.broadcast %add3A_1404 : i32 to vector<16xi32>
    %add3A_1406 = arith.addi %get3A_1403, %add3A_1405 : vector<16xi32>
    %gather3A_1407 = tpu.vector_load_idx %arg5[%add3A_1406] : memref<3072xf32, #tpu.memory_space<vmem>>[vector<16xi32>], vector<16xf32>,
    %swap3A_1408 = arith.constant 2720 : index
    %swap3A_1409 = tpu.vector_load %arg7[%swap3A_1408] {strides = array<i32>} : memref<4608xf32, #tpu.memory_space<vmem>>, vector<16xf32>,
    tpu.vector_store %arg7[%swap3A_1408], %gather3A_1407 {strides = array<i32>} : memref<4608xf32, #tpu.memory_space<vmem>>, vector<16xf32>,
    %get3A_1410 = arith.constant 1200 : index
    %get3A_1411 = tpu.vector_load %arg6[%get3A_1410] {strides = array<i32>} : memref<1536xi32, #tpu.memory_space<vmem>>, vector<16xi32>,
    %add3A_1412 = arith.constant 1024 : i32
    %add3A_1413 = vector.broadcast %add3A_1412 : i32 to vector<16xi32>
    %add3A_1414 = arith.addi %get3A_1411, %add3A_1413 : vector<16xi32>
    %gather3A_1415 = tpu.vector_load_idx %arg5[%add3A_1414] : memref<3072xf32, #tpu.memory_space<vmem>>[vector<16xi32>], vector<16xf32>,
    %swap3A_1416 = arith.constant 2736 : index
    %swap3A_1417 = tpu.vector_load %arg7[%swap3A_1416] {strides = array<i32>} : memref<4608xf32, #tpu.memory_space<vmem>>, vector<16xf32>,
    tpu.vector_store %arg7[%swap3A_1416], %gather3A_1415 {strides = array<i32>} : memref<4608xf32, #tpu.memory_space<vmem>>, vector<16xf32>,
    %get3A_1418 = arith.constant 1216 : index
    %get3A_1419 = tpu.vector_load %arg6[%get3A_1418] {strides = array<i32>} : memref<1536xi32, #tpu.memory_space<vmem>>, vector<16xi32>,
    %add3A_1420 = arith.constant 1024 : i32
    %add3A_1421 = vector.broadcast %add3A_1420 : i32 to vector<16xi32>
    %add3A_1422 = arith.addi %get3A_1419, %add3A_1421 : vector<16xi32>
    %gather3A_1423 = tpu.vector_load_idx %arg5[%add3A_1422] : memref<3072xf32, #tpu.memory_space<vmem>>[vector<16xi32>], vector<16xf32>,
    %swap3A_1424 = arith.constant 2752 : index
    %swap3A_1425 = tpu.vector_load %arg7[%swap3A_1424] {strides = array<i32>} : memref<4608xf32, #tpu.memory_space<vmem>>, vector<16xf32>,
    tpu.vector_store %arg7[%swap3A_1424], %gather3A_1423 {strides = array<i32>} : memref<4608xf32, #tpu.memory_space<vmem>>, vector<16xf32>,
    %get3A_1426 = arith.constant 1232 : index
    %get3A_1427 = tpu.vector_load %arg6[%get3A_1426] {strides = array<i32>} : memref<1536xi32, #tpu.memory_space<vmem>>, vector<16xi32>,
    %add3A_1428 = arith.constant 1024 : i32
    %add3A_1429 = vector.broadcast %add3A_1428 : i32 to vector<16xi32>
    %add3A_1430 = arith.addi %get3A_1427, %add3A_1429 : vector<16xi32>
    %gather3A_1431 = tpu.vector_load_idx %arg5[%add3A_1430] : memref<3072xf32, #tpu.memory_space<vmem>>[vector<16xi32>], vector<16xf32>,
    %swap3A_1432 = arith.constant 2768 : index
    %swap3A_1433 = tpu.vector_load %arg7[%swap3A_1432] {strides = array<i32>} : memref<4608xf32, #tpu.memory_space<vmem>>, vector<16xf32>,
    tpu.vector_store %arg7[%swap3A_1432], %gather3A_1431 {strides = array<i32>} : memref<4608xf32, #tpu.memory_space<vmem>>, vector<16xf32>,
    %get3A_1434 = arith.constant 1248 : index
    %get3A_1435 = tpu.vector_load %arg6[%get3A_1434] {strides = array<i32>} : memref<1536xi32, #tpu.memory_space<vmem>>, vector<16xi32>,
    %add3A_1436 = arith.constant 1024 : i32
    %add3A_1437 = vector.broadcast %add3A_1436 : i32 to vector<16xi32>
    %add3A_1438 = arith.addi %get3A_1435, %add3A_1437 : vector<16xi32>
    %gather3A_1439 = tpu.vector_load_idx %arg5[%add3A_1438] : memref<3072xf32, #tpu.memory_space<vmem>>[vector<16xi32>], vector<16xf32>,
    %swap3A_1440 = arith.constant 2784 : index
    %swap3A_1441 = tpu.vector_load %arg7[%swap3A_1440] {strides = array<i32>} : memref<4608xf32, #tpu.memory_space<vmem>>, vector<16xf32>,
    tpu.vector_store %arg7[%swap3A_1440], %gather3A_1439 {strides = array<i32>} : memref<4608xf32, #tpu.memory_space<vmem>>, vector<16xf32>,
    %get3A_1442 = arith.constant 1264 : index
    %get3A_1443 = tpu.vector_load %arg6[%get3A_1442] {strides = array<i32>} : memref<1536xi32, #tpu.memory_space<vmem>>, vector<16xi32>,
    %add3A_1444 = arith.constant 1024 : i32
    %add3A_1445 = vector.broadcast %add3A_1444 : i32 to vector<16xi32>
    %add3A_1446 = arith.addi %get3A_1443, %add3A_1445 : vector<16xi32>
    %gather3A_1447 = tpu.vector_load_idx %arg5[%add3A_1446] : memref<3072xf32, #tpu.memory_space<vmem>>[vector<16xi32>], vector<16xf32>,
    %swap3A_1448 = arith.constant 2800 : index
    %swap3A_1449 = tpu.vector_load %arg7[%swap3A_1448] {strides = array<i32>} : memref<4608xf32, #tpu.memory_space<vmem>>, vector<16xf32>,
    tpu.vector_store %arg7[%swap3A_1448], %gather3A_1447 {strides = array<i32>} : memref<4608xf32, #tpu.memory_space<vmem>>, vector<16xf32>,
    %get3A_1450 = arith.constant 1280 : index
    %get3A_1451 = tpu.vector_load %arg6[%get3A_1450] {strides = array<i32>} : memref<1536xi32, #tpu.memory_space<vmem>>, vector<16xi32>,
    %add3A_1452 = arith.constant 1024 : i32
    %add3A_1453 = vector.broadcast %add3A_1452 : i32 to vector<16xi32>
    %add3A_1454 = arith.addi %get3A_1451, %add3A_1453 : vector<16xi32>
    %gather3A_1455 = tpu.vector_load_idx %arg5[%add3A_1454] : memref<3072xf32, #tpu.memory_space<vmem>>[vector<16xi32>], vector<16xf32>,
    %swap3A_1456 = arith.constant 2816 : index
    %swap3A_1457 = tpu.vector_load %arg7[%swap3A_1456] {strides = array<i32>} : memref<4608xf32, #tpu.memory_space<vmem>>, vector<16xf32>,
    tpu.vector_store %arg7[%swap3A_1456], %gather3A_1455 {strides = array<i32>} : memref<4608xf32, #tpu.memory_space<vmem>>, vector<16xf32>,
    %get3A_1458 = arith.constant 1296 : index
    %get3A_1459 = tpu.vector_load %arg6[%get3A_1458] {strides = array<i32>} : memref<1536xi32, #tpu.memory_space<vmem>>, vector<16xi32>,
    %add3A_1460 = arith.constant 1024 : i32
    %add3A_1461 = vector.broadcast %add3A_1460 : i32 to vector<16xi32>
    %add3A_1462 = arith.addi %get3A_1459, %add3A_1461 : vector<16xi32>
    %gather3A_1463 = tpu.vector_load_idx %arg5[%add3A_1462] : memref<3072xf32, #tpu.memory_space<vmem>>[vector<16xi32>], vector<16xf32>,
    %swap3A_1464 = arith.constant 2832 : index
    %swap3A_1465 = tpu.vector_load %arg7[%swap3A_1464] {strides = array<i32>} : memref<4608xf32, #tpu.memory_space<vmem>>, vector<16xf32>,
    tpu.vector_store %arg7[%swap3A_1464], %gather3A_1463 {strides = array<i32>} : memref<4608xf32, #tpu.memory_space<vmem>>, vector<16xf32>,
    %get3A_1466 = arith.constant 1312 : index
    %get3A_1467 = tpu.vector_load %arg6[%get3A_1466] {strides = array<i32>} : memref<1536xi32, #tpu.memory_space<vmem>>, vector<16xi32>,
    %add3A_1468 = arith.constant 1024 : i32
    %add3A_1469 = vector.broadcast %add3A_1468 : i32 to vector<16xi32>
    %add3A_1470 = arith.addi %get3A_1467, %add3A_1469 : vector<16xi32>
    %gather3A_1471 = tpu.vector_load_idx %arg5[%add3A_1470] : memref<3072xf32, #tpu.memory_space<vmem>>[vector<16xi32>], vector<16xf32>,
    %swap3A_1472 = arith.constant 2848 : index
    %swap3A_1473 = tpu.vector_load %arg7[%swap3A_1472] {strides = array<i32>} : memref<4608xf32, #tpu.memory_space<vmem>>, vector<16xf32>,
    tpu.vector_store %arg7[%swap3A_1472], %gather3A_1471 {strides = array<i32>} : memref<4608xf32, #tpu.memory_space<vmem>>, vector<16xf32>,
    %get3A_1474 = arith.constant 1328 : index
    %get3A_1475 = tpu.vector_load %arg6[%get3A_1474] {strides = array<i32>} : memref<1536xi32, #tpu.memory_space<vmem>>, vector<16xi32>,
    %add3A_1476 = arith.constant 1024 : i32
    %add3A_1477 = vector.broadcast %add3A_1476 : i32 to vector<16xi32>
    %add3A_1478 = arith.addi %get3A_1475, %add3A_1477 : vector<16xi32>
    %gather3A_1479 = tpu.vector_load_idx %arg5[%add3A_1478] : memref<3072xf32, #tpu.memory_space<vmem>>[vector<16xi32>], vector<16xf32>,
    %swap3A_1480 = arith.constant 2864 : index
    %swap3A_1481 = tpu.vector_load %arg7[%swap3A_1480] {strides = array<i32>} : memref<4608xf32, #tpu.memory_space<vmem>>, vector<16xf32>,
    tpu.vector_store %arg7[%swap3A_1480], %gather3A_1479 {strides = array<i32>} : memref<4608xf32, #tpu.memory_space<vmem>>, vector<16xf32>,
    %get3A_1482 = arith.constant 1344 : index
    %get3A_1483 = tpu.vector_load %arg6[%get3A_1482] {strides = array<i32>} : memref<1536xi32, #tpu.memory_space<vmem>>, vector<16xi32>,
    %add3A_1484 = arith.constant 1024 : i32
    %add3A_1485 = vector.broadcast %add3A_1484 : i32 to vector<16xi32>
    %add3A_1486 = arith.addi %get3A_1483, %add3A_1485 : vector<16xi32>
    %gather3A_1487 = tpu.vector_load_idx %arg5[%add3A_1486] : memref<3072xf32, #tpu.memory_space<vmem>>[vector<16xi32>], vector<16xf32>,
    %swap3A_1488 = arith.constant 2880 : index
    %swap3A_1489 = tpu.vector_load %arg7[%swap3A_1488] {strides = array<i32>} : memref<4608xf32, #tpu.memory_space<vmem>>, vector<16xf32>,
    tpu.vector_store %arg7[%swap3A_1488], %gather3A_1487 {strides = array<i32>} : memref<4608xf32, #tpu.memory_space<vmem>>, vector<16xf32>,
    %get3A_1490 = arith.constant 1360 : index
    %get3A_1491 = tpu.vector_load %arg6[%get3A_1490] {strides = array<i32>} : memref<1536xi32, #tpu.memory_space<vmem>>, vector<16xi32>,
    %add3A_1492 = arith.constant 1024 : i32
    %add3A_1493 = vector.broadcast %add3A_1492 : i32 to vector<16xi32>
    %add3A_1494 = arith.addi %get3A_1491, %add3A_1493 : vector<16xi32>
    %gather3A_1495 = tpu.vector_load_idx %arg5[%add3A_1494] : memref<3072xf32, #tpu.memory_space<vmem>>[vector<16xi32>], vector<16xf32>,
    %swap3A_1496 = arith.constant 2896 : index
    %swap3A_1497 = tpu.vector_load %arg7[%swap3A_1496] {strides = array<i32>} : memref<4608xf32, #tpu.memory_space<vmem>>, vector<16xf32>,
    tpu.vector_store %arg7[%swap3A_1496], %gather3A_1495 {strides = array<i32>} : memref<4608xf32, #tpu.memory_space<vmem>>, vector<16xf32>,
    %get3A_1498 = arith.constant 1376 : index
    %get3A_1499 = tpu.vector_load %arg6[%get3A_1498] {strides = array<i32>} : memref<1536xi32, #tpu.memory_space<vmem>>, vector<16xi32>,
    %add3A_1500 = arith.constant 1024 : i32
    %add3A_1501 = vector.broadcast %add3A_1500 : i32 to vector<16xi32>
    %add3A_1502 = arith.addi %get3A_1499, %add3A_1501 : vector<16xi32>
    %gather3A_1503 = tpu.vector_load_idx %arg5[%add3A_1502] : memref<3072xf32, #tpu.memory_space<vmem>>[vector<16xi32>], vector<16xf32>,
    %swap3A_1504 = arith.constant 2912 : index
    %swap3A_1505 = tpu.vector_load %arg7[%swap3A_1504] {strides = array<i32>} : memref<4608xf32, #tpu.memory_space<vmem>>, vector<16xf32>,
    tpu.vector_store %arg7[%swap3A_1504], %gather3A_1503 {strides = array<i32>} : memref<4608xf32, #tpu.memory_space<vmem>>, vector<16xf32>,
    %get3A_1506 = arith.constant 1392 : index
    %get3A_1507 = tpu.vector_load %arg6[%get3A_1506] {strides = array<i32>} : memref<1536xi32, #tpu.memory_space<vmem>>, vector<16xi32>,
    %add3A_1508 = arith.constant 1024 : i32
    %add3A_1509 = vector.broadcast %add3A_1508 : i32 to vector<16xi32>
    %add3A_1510 = arith.addi %get3A_1507, %add3A_1509 : vector<16xi32>
    %gather3A_1511 = tpu.vector_load_idx %arg5[%add3A_1510] : memref<3072xf32, #tpu.memory_space<vmem>>[vector<16xi32>], vector<16xf32>,
    %swap3A_1512 = arith.constant 2928 : index
    %swap3A_1513 = tpu.vector_load %arg7[%swap3A_1512] {strides = array<i32>} : memref<4608xf32, #tpu.memory_space<vmem>>, vector<16xf32>,
    tpu.vector_store %arg7[%swap3A_1512], %gather3A_1511 {strides = array<i32>} : memref<4608xf32, #tpu.memory_space<vmem>>, vector<16xf32>,
    %get3A_1514 = arith.constant 1408 : index
    %get3A_1515 = tpu.vector_load %arg6[%get3A_1514] {strides = array<i32>} : memref<1536xi32, #tpu.memory_space<vmem>>, vector<16xi32>,
    %add3A_1516 = arith.constant 1024 : i32
    %add3A_1517 = vector.broadcast %add3A_1516 : i32 to vector<16xi32>
    %add3A_1518 = arith.addi %get3A_1515, %add3A_1517 : vector<16xi32>
    %gather3A_1519 = tpu.vector_load_idx %arg5[%add3A_1518] : memref<3072xf32, #tpu.memory_space<vmem>>[vector<16xi32>], vector<16xf32>,
    %swap3A_1520 = arith.constant 2944 : index
    %swap3A_1521 = tpu.vector_load %arg7[%swap3A_1520] {strides = array<i32>} : memref<4608xf32, #tpu.memory_space<vmem>>, vector<16xf32>,
    tpu.vector_store %arg7[%swap3A_1520], %gather3A_1519 {strides = array<i32>} : memref<4608xf32, #tpu.memory_space<vmem>>, vector<16xf32>,
    %get3A_1522 = arith.constant 1424 : index
    %get3A_1523 = tpu.vector_load %arg6[%get3A_1522] {strides = array<i32>} : memref<1536xi32, #tpu.memory_space<vmem>>, vector<16xi32>,
    %add3A_1524 = arith.constant 1024 : i32
    %add3A_1525 = vector.broadcast %add3A_1524 : i32 to vector<16xi32>
    %add3A_1526 = arith.addi %get3A_1523, %add3A_1525 : vector<16xi32>
    %gather3A_1527 = tpu.vector_load_idx %arg5[%add3A_1526] : memref<3072xf32, #tpu.memory_space<vmem>>[vector<16xi32>], vector<16xf32>,
    %swap3A_1528 = arith.constant 2960 : index
    %swap3A_1529 = tpu.vector_load %arg7[%swap3A_1528] {strides = array<i32>} : memref<4608xf32, #tpu.memory_space<vmem>>, vector<16xf32>,
    tpu.vector_store %arg7[%swap3A_1528], %gather3A_1527 {strides = array<i32>} : memref<4608xf32, #tpu.memory_space<vmem>>, vector<16xf32>,
    %get3A_1530 = arith.constant 1440 : index
    %get3A_1531 = tpu.vector_load %arg6[%get3A_1530] {strides = array<i32>} : memref<1536xi32, #tpu.memory_space<vmem>>, vector<16xi32>,
    %add3A_1532 = arith.constant 1024 : i32
    %add3A_1533 = vector.broadcast %add3A_1532 : i32 to vector<16xi32>
    %add3A_1534 = arith.addi %get3A_1531, %add3A_1533 : vector<16xi32>
    %gather3A_1535 = tpu.vector_load_idx %arg5[%add3A_1534] : memref<3072xf32, #tpu.memory_space<vmem>>[vector<16xi32>], vector<16xf32>,
    %swap3A_1536 = arith.constant 2976 : index
    %swap3A_1537 = tpu.vector_load %arg7[%swap3A_1536] {strides = array<i32>} : memref<4608xf32, #tpu.memory_space<vmem>>, vector<16xf32>,
    tpu.vector_store %arg7[%swap3A_1536], %gather3A_1535 {strides = array<i32>} : memref<4608xf32, #tpu.memory_space<vmem>>, vector<16xf32>,
    %get3A_1538 = arith.constant 1456 : index
    %get3A_1539 = tpu.vector_load %arg6[%get3A_1538] {strides = array<i32>} : memref<1536xi32, #tpu.memory_space<vmem>>, vector<16xi32>,
    %add3A_1540 = arith.constant 1024 : i32
    %add3A_1541 = vector.broadcast %add3A_1540 : i32 to vector<16xi32>
    %add3A_1542 = arith.addi %get3A_1539, %add3A_1541 : vector<16xi32>
    %gather3A_1543 = tpu.vector_load_idx %arg5[%add3A_1542] : memref<3072xf32, #tpu.memory_space<vmem>>[vector<16xi32>], vector<16xf32>,
    %swap3A_1544 = arith.constant 2992 : index
    %swap3A_1545 = tpu.vector_load %arg7[%swap3A_1544] {strides = array<i32>} : memref<4608xf32, #tpu.memory_space<vmem>>, vector<16xf32>,
    tpu.vector_store %arg7[%swap3A_1544], %gather3A_1543 {strides = array<i32>} : memref<4608xf32, #tpu.memory_space<vmem>>, vector<16xf32>,
    %get3A_1546 = arith.constant 1472 : index
    %get3A_1547 = tpu.vector_load %arg6[%get3A_1546] {strides = array<i32>} : memref<1536xi32, #tpu.memory_space<vmem>>, vector<16xi32>,
    %add3A_1548 = arith.constant 1024 : i32
    %add3A_1549 = vector.broadcast %add3A_1548 : i32 to vector<16xi32>
    %add3A_1550 = arith.addi %get3A_1547, %add3A_1549 : vector<16xi32>
    %gather3A_1551 = tpu.vector_load_idx %arg5[%add3A_1550] : memref<3072xf32, #tpu.memory_space<vmem>>[vector<16xi32>], vector<16xf32>,
    %swap3A_1552 = arith.constant 3008 : index
    %swap3A_1553 = tpu.vector_load %arg7[%swap3A_1552] {strides = array<i32>} : memref<4608xf32, #tpu.memory_space<vmem>>, vector<16xf32>,
    tpu.vector_store %arg7[%swap3A_1552], %gather3A_1551 {strides = array<i32>} : memref<4608xf32, #tpu.memory_space<vmem>>, vector<16xf32>,
    %get3A_1554 = arith.constant 1488 : index
    %get3A_1555 = tpu.vector_load %arg6[%get3A_1554] {strides = array<i32>} : memref<1536xi32, #tpu.memory_space<vmem>>, vector<16xi32>,
    %add3A_1556 = arith.constant 1024 : i32
    %add3A_1557 = vector.broadcast %add3A_1556 : i32 to vector<16xi32>
    %add3A_1558 = arith.addi %get3A_1555, %add3A_1557 : vector<16xi32>
    %gather3A_1559 = tpu.vector_load_idx %arg5[%add3A_1558] : memref<3072xf32, #tpu.memory_space<vmem>>[vector<16xi32>], vector<16xf32>,
    %swap3A_1560 = arith.constant 3024 : index
    %swap3A_1561 = tpu.vector_load %arg7[%swap3A_1560] {strides = array<i32>} : memref<4608xf32, #tpu.memory_space<vmem>>, vector<16xf32>,
    tpu.vector_store %arg7[%swap3A_1560], %gather3A_1559 {strides = array<i32>} : memref<4608xf32, #tpu.memory_space<vmem>>, vector<16xf32>,
    %get3A_1562 = arith.constant 1504 : index
    %get3A_1563 = tpu.vector_load %arg6[%get3A_1562] {strides = array<i32>} : memref<1536xi32, #tpu.memory_space<vmem>>, vector<16xi32>,
    %add3A_1564 = arith.constant 1024 : i32
    %add3A_1565 = vector.broadcast %add3A_1564 : i32 to vector<16xi32>
    %add3A_1566 = arith.addi %get3A_1563, %add3A_1565 : vector<16xi32>
    %gather3A_1567 = tpu.vector_load_idx %arg5[%add3A_1566] : memref<3072xf32, #tpu.memory_space<vmem>>[vector<16xi32>], vector<16xf32>,
    %swap3A_1568 = arith.constant 3040 : index
    %swap3A_1569 = tpu.vector_load %arg7[%swap3A_1568] {strides = array<i32>} : memref<4608xf32, #tpu.memory_space<vmem>>, vector<16xf32>,
    tpu.vector_store %arg7[%swap3A_1568], %gather3A_1567 {strides = array<i32>} : memref<4608xf32, #tpu.memory_space<vmem>>, vector<16xf32>,
    %get3A_1570 = arith.constant 1520 : index
    %get3A_1571 = tpu.vector_load %arg6[%get3A_1570] {strides = array<i32>} : memref<1536xi32, #tpu.memory_space<vmem>>, vector<16xi32>,
    %add3A_1572 = arith.constant 1024 : i32
    %add3A_1573 = vector.broadcast %add3A_1572 : i32 to vector<16xi32>
    %add3A_1574 = arith.addi %get3A_1571, %add3A_1573 : vector<16xi32>
    %gather3A_1575 = tpu.vector_load_idx %arg5[%add3A_1574] : memref<3072xf32, #tpu.memory_space<vmem>>[vector<16xi32>], vector<16xf32>,
    %swap3A_1576 = arith.constant 3056 : index
    %swap3A_1577 = tpu.vector_load %arg7[%swap3A_1576] {strides = array<i32>} : memref<4608xf32, #tpu.memory_space<vmem>>, vector<16xf32>,
    tpu.vector_store %arg7[%swap3A_1576], %gather3A_1575 {strides = array<i32>} : memref<4608xf32, #tpu.memory_space<vmem>>, vector<16xf32>,
    %get3A_1578 = arith.constant 0 : index
    %get3A_1579 = tpu.vector_load %arg6[%get3A_1578] {strides = array<i32>} : memref<1536xi32, #tpu.memory_space<vmem>>, vector<16xi32>,
    %add3A_1580 = arith.constant 2048 : i32
    %add3A_1581 = vector.broadcast %add3A_1580 : i32 to vector<16xi32>
    %add3A_1582 = arith.addi %get3A_1579, %add3A_1581 : vector<16xi32>
    %gather3A_1583 = tpu.vector_load_idx %arg5[%add3A_1582] : memref<3072xf32, #tpu.memory_space<vmem>>[vector<16xi32>], vector<16xf32>,
    %swap3A_1584 = arith.constant 3072 : index
    %swap3A_1585 = tpu.vector_load %arg7[%swap3A_1584] {strides = array<i32>} : memref<4608xf32, #tpu.memory_space<vmem>>, vector<16xf32>,
    tpu.vector_store %arg7[%swap3A_1584], %gather3A_1583 {strides = array<i32>} : memref<4608xf32, #tpu.memory_space<vmem>>, vector<16xf32>,
    %get3A_1586 = arith.constant 16 : index
    %get3A_1587 = tpu.vector_load %arg6[%get3A_1586] {strides = array<i32>} : memref<1536xi32, #tpu.memory_space<vmem>>, vector<16xi32>,
    %add3A_1588 = arith.constant 2048 : i32
    %add3A_1589 = vector.broadcast %add3A_1588 : i32 to vector<16xi32>
    %add3A_1590 = arith.addi %get3A_1587, %add3A_1589 : vector<16xi32>
    %gather3A_1591 = tpu.vector_load_idx %arg5[%add3A_1590] : memref<3072xf32, #tpu.memory_space<vmem>>[vector<16xi32>], vector<16xf32>,
    %swap3A_1592 = arith.constant 3088 : index
    %swap3A_1593 = tpu.vector_load %arg7[%swap3A_1592] {strides = array<i32>} : memref<4608xf32, #tpu.memory_space<vmem>>, vector<16xf32>,
    tpu.vector_store %arg7[%swap3A_1592], %gather3A_1591 {strides = array<i32>} : memref<4608xf32, #tpu.memory_space<vmem>>, vector<16xf32>,
    %get3A_1594 = arith.constant 32 : index
    %get3A_1595 = tpu.vector_load %arg6[%get3A_1594] {strides = array<i32>} : memref<1536xi32, #tpu.memory_space<vmem>>, vector<16xi32>,
    %add3A_1596 = arith.constant 2048 : i32
    %add3A_1597 = vector.broadcast %add3A_1596 : i32 to vector<16xi32>
    %add3A_1598 = arith.addi %get3A_1595, %add3A_1597 : vector<16xi32>
    %gather3A_1599 = tpu.vector_load_idx %arg5[%add3A_1598] : memref<3072xf32, #tpu.memory_space<vmem>>[vector<16xi32>], vector<16xf32>,
    %swap3A_1600 = arith.constant 3104 : index
    %swap3A_1601 = tpu.vector_load %arg7[%swap3A_1600] {strides = array<i32>} : memref<4608xf32, #tpu.memory_space<vmem>>, vector<16xf32>,
    tpu.vector_store %arg7[%swap3A_1600], %gather3A_1599 {strides = array<i32>} : memref<4608xf32, #tpu.memory_space<vmem>>, vector<16xf32>,
    %get3A_1602 = arith.constant 48 : index
    %get3A_1603 = tpu.vector_load %arg6[%get3A_1602] {strides = array<i32>} : memref<1536xi32, #tpu.memory_space<vmem>>, vector<16xi32>,
    %add3A_1604 = arith.constant 2048 : i32
    %add3A_1605 = vector.broadcast %add3A_1604 : i32 to vector<16xi32>
    %add3A_1606 = arith.addi %get3A_1603, %add3A_1605 : vector<16xi32>
    %gather3A_1607 = tpu.vector_load_idx %arg5[%add3A_1606] : memref<3072xf32, #tpu.memory_space<vmem>>[vector<16xi32>], vector<16xf32>,
    %swap3A_1608 = arith.constant 3120 : index
    %swap3A_1609 = tpu.vector_load %arg7[%swap3A_1608] {strides = array<i32>} : memref<4608xf32, #tpu.memory_space<vmem>>, vector<16xf32>,
    tpu.vector_store %arg7[%swap3A_1608], %gather3A_1607 {strides = array<i32>} : memref<4608xf32, #tpu.memory_space<vmem>>, vector<16xf32>,
    %get3A_1610 = arith.constant 64 : index
    %get3A_1611 = tpu.vector_load %arg6[%get3A_1610] {strides = array<i32>} : memref<1536xi32, #tpu.memory_space<vmem>>, vector<16xi32>,
    %add3A_1612 = arith.constant 2048 : i32
    %add3A_1613 = vector.broadcast %add3A_1612 : i32 to vector<16xi32>
    %add3A_1614 = arith.addi %get3A_1611, %add3A_1613 : vector<16xi32>
    %gather3A_1615 = tpu.vector_load_idx %arg5[%add3A_1614] : memref<3072xf32, #tpu.memory_space<vmem>>[vector<16xi32>], vector<16xf32>,
    %swap3A_1616 = arith.constant 3136 : index
    %swap3A_1617 = tpu.vector_load %arg7[%swap3A_1616] {strides = array<i32>} : memref<4608xf32, #tpu.memory_space<vmem>>, vector<16xf32>,
    tpu.vector_store %arg7[%swap3A_1616], %gather3A_1615 {strides = array<i32>} : memref<4608xf32, #tpu.memory_space<vmem>>, vector<16xf32>,
    %get3A_1618 = arith.constant 80 : index
    %get3A_1619 = tpu.vector_load %arg6[%get3A_1618] {strides = array<i32>} : memref<1536xi32, #tpu.memory_space<vmem>>, vector<16xi32>,
    %add3A_1620 = arith.constant 2048 : i32
    %add3A_1621 = vector.broadcast %add3A_1620 : i32 to vector<16xi32>
    %add3A_1622 = arith.addi %get3A_1619, %add3A_1621 : vector<16xi32>
    %gather3A_1623 = tpu.vector_load_idx %arg5[%add3A_1622] : memref<3072xf32, #tpu.memory_space<vmem>>[vector<16xi32>], vector<16xf32>,
    %swap3A_1624 = arith.constant 3152 : index
    %swap3A_1625 = tpu.vector_load %arg7[%swap3A_1624] {strides = array<i32>} : memref<4608xf32, #tpu.memory_space<vmem>>, vector<16xf32>,
    tpu.vector_store %arg7[%swap3A_1624], %gather3A_1623 {strides = array<i32>} : memref<4608xf32, #tpu.memory_space<vmem>>, vector<16xf32>,
    %get3A_1626 = arith.constant 96 : index
    %get3A_1627 = tpu.vector_load %arg6[%get3A_1626] {strides = array<i32>} : memref<1536xi32, #tpu.memory_space<vmem>>, vector<16xi32>,
    %add3A_1628 = arith.constant 2048 : i32
    %add3A_1629 = vector.broadcast %add3A_1628 : i32 to vector<16xi32>
    %add3A_1630 = arith.addi %get3A_1627, %add3A_1629 : vector<16xi32>
    %gather3A_1631 = tpu.vector_load_idx %arg5[%add3A_1630] : memref<3072xf32, #tpu.memory_space<vmem>>[vector<16xi32>], vector<16xf32>,
    %swap3A_1632 = arith.constant 3168 : index
    %swap3A_1633 = tpu.vector_load %arg7[%swap3A_1632] {strides = array<i32>} : memref<4608xf32, #tpu.memory_space<vmem>>, vector<16xf32>,
    tpu.vector_store %arg7[%swap3A_1632], %gather3A_1631 {strides = array<i32>} : memref<4608xf32, #tpu.memory_space<vmem>>, vector<16xf32>,
    %get3A_1634 = arith.constant 112 : index
    %get3A_1635 = tpu.vector_load %arg6[%get3A_1634] {strides = array<i32>} : memref<1536xi32, #tpu.memory_space<vmem>>, vector<16xi32>,
    %add3A_1636 = arith.constant 2048 : i32
    %add3A_1637 = vector.broadcast %add3A_1636 : i32 to vector<16xi32>
    %add3A_1638 = arith.addi %get3A_1635, %add3A_1637 : vector<16xi32>
    %gather3A_1639 = tpu.vector_load_idx %arg5[%add3A_1638] : memref<3072xf32, #tpu.memory_space<vmem>>[vector<16xi32>], vector<16xf32>,
    %swap3A_1640 = arith.constant 3184 : index
    %swap3A_1641 = tpu.vector_load %arg7[%swap3A_1640] {strides = array<i32>} : memref<4608xf32, #tpu.memory_space<vmem>>, vector<16xf32>,
    tpu.vector_store %arg7[%swap3A_1640], %gather3A_1639 {strides = array<i32>} : memref<4608xf32, #tpu.memory_space<vmem>>, vector<16xf32>,
    %get3A_1642 = arith.constant 128 : index
    %get3A_1643 = tpu.vector_load %arg6[%get3A_1642] {strides = array<i32>} : memref<1536xi32, #tpu.memory_space<vmem>>, vector<16xi32>,
    %add3A_1644 = arith.constant 2048 : i32
    %add3A_1645 = vector.broadcast %add3A_1644 : i32 to vector<16xi32>
    %add3A_1646 = arith.addi %get3A_1643, %add3A_1645 : vector<16xi32>
    %gather3A_1647 = tpu.vector_load_idx %arg5[%add3A_1646] : memref<3072xf32, #tpu.memory_space<vmem>>[vector<16xi32>], vector<16xf32>,
    %swap3A_1648 = arith.constant 3200 : index
    %swap3A_1649 = tpu.vector_load %arg7[%swap3A_1648] {strides = array<i32>} : memref<4608xf32, #tpu.memory_space<vmem>>, vector<16xf32>,
    tpu.vector_store %arg7[%swap3A_1648], %gather3A_1647 {strides = array<i32>} : memref<4608xf32, #tpu.memory_space<vmem>>, vector<16xf32>,
    %get3A_1650 = arith.constant 144 : index
    %get3A_1651 = tpu.vector_load %arg6[%get3A_1650] {strides = array<i32>} : memref<1536xi32, #tpu.memory_space<vmem>>, vector<16xi32>,
    %add3A_1652 = arith.constant 2048 : i32
    %add3A_1653 = vector.broadcast %add3A_1652 : i32 to vector<16xi32>
    %add3A_1654 = arith.addi %get3A_1651, %add3A_1653 : vector<16xi32>
    %gather3A_1655 = tpu.vector_load_idx %arg5[%add3A_1654] : memref<3072xf32, #tpu.memory_space<vmem>>[vector<16xi32>], vector<16xf32>,
    %swap3A_1656 = arith.constant 3216 : index
    %swap3A_1657 = tpu.vector_load %arg7[%swap3A_1656] {strides = array<i32>} : memref<4608xf32, #tpu.memory_space<vmem>>, vector<16xf32>,
    tpu.vector_store %arg7[%swap3A_1656], %gather3A_1655 {strides = array<i32>} : memref<4608xf32, #tpu.memory_space<vmem>>, vector<16xf32>,
    %get3A_1658 = arith.constant 160 : index
    %get3A_1659 = tpu.vector_load %arg6[%get3A_1658] {strides = array<i32>} : memref<1536xi32, #tpu.memory_space<vmem>>, vector<16xi32>,
    %add3A_1660 = arith.constant 2048 : i32
    %add3A_1661 = vector.broadcast %add3A_1660 : i32 to vector<16xi32>
    %add3A_1662 = arith.addi %get3A_1659, %add3A_1661 : vector<16xi32>
    %gather3A_1663 = tpu.vector_load_idx %arg5[%add3A_1662] : memref<3072xf32, #tpu.memory_space<vmem>>[vector<16xi32>], vector<16xf32>,
    %swap3A_1664 = arith.constant 3232 : index
    %swap3A_1665 = tpu.vector_load %arg7[%swap3A_1664] {strides = array<i32>} : memref<4608xf32, #tpu.memory_space<vmem>>, vector<16xf32>,
    tpu.vector_store %arg7[%swap3A_1664], %gather3A_1663 {strides = array<i32>} : memref<4608xf32, #tpu.memory_space<vmem>>, vector<16xf32>,
    %get3A_1666 = arith.constant 176 : index
    %get3A_1667 = tpu.vector_load %arg6[%get3A_1666] {strides = array<i32>} : memref<1536xi32, #tpu.memory_space<vmem>>, vector<16xi32>,
    %add3A_1668 = arith.constant 2048 : i32
    %add3A_1669 = vector.broadcast %add3A_1668 : i32 to vector<16xi32>
    %add3A_1670 = arith.addi %get3A_1667, %add3A_1669 : vector<16xi32>
    %gather3A_1671 = tpu.vector_load_idx %arg5[%add3A_1670] : memref<3072xf32, #tpu.memory_space<vmem>>[vector<16xi32>], vector<16xf32>,
    %swap3A_1672 = arith.constant 3248 : index
    %swap3A_1673 = tpu.vector_load %arg7[%swap3A_1672] {strides = array<i32>} : memref<4608xf32, #tpu.memory_space<vmem>>, vector<16xf32>,
    tpu.vector_store %arg7[%swap3A_1672], %gather3A_1671 {strides = array<i32>} : memref<4608xf32, #tpu.memory_space<vmem>>, vector<16xf32>,
    %get3A_1674 = arith.constant 192 : index
    %get3A_1675 = tpu.vector_load %arg6[%get3A_1674] {strides = array<i32>} : memref<1536xi32, #tpu.memory_space<vmem>>, vector<16xi32>,
    %add3A_1676 = arith.constant 2048 : i32
    %add3A_1677 = vector.broadcast %add3A_1676 : i32 to vector<16xi32>
    %add3A_1678 = arith.addi %get3A_1675, %add3A_1677 : vector<16xi32>
    %gather3A_1679 = tpu.vector_load_idx %arg5[%add3A_1678] : memref<3072xf32, #tpu.memory_space<vmem>>[vector<16xi32>], vector<16xf32>,
    %swap3A_1680 = arith.constant 3264 : index
    %swap3A_1681 = tpu.vector_load %arg7[%swap3A_1680] {strides = array<i32>} : memref<4608xf32, #tpu.memory_space<vmem>>, vector<16xf32>,
    tpu.vector_store %arg7[%swap3A_1680], %gather3A_1679 {strides = array<i32>} : memref<4608xf32, #tpu.memory_space<vmem>>, vector<16xf32>,
    %get3A_1682 = arith.constant 208 : index
    %get3A_1683 = tpu.vector_load %arg6[%get3A_1682] {strides = array<i32>} : memref<1536xi32, #tpu.memory_space<vmem>>, vector<16xi32>,
    %add3A_1684 = arith.constant 2048 : i32
    %add3A_1685 = vector.broadcast %add3A_1684 : i32 to vector<16xi32>
    %add3A_1686 = arith.addi %get3A_1683, %add3A_1685 : vector<16xi32>
    %gather3A_1687 = tpu.vector_load_idx %arg5[%add3A_1686] : memref<3072xf32, #tpu.memory_space<vmem>>[vector<16xi32>], vector<16xf32>,
    %swap3A_1688 = arith.constant 3280 : index
    %swap3A_1689 = tpu.vector_load %arg7[%swap3A_1688] {strides = array<i32>} : memref<4608xf32, #tpu.memory_space<vmem>>, vector<16xf32>,
    tpu.vector_store %arg7[%swap3A_1688], %gather3A_1687 {strides = array<i32>} : memref<4608xf32, #tpu.memory_space<vmem>>, vector<16xf32>,
    %get3A_1690 = arith.constant 224 : index
    %get3A_1691 = tpu.vector_load %arg6[%get3A_1690] {strides = array<i32>} : memref<1536xi32, #tpu.memory_space<vmem>>, vector<16xi32>,
    %add3A_1692 = arith.constant 2048 : i32
    %add3A_1693 = vector.broadcast %add3A_1692 : i32 to vector<16xi32>
    %add3A_1694 = arith.addi %get3A_1691, %add3A_1693 : vector<16xi32>
    %gather3A_1695 = tpu.vector_load_idx %arg5[%add3A_1694] : memref<3072xf32, #tpu.memory_space<vmem>>[vector<16xi32>], vector<16xf32>,
    %swap3A_1696 = arith.constant 3296 : index
    %swap3A_1697 = tpu.vector_load %arg7[%swap3A_1696] {strides = array<i32>} : memref<4608xf32, #tpu.memory_space<vmem>>, vector<16xf32>,
    tpu.vector_store %arg7[%swap3A_1696], %gather3A_1695 {strides = array<i32>} : memref<4608xf32, #tpu.memory_space<vmem>>, vector<16xf32>,
    %get3A_1698 = arith.constant 240 : index
    %get3A_1699 = tpu.vector_load %arg6[%get3A_1698] {strides = array<i32>} : memref<1536xi32, #tpu.memory_space<vmem>>, vector<16xi32>,
    %add3A_1700 = arith.constant 2048 : i32
    %add3A_1701 = vector.broadcast %add3A_1700 : i32 to vector<16xi32>
    %add3A_1702 = arith.addi %get3A_1699, %add3A_1701 : vector<16xi32>
    %gather3A_1703 = tpu.vector_load_idx %arg5[%add3A_1702] : memref<3072xf32, #tpu.memory_space<vmem>>[vector<16xi32>], vector<16xf32>,
    %swap3A_1704 = arith.constant 3312 : index
    %swap3A_1705 = tpu.vector_load %arg7[%swap3A_1704] {strides = array<i32>} : memref<4608xf32, #tpu.memory_space<vmem>>, vector<16xf32>,
    tpu.vector_store %arg7[%swap3A_1704], %gather3A_1703 {strides = array<i32>} : memref<4608xf32, #tpu.memory_space<vmem>>, vector<16xf32>,
    %get3A_1706 = arith.constant 256 : index
    %get3A_1707 = tpu.vector_load %arg6[%get3A_1706] {strides = array<i32>} : memref<1536xi32, #tpu.memory_space<vmem>>, vector<16xi32>,
    %add3A_1708 = arith.constant 2048 : i32
    %add3A_1709 = vector.broadcast %add3A_1708 : i32 to vector<16xi32>
    %add3A_1710 = arith.addi %get3A_1707, %add3A_1709 : vector<16xi32>
    %gather3A_1711 = tpu.vector_load_idx %arg5[%add3A_1710] : memref<3072xf32, #tpu.memory_space<vmem>>[vector<16xi32>], vector<16xf32>,
    %swap3A_1712 = arith.constant 3328 : index
    %swap3A_1713 = tpu.vector_load %arg7[%swap3A_1712] {strides = array<i32>} : memref<4608xf32, #tpu.memory_space<vmem>>, vector<16xf32>,
    tpu.vector_store %arg7[%swap3A_1712], %gather3A_1711 {strides = array<i32>} : memref<4608xf32, #tpu.memory_space<vmem>>, vector<16xf32>,
    %get3A_1714 = arith.constant 272 : index
    %get3A_1715 = tpu.vector_load %arg6[%get3A_1714] {strides = array<i32>} : memref<1536xi32, #tpu.memory_space<vmem>>, vector<16xi32>,
    %add3A_1716 = arith.constant 2048 : i32
    %add3A_1717 = vector.broadcast %add3A_1716 : i32 to vector<16xi32>
    %add3A_1718 = arith.addi %get3A_1715, %add3A_1717 : vector<16xi32>
    %gather3A_1719 = tpu.vector_load_idx %arg5[%add3A_1718] : memref<3072xf32, #tpu.memory_space<vmem>>[vector<16xi32>], vector<16xf32>,
    %swap3A_1720 = arith.constant 3344 : index
    %swap3A_1721 = tpu.vector_load %arg7[%swap3A_1720] {strides = array<i32>} : memref<4608xf32, #tpu.memory_space<vmem>>, vector<16xf32>,
    tpu.vector_store %arg7[%swap3A_1720], %gather3A_1719 {strides = array<i32>} : memref<4608xf32, #tpu.memory_space<vmem>>, vector<16xf32>,
    %get3A_1722 = arith.constant 288 : index
    %get3A_1723 = tpu.vector_load %arg6[%get3A_1722] {strides = array<i32>} : memref<1536xi32, #tpu.memory_space<vmem>>, vector<16xi32>,
    %add3A_1724 = arith.constant 2048 : i32
    %add3A_1725 = vector.broadcast %add3A_1724 : i32 to vector<16xi32>
    %add3A_1726 = arith.addi %get3A_1723, %add3A_1725 : vector<16xi32>
    %gather3A_1727 = tpu.vector_load_idx %arg5[%add3A_1726] : memref<3072xf32, #tpu.memory_space<vmem>>[vector<16xi32>], vector<16xf32>,
    %swap3A_1728 = arith.constant 3360 : index
    %swap3A_1729 = tpu.vector_load %arg7[%swap3A_1728] {strides = array<i32>} : memref<4608xf32, #tpu.memory_space<vmem>>, vector<16xf32>,
    tpu.vector_store %arg7[%swap3A_1728], %gather3A_1727 {strides = array<i32>} : memref<4608xf32, #tpu.memory_space<vmem>>, vector<16xf32>,
    %get3A_1730 = arith.constant 304 : index
    %get3A_1731 = tpu.vector_load %arg6[%get3A_1730] {strides = array<i32>} : memref<1536xi32, #tpu.memory_space<vmem>>, vector<16xi32>,
    %add3A_1732 = arith.constant 2048 : i32
    %add3A_1733 = vector.broadcast %add3A_1732 : i32 to vector<16xi32>
    %add3A_1734 = arith.addi %get3A_1731, %add3A_1733 : vector<16xi32>
    %gather3A_1735 = tpu.vector_load_idx %arg5[%add3A_1734] : memref<3072xf32, #tpu.memory_space<vmem>>[vector<16xi32>], vector<16xf32>,
    %swap3A_1736 = arith.constant 3376 : index
    %swap3A_1737 = tpu.vector_load %arg7[%swap3A_1736] {strides = array<i32>} : memref<4608xf32, #tpu.memory_space<vmem>>, vector<16xf32>,
    tpu.vector_store %arg7[%swap3A_1736], %gather3A_1735 {strides = array<i32>} : memref<4608xf32, #tpu.memory_space<vmem>>, vector<16xf32>,
    %get3A_1738 = arith.constant 320 : index
    %get3A_1739 = tpu.vector_load %arg6[%get3A_1738] {strides = array<i32>} : memref<1536xi32, #tpu.memory_space<vmem>>, vector<16xi32>,
    %add3A_1740 = arith.constant 2048 : i32
    %add3A_1741 = vector.broadcast %add3A_1740 : i32 to vector<16xi32>
    %add3A_1742 = arith.addi %get3A_1739, %add3A_1741 : vector<16xi32>
    %gather3A_1743 = tpu.vector_load_idx %arg5[%add3A_1742] : memref<3072xf32, #tpu.memory_space<vmem>>[vector<16xi32>], vector<16xf32>,
    %swap3A_1744 = arith.constant 3392 : index
    %swap3A_1745 = tpu.vector_load %arg7[%swap3A_1744] {strides = array<i32>} : memref<4608xf32, #tpu.memory_space<vmem>>, vector<16xf32>,
    tpu.vector_store %arg7[%swap3A_1744], %gather3A_1743 {strides = array<i32>} : memref<4608xf32, #tpu.memory_space<vmem>>, vector<16xf32>,
    %get3A_1746 = arith.constant 336 : index
    %get3A_1747 = tpu.vector_load %arg6[%get3A_1746] {strides = array<i32>} : memref<1536xi32, #tpu.memory_space<vmem>>, vector<16xi32>,
    %add3A_1748 = arith.constant 2048 : i32
    %add3A_1749 = vector.broadcast %add3A_1748 : i32 to vector<16xi32>
    %add3A_1750 = arith.addi %get3A_1747, %add3A_1749 : vector<16xi32>
    %gather3A_1751 = tpu.vector_load_idx %arg5[%add3A_1750] : memref<3072xf32, #tpu.memory_space<vmem>>[vector<16xi32>], vector<16xf32>,
    %swap3A_1752 = arith.constant 3408 : index
    %swap3A_1753 = tpu.vector_load %arg7[%swap3A_1752] {strides = array<i32>} : memref<4608xf32, #tpu.memory_space<vmem>>, vector<16xf32>,
    tpu.vector_store %arg7[%swap3A_1752], %gather3A_1751 {strides = array<i32>} : memref<4608xf32, #tpu.memory_space<vmem>>, vector<16xf32>,
    %get3A_1754 = arith.constant 352 : index
    %get3A_1755 = tpu.vector_load %arg6[%get3A_1754] {strides = array<i32>} : memref<1536xi32, #tpu.memory_space<vmem>>, vector<16xi32>,
    %add3A_1756 = arith.constant 2048 : i32
    %add3A_1757 = vector.broadcast %add3A_1756 : i32 to vector<16xi32>
    %add3A_1758 = arith.addi %get3A_1755, %add3A_1757 : vector<16xi32>
    %gather3A_1759 = tpu.vector_load_idx %arg5[%add3A_1758] : memref<3072xf32, #tpu.memory_space<vmem>>[vector<16xi32>], vector<16xf32>,
    %swap3A_1760 = arith.constant 3424 : index
    %swap3A_1761 = tpu.vector_load %arg7[%swap3A_1760] {strides = array<i32>} : memref<4608xf32, #tpu.memory_space<vmem>>, vector<16xf32>,
    tpu.vector_store %arg7[%swap3A_1760], %gather3A_1759 {strides = array<i32>} : memref<4608xf32, #tpu.memory_space<vmem>>, vector<16xf32>,
    %get3A_1762 = arith.constant 368 : index
    %get3A_1763 = tpu.vector_load %arg6[%get3A_1762] {strides = array<i32>} : memref<1536xi32, #tpu.memory_space<vmem>>, vector<16xi32>,
    %add3A_1764 = arith.constant 2048 : i32
    %add3A_1765 = vector.broadcast %add3A_1764 : i32 to vector<16xi32>
    %add3A_1766 = arith.addi %get3A_1763, %add3A_1765 : vector<16xi32>
    %gather3A_1767 = tpu.vector_load_idx %arg5[%add3A_1766] : memref<3072xf32, #tpu.memory_space<vmem>>[vector<16xi32>], vector<16xf32>,
    %swap3A_1768 = arith.constant 3440 : index
    %swap3A_1769 = tpu.vector_load %arg7[%swap3A_1768] {strides = array<i32>} : memref<4608xf32, #tpu.memory_space<vmem>>, vector<16xf32>,
    tpu.vector_store %arg7[%swap3A_1768], %gather3A_1767 {strides = array<i32>} : memref<4608xf32, #tpu.memory_space<vmem>>, vector<16xf32>,
    %get3A_1770 = arith.constant 384 : index
    %get3A_1771 = tpu.vector_load %arg6[%get3A_1770] {strides = array<i32>} : memref<1536xi32, #tpu.memory_space<vmem>>, vector<16xi32>,
    %add3A_1772 = arith.constant 2048 : i32
    %add3A_1773 = vector.broadcast %add3A_1772 : i32 to vector<16xi32>
    %add3A_1774 = arith.addi %get3A_1771, %add3A_1773 : vector<16xi32>
    %gather3A_1775 = tpu.vector_load_idx %arg5[%add3A_1774] : memref<3072xf32, #tpu.memory_space<vmem>>[vector<16xi32>], vector<16xf32>,
    %swap3A_1776 = arith.constant 3456 : index
    %swap3A_1777 = tpu.vector_load %arg7[%swap3A_1776] {strides = array<i32>} : memref<4608xf32, #tpu.memory_space<vmem>>, vector<16xf32>,
    tpu.vector_store %arg7[%swap3A_1776], %gather3A_1775 {strides = array<i32>} : memref<4608xf32, #tpu.memory_space<vmem>>, vector<16xf32>,
    %get3A_1778 = arith.constant 400 : index
    %get3A_1779 = tpu.vector_load %arg6[%get3A_1778] {strides = array<i32>} : memref<1536xi32, #tpu.memory_space<vmem>>, vector<16xi32>,
    %add3A_1780 = arith.constant 2048 : i32
    %add3A_1781 = vector.broadcast %add3A_1780 : i32 to vector<16xi32>
    %add3A_1782 = arith.addi %get3A_1779, %add3A_1781 : vector<16xi32>
    %gather3A_1783 = tpu.vector_load_idx %arg5[%add3A_1782] : memref<3072xf32, #tpu.memory_space<vmem>>[vector<16xi32>], vector<16xf32>,
    %swap3A_1784 = arith.constant 3472 : index
    %swap3A_1785 = tpu.vector_load %arg7[%swap3A_1784] {strides = array<i32>} : memref<4608xf32, #tpu.memory_space<vmem>>, vector<16xf32>,
    tpu.vector_store %arg7[%swap3A_1784], %gather3A_1783 {strides = array<i32>} : memref<4608xf32, #tpu.memory_space<vmem>>, vector<16xf32>,
    %get3A_1786 = arith.constant 416 : index
    %get3A_1787 = tpu.vector_load %arg6[%get3A_1786] {strides = array<i32>} : memref<1536xi32, #tpu.memory_space<vmem>>, vector<16xi32>,
    %add3A_1788 = arith.constant 2048 : i32
    %add3A_1789 = vector.broadcast %add3A_1788 : i32 to vector<16xi32>
    %add3A_1790 = arith.addi %get3A_1787, %add3A_1789 : vector<16xi32>
    %gather3A_1791 = tpu.vector_load_idx %arg5[%add3A_1790] : memref<3072xf32, #tpu.memory_space<vmem>>[vector<16xi32>], vector<16xf32>,
    %swap3A_1792 = arith.constant 3488 : index
    %swap3A_1793 = tpu.vector_load %arg7[%swap3A_1792] {strides = array<i32>} : memref<4608xf32, #tpu.memory_space<vmem>>, vector<16xf32>,
    tpu.vector_store %arg7[%swap3A_1792], %gather3A_1791 {strides = array<i32>} : memref<4608xf32, #tpu.memory_space<vmem>>, vector<16xf32>,
    %get3A_1794 = arith.constant 432 : index
    %get3A_1795 = tpu.vector_load %arg6[%get3A_1794] {strides = array<i32>} : memref<1536xi32, #tpu.memory_space<vmem>>, vector<16xi32>,
    %add3A_1796 = arith.constant 2048 : i32
    %add3A_1797 = vector.broadcast %add3A_1796 : i32 to vector<16xi32>
    %add3A_1798 = arith.addi %get3A_1795, %add3A_1797 : vector<16xi32>
    %gather3A_1799 = tpu.vector_load_idx %arg5[%add3A_1798] : memref<3072xf32, #tpu.memory_space<vmem>>[vector<16xi32>], vector<16xf32>,
    %swap3A_1800 = arith.constant 3504 : index
    %swap3A_1801 = tpu.vector_load %arg7[%swap3A_1800] {strides = array<i32>} : memref<4608xf32, #tpu.memory_space<vmem>>, vector<16xf32>,
    tpu.vector_store %arg7[%swap3A_1800], %gather3A_1799 {strides = array<i32>} : memref<4608xf32, #tpu.memory_space<vmem>>, vector<16xf32>,
    %get3A_1802 = arith.constant 448 : index
    %get3A_1803 = tpu.vector_load %arg6[%get3A_1802] {strides = array<i32>} : memref<1536xi32, #tpu.memory_space<vmem>>, vector<16xi32>,
    %add3A_1804 = arith.constant 2048 : i32
    %add3A_1805 = vector.broadcast %add3A_1804 : i32 to vector<16xi32>
    %add3A_1806 = arith.addi %get3A_1803, %add3A_1805 : vector<16xi32>
    %gather3A_1807 = tpu.vector_load_idx %arg5[%add3A_1806] : memref<3072xf32, #tpu.memory_space<vmem>>[vector<16xi32>], vector<16xf32>,
    %swap3A_1808 = arith.constant 3520 : index
    %swap3A_1809 = tpu.vector_load %arg7[%swap3A_1808] {strides = array<i32>} : memref<4608xf32, #tpu.memory_space<vmem>>, vector<16xf32>,
    tpu.vector_store %arg7[%swap3A_1808], %gather3A_1807 {strides = array<i32>} : memref<4608xf32, #tpu.memory_space<vmem>>, vector<16xf32>,
    %get3A_1810 = arith.constant 464 : index
    %get3A_1811 = tpu.vector_load %arg6[%get3A_1810] {strides = array<i32>} : memref<1536xi32, #tpu.memory_space<vmem>>, vector<16xi32>,
    %add3A_1812 = arith.constant 2048 : i32
    %add3A_1813 = vector.broadcast %add3A_1812 : i32 to vector<16xi32>
    %add3A_1814 = arith.addi %get3A_1811, %add3A_1813 : vector<16xi32>
    %gather3A_1815 = tpu.vector_load_idx %arg5[%add3A_1814] : memref<3072xf32, #tpu.memory_space<vmem>>[vector<16xi32>], vector<16xf32>,
    %swap3A_1816 = arith.constant 3536 : index
    %swap3A_1817 = tpu.vector_load %arg7[%swap3A_1816] {strides = array<i32>} : memref<4608xf32, #tpu.memory_space<vmem>>, vector<16xf32>,
    tpu.vector_store %arg7[%swap3A_1816], %gather3A_1815 {strides = array<i32>} : memref<4608xf32, #tpu.memory_space<vmem>>, vector<16xf32>,
    %get3A_1818 = arith.constant 480 : index
    %get3A_1819 = tpu.vector_load %arg6[%get3A_1818] {strides = array<i32>} : memref<1536xi32, #tpu.memory_space<vmem>>, vector<16xi32>,
    %add3A_1820 = arith.constant 2048 : i32
    %add3A_1821 = vector.broadcast %add3A_1820 : i32 to vector<16xi32>
    %add3A_1822 = arith.addi %get3A_1819, %add3A_1821 : vector<16xi32>
    %gather3A_1823 = tpu.vector_load_idx %arg5[%add3A_1822] : memref<3072xf32, #tpu.memory_space<vmem>>[vector<16xi32>], vector<16xf32>,
    %swap3A_1824 = arith.constant 3552 : index
    %swap3A_1825 = tpu.vector_load %arg7[%swap3A_1824] {strides = array<i32>} : memref<4608xf32, #tpu.memory_space<vmem>>, vector<16xf32>,
    tpu.vector_store %arg7[%swap3A_1824], %gather3A_1823 {strides = array<i32>} : memref<4608xf32, #tpu.memory_space<vmem>>, vector<16xf32>,
    %get3A_1826 = arith.constant 496 : index
    %get3A_1827 = tpu.vector_load %arg6[%get3A_1826] {strides = array<i32>} : memref<1536xi32, #tpu.memory_space<vmem>>, vector<16xi32>,
    %add3A_1828 = arith.constant 2048 : i32
    %add3A_1829 = vector.broadcast %add3A_1828 : i32 to vector<16xi32>
    %add3A_1830 = arith.addi %get3A_1827, %add3A_1829 : vector<16xi32>
    %gather3A_1831 = tpu.vector_load_idx %arg5[%add3A_1830] : memref<3072xf32, #tpu.memory_space<vmem>>[vector<16xi32>], vector<16xf32>,
    %swap3A_1832 = arith.constant 3568 : index
    %swap3A_1833 = tpu.vector_load %arg7[%swap3A_1832] {strides = array<i32>} : memref<4608xf32, #tpu.memory_space<vmem>>, vector<16xf32>,
    tpu.vector_store %arg7[%swap3A_1832], %gather3A_1831 {strides = array<i32>} : memref<4608xf32, #tpu.memory_space<vmem>>, vector<16xf32>,
    %get3A_1834 = arith.constant 512 : index
    %get3A_1835 = tpu.vector_load %arg6[%get3A_1834] {strides = array<i32>} : memref<1536xi32, #tpu.memory_space<vmem>>, vector<16xi32>,
    %add3A_1836 = arith.constant 2048 : i32
    %add3A_1837 = vector.broadcast %add3A_1836 : i32 to vector<16xi32>
    %add3A_1838 = arith.addi %get3A_1835, %add3A_1837 : vector<16xi32>
    %gather3A_1839 = tpu.vector_load_idx %arg5[%add3A_1838] : memref<3072xf32, #tpu.memory_space<vmem>>[vector<16xi32>], vector<16xf32>,
    %swap3A_1840 = arith.constant 3584 : index
    %swap3A_1841 = tpu.vector_load %arg7[%swap3A_1840] {strides = array<i32>} : memref<4608xf32, #tpu.memory_space<vmem>>, vector<16xf32>,
    tpu.vector_store %arg7[%swap3A_1840], %gather3A_1839 {strides = array<i32>} : memref<4608xf32, #tpu.memory_space<vmem>>, vector<16xf32>,
    %get3A_1842 = arith.constant 528 : index
    %get3A_1843 = tpu.vector_load %arg6[%get3A_1842] {strides = array<i32>} : memref<1536xi32, #tpu.memory_space<vmem>>, vector<16xi32>,
    %add3A_1844 = arith.constant 2048 : i32
    %add3A_1845 = vector.broadcast %add3A_1844 : i32 to vector<16xi32>
    %add3A_1846 = arith.addi %get3A_1843, %add3A_1845 : vector<16xi32>
    %gather3A_1847 = tpu.vector_load_idx %arg5[%add3A_1846] : memref<3072xf32, #tpu.memory_space<vmem>>[vector<16xi32>], vector<16xf32>,
    %swap3A_1848 = arith.constant 3600 : index
    %swap3A_1849 = tpu.vector_load %arg7[%swap3A_1848] {strides = array<i32>} : memref<4608xf32, #tpu.memory_space<vmem>>, vector<16xf32>,
    tpu.vector_store %arg7[%swap3A_1848], %gather3A_1847 {strides = array<i32>} : memref<4608xf32, #tpu.memory_space<vmem>>, vector<16xf32>,
    %get3A_1850 = arith.constant 544 : index
    %get3A_1851 = tpu.vector_load %arg6[%get3A_1850] {strides = array<i32>} : memref<1536xi32, #tpu.memory_space<vmem>>, vector<16xi32>,
    %add3A_1852 = arith.constant 2048 : i32
    %add3A_1853 = vector.broadcast %add3A_1852 : i32 to vector<16xi32>
    %add3A_1854 = arith.addi %get3A_1851, %add3A_1853 : vector<16xi32>
    %gather3A_1855 = tpu.vector_load_idx %arg5[%add3A_1854] : memref<3072xf32, #tpu.memory_space<vmem>>[vector<16xi32>], vector<16xf32>,
    %swap3A_1856 = arith.constant 3616 : index
    %swap3A_1857 = tpu.vector_load %arg7[%swap3A_1856] {strides = array<i32>} : memref<4608xf32, #tpu.memory_space<vmem>>, vector<16xf32>,
    tpu.vector_store %arg7[%swap3A_1856], %gather3A_1855 {strides = array<i32>} : memref<4608xf32, #tpu.memory_space<vmem>>, vector<16xf32>,
    %get3A_1858 = arith.constant 560 : index
    %get3A_1859 = tpu.vector_load %arg6[%get3A_1858] {strides = array<i32>} : memref<1536xi32, #tpu.memory_space<vmem>>, vector<16xi32>,
    %add3A_1860 = arith.constant 2048 : i32
    %add3A_1861 = vector.broadcast %add3A_1860 : i32 to vector<16xi32>
    %add3A_1862 = arith.addi %get3A_1859, %add3A_1861 : vector<16xi32>
    %gather3A_1863 = tpu.vector_load_idx %arg5[%add3A_1862] : memref<3072xf32, #tpu.memory_space<vmem>>[vector<16xi32>], vector<16xf32>,
    %swap3A_1864 = arith.constant 3632 : index
    %swap3A_1865 = tpu.vector_load %arg7[%swap3A_1864] {strides = array<i32>} : memref<4608xf32, #tpu.memory_space<vmem>>, vector<16xf32>,
    tpu.vector_store %arg7[%swap3A_1864], %gather3A_1863 {strides = array<i32>} : memref<4608xf32, #tpu.memory_space<vmem>>, vector<16xf32>,
    %get3A_1866 = arith.constant 576 : index
    %get3A_1867 = tpu.vector_load %arg6[%get3A_1866] {strides = array<i32>} : memref<1536xi32, #tpu.memory_space<vmem>>, vector<16xi32>,
    %add3A_1868 = arith.constant 2048 : i32
    %add3A_1869 = vector.broadcast %add3A_1868 : i32 to vector<16xi32>
    %add3A_1870 = arith.addi %get3A_1867, %add3A_1869 : vector<16xi32>
    %gather3A_1871 = tpu.vector_load_idx %arg5[%add3A_1870] : memref<3072xf32, #tpu.memory_space<vmem>>[vector<16xi32>], vector<16xf32>,
    %swap3A_1872 = arith.constant 3648 : index
    %swap3A_1873 = tpu.vector_load %arg7[%swap3A_1872] {strides = array<i32>} : memref<4608xf32, #tpu.memory_space<vmem>>, vector<16xf32>,
    tpu.vector_store %arg7[%swap3A_1872], %gather3A_1871 {strides = array<i32>} : memref<4608xf32, #tpu.memory_space<vmem>>, vector<16xf32>,
    %get3A_1874 = arith.constant 592 : index
    %get3A_1875 = tpu.vector_load %arg6[%get3A_1874] {strides = array<i32>} : memref<1536xi32, #tpu.memory_space<vmem>>, vector<16xi32>,
    %add3A_1876 = arith.constant 2048 : i32
    %add3A_1877 = vector.broadcast %add3A_1876 : i32 to vector<16xi32>
    %add3A_1878 = arith.addi %get3A_1875, %add3A_1877 : vector<16xi32>
    %gather3A_1879 = tpu.vector_load_idx %arg5[%add3A_1878] : memref<3072xf32, #tpu.memory_space<vmem>>[vector<16xi32>], vector<16xf32>,
    %swap3A_1880 = arith.constant 3664 : index
    %swap3A_1881 = tpu.vector_load %arg7[%swap3A_1880] {strides = array<i32>} : memref<4608xf32, #tpu.memory_space<vmem>>, vector<16xf32>,
    tpu.vector_store %arg7[%swap3A_1880], %gather3A_1879 {strides = array<i32>} : memref<4608xf32, #tpu.memory_space<vmem>>, vector<16xf32>,
    %get3A_1882 = arith.constant 608 : index
    %get3A_1883 = tpu.vector_load %arg6[%get3A_1882] {strides = array<i32>} : memref<1536xi32, #tpu.memory_space<vmem>>, vector<16xi32>,
    %add3A_1884 = arith.constant 2048 : i32
    %add3A_1885 = vector.broadcast %add3A_1884 : i32 to vector<16xi32>
    %add3A_1886 = arith.addi %get3A_1883, %add3A_1885 : vector<16xi32>
    %gather3A_1887 = tpu.vector_load_idx %arg5[%add3A_1886] : memref<3072xf32, #tpu.memory_space<vmem>>[vector<16xi32>], vector<16xf32>,
    %swap3A_1888 = arith.constant 3680 : index
    %swap3A_1889 = tpu.vector_load %arg7[%swap3A_1888] {strides = array<i32>} : memref<4608xf32, #tpu.memory_space<vmem>>, vector<16xf32>,
    tpu.vector_store %arg7[%swap3A_1888], %gather3A_1887 {strides = array<i32>} : memref<4608xf32, #tpu.memory_space<vmem>>, vector<16xf32>,
    %get3A_1890 = arith.constant 624 : index
    %get3A_1891 = tpu.vector_load %arg6[%get3A_1890] {strides = array<i32>} : memref<1536xi32, #tpu.memory_space<vmem>>, vector<16xi32>,
    %add3A_1892 = arith.constant 2048 : i32
    %add3A_1893 = vector.broadcast %add3A_1892 : i32 to vector<16xi32>
    %add3A_1894 = arith.addi %get3A_1891, %add3A_1893 : vector<16xi32>
    %gather3A_1895 = tpu.vector_load_idx %arg5[%add3A_1894] : memref<3072xf32, #tpu.memory_space<vmem>>[vector<16xi32>], vector<16xf32>,
    %swap3A_1896 = arith.constant 3696 : index
    %swap3A_1897 = tpu.vector_load %arg7[%swap3A_1896] {strides = array<i32>} : memref<4608xf32, #tpu.memory_space<vmem>>, vector<16xf32>,
    tpu.vector_store %arg7[%swap3A_1896], %gather3A_1895 {strides = array<i32>} : memref<4608xf32, #tpu.memory_space<vmem>>, vector<16xf32>,
    %get3A_1898 = arith.constant 640 : index
    %get3A_1899 = tpu.vector_load %arg6[%get3A_1898] {strides = array<i32>} : memref<1536xi32, #tpu.memory_space<vmem>>, vector<16xi32>,
    %add3A_1900 = arith.constant 2048 : i32
    %add3A_1901 = vector.broadcast %add3A_1900 : i32 to vector<16xi32>
    %add3A_1902 = arith.addi %get3A_1899, %add3A_1901 : vector<16xi32>
    %gather3A_1903 = tpu.vector_load_idx %arg5[%add3A_1902] : memref<3072xf32, #tpu.memory_space<vmem>>[vector<16xi32>], vector<16xf32>,
    %swap3A_1904 = arith.constant 3712 : index
    %swap3A_1905 = tpu.vector_load %arg7[%swap3A_1904] {strides = array<i32>} : memref<4608xf32, #tpu.memory_space<vmem>>, vector<16xf32>,
    tpu.vector_store %arg7[%swap3A_1904], %gather3A_1903 {strides = array<i32>} : memref<4608xf32, #tpu.memory_space<vmem>>, vector<16xf32>,
    %get3A_1906 = arith.constant 656 : index
    %get3A_1907 = tpu.vector_load %arg6[%get3A_1906] {strides = array<i32>} : memref<1536xi32, #tpu.memory_space<vmem>>, vector<16xi32>,
    %add3A_1908 = arith.constant 2048 : i32
    %add3A_1909 = vector.broadcast %add3A_1908 : i32 to vector<16xi32>
    %add3A_1910 = arith.addi %get3A_1907, %add3A_1909 : vector<16xi32>
    %gather3A_1911 = tpu.vector_load_idx %arg5[%add3A_1910] : memref<3072xf32, #tpu.memory_space<vmem>>[vector<16xi32>], vector<16xf32>,
    %swap3A_1912 = arith.constant 3728 : index
    %swap3A_1913 = tpu.vector_load %arg7[%swap3A_1912] {strides = array<i32>} : memref<4608xf32, #tpu.memory_space<vmem>>, vector<16xf32>,
    tpu.vector_store %arg7[%swap3A_1912], %gather3A_1911 {strides = array<i32>} : memref<4608xf32, #tpu.memory_space<vmem>>, vector<16xf32>,
    %get3A_1914 = arith.constant 672 : index
    %get3A_1915 = tpu.vector_load %arg6[%get3A_1914] {strides = array<i32>} : memref<1536xi32, #tpu.memory_space<vmem>>, vector<16xi32>,
    %add3A_1916 = arith.constant 2048 : i32
    %add3A_1917 = vector.broadcast %add3A_1916 : i32 to vector<16xi32>
    %add3A_1918 = arith.addi %get3A_1915, %add3A_1917 : vector<16xi32>
    %gather3A_1919 = tpu.vector_load_idx %arg5[%add3A_1918] : memref<3072xf32, #tpu.memory_space<vmem>>[vector<16xi32>], vector<16xf32>,
    %swap3A_1920 = arith.constant 3744 : index
    %swap3A_1921 = tpu.vector_load %arg7[%swap3A_1920] {strides = array<i32>} : memref<4608xf32, #tpu.memory_space<vmem>>, vector<16xf32>,
    tpu.vector_store %arg7[%swap3A_1920], %gather3A_1919 {strides = array<i32>} : memref<4608xf32, #tpu.memory_space<vmem>>, vector<16xf32>,
    %get3A_1922 = arith.constant 688 : index
    %get3A_1923 = tpu.vector_load %arg6[%get3A_1922] {strides = array<i32>} : memref<1536xi32, #tpu.memory_space<vmem>>, vector<16xi32>,
    %add3A_1924 = arith.constant 2048 : i32
    %add3A_1925 = vector.broadcast %add3A_1924 : i32 to vector<16xi32>
    %add3A_1926 = arith.addi %get3A_1923, %add3A_1925 : vector<16xi32>
    %gather3A_1927 = tpu.vector_load_idx %arg5[%add3A_1926] : memref<3072xf32, #tpu.memory_space<vmem>>[vector<16xi32>], vector<16xf32>,
    %swap3A_1928 = arith.constant 3760 : index
    %swap3A_1929 = tpu.vector_load %arg7[%swap3A_1928] {strides = array<i32>} : memref<4608xf32, #tpu.memory_space<vmem>>, vector<16xf32>,
    tpu.vector_store %arg7[%swap3A_1928], %gather3A_1927 {strides = array<i32>} : memref<4608xf32, #tpu.memory_space<vmem>>, vector<16xf32>,
    %get3A_1930 = arith.constant 704 : index
    %get3A_1931 = tpu.vector_load %arg6[%get3A_1930] {strides = array<i32>} : memref<1536xi32, #tpu.memory_space<vmem>>, vector<16xi32>,
    %add3A_1932 = arith.constant 2048 : i32
    %add3A_1933 = vector.broadcast %add3A_1932 : i32 to vector<16xi32>
    %add3A_1934 = arith.addi %get3A_1931, %add3A_1933 : vector<16xi32>
    %gather3A_1935 = tpu.vector_load_idx %arg5[%add3A_1934] : memref<3072xf32, #tpu.memory_space<vmem>>[vector<16xi32>], vector<16xf32>,
    %swap3A_1936 = arith.constant 3776 : index
    %swap3A_1937 = tpu.vector_load %arg7[%swap3A_1936] {strides = array<i32>} : memref<4608xf32, #tpu.memory_space<vmem>>, vector<16xf32>,
    tpu.vector_store %arg7[%swap3A_1936], %gather3A_1935 {strides = array<i32>} : memref<4608xf32, #tpu.memory_space<vmem>>, vector<16xf32>,
    %get3A_1938 = arith.constant 720 : index
    %get3A_1939 = tpu.vector_load %arg6[%get3A_1938] {strides = array<i32>} : memref<1536xi32, #tpu.memory_space<vmem>>, vector<16xi32>,
    %add3A_1940 = arith.constant 2048 : i32
    %add3A_1941 = vector.broadcast %add3A_1940 : i32 to vector<16xi32>
    %add3A_1942 = arith.addi %get3A_1939, %add3A_1941 : vector<16xi32>
    %gather3A_1943 = tpu.vector_load_idx %arg5[%add3A_1942] : memref<3072xf32, #tpu.memory_space<vmem>>[vector<16xi32>], vector<16xf32>,
    %swap3A_1944 = arith.constant 3792 : index
    %swap3A_1945 = tpu.vector_load %arg7[%swap3A_1944] {strides = array<i32>} : memref<4608xf32, #tpu.memory_space<vmem>>, vector<16xf32>,
    tpu.vector_store %arg7[%swap3A_1944], %gather3A_1943 {strides = array<i32>} : memref<4608xf32, #tpu.memory_space<vmem>>, vector<16xf32>,
    %get3A_1946 = arith.constant 736 : index
    %get3A_1947 = tpu.vector_load %arg6[%get3A_1946] {strides = array<i32>} : memref<1536xi32, #tpu.memory_space<vmem>>, vector<16xi32>,
    %add3A_1948 = arith.constant 2048 : i32
    %add3A_1949 = vector.broadcast %add3A_1948 : i32 to vector<16xi32>
    %add3A_1950 = arith.addi %get3A_1947, %add3A_1949 : vector<16xi32>
    %gather3A_1951 = tpu.vector_load_idx %arg5[%add3A_1950] : memref<3072xf32, #tpu.memory_space<vmem>>[vector<16xi32>], vector<16xf32>,
    %swap3A_1952 = arith.constant 3808 : index
    %swap3A_1953 = tpu.vector_load %arg7[%swap3A_1952] {strides = array<i32>} : memref<4608xf32, #tpu.memory_space<vmem>>, vector<16xf32>,
    tpu.vector_store %arg7[%swap3A_1952], %gather3A_1951 {strides = array<i32>} : memref<4608xf32, #tpu.memory_space<vmem>>, vector<16xf32>,
    %get3A_1954 = arith.constant 752 : index
    %get3A_1955 = tpu.vector_load %arg6[%get3A_1954] {strides = array<i32>} : memref<1536xi32, #tpu.memory_space<vmem>>, vector<16xi32>,
    %add3A_1956 = arith.constant 2048 : i32
    %add3A_1957 = vector.broadcast %add3A_1956 : i32 to vector<16xi32>
    %add3A_1958 = arith.addi %get3A_1955, %add3A_1957 : vector<16xi32>
    %gather3A_1959 = tpu.vector_load_idx %arg5[%add3A_1958] : memref<3072xf32, #tpu.memory_space<vmem>>[vector<16xi32>], vector<16xf32>,
    %swap3A_1960 = arith.constant 3824 : index
    %swap3A_1961 = tpu.vector_load %arg7[%swap3A_1960] {strides = array<i32>} : memref<4608xf32, #tpu.memory_space<vmem>>, vector<16xf32>,
    tpu.vector_store %arg7[%swap3A_1960], %gather3A_1959 {strides = array<i32>} : memref<4608xf32, #tpu.memory_space<vmem>>, vector<16xf32>,
    %get3A_1962 = arith.constant 768 : index
    %get3A_1963 = tpu.vector_load %arg6[%get3A_1962] {strides = array<i32>} : memref<1536xi32, #tpu.memory_space<vmem>>, vector<16xi32>,
    %add3A_1964 = arith.constant 2048 : i32
    %add3A_1965 = vector.broadcast %add3A_1964 : i32 to vector<16xi32>
    %add3A_1966 = arith.addi %get3A_1963, %add3A_1965 : vector<16xi32>
    %gather3A_1967 = tpu.vector_load_idx %arg5[%add3A_1966] : memref<3072xf32, #tpu.memory_space<vmem>>[vector<16xi32>], vector<16xf32>,
    %swap3A_1968 = arith.constant 3840 : index
    %swap3A_1969 = tpu.vector_load %arg7[%swap3A_1968] {strides = array<i32>} : memref<4608xf32, #tpu.memory_space<vmem>>, vector<16xf32>,
    tpu.vector_store %arg7[%swap3A_1968], %gather3A_1967 {strides = array<i32>} : memref<4608xf32, #tpu.memory_space<vmem>>, vector<16xf32>,
    %get3A_1970 = arith.constant 784 : index
    %get3A_1971 = tpu.vector_load %arg6[%get3A_1970] {strides = array<i32>} : memref<1536xi32, #tpu.memory_space<vmem>>, vector<16xi32>,
    %add3A_1972 = arith.constant 2048 : i32
    %add3A_1973 = vector.broadcast %add3A_1972 : i32 to vector<16xi32>
    %add3A_1974 = arith.addi %get3A_1971, %add3A_1973 : vector<16xi32>
    %gather3A_1975 = tpu.vector_load_idx %arg5[%add3A_1974] : memref<3072xf32, #tpu.memory_space<vmem>>[vector<16xi32>], vector<16xf32>,
    %swap3A_1976 = arith.constant 3856 : index
    %swap3A_1977 = tpu.vector_load %arg7[%swap3A_1976] {strides = array<i32>} : memref<4608xf32, #tpu.memory_space<vmem>>, vector<16xf32>,
    tpu.vector_store %arg7[%swap3A_1976], %gather3A_1975 {strides = array<i32>} : memref<4608xf32, #tpu.memory_space<vmem>>, vector<16xf32>,
    %get3A_1978 = arith.constant 800 : index
    %get3A_1979 = tpu.vector_load %arg6[%get3A_1978] {strides = array<i32>} : memref<1536xi32, #tpu.memory_space<vmem>>, vector<16xi32>,
    %add3A_1980 = arith.constant 2048 : i32
    %add3A_1981 = vector.broadcast %add3A_1980 : i32 to vector<16xi32>
    %add3A_1982 = arith.addi %get3A_1979, %add3A_1981 : vector<16xi32>
    %gather3A_1983 = tpu.vector_load_idx %arg5[%add3A_1982] : memref<3072xf32, #tpu.memory_space<vmem>>[vector<16xi32>], vector<16xf32>,
    %swap3A_1984 = arith.constant 3872 : index
    %swap3A_1985 = tpu.vector_load %arg7[%swap3A_1984] {strides = array<i32>} : memref<4608xf32, #tpu.memory_space<vmem>>, vector<16xf32>,
    tpu.vector_store %arg7[%swap3A_1984], %gather3A_1983 {strides = array<i32>} : memref<4608xf32, #tpu.memory_space<vmem>>, vector<16xf32>,
    %get3A_1986 = arith.constant 816 : index
    %get3A_1987 = tpu.vector_load %arg6[%get3A_1986] {strides = array<i32>} : memref<1536xi32, #tpu.memory_space<vmem>>, vector<16xi32>,
    %add3A_1988 = arith.constant 2048 : i32
    %add3A_1989 = vector.broadcast %add3A_1988 : i32 to vector<16xi32>
    %add3A_1990 = arith.addi %get3A_1987, %add3A_1989 : vector<16xi32>
    %gather3A_1991 = tpu.vector_load_idx %arg5[%add3A_1990] : memref<3072xf32, #tpu.memory_space<vmem>>[vector<16xi32>], vector<16xf32>,
    %swap3A_1992 = arith.constant 3888 : index
    %swap3A_1993 = tpu.vector_load %arg7[%swap3A_1992] {strides = array<i32>} : memref<4608xf32, #tpu.memory_space<vmem>>, vector<16xf32>,
    tpu.vector_store %arg7[%swap3A_1992], %gather3A_1991 {strides = array<i32>} : memref<4608xf32, #tpu.memory_space<vmem>>, vector<16xf32>,
    %get3A_1994 = arith.constant 832 : index
    %get3A_1995 = tpu.vector_load %arg6[%get3A_1994] {strides = array<i32>} : memref<1536xi32, #tpu.memory_space<vmem>>, vector<16xi32>,
    %add3A_1996 = arith.constant 2048 : i32
    %add3A_1997 = vector.broadcast %add3A_1996 : i32 to vector<16xi32>
    %add3A_1998 = arith.addi %get3A_1995, %add3A_1997 : vector<16xi32>
    %gather3A_1999 = tpu.vector_load_idx %arg5[%add3A_1998] : memref<3072xf32, #tpu.memory_space<vmem>>[vector<16xi32>], vector<16xf32>,
    %swap3A_2000 = arith.constant 3904 : index
    %swap3A_2001 = tpu.vector_load %arg7[%swap3A_2000] {strides = array<i32>} : memref<4608xf32, #tpu.memory_space<vmem>>, vector<16xf32>,
    tpu.vector_store %arg7[%swap3A_2000], %gather3A_1999 {strides = array<i32>} : memref<4608xf32, #tpu.memory_space<vmem>>, vector<16xf32>,
    %get3A_2002 = arith.constant 848 : index
    %get3A_2003 = tpu.vector_load %arg6[%get3A_2002] {strides = array<i32>} : memref<1536xi32, #tpu.memory_space<vmem>>, vector<16xi32>,
    %add3A_2004 = arith.constant 2048 : i32
    %add3A_2005 = vector.broadcast %add3A_2004 : i32 to vector<16xi32>
    %add3A_2006 = arith.addi %get3A_2003, %add3A_2005 : vector<16xi32>
    %gather3A_2007 = tpu.vector_load_idx %arg5[%add3A_2006] : memref<3072xf32, #tpu.memory_space<vmem>>[vector<16xi32>], vector<16xf32>,
    %swap3A_2008 = arith.constant 3920 : index
    %swap3A_2009 = tpu.vector_load %arg7[%swap3A_2008] {strides = array<i32>} : memref<4608xf32, #tpu.memory_space<vmem>>, vector<16xf32>,
    tpu.vector_store %arg7[%swap3A_2008], %gather3A_2007 {strides = array<i32>} : memref<4608xf32, #tpu.memory_space<vmem>>, vector<16xf32>,
    %get3A_2010 = arith.constant 864 : index
    %get3A_2011 = tpu.vector_load %arg6[%get3A_2010] {strides = array<i32>} : memref<1536xi32, #tpu.memory_space<vmem>>, vector<16xi32>,
    %add3A_2012 = arith.constant 2048 : i32
    %add3A_2013 = vector.broadcast %add3A_2012 : i32 to vector<16xi32>
    %add3A_2014 = arith.addi %get3A_2011, %add3A_2013 : vector<16xi32>
    %gather3A_2015 = tpu.vector_load_idx %arg5[%add3A_2014] : memref<3072xf32, #tpu.memory_space<vmem>>[vector<16xi32>], vector<16xf32>,
    %swap3A_2016 = arith.constant 3936 : index
    %swap3A_2017 = tpu.vector_load %arg7[%swap3A_2016] {strides = array<i32>} : memref<4608xf32, #tpu.memory_space<vmem>>, vector<16xf32>,
    tpu.vector_store %arg7[%swap3A_2016], %gather3A_2015 {strides = array<i32>} : memref<4608xf32, #tpu.memory_space<vmem>>, vector<16xf32>,
    %get3A_2018 = arith.constant 880 : index
    %get3A_2019 = tpu.vector_load %arg6[%get3A_2018] {strides = array<i32>} : memref<1536xi32, #tpu.memory_space<vmem>>, vector<16xi32>,
    %add3A_2020 = arith.constant 2048 : i32
    %add3A_2021 = vector.broadcast %add3A_2020 : i32 to vector<16xi32>
    %add3A_2022 = arith.addi %get3A_2019, %add3A_2021 : vector<16xi32>
    %gather3A_2023 = tpu.vector_load_idx %arg5[%add3A_2022] : memref<3072xf32, #tpu.memory_space<vmem>>[vector<16xi32>], vector<16xf32>,
    %swap3A_2024 = arith.constant 3952 : index
    %swap3A_2025 = tpu.vector_load %arg7[%swap3A_2024] {strides = array<i32>} : memref<4608xf32, #tpu.memory_space<vmem>>, vector<16xf32>,
    tpu.vector_store %arg7[%swap3A_2024], %gather3A_2023 {strides = array<i32>} : memref<4608xf32, #tpu.memory_space<vmem>>, vector<16xf32>,
    %get3A_2026 = arith.constant 896 : index
    %get3A_2027 = tpu.vector_load %arg6[%get3A_2026] {strides = array<i32>} : memref<1536xi32, #tpu.memory_space<vmem>>, vector<16xi32>,
    %add3A_2028 = arith.constant 2048 : i32
    %add3A_2029 = vector.broadcast %add3A_2028 : i32 to vector<16xi32>
    %add3A_2030 = arith.addi %get3A_2027, %add3A_2029 : vector<16xi32>
    %gather3A_2031 = tpu.vector_load_idx %arg5[%add3A_2030] : memref<3072xf32, #tpu.memory_space<vmem>>[vector<16xi32>], vector<16xf32>,
    %swap3A_2032 = arith.constant 3968 : index
    %swap3A_2033 = tpu.vector_load %arg7[%swap3A_2032] {strides = array<i32>} : memref<4608xf32, #tpu.memory_space<vmem>>, vector<16xf32>,
    tpu.vector_store %arg7[%swap3A_2032], %gather3A_2031 {strides = array<i32>} : memref<4608xf32, #tpu.memory_space<vmem>>, vector<16xf32>,
    %get3A_2034 = arith.constant 912 : index
    %get3A_2035 = tpu.vector_load %arg6[%get3A_2034] {strides = array<i32>} : memref<1536xi32, #tpu.memory_space<vmem>>, vector<16xi32>,
    %add3A_2036 = arith.constant 2048 : i32
    %add3A_2037 = vector.broadcast %add3A_2036 : i32 to vector<16xi32>
    %add3A_2038 = arith.addi %get3A_2035, %add3A_2037 : vector<16xi32>
    %gather3A_2039 = tpu.vector_load_idx %arg5[%add3A_2038] : memref<3072xf32, #tpu.memory_space<vmem>>[vector<16xi32>], vector<16xf32>,
    %swap3A_2040 = arith.constant 3984 : index
    %swap3A_2041 = tpu.vector_load %arg7[%swap3A_2040] {strides = array<i32>} : memref<4608xf32, #tpu.memory_space<vmem>>, vector<16xf32>,
    tpu.vector_store %arg7[%swap3A_2040], %gather3A_2039 {strides = array<i32>} : memref<4608xf32, #tpu.memory_space<vmem>>, vector<16xf32>,
    %get3A_2042 = arith.constant 928 : index
    %get3A_2043 = tpu.vector_load %arg6[%get3A_2042] {strides = array<i32>} : memref<1536xi32, #tpu.memory_space<vmem>>, vector<16xi32>,
    %add3A_2044 = arith.constant 2048 : i32
    %add3A_2045 = vector.broadcast %add3A_2044 : i32 to vector<16xi32>
    %add3A_2046 = arith.addi %get3A_2043, %add3A_2045 : vector<16xi32>
    %gather3A_2047 = tpu.vector_load_idx %arg5[%add3A_2046] : memref<3072xf32, #tpu.memory_space<vmem>>[vector<16xi32>], vector<16xf32>,
    %swap3A_2048 = arith.constant 4000 : index
    %swap3A_2049 = tpu.vector_load %arg7[%swap3A_2048] {strides = array<i32>} : memref<4608xf32, #tpu.memory_space<vmem>>, vector<16xf32>,
    tpu.vector_store %arg7[%swap3A_2048], %gather3A_2047 {strides = array<i32>} : memref<4608xf32, #tpu.memory_space<vmem>>, vector<16xf32>,
    %get3A_2050 = arith.constant 944 : index
    %get3A_2051 = tpu.vector_load %arg6[%get3A_2050] {strides = array<i32>} : memref<1536xi32, #tpu.memory_space<vmem>>, vector<16xi32>,
    %add3A_2052 = arith.constant 2048 : i32
    %add3A_2053 = vector.broadcast %add3A_2052 : i32 to vector<16xi32>
    %add3A_2054 = arith.addi %get3A_2051, %add3A_2053 : vector<16xi32>
    %gather3A_2055 = tpu.vector_load_idx %arg5[%add3A_2054] : memref<3072xf32, #tpu.memory_space<vmem>>[vector<16xi32>], vector<16xf32>,
    %swap3A_2056 = arith.constant 4016 : index
    %swap3A_2057 = tpu.vector_load %arg7[%swap3A_2056] {strides = array<i32>} : memref<4608xf32, #tpu.memory_space<vmem>>, vector<16xf32>,
    tpu.vector_store %arg7[%swap3A_2056], %gather3A_2055 {strides = array<i32>} : memref<4608xf32, #tpu.memory_space<vmem>>, vector<16xf32>,
    %get3A_2058 = arith.constant 960 : index
    %get3A_2059 = tpu.vector_load %arg6[%get3A_2058] {strides = array<i32>} : memref<1536xi32, #tpu.memory_space<vmem>>, vector<16xi32>,
    %add3A_2060 = arith.constant 2048 : i32
    %add3A_2061 = vector.broadcast %add3A_2060 : i32 to vector<16xi32>
    %add3A_2062 = arith.addi %get3A_2059, %add3A_2061 : vector<16xi32>
    %gather3A_2063 = tpu.vector_load_idx %arg5[%add3A_2062] : memref<3072xf32, #tpu.memory_space<vmem>>[vector<16xi32>], vector<16xf32>,
    %swap3A_2064 = arith.constant 4032 : index
    %swap3A_2065 = tpu.vector_load %arg7[%swap3A_2064] {strides = array<i32>} : memref<4608xf32, #tpu.memory_space<vmem>>, vector<16xf32>,
    tpu.vector_store %arg7[%swap3A_2064], %gather3A_2063 {strides = array<i32>} : memref<4608xf32, #tpu.memory_space<vmem>>, vector<16xf32>,
    %get3A_2066 = arith.constant 976 : index
    %get3A_2067 = tpu.vector_load %arg6[%get3A_2066] {strides = array<i32>} : memref<1536xi32, #tpu.memory_space<vmem>>, vector<16xi32>,
    %add3A_2068 = arith.constant 2048 : i32
    %add3A_2069 = vector.broadcast %add3A_2068 : i32 to vector<16xi32>
    %add3A_2070 = arith.addi %get3A_2067, %add3A_2069 : vector<16xi32>
    %gather3A_2071 = tpu.vector_load_idx %arg5[%add3A_2070] : memref<3072xf32, #tpu.memory_space<vmem>>[vector<16xi32>], vector<16xf32>,
    %swap3A_2072 = arith.constant 4048 : index
    %swap3A_2073 = tpu.vector_load %arg7[%swap3A_2072] {strides = array<i32>} : memref<4608xf32, #tpu.memory_space<vmem>>, vector<16xf32>,
    tpu.vector_store %arg7[%swap3A_2072], %gather3A_2071 {strides = array<i32>} : memref<4608xf32, #tpu.memory_space<vmem>>, vector<16xf32>,
    %get3A_2074 = arith.constant 992 : index
    %get3A_2075 = tpu.vector_load %arg6[%get3A_2074] {strides = array<i32>} : memref<1536xi32, #tpu.memory_space<vmem>>, vector<16xi32>,
    %add3A_2076 = arith.constant 2048 : i32
    %add3A_2077 = vector.broadcast %add3A_2076 : i32 to vector<16xi32>
    %add3A_2078 = arith.addi %get3A_2075, %add3A_2077 : vector<16xi32>
    %gather3A_2079 = tpu.vector_load_idx %arg5[%add3A_2078] : memref<3072xf32, #tpu.memory_space<vmem>>[vector<16xi32>], vector<16xf32>,
    %swap3A_2080 = arith.constant 4064 : index
    %swap3A_2081 = tpu.vector_load %arg7[%swap3A_2080] {strides = array<i32>} : memref<4608xf32, #tpu.memory_space<vmem>>, vector<16xf32>,
    tpu.vector_store %arg7[%swap3A_2080], %gather3A_2079 {strides = array<i32>} : memref<4608xf32, #tpu.memory_space<vmem>>, vector<16xf32>,
    %get3A_2082 = arith.constant 1008 : index
    %get3A_2083 = tpu.vector_load %arg6[%get3A_2082] {strides = array<i32>} : memref<1536xi32, #tpu.memory_space<vmem>>, vector<16xi32>,
    %add3A_2084 = arith.constant 2048 : i32
    %add3A_2085 = vector.broadcast %add3A_2084 : i32 to vector<16xi32>
    %add3A_2086 = arith.addi %get3A_2083, %add3A_2085 : vector<16xi32>
    %gather3A_2087 = tpu.vector_load_idx %arg5[%add3A_2086] : memref<3072xf32, #tpu.memory_space<vmem>>[vector<16xi32>], vector<16xf32>,
    %swap3A_2088 = arith.constant 4080 : index
    %swap3A_2089 = tpu.vector_load %arg7[%swap3A_2088] {strides = array<i32>} : memref<4608xf32, #tpu.memory_space<vmem>>, vector<16xf32>,
    tpu.vector_store %arg7[%swap3A_2088], %gather3A_2087 {strides = array<i32>} : memref<4608xf32, #tpu.memory_space<vmem>>, vector<16xf32>,
    %get3A_2090 = arith.constant 1024 : index
    %get3A_2091 = tpu.vector_load %arg6[%get3A_2090] {strides = array<i32>} : memref<1536xi32, #tpu.memory_space<vmem>>, vector<16xi32>,
    %add3A_2092 = arith.constant 2048 : i32
    %add3A_2093 = vector.broadcast %add3A_2092 : i32 to vector<16xi32>
    %add3A_2094 = arith.addi %get3A_2091, %add3A_2093 : vector<16xi32>
    %gather3A_2095 = tpu.vector_load_idx %arg5[%add3A_2094] : memref<3072xf32, #tpu.memory_space<vmem>>[vector<16xi32>], vector<16xf32>,
    %swap3A_2096 = arith.constant 4096 : index
    %swap3A_2097 = tpu.vector_load %arg7[%swap3A_2096] {strides = array<i32>} : memref<4608xf32, #tpu.memory_space<vmem>>, vector<16xf32>,
    tpu.vector_store %arg7[%swap3A_2096], %gather3A_2095 {strides = array<i32>} : memref<4608xf32, #tpu.memory_space<vmem>>, vector<16xf32>,
    %get3A_2098 = arith.constant 1040 : index
    %get3A_2099 = tpu.vector_load %arg6[%get3A_2098] {strides = array<i32>} : memref<1536xi32, #tpu.memory_space<vmem>>, vector<16xi32>,
    %add3A_2100 = arith.constant 2048 : i32
    %add3A_2101 = vector.broadcast %add3A_2100 : i32 to vector<16xi32>
    %add3A_2102 = arith.addi %get3A_2099, %add3A_2101 : vector<16xi32>
    %gather3A_2103 = tpu.vector_load_idx %arg5[%add3A_2102] : memref<3072xf32, #tpu.memory_space<vmem>>[vector<16xi32>], vector<16xf32>,
    %swap3A_2104 = arith.constant 4112 : index
    %swap3A_2105 = tpu.vector_load %arg7[%swap3A_2104] {strides = array<i32>} : memref<4608xf32, #tpu.memory_space<vmem>>, vector<16xf32>,
    tpu.vector_store %arg7[%swap3A_2104], %gather3A_2103 {strides = array<i32>} : memref<4608xf32, #tpu.memory_space<vmem>>, vector<16xf32>,
    %get3A_2106 = arith.constant 1056 : index
    %get3A_2107 = tpu.vector_load %arg6[%get3A_2106] {strides = array<i32>} : memref<1536xi32, #tpu.memory_space<vmem>>, vector<16xi32>,
    %add3A_2108 = arith.constant 2048 : i32
    %add3A_2109 = vector.broadcast %add3A_2108 : i32 to vector<16xi32>
    %add3A_2110 = arith.addi %get3A_2107, %add3A_2109 : vector<16xi32>
    %gather3A_2111 = tpu.vector_load_idx %arg5[%add3A_2110] : memref<3072xf32, #tpu.memory_space<vmem>>[vector<16xi32>], vector<16xf32>,
    %swap3A_2112 = arith.constant 4128 : index
    %swap3A_2113 = tpu.vector_load %arg7[%swap3A_2112] {strides = array<i32>} : memref<4608xf32, #tpu.memory_space<vmem>>, vector<16xf32>,
    tpu.vector_store %arg7[%swap3A_2112], %gather3A_2111 {strides = array<i32>} : memref<4608xf32, #tpu.memory_space<vmem>>, vector<16xf32>,
    %get3A_2114 = arith.constant 1072 : index
    %get3A_2115 = tpu.vector_load %arg6[%get3A_2114] {strides = array<i32>} : memref<1536xi32, #tpu.memory_space<vmem>>, vector<16xi32>,
    %add3A_2116 = arith.constant 2048 : i32
    %add3A_2117 = vector.broadcast %add3A_2116 : i32 to vector<16xi32>
    %add3A_2118 = arith.addi %get3A_2115, %add3A_2117 : vector<16xi32>
    %gather3A_2119 = tpu.vector_load_idx %arg5[%add3A_2118] : memref<3072xf32, #tpu.memory_space<vmem>>[vector<16xi32>], vector<16xf32>,
    %swap3A_2120 = arith.constant 4144 : index
    %swap3A_2121 = tpu.vector_load %arg7[%swap3A_2120] {strides = array<i32>} : memref<4608xf32, #tpu.memory_space<vmem>>, vector<16xf32>,
    tpu.vector_store %arg7[%swap3A_2120], %gather3A_2119 {strides = array<i32>} : memref<4608xf32, #tpu.memory_space<vmem>>, vector<16xf32>,
    %get3A_2122 = arith.constant 1088 : index
    %get3A_2123 = tpu.vector_load %arg6[%get3A_2122] {strides = array<i32>} : memref<1536xi32, #tpu.memory_space<vmem>>, vector<16xi32>,
    %add3A_2124 = arith.constant 2048 : i32
    %add3A_2125 = vector.broadcast %add3A_2124 : i32 to vector<16xi32>
    %add3A_2126 = arith.addi %get3A_2123, %add3A_2125 : vector<16xi32>
    %gather3A_2127 = tpu.vector_load_idx %arg5[%add3A_2126] : memref<3072xf32, #tpu.memory_space<vmem>>[vector<16xi32>], vector<16xf32>,
    %swap3A_2128 = arith.constant 4160 : index
    %swap3A_2129 = tpu.vector_load %arg7[%swap3A_2128] {strides = array<i32>} : memref<4608xf32, #tpu.memory_space<vmem>>, vector<16xf32>,
    tpu.vector_store %arg7[%swap3A_2128], %gather3A_2127 {strides = array<i32>} : memref<4608xf32, #tpu.memory_space<vmem>>, vector<16xf32>,
    %get3A_2130 = arith.constant 1104 : index
    %get3A_2131 = tpu.vector_load %arg6[%get3A_2130] {strides = array<i32>} : memref<1536xi32, #tpu.memory_space<vmem>>, vector<16xi32>,
    %add3A_2132 = arith.constant 2048 : i32
    %add3A_2133 = vector.broadcast %add3A_2132 : i32 to vector<16xi32>
    %add3A_2134 = arith.addi %get3A_2131, %add3A_2133 : vector<16xi32>
    %gather3A_2135 = tpu.vector_load_idx %arg5[%add3A_2134] : memref<3072xf32, #tpu.memory_space<vmem>>[vector<16xi32>], vector<16xf32>,
    %swap3A_2136 = arith.constant 4176 : index
    %swap3A_2137 = tpu.vector_load %arg7[%swap3A_2136] {strides = array<i32>} : memref<4608xf32, #tpu.memory_space<vmem>>, vector<16xf32>,
    tpu.vector_store %arg7[%swap3A_2136], %gather3A_2135 {strides = array<i32>} : memref<4608xf32, #tpu.memory_space<vmem>>, vector<16xf32>,
    %get3A_2138 = arith.constant 1120 : index
    %get3A_2139 = tpu.vector_load %arg6[%get3A_2138] {strides = array<i32>} : memref<1536xi32, #tpu.memory_space<vmem>>, vector<16xi32>,
    %add3A_2140 = arith.constant 2048 : i32
    %add3A_2141 = vector.broadcast %add3A_2140 : i32 to vector<16xi32>
    %add3A_2142 = arith.addi %get3A_2139, %add3A_2141 : vector<16xi32>
    %gather3A_2143 = tpu.vector_load_idx %arg5[%add3A_2142] : memref<3072xf32, #tpu.memory_space<vmem>>[vector<16xi32>], vector<16xf32>,
    %swap3A_2144 = arith.constant 4192 : index
    %swap3A_2145 = tpu.vector_load %arg7[%swap3A_2144] {strides = array<i32>} : memref<4608xf32, #tpu.memory_space<vmem>>, vector<16xf32>,
    tpu.vector_store %arg7[%swap3A_2144], %gather3A_2143 {strides = array<i32>} : memref<4608xf32, #tpu.memory_space<vmem>>, vector<16xf32>,
    %get3A_2146 = arith.constant 1136 : index
    %get3A_2147 = tpu.vector_load %arg6[%get3A_2146] {strides = array<i32>} : memref<1536xi32, #tpu.memory_space<vmem>>, vector<16xi32>,
    %add3A_2148 = arith.constant 2048 : i32
    %add3A_2149 = vector.broadcast %add3A_2148 : i32 to vector<16xi32>
    %add3A_2150 = arith.addi %get3A_2147, %add3A_2149 : vector<16xi32>
    %gather3A_2151 = tpu.vector_load_idx %arg5[%add3A_2150] : memref<3072xf32, #tpu.memory_space<vmem>>[vector<16xi32>], vector<16xf32>,
    %swap3A_2152 = arith.constant 4208 : index
    %swap3A_2153 = tpu.vector_load %arg7[%swap3A_2152] {strides = array<i32>} : memref<4608xf32, #tpu.memory_space<vmem>>, vector<16xf32>,
    tpu.vector_store %arg7[%swap3A_2152], %gather3A_2151 {strides = array<i32>} : memref<4608xf32, #tpu.memory_space<vmem>>, vector<16xf32>,
    %get3A_2154 = arith.constant 1152 : index
    %get3A_2155 = tpu.vector_load %arg6[%get3A_2154] {strides = array<i32>} : memref<1536xi32, #tpu.memory_space<vmem>>, vector<16xi32>,
    %add3A_2156 = arith.constant 2048 : i32
    %add3A_2157 = vector.broadcast %add3A_2156 : i32 to vector<16xi32>
    %add3A_2158 = arith.addi %get3A_2155, %add3A_2157 : vector<16xi32>
    %gather3A_2159 = tpu.vector_load_idx %arg5[%add3A_2158] : memref<3072xf32, #tpu.memory_space<vmem>>[vector<16xi32>], vector<16xf32>,
    %swap3A_2160 = arith.constant 4224 : index
    %swap3A_2161 = tpu.vector_load %arg7[%swap3A_2160] {strides = array<i32>} : memref<4608xf32, #tpu.memory_space<vmem>>, vector<16xf32>,
    tpu.vector_store %arg7[%swap3A_2160], %gather3A_2159 {strides = array<i32>} : memref<4608xf32, #tpu.memory_space<vmem>>, vector<16xf32>,
    %get3A_2162 = arith.constant 1168 : index
    %get3A_2163 = tpu.vector_load %arg6[%get3A_2162] {strides = array<i32>} : memref<1536xi32, #tpu.memory_space<vmem>>, vector<16xi32>,
    %add3A_2164 = arith.constant 2048 : i32
    %add3A_2165 = vector.broadcast %add3A_2164 : i32 to vector<16xi32>
    %add3A_2166 = arith.addi %get3A_2163, %add3A_2165 : vector<16xi32>
    %gather3A_2167 = tpu.vector_load_idx %arg5[%add3A_2166] : memref<3072xf32, #tpu.memory_space<vmem>>[vector<16xi32>], vector<16xf32>,
    %swap3A_2168 = arith.constant 4240 : index
    %swap3A_2169 = tpu.vector_load %arg7[%swap3A_2168] {strides = array<i32>} : memref<4608xf32, #tpu.memory_space<vmem>>, vector<16xf32>,
    tpu.vector_store %arg7[%swap3A_2168], %gather3A_2167 {strides = array<i32>} : memref<4608xf32, #tpu.memory_space<vmem>>, vector<16xf32>,
    %get3A_2170 = arith.constant 1184 : index
    %get3A_2171 = tpu.vector_load %arg6[%get3A_2170] {strides = array<i32>} : memref<1536xi32, #tpu.memory_space<vmem>>, vector<16xi32>,
    %add3A_2172 = arith.constant 2048 : i32
    %add3A_2173 = vector.broadcast %add3A_2172 : i32 to vector<16xi32>
    %add3A_2174 = arith.addi %get3A_2171, %add3A_2173 : vector<16xi32>
    %gather3A_2175 = tpu.vector_load_idx %arg5[%add3A_2174] : memref<3072xf32, #tpu.memory_space<vmem>>[vector<16xi32>], vector<16xf32>,
    %swap3A_2176 = arith.constant 4256 : index
    %swap3A_2177 = tpu.vector_load %arg7[%swap3A_2176] {strides = array<i32>} : memref<4608xf32, #tpu.memory_space<vmem>>, vector<16xf32>,
    tpu.vector_store %arg7[%swap3A_2176], %gather3A_2175 {strides = array<i32>} : memref<4608xf32, #tpu.memory_space<vmem>>, vector<16xf32>,
    %get3A_2178 = arith.constant 1200 : index
    %get3A_2179 = tpu.vector_load %arg6[%get3A_2178] {strides = array<i32>} : memref<1536xi32, #tpu.memory_space<vmem>>, vector<16xi32>,
    %add3A_2180 = arith.constant 2048 : i32
    %add3A_2181 = vector.broadcast %add3A_2180 : i32 to vector<16xi32>
    %add3A_2182 = arith.addi %get3A_2179, %add3A_2181 : vector<16xi32>
    %gather3A_2183 = tpu.vector_load_idx %arg5[%add3A_2182] : memref<3072xf32, #tpu.memory_space<vmem>>[vector<16xi32>], vector<16xf32>,
    %swap3A_2184 = arith.constant 4272 : index
    %swap3A_2185 = tpu.vector_load %arg7[%swap3A_2184] {strides = array<i32>} : memref<4608xf32, #tpu.memory_space<vmem>>, vector<16xf32>,
    tpu.vector_store %arg7[%swap3A_2184], %gather3A_2183 {strides = array<i32>} : memref<4608xf32, #tpu.memory_space<vmem>>, vector<16xf32>,
    %get3A_2186 = arith.constant 1216 : index
    %get3A_2187 = tpu.vector_load %arg6[%get3A_2186] {strides = array<i32>} : memref<1536xi32, #tpu.memory_space<vmem>>, vector<16xi32>,
    %add3A_2188 = arith.constant 2048 : i32
    %add3A_2189 = vector.broadcast %add3A_2188 : i32 to vector<16xi32>
    %add3A_2190 = arith.addi %get3A_2187, %add3A_2189 : vector<16xi32>
    %gather3A_2191 = tpu.vector_load_idx %arg5[%add3A_2190] : memref<3072xf32, #tpu.memory_space<vmem>>[vector<16xi32>], vector<16xf32>,
    %swap3A_2192 = arith.constant 4288 : index
    %swap3A_2193 = tpu.vector_load %arg7[%swap3A_2192] {strides = array<i32>} : memref<4608xf32, #tpu.memory_space<vmem>>, vector<16xf32>,
    tpu.vector_store %arg7[%swap3A_2192], %gather3A_2191 {strides = array<i32>} : memref<4608xf32, #tpu.memory_space<vmem>>, vector<16xf32>,
    %get3A_2194 = arith.constant 1232 : index
    %get3A_2195 = tpu.vector_load %arg6[%get3A_2194] {strides = array<i32>} : memref<1536xi32, #tpu.memory_space<vmem>>, vector<16xi32>,
    %add3A_2196 = arith.constant 2048 : i32
    %add3A_2197 = vector.broadcast %add3A_2196 : i32 to vector<16xi32>
    %add3A_2198 = arith.addi %get3A_2195, %add3A_2197 : vector<16xi32>
    %gather3A_2199 = tpu.vector_load_idx %arg5[%add3A_2198] : memref<3072xf32, #tpu.memory_space<vmem>>[vector<16xi32>], vector<16xf32>,
    %swap3A_2200 = arith.constant 4304 : index
    %swap3A_2201 = tpu.vector_load %arg7[%swap3A_2200] {strides = array<i32>} : memref<4608xf32, #tpu.memory_space<vmem>>, vector<16xf32>,
    tpu.vector_store %arg7[%swap3A_2200], %gather3A_2199 {strides = array<i32>} : memref<4608xf32, #tpu.memory_space<vmem>>, vector<16xf32>,
    %get3A_2202 = arith.constant 1248 : index
    %get3A_2203 = tpu.vector_load %arg6[%get3A_2202] {strides = array<i32>} : memref<1536xi32, #tpu.memory_space<vmem>>, vector<16xi32>,
    %add3A_2204 = arith.constant 2048 : i32
    %add3A_2205 = vector.broadcast %add3A_2204 : i32 to vector<16xi32>
    %add3A_2206 = arith.addi %get3A_2203, %add3A_2205 : vector<16xi32>
    %gather3A_2207 = tpu.vector_load_idx %arg5[%add3A_2206] : memref<3072xf32, #tpu.memory_space<vmem>>[vector<16xi32>], vector<16xf32>,
    %swap3A_2208 = arith.constant 4320 : index
    %swap3A_2209 = tpu.vector_load %arg7[%swap3A_2208] {strides = array<i32>} : memref<4608xf32, #tpu.memory_space<vmem>>, vector<16xf32>,
    tpu.vector_store %arg7[%swap3A_2208], %gather3A_2207 {strides = array<i32>} : memref<4608xf32, #tpu.memory_space<vmem>>, vector<16xf32>,
    %get3A_2210 = arith.constant 1264 : index
    %get3A_2211 = tpu.vector_load %arg6[%get3A_2210] {strides = array<i32>} : memref<1536xi32, #tpu.memory_space<vmem>>, vector<16xi32>,
    %add3A_2212 = arith.constant 2048 : i32
    %add3A_2213 = vector.broadcast %add3A_2212 : i32 to vector<16xi32>
    %add3A_2214 = arith.addi %get3A_2211, %add3A_2213 : vector<16xi32>
    %gather3A_2215 = tpu.vector_load_idx %arg5[%add3A_2214] : memref<3072xf32, #tpu.memory_space<vmem>>[vector<16xi32>], vector<16xf32>,
    %swap3A_2216 = arith.constant 4336 : index
    %swap3A_2217 = tpu.vector_load %arg7[%swap3A_2216] {strides = array<i32>} : memref<4608xf32, #tpu.memory_space<vmem>>, vector<16xf32>,
    tpu.vector_store %arg7[%swap3A_2216], %gather3A_2215 {strides = array<i32>} : memref<4608xf32, #tpu.memory_space<vmem>>, vector<16xf32>,
    %get3A_2218 = arith.constant 1280 : index
    %get3A_2219 = tpu.vector_load %arg6[%get3A_2218] {strides = array<i32>} : memref<1536xi32, #tpu.memory_space<vmem>>, vector<16xi32>,
    %add3A_2220 = arith.constant 2048 : i32
    %add3A_2221 = vector.broadcast %add3A_2220 : i32 to vector<16xi32>
    %add3A_2222 = arith.addi %get3A_2219, %add3A_2221 : vector<16xi32>
    %gather3A_2223 = tpu.vector_load_idx %arg5[%add3A_2222] : memref<3072xf32, #tpu.memory_space<vmem>>[vector<16xi32>], vector<16xf32>,
    %swap3A_2224 = arith.constant 4352 : index
    %swap3A_2225 = tpu.vector_load %arg7[%swap3A_2224] {strides = array<i32>} : memref<4608xf32, #tpu.memory_space<vmem>>, vector<16xf32>,
    tpu.vector_store %arg7[%swap3A_2224], %gather3A_2223 {strides = array<i32>} : memref<4608xf32, #tpu.memory_space<vmem>>, vector<16xf32>,
    %get3A_2226 = arith.constant 1296 : index
    %get3A_2227 = tpu.vector_load %arg6[%get3A_2226] {strides = array<i32>} : memref<1536xi32, #tpu.memory_space<vmem>>, vector<16xi32>,
    %add3A_2228 = arith.constant 2048 : i32
    %add3A_2229 = vector.broadcast %add3A_2228 : i32 to vector<16xi32>
    %add3A_2230 = arith.addi %get3A_2227, %add3A_2229 : vector<16xi32>
    %gather3A_2231 = tpu.vector_load_idx %arg5[%add3A_2230] : memref<3072xf32, #tpu.memory_space<vmem>>[vector<16xi32>], vector<16xf32>,
    %swap3A_2232 = arith.constant 4368 : index
    %swap3A_2233 = tpu.vector_load %arg7[%swap3A_2232] {strides = array<i32>} : memref<4608xf32, #tpu.memory_space<vmem>>, vector<16xf32>,
    tpu.vector_store %arg7[%swap3A_2232], %gather3A_2231 {strides = array<i32>} : memref<4608xf32, #tpu.memory_space<vmem>>, vector<16xf32>,
    %get3A_2234 = arith.constant 1312 : index
    %get3A_2235 = tpu.vector_load %arg6[%get3A_2234] {strides = array<i32>} : memref<1536xi32, #tpu.memory_space<vmem>>, vector<16xi32>,
    %add3A_2236 = arith.constant 2048 : i32
    %add3A_2237 = vector.broadcast %add3A_2236 : i32 to vector<16xi32>
    %add3A_2238 = arith.addi %get3A_2235, %add3A_2237 : vector<16xi32>
    %gather3A_2239 = tpu.vector_load_idx %arg5[%add3A_2238] : memref<3072xf32, #tpu.memory_space<vmem>>[vector<16xi32>], vector<16xf32>,
    %swap3A_2240 = arith.constant 4384 : index
    %swap3A_2241 = tpu.vector_load %arg7[%swap3A_2240] {strides = array<i32>} : memref<4608xf32, #tpu.memory_space<vmem>>, vector<16xf32>,
    tpu.vector_store %arg7[%swap3A_2240], %gather3A_2239 {strides = array<i32>} : memref<4608xf32, #tpu.memory_space<vmem>>, vector<16xf32>,
    %get3A_2242 = arith.constant 1328 : index
    %get3A_2243 = tpu.vector_load %arg6[%get3A_2242] {strides = array<i32>} : memref<1536xi32, #tpu.memory_space<vmem>>, vector<16xi32>,
    %add3A_2244 = arith.constant 2048 : i32
    %add3A_2245 = vector.broadcast %add3A_2244 : i32 to vector<16xi32>
    %add3A_2246 = arith.addi %get3A_2243, %add3A_2245 : vector<16xi32>
    %gather3A_2247 = tpu.vector_load_idx %arg5[%add3A_2246] : memref<3072xf32, #tpu.memory_space<vmem>>[vector<16xi32>], vector<16xf32>,
    %swap3A_2248 = arith.constant 4400 : index
    %swap3A_2249 = tpu.vector_load %arg7[%swap3A_2248] {strides = array<i32>} : memref<4608xf32, #tpu.memory_space<vmem>>, vector<16xf32>,
    tpu.vector_store %arg7[%swap3A_2248], %gather3A_2247 {strides = array<i32>} : memref<4608xf32, #tpu.memory_space<vmem>>, vector<16xf32>,
    %get3A_2250 = arith.constant 1344 : index
    %get3A_2251 = tpu.vector_load %arg6[%get3A_2250] {strides = array<i32>} : memref<1536xi32, #tpu.memory_space<vmem>>, vector<16xi32>,
    %add3A_2252 = arith.constant 2048 : i32
    %add3A_2253 = vector.broadcast %add3A_2252 : i32 to vector<16xi32>
    %add3A_2254 = arith.addi %get3A_2251, %add3A_2253 : vector<16xi32>
    %gather3A_2255 = tpu.vector_load_idx %arg5[%add3A_2254] : memref<3072xf32, #tpu.memory_space<vmem>>[vector<16xi32>], vector<16xf32>,
    %swap3A_2256 = arith.constant 4416 : index
    %swap3A_2257 = tpu.vector_load %arg7[%swap3A_2256] {strides = array<i32>} : memref<4608xf32, #tpu.memory_space<vmem>>, vector<16xf32>,
    tpu.vector_store %arg7[%swap3A_2256], %gather3A_2255 {strides = array<i32>} : memref<4608xf32, #tpu.memory_space<vmem>>, vector<16xf32>,
    %get3A_2258 = arith.constant 1360 : index
    %get3A_2259 = tpu.vector_load %arg6[%get3A_2258] {strides = array<i32>} : memref<1536xi32, #tpu.memory_space<vmem>>, vector<16xi32>,
    %add3A_2260 = arith.constant 2048 : i32
    %add3A_2261 = vector.broadcast %add3A_2260 : i32 to vector<16xi32>
    %add3A_2262 = arith.addi %get3A_2259, %add3A_2261 : vector<16xi32>
    %gather3A_2263 = tpu.vector_load_idx %arg5[%add3A_2262] : memref<3072xf32, #tpu.memory_space<vmem>>[vector<16xi32>], vector<16xf32>,
    %swap3A_2264 = arith.constant 4432 : index
    %swap3A_2265 = tpu.vector_load %arg7[%swap3A_2264] {strides = array<i32>} : memref<4608xf32, #tpu.memory_space<vmem>>, vector<16xf32>,
    tpu.vector_store %arg7[%swap3A_2264], %gather3A_2263 {strides = array<i32>} : memref<4608xf32, #tpu.memory_space<vmem>>, vector<16xf32>,
    %get3A_2266 = arith.constant 1376 : index
    %get3A_2267 = tpu.vector_load %arg6[%get3A_2266] {strides = array<i32>} : memref<1536xi32, #tpu.memory_space<vmem>>, vector<16xi32>,
    %add3A_2268 = arith.constant 2048 : i32
    %add3A_2269 = vector.broadcast %add3A_2268 : i32 to vector<16xi32>
    %add3A_2270 = arith.addi %get3A_2267, %add3A_2269 : vector<16xi32>
    %gather3A_2271 = tpu.vector_load_idx %arg5[%add3A_2270] : memref<3072xf32, #tpu.memory_space<vmem>>[vector<16xi32>], vector<16xf32>,
    %swap3A_2272 = arith.constant 4448 : index
    %swap3A_2273 = tpu.vector_load %arg7[%swap3A_2272] {strides = array<i32>} : memref<4608xf32, #tpu.memory_space<vmem>>, vector<16xf32>,
    tpu.vector_store %arg7[%swap3A_2272], %gather3A_2271 {strides = array<i32>} : memref<4608xf32, #tpu.memory_space<vmem>>, vector<16xf32>,
    %get3A_2274 = arith.constant 1392 : index
    %get3A_2275 = tpu.vector_load %arg6[%get3A_2274] {strides = array<i32>} : memref<1536xi32, #tpu.memory_space<vmem>>, vector<16xi32>,
    %add3A_2276 = arith.constant 2048 : i32
    %add3A_2277 = vector.broadcast %add3A_2276 : i32 to vector<16xi32>
    %add3A_2278 = arith.addi %get3A_2275, %add3A_2277 : vector<16xi32>
    %gather3A_2279 = tpu.vector_load_idx %arg5[%add3A_2278] : memref<3072xf32, #tpu.memory_space<vmem>>[vector<16xi32>], vector<16xf32>,
    %swap3A_2280 = arith.constant 4464 : index
    %swap3A_2281 = tpu.vector_load %arg7[%swap3A_2280] {strides = array<i32>} : memref<4608xf32, #tpu.memory_space<vmem>>, vector<16xf32>,
    tpu.vector_store %arg7[%swap3A_2280], %gather3A_2279 {strides = array<i32>} : memref<4608xf32, #tpu.memory_space<vmem>>, vector<16xf32>,
    %get3A_2282 = arith.constant 1408 : index
    %get3A_2283 = tpu.vector_load %arg6[%get3A_2282] {strides = array<i32>} : memref<1536xi32, #tpu.memory_space<vmem>>, vector<16xi32>,
    %add3A_2284 = arith.constant 2048 : i32
    %add3A_2285 = vector.broadcast %add3A_2284 : i32 to vector<16xi32>
    %add3A_2286 = arith.addi %get3A_2283, %add3A_2285 : vector<16xi32>
    %gather3A_2287 = tpu.vector_load_idx %arg5[%add3A_2286] : memref<3072xf32, #tpu.memory_space<vmem>>[vector<16xi32>], vector<16xf32>,
    %swap3A_2288 = arith.constant 4480 : index
    %swap3A_2289 = tpu.vector_load %arg7[%swap3A_2288] {strides = array<i32>} : memref<4608xf32, #tpu.memory_space<vmem>>, vector<16xf32>,
    tpu.vector_store %arg7[%swap3A_2288], %gather3A_2287 {strides = array<i32>} : memref<4608xf32, #tpu.memory_space<vmem>>, vector<16xf32>,
    %get3A_2290 = arith.constant 1424 : index
    %get3A_2291 = tpu.vector_load %arg6[%get3A_2290] {strides = array<i32>} : memref<1536xi32, #tpu.memory_space<vmem>>, vector<16xi32>,
    %add3A_2292 = arith.constant 2048 : i32
    %add3A_2293 = vector.broadcast %add3A_2292 : i32 to vector<16xi32>
    %add3A_2294 = arith.addi %get3A_2291, %add3A_2293 : vector<16xi32>
    %gather3A_2295 = tpu.vector_load_idx %arg5[%add3A_2294] : memref<3072xf32, #tpu.memory_space<vmem>>[vector<16xi32>], vector<16xf32>,
    %swap3A_2296 = arith.constant 4496 : index
    %swap3A_2297 = tpu.vector_load %arg7[%swap3A_2296] {strides = array<i32>} : memref<4608xf32, #tpu.memory_space<vmem>>, vector<16xf32>,
    tpu.vector_store %arg7[%swap3A_2296], %gather3A_2295 {strides = array<i32>} : memref<4608xf32, #tpu.memory_space<vmem>>, vector<16xf32>,
    %get3A_2298 = arith.constant 1440 : index
    %get3A_2299 = tpu.vector_load %arg6[%get3A_2298] {strides = array<i32>} : memref<1536xi32, #tpu.memory_space<vmem>>, vector<16xi32>,
    %add3A_2300 = arith.constant 2048 : i32
    %add3A_2301 = vector.broadcast %add3A_2300 : i32 to vector<16xi32>
    %add3A_2302 = arith.addi %get3A_2299, %add3A_2301 : vector<16xi32>
    %gather3A_2303 = tpu.vector_load_idx %arg5[%add3A_2302] : memref<3072xf32, #tpu.memory_space<vmem>>[vector<16xi32>], vector<16xf32>,
    %swap3A_2304 = arith.constant 4512 : index
    %swap3A_2305 = tpu.vector_load %arg7[%swap3A_2304] {strides = array<i32>} : memref<4608xf32, #tpu.memory_space<vmem>>, vector<16xf32>,
    tpu.vector_store %arg7[%swap3A_2304], %gather3A_2303 {strides = array<i32>} : memref<4608xf32, #tpu.memory_space<vmem>>, vector<16xf32>,
    %get3A_2306 = arith.constant 1456 : index
    %get3A_2307 = tpu.vector_load %arg6[%get3A_2306] {strides = array<i32>} : memref<1536xi32, #tpu.memory_space<vmem>>, vector<16xi32>,
    %add3A_2308 = arith.constant 2048 : i32
    %add3A_2309 = vector.broadcast %add3A_2308 : i32 to vector<16xi32>
    %add3A_2310 = arith.addi %get3A_2307, %add3A_2309 : vector<16xi32>
    %gather3A_2311 = tpu.vector_load_idx %arg5[%add3A_2310] : memref<3072xf32, #tpu.memory_space<vmem>>[vector<16xi32>], vector<16xf32>,
    %swap3A_2312 = arith.constant 4528 : index
    %swap3A_2313 = tpu.vector_load %arg7[%swap3A_2312] {strides = array<i32>} : memref<4608xf32, #tpu.memory_space<vmem>>, vector<16xf32>,
    tpu.vector_store %arg7[%swap3A_2312], %gather3A_2311 {strides = array<i32>} : memref<4608xf32, #tpu.memory_space<vmem>>, vector<16xf32>,
    %get3A_2314 = arith.constant 1472 : index
    %get3A_2315 = tpu.vector_load %arg6[%get3A_2314] {strides = array<i32>} : memref<1536xi32, #tpu.memory_space<vmem>>, vector<16xi32>,
    %add3A_2316 = arith.constant 2048 : i32
    %add3A_2317 = vector.broadcast %add3A_2316 : i32 to vector<16xi32>
    %add3A_2318 = arith.addi %get3A_2315, %add3A_2317 : vector<16xi32>
    %gather3A_2319 = tpu.vector_load_idx %arg5[%add3A_2318] : memref<3072xf32, #tpu.memory_space<vmem>>[vector<16xi32>], vector<16xf32>,
    %swap3A_2320 = arith.constant 4544 : index
    %swap3A_2321 = tpu.vector_load %arg7[%swap3A_2320] {strides = array<i32>} : memref<4608xf32, #tpu.memory_space<vmem>>, vector<16xf32>,
    tpu.vector_store %arg7[%swap3A_2320], %gather3A_2319 {strides = array<i32>} : memref<4608xf32, #tpu.memory_space<vmem>>, vector<16xf32>,
    %get3A_2322 = arith.constant 1488 : index
    %get3A_2323 = tpu.vector_load %arg6[%get3A_2322] {strides = array<i32>} : memref<1536xi32, #tpu.memory_space<vmem>>, vector<16xi32>,
    %add3A_2324 = arith.constant 2048 : i32
    %add3A_2325 = vector.broadcast %add3A_2324 : i32 to vector<16xi32>
    %add3A_2326 = arith.addi %get3A_2323, %add3A_2325 : vector<16xi32>
    %gather3A_2327 = tpu.vector_load_idx %arg5[%add3A_2326] : memref<3072xf32, #tpu.memory_space<vmem>>[vector<16xi32>], vector<16xf32>,
    %swap3A_2328 = arith.constant 4560 : index
    %swap3A_2329 = tpu.vector_load %arg7[%swap3A_2328] {strides = array<i32>} : memref<4608xf32, #tpu.memory_space<vmem>>, vector<16xf32>,
    tpu.vector_store %arg7[%swap3A_2328], %gather3A_2327 {strides = array<i32>} : memref<4608xf32, #tpu.memory_space<vmem>>, vector<16xf32>,
    %get3A_2330 = arith.constant 1504 : index
    %get3A_2331 = tpu.vector_load %arg6[%get3A_2330] {strides = array<i32>} : memref<1536xi32, #tpu.memory_space<vmem>>, vector<16xi32>,
    %add3A_2332 = arith.constant 2048 : i32
    %add3A_2333 = vector.broadcast %add3A_2332 : i32 to vector<16xi32>
    %add3A_2334 = arith.addi %get3A_2331, %add3A_2333 : vector<16xi32>
    %gather3A_2335 = tpu.vector_load_idx %arg5[%add3A_2334] : memref<3072xf32, #tpu.memory_space<vmem>>[vector<16xi32>], vector<16xf32>,
    %swap3A_2336 = arith.constant 4576 : index
    %swap3A_2337 = tpu.vector_load %arg7[%swap3A_2336] {strides = array<i32>} : memref<4608xf32, #tpu.memory_space<vmem>>, vector<16xf32>,
    tpu.vector_store %arg7[%swap3A_2336], %gather3A_2335 {strides = array<i32>} : memref<4608xf32, #tpu.memory_space<vmem>>, vector<16xf32>,
    %get3A_2338 = arith.constant 1520 : index
    %get3A_2339 = tpu.vector_load %arg6[%get3A_2338] {strides = array<i32>} : memref<1536xi32, #tpu.memory_space<vmem>>, vector<16xi32>,
    %add3A_2340 = arith.constant 2048 : i32
    %add3A_2341 = vector.broadcast %add3A_2340 : i32 to vector<16xi32>
    %add3A_2342 = arith.addi %get3A_2339, %add3A_2341 : vector<16xi32>
    %gather3A_2343 = tpu.vector_load_idx %arg5[%add3A_2342] : memref<3072xf32, #tpu.memory_space<vmem>>[vector<16xi32>], vector<16xf32>,
    %swap3A_2344 = arith.constant 4592 : index
    %swap3A_2345 = tpu.vector_load %arg7[%swap3A_2344] {strides = array<i32>} : memref<4608xf32, #tpu.memory_space<vmem>>, vector<16xf32>,
    tpu.vector_store %arg7[%swap3A_2344], %gather3A_2343 {strides = array<i32>} : memref<4608xf32, #tpu.memory_space<vmem>>, vector<16xf32>,
    %mul3A_2346 = arith.constant 2 : i32
    %mul3A_2347 = arith.muli %select_n3A, %mul3A_2346 : i32
    %add3A_2348 = arith.addi %mul3A_2347, %select_n3A_28 : i32
    %mul3A_2349 = arith.constant 9 : i32
    %mul3A_2350 = arith.muli %add3A_2348, %mul3A_2349 : i32
    %mul3A_2351 = arith.constant 512 : i32
    %mul3A_2352 = arith.muli %mul3A_2350, %mul3A_2351 : i32
    "tpu.region"() ({
      %run_scoped3A = tpu.sem_alloc : memref<!tpu.dma_semaphore, #tpu.memory_space<semaphore_mem>>
      %dma_start3A_2353 = tpu.memref_slice %arg4[%mul3A_2352] : memref<73728xf32, #tpu.memory_space<hbm>> -> memref<4608xf32, #tpu.memory_space<hbm>>
      %dma_start3A_2354 = tpu.memref_slice %arg4[%mul3A_2352] : memref<73728xf32, #tpu.memory_space<hbm>> -> memref<4608xf32, #tpu.memory_space<hbm>>
      tpu.enqueue_dma source(%arg7 : memref<4608xf32, #tpu.memory_space<vmem>>) target(%dma_start3A_2354 : memref<4608xf32, #tpu.memory_space<hbm>>) target_semaphore(%run_scoped3A : memref<!tpu.dma_semaphore, #tpu.memory_space<semaphore_mem>>)
      %dma_wait3A_2355 = tpu.memref_slice %arg4[%mul3A_2352] : memref<73728xf32, #tpu.memory_space<hbm>> -> memref<4608xf32, #tpu.memory_space<hbm>>
      %dma_wait3A_2356 = tpu.memref_slice %arg4[%mul3A_2352] : memref<73728xf32, #tpu.memory_space<hbm>> -> memref<4608xf32, #tpu.memory_space<hbm>>
      tpu.wait_dma2 semaphore(%run_scoped3A : memref<!tpu.dma_semaphore, #tpu.memory_space<semaphore_mem>>) src(%arg7 : memref<4608xf32, #tpu.memory_space<vmem>>) dst(%dma_wait3A_2356 : memref<4608xf32, #tpu.memory_space<hbm>>)
      tpu.yield
    }) : () -> ()
    return
  }
}

module attributes {stable_mosaic.version = 14 : i64} {
  func.func @_tc_center_body(%arg0: memref<8x3x1024xf32, #tpu.memory_space<vmem>>, %arg1: memref<4x64xf32, #tpu.memory_space<vmem>>, %arg2: memref<4x64xf32, #tpu.memory_space<vmem>>, %arg3: memref<8x64x1024xf32, #tpu.memory_space<vmem>>) attributes {dimension_semantics = [], scalar_prefetch = 0 : i64, scratch_operands = 0 : i64, tpu.core_type = #tpu.core_type<tc>} {
    %get3A = arith.constant 0 : index
    %get3A_0 = arith.constant 0 : index
    %get3A_1 = vector.load %arg1[%get3A, %get3A_0] : memref<4x64xf32, #tpu.memory_space<vmem>>, vector<4x64xf32>
    %get3A_2 = arith.constant 0 : index
    %get3A_3 = arith.constant 0 : index
    %get3A_4 = vector.load %arg2[%get3A_2, %get3A_3] : memref<4x64xf32, #tpu.memory_space<vmem>>, vector<4x64xf32>
    %sin3A = math.sin %get3A_1 : vector<4x64xf32>
    %cos3A = math.cos %get3A_4 : vector<4x64xf32>
    %mul3A = arith.mulf %sin3A, %cos3A : vector<4x64xf32>
    %sin3A_5 = math.sin %get3A_4 : vector<4x64xf32>
    %mul3A_6 = arith.mulf %sin3A, %sin3A_5 : vector<4x64xf32>
    %cos3A_7 = math.cos %get3A_1 : vector<4x64xf32>
    %mul3A_8 = arith.constant 2.500000e+01 : f32
    %mul3A_9 = vector.broadcast %mul3A_8 : f32 to vector<4x64xf32>
    %mul3A_10 = arith.mulf %mul3A, %mul3A_9 : vector<4x64xf32>
    %mul3A_11 = arith.constant 2.500000e+01 : f32
    %mul3A_12 = vector.broadcast %mul3A_11 : f32 to vector<4x64xf32>
    %mul3A_13 = arith.mulf %mul3A_6, %mul3A_12 : vector<4x64xf32>
    %mul3A_14 = arith.constant 2.500000e+01 : f32
    %mul3A_15 = vector.broadcast %mul3A_14 : f32 to vector<4x64xf32>
    %mul3A_16 = arith.mulf %cos3A_7, %mul3A_15 : vector<4x64xf32>
    %mul3A_17 = arith.mulf %mul3A, %mul3A : vector<4x64xf32>
    %mul3A_18 = arith.mulf %mul3A_6, %mul3A_6 : vector<4x64xf32>
    %add3A = arith.addf %mul3A_17, %mul3A_18 : vector<4x64xf32>
    %mul3A_19 = arith.mulf %cos3A_7, %cos3A_7 : vector<4x64xf32>
    %add3A_20 = arith.addf %add3A, %mul3A_19 : vector<4x64xf32>
    %mul3A_21 = arith.constant -1.250000e+01 : f32
    %mul3A_22 = vector.broadcast %mul3A_21 : f32 to vector<4x64xf32>
    %mul3A_23 = arith.mulf %add3A_20, %mul3A_22 : vector<4x64xf32>
    %broadcast_in_dim3A = arith.constant 0.000000e+00 : f32
    %broadcast_in_dim3A_24 = vector.broadcast %broadcast_in_dim3A : f32 to vector<8x64x1024xf32>
    %get3A_25 = arith.constant 0 : index
    %get3A_26 = arith.constant 0 : index
    %get3A_27 = arith.constant 0 : index
    %get3A_28 = vector.load %arg0[%get3A_25, %get3A_26, %get3A_27] : memref<8x3x1024xf32, #tpu.memory_space<vmem>>, vector<8x1x1024xf32>
    %get3A_29 = vector.shape_cast %get3A_28 : vector<8x1x1024xf32> to vector<8x1024xf32>
    %get3A_30 = arith.constant 0 : index
    %get3A_31 = arith.constant 1 : index
    %get3A_32 = arith.constant 0 : index
    %get3A_33 = vector.load %arg0[%get3A_30, %get3A_31, %get3A_32] : memref<8x3x1024xf32, #tpu.memory_space<vmem>>, vector<8x1x1024xf32>
    %get3A_34 = vector.shape_cast %get3A_33 : vector<8x1x1024xf32> to vector<8x1024xf32>
    %get3A_35 = arith.constant 0 : index
    %get3A_36 = arith.constant 2 : index
    %get3A_37 = arith.constant 0 : index
    %get3A_38 = vector.load %arg0[%get3A_35, %get3A_36, %get3A_37] : memref<8x3x1024xf32, #tpu.memory_space<vmem>>, vector<8x1x1024xf32>
    %get3A_39 = vector.shape_cast %get3A_38 : vector<8x1x1024xf32> to vector<8x1024xf32>
    %mul3A_40 = arith.mulf %get3A_29, %get3A_29 : vector<8x1024xf32>
    %mul3A_41 = arith.mulf %get3A_34, %get3A_34 : vector<8x1024xf32>
    %add3A_42 = arith.addf %mul3A_40, %mul3A_41 : vector<8x1024xf32>
    %mul3A_43 = arith.mulf %get3A_39, %get3A_39 : vector<8x1024xf32>
    %add3A_44 = arith.addf %add3A_42, %mul3A_43 : vector<8x1024xf32>
    %mul3A_45 = arith.constant -1.250000e+01 : f32
    %mul3A_46 = vector.broadcast %mul3A_45 : f32 to vector<8x1024xf32>
    %mul3A_47 = arith.mulf %add3A_44, %mul3A_46 : vector<8x1024xf32>
    %broadcast_in_dim3A_48 = vector.shape_cast %get3A_29 : vector<8x1024xf32> to vector<8x1x1024xf32>
    %broadcast_in_dim3A_49 = vector.shape_cast %get3A_34 : vector<8x1024xf32> to vector<8x1x1024xf32>
    %broadcast_in_dim3A_50 = vector.shape_cast %get3A_39 : vector<8x1024xf32> to vector<8x1x1024xf32>
    %broadcast_in_dim3A_51 = vector.shape_cast %mul3A_47 : vector<8x1024xf32> to vector<8x1x1024xf32>
    %slice3A = vector.extract_strided_slice %mul3A_23 {offsets = [0, 0], sizes = [1, 64], strides = [1, 1]} : vector<4x64xf32> to vector<1x64xf32>
    %squeeze3A = vector.shape_cast %slice3A : vector<1x64xf32> to vector<64xf32>
    %broadcast_in_dim3A_52 = vector.shape_cast %squeeze3A : vector<64xf32> to vector<1x64x1xf32>
    %add3A_53 = vector.broadcast %broadcast_in_dim3A_51 : vector<8x1x1024xf32> to vector<8x64x1024xf32>
    %add3A_54 = vector.broadcast %broadcast_in_dim3A_52 : vector<1x64x1xf32> to vector<8x64x1024xf32>
    %add3A_55 = arith.addf %add3A_53, %add3A_54 : vector<8x64x1024xf32>
    %slice3A_56 = vector.extract_strided_slice %mul3A_10 {offsets = [0, 0], sizes = [1, 64], strides = [1, 1]} : vector<4x64xf32> to vector<1x64xf32>
    %squeeze3A_57 = vector.shape_cast %slice3A_56 : vector<1x64xf32> to vector<64xf32>
    %broadcast_in_dim3A_58 = vector.shape_cast %squeeze3A_57 : vector<64xf32> to vector<1x64x1xf32>
    %mul3A_59 = vector.broadcast %broadcast_in_dim3A_48 : vector<8x1x1024xf32> to vector<8x64x1024xf32>
    %mul3A_60 = vector.broadcast %broadcast_in_dim3A_58 : vector<1x64x1xf32> to vector<8x64x1024xf32>
    %mul3A_61 = arith.mulf %mul3A_59, %mul3A_60 : vector<8x64x1024xf32>
    %slice3A_62 = vector.extract_strided_slice %mul3A_13 {offsets = [0, 0], sizes = [1, 64], strides = [1, 1]} : vector<4x64xf32> to vector<1x64xf32>
    %squeeze3A_63 = vector.shape_cast %slice3A_62 : vector<1x64xf32> to vector<64xf32>
    %broadcast_in_dim3A_64 = vector.shape_cast %squeeze3A_63 : vector<64xf32> to vector<1x64x1xf32>
    %mul3A_65 = vector.broadcast %broadcast_in_dim3A_49 : vector<8x1x1024xf32> to vector<8x64x1024xf32>
    %mul3A_66 = vector.broadcast %broadcast_in_dim3A_64 : vector<1x64x1xf32> to vector<8x64x1024xf32>
    %mul3A_67 = arith.mulf %mul3A_65, %mul3A_66 : vector<8x64x1024xf32>
    %add3A_68 = arith.addf %mul3A_61, %mul3A_67 : vector<8x64x1024xf32>
    %slice3A_69 = vector.extract_strided_slice %mul3A_16 {offsets = [0, 0], sizes = [1, 64], strides = [1, 1]} : vector<4x64xf32> to vector<1x64xf32>
    %squeeze3A_70 = vector.shape_cast %slice3A_69 : vector<1x64xf32> to vector<64xf32>
    %broadcast_in_dim3A_71 = vector.shape_cast %squeeze3A_70 : vector<64xf32> to vector<1x64x1xf32>
    %mul3A_72 = vector.broadcast %broadcast_in_dim3A_50 : vector<8x1x1024xf32> to vector<8x64x1024xf32>
    %mul3A_73 = vector.broadcast %broadcast_in_dim3A_71 : vector<1x64x1xf32> to vector<8x64x1024xf32>
    %mul3A_74 = arith.mulf %mul3A_72, %mul3A_73 : vector<8x64x1024xf32>
    %add3A_75 = arith.addf %add3A_68, %mul3A_74 : vector<8x64x1024xf32>
    %add3A_76 = arith.addf %add3A_75, %add3A_55 : vector<8x64x1024xf32>
    %exp3A = math.exp %add3A_76 : vector<8x64x1024xf32>
    %add3A_77 = arith.addf %broadcast_in_dim3A_24, %exp3A : vector<8x64x1024xf32>
    %slice3A_78 = vector.extract_strided_slice %mul3A_23 {offsets = [1, 0], sizes = [1, 64], strides = [1, 1]} : vector<4x64xf32> to vector<1x64xf32>
    %squeeze3A_79 = vector.shape_cast %slice3A_78 : vector<1x64xf32> to vector<64xf32>
    %broadcast_in_dim3A_80 = vector.shape_cast %squeeze3A_79 : vector<64xf32> to vector<1x64x1xf32>
    %add3A_81 = vector.broadcast %broadcast_in_dim3A_51 : vector<8x1x1024xf32> to vector<8x64x1024xf32>
    %add3A_82 = vector.broadcast %broadcast_in_dim3A_80 : vector<1x64x1xf32> to vector<8x64x1024xf32>
    %add3A_83 = arith.addf %add3A_81, %add3A_82 : vector<8x64x1024xf32>
    %slice3A_84 = vector.extract_strided_slice %mul3A_10 {offsets = [1, 0], sizes = [1, 64], strides = [1, 1]} : vector<4x64xf32> to vector<1x64xf32>
    %squeeze3A_85 = vector.shape_cast %slice3A_84 : vector<1x64xf32> to vector<64xf32>
    %broadcast_in_dim3A_86 = vector.shape_cast %squeeze3A_85 : vector<64xf32> to vector<1x64x1xf32>
    %mul3A_87 = vector.broadcast %broadcast_in_dim3A_48 : vector<8x1x1024xf32> to vector<8x64x1024xf32>
    %mul3A_88 = vector.broadcast %broadcast_in_dim3A_86 : vector<1x64x1xf32> to vector<8x64x1024xf32>
    %mul3A_89 = arith.mulf %mul3A_87, %mul3A_88 : vector<8x64x1024xf32>
    %slice3A_90 = vector.extract_strided_slice %mul3A_13 {offsets = [1, 0], sizes = [1, 64], strides = [1, 1]} : vector<4x64xf32> to vector<1x64xf32>
    %squeeze3A_91 = vector.shape_cast %slice3A_90 : vector<1x64xf32> to vector<64xf32>
    %broadcast_in_dim3A_92 = vector.shape_cast %squeeze3A_91 : vector<64xf32> to vector<1x64x1xf32>
    %mul3A_93 = vector.broadcast %broadcast_in_dim3A_49 : vector<8x1x1024xf32> to vector<8x64x1024xf32>
    %mul3A_94 = vector.broadcast %broadcast_in_dim3A_92 : vector<1x64x1xf32> to vector<8x64x1024xf32>
    %mul3A_95 = arith.mulf %mul3A_93, %mul3A_94 : vector<8x64x1024xf32>
    %add3A_96 = arith.addf %mul3A_89, %mul3A_95 : vector<8x64x1024xf32>
    %slice3A_97 = vector.extract_strided_slice %mul3A_16 {offsets = [1, 0], sizes = [1, 64], strides = [1, 1]} : vector<4x64xf32> to vector<1x64xf32>
    %squeeze3A_98 = vector.shape_cast %slice3A_97 : vector<1x64xf32> to vector<64xf32>
    %broadcast_in_dim3A_99 = vector.shape_cast %squeeze3A_98 : vector<64xf32> to vector<1x64x1xf32>
    %mul3A_100 = vector.broadcast %broadcast_in_dim3A_50 : vector<8x1x1024xf32> to vector<8x64x1024xf32>
    %mul3A_101 = vector.broadcast %broadcast_in_dim3A_99 : vector<1x64x1xf32> to vector<8x64x1024xf32>
    %mul3A_102 = arith.mulf %mul3A_100, %mul3A_101 : vector<8x64x1024xf32>
    %add3A_103 = arith.addf %add3A_96, %mul3A_102 : vector<8x64x1024xf32>
    %add3A_104 = arith.addf %add3A_103, %add3A_83 : vector<8x64x1024xf32>
    %exp3A_105 = math.exp %add3A_104 : vector<8x64x1024xf32>
    %add3A_106 = arith.addf %add3A_77, %exp3A_105 : vector<8x64x1024xf32>
    %slice3A_107 = vector.extract_strided_slice %mul3A_23 {offsets = [2, 0], sizes = [1, 64], strides = [1, 1]} : vector<4x64xf32> to vector<1x64xf32>
    %squeeze3A_108 = vector.shape_cast %slice3A_107 : vector<1x64xf32> to vector<64xf32>
    %broadcast_in_dim3A_109 = vector.shape_cast %squeeze3A_108 : vector<64xf32> to vector<1x64x1xf32>
    %add3A_110 = vector.broadcast %broadcast_in_dim3A_51 : vector<8x1x1024xf32> to vector<8x64x1024xf32>
    %add3A_111 = vector.broadcast %broadcast_in_dim3A_109 : vector<1x64x1xf32> to vector<8x64x1024xf32>
    %add3A_112 = arith.addf %add3A_110, %add3A_111 : vector<8x64x1024xf32>
    %slice3A_113 = vector.extract_strided_slice %mul3A_10 {offsets = [2, 0], sizes = [1, 64], strides = [1, 1]} : vector<4x64xf32> to vector<1x64xf32>
    %squeeze3A_114 = vector.shape_cast %slice3A_113 : vector<1x64xf32> to vector<64xf32>
    %broadcast_in_dim3A_115 = vector.shape_cast %squeeze3A_114 : vector<64xf32> to vector<1x64x1xf32>
    %mul3A_116 = vector.broadcast %broadcast_in_dim3A_48 : vector<8x1x1024xf32> to vector<8x64x1024xf32>
    %mul3A_117 = vector.broadcast %broadcast_in_dim3A_115 : vector<1x64x1xf32> to vector<8x64x1024xf32>
    %mul3A_118 = arith.mulf %mul3A_116, %mul3A_117 : vector<8x64x1024xf32>
    %slice3A_119 = vector.extract_strided_slice %mul3A_13 {offsets = [2, 0], sizes = [1, 64], strides = [1, 1]} : vector<4x64xf32> to vector<1x64xf32>
    %squeeze3A_120 = vector.shape_cast %slice3A_119 : vector<1x64xf32> to vector<64xf32>
    %broadcast_in_dim3A_121 = vector.shape_cast %squeeze3A_120 : vector<64xf32> to vector<1x64x1xf32>
    %mul3A_122 = vector.broadcast %broadcast_in_dim3A_49 : vector<8x1x1024xf32> to vector<8x64x1024xf32>
    %mul3A_123 = vector.broadcast %broadcast_in_dim3A_121 : vector<1x64x1xf32> to vector<8x64x1024xf32>
    %mul3A_124 = arith.mulf %mul3A_122, %mul3A_123 : vector<8x64x1024xf32>
    %add3A_125 = arith.addf %mul3A_118, %mul3A_124 : vector<8x64x1024xf32>
    %slice3A_126 = vector.extract_strided_slice %mul3A_16 {offsets = [2, 0], sizes = [1, 64], strides = [1, 1]} : vector<4x64xf32> to vector<1x64xf32>
    %squeeze3A_127 = vector.shape_cast %slice3A_126 : vector<1x64xf32> to vector<64xf32>
    %broadcast_in_dim3A_128 = vector.shape_cast %squeeze3A_127 : vector<64xf32> to vector<1x64x1xf32>
    %mul3A_129 = vector.broadcast %broadcast_in_dim3A_50 : vector<8x1x1024xf32> to vector<8x64x1024xf32>
    %mul3A_130 = vector.broadcast %broadcast_in_dim3A_128 : vector<1x64x1xf32> to vector<8x64x1024xf32>
    %mul3A_131 = arith.mulf %mul3A_129, %mul3A_130 : vector<8x64x1024xf32>
    %add3A_132 = arith.addf %add3A_125, %mul3A_131 : vector<8x64x1024xf32>
    %add3A_133 = arith.addf %add3A_132, %add3A_112 : vector<8x64x1024xf32>
    %exp3A_134 = math.exp %add3A_133 : vector<8x64x1024xf32>
    %add3A_135 = arith.addf %add3A_106, %exp3A_134 : vector<8x64x1024xf32>
    %slice3A_136 = vector.extract_strided_slice %mul3A_23 {offsets = [3, 0], sizes = [1, 64], strides = [1, 1]} : vector<4x64xf32> to vector<1x64xf32>
    %squeeze3A_137 = vector.shape_cast %slice3A_136 : vector<1x64xf32> to vector<64xf32>
    %broadcast_in_dim3A_138 = vector.shape_cast %squeeze3A_137 : vector<64xf32> to vector<1x64x1xf32>
    %add3A_139 = vector.broadcast %broadcast_in_dim3A_51 : vector<8x1x1024xf32> to vector<8x64x1024xf32>
    %add3A_140 = vector.broadcast %broadcast_in_dim3A_138 : vector<1x64x1xf32> to vector<8x64x1024xf32>
    %add3A_141 = arith.addf %add3A_139, %add3A_140 : vector<8x64x1024xf32>
    %slice3A_142 = vector.extract_strided_slice %mul3A_10 {offsets = [3, 0], sizes = [1, 64], strides = [1, 1]} : vector<4x64xf32> to vector<1x64xf32>
    %squeeze3A_143 = vector.shape_cast %slice3A_142 : vector<1x64xf32> to vector<64xf32>
    %broadcast_in_dim3A_144 = vector.shape_cast %squeeze3A_143 : vector<64xf32> to vector<1x64x1xf32>
    %mul3A_145 = vector.broadcast %broadcast_in_dim3A_48 : vector<8x1x1024xf32> to vector<8x64x1024xf32>
    %mul3A_146 = vector.broadcast %broadcast_in_dim3A_144 : vector<1x64x1xf32> to vector<8x64x1024xf32>
    %mul3A_147 = arith.mulf %mul3A_145, %mul3A_146 : vector<8x64x1024xf32>
    %slice3A_148 = vector.extract_strided_slice %mul3A_13 {offsets = [3, 0], sizes = [1, 64], strides = [1, 1]} : vector<4x64xf32> to vector<1x64xf32>
    %squeeze3A_149 = vector.shape_cast %slice3A_148 : vector<1x64xf32> to vector<64xf32>
    %broadcast_in_dim3A_150 = vector.shape_cast %squeeze3A_149 : vector<64xf32> to vector<1x64x1xf32>
    %mul3A_151 = vector.broadcast %broadcast_in_dim3A_49 : vector<8x1x1024xf32> to vector<8x64x1024xf32>
    %mul3A_152 = vector.broadcast %broadcast_in_dim3A_150 : vector<1x64x1xf32> to vector<8x64x1024xf32>
    %mul3A_153 = arith.mulf %mul3A_151, %mul3A_152 : vector<8x64x1024xf32>
    %add3A_154 = arith.addf %mul3A_147, %mul3A_153 : vector<8x64x1024xf32>
    %slice3A_155 = vector.extract_strided_slice %mul3A_16 {offsets = [3, 0], sizes = [1, 64], strides = [1, 1]} : vector<4x64xf32> to vector<1x64xf32>
    %squeeze3A_156 = vector.shape_cast %slice3A_155 : vector<1x64xf32> to vector<64xf32>
    %broadcast_in_dim3A_157 = vector.shape_cast %squeeze3A_156 : vector<64xf32> to vector<1x64x1xf32>
    %mul3A_158 = vector.broadcast %broadcast_in_dim3A_50 : vector<8x1x1024xf32> to vector<8x64x1024xf32>
    %mul3A_159 = vector.broadcast %broadcast_in_dim3A_157 : vector<1x64x1xf32> to vector<8x64x1024xf32>
    %mul3A_160 = arith.mulf %mul3A_158, %mul3A_159 : vector<8x64x1024xf32>
    %add3A_161 = arith.addf %add3A_154, %mul3A_160 : vector<8x64x1024xf32>
    %add3A_162 = arith.addf %add3A_161, %add3A_141 : vector<8x64x1024xf32>
    %exp3A_163 = math.exp %add3A_162 : vector<8x64x1024xf32>
    %add3A_164 = arith.addf %add3A_135, %exp3A_163 : vector<8x64x1024xf32>
    %swap3A = arith.constant 0 : index
    %swap3A_165 = arith.constant 0 : index
    %swap3A_166 = arith.constant 0 : index
    %swap3A_167 = vector.load %arg3[%swap3A, %swap3A_165, %swap3A_166] : memref<8x64x1024xf32, #tpu.memory_space<vmem>>, vector<8x64x1024xf32>
    tpu.vector_store %arg3[%swap3A, %swap3A_165, %swap3A_166], %add3A_164 {strides = array<i32>} : memref<8x64x1024xf32, #tpu.memory_space<vmem>>, vector<8x64x1024xf32>,
    return
  }
}

module attributes {stable_mosaic.version = 14 : i64} {
  func.func @_tc_main_body(%arg0: memref<8x64x1024xf32, #tpu.memory_space<vmem>>, %arg1: memref<73728xf32, #tpu.memory_space<vmem>>, %arg2: memref<4x64xf32, #tpu.memory_space<vmem>>, %arg3: memref<4x64xf32, #tpu.memory_space<vmem>>, %arg4: memref<1x64xf32, #tpu.memory_space<vmem>>, %arg5: memref<1x64xf32, #tpu.memory_space<vmem>>, %arg6: memref<8x64x1024xf32, #tpu.memory_space<vmem>>) attributes {dimension_semantics = [], scalar_prefetch = 0 : i64, scratch_operands = 0 : i64, tpu.core_type = #tpu.core_type<tc>} {
    %get3A = arith.constant 0 : index
    %get3A_0 = arith.constant 0 : index
    %get3A_1 = vector.load %arg2[%get3A, %get3A_0] : memref<4x64xf32, #tpu.memory_space<vmem>>, vector<4x64xf32>
    %get3A_2 = arith.constant 0 : index
    %get3A_3 = arith.constant 0 : index
    %get3A_4 = vector.load %arg3[%get3A_2, %get3A_3] : memref<4x64xf32, #tpu.memory_space<vmem>>, vector<4x64xf32>
    %sin3A = math.sin %get3A_1 : vector<4x64xf32>
    %cos3A = math.cos %get3A_4 : vector<4x64xf32>
    %mul3A = arith.mulf %sin3A, %cos3A : vector<4x64xf32>
    %sin3A_5 = math.sin %get3A_4 : vector<4x64xf32>
    %mul3A_6 = arith.mulf %sin3A, %sin3A_5 : vector<4x64xf32>
    %cos3A_7 = math.cos %get3A_1 : vector<4x64xf32>
    %mul3A_8 = arith.constant 2.500000e+01 : f32
    %mul3A_9 = vector.broadcast %mul3A_8 : f32 to vector<4x64xf32>
    %mul3A_10 = arith.mulf %mul3A, %mul3A_9 : vector<4x64xf32>
    %mul3A_11 = arith.constant 2.500000e+01 : f32
    %mul3A_12 = vector.broadcast %mul3A_11 : f32 to vector<4x64xf32>
    %mul3A_13 = arith.mulf %mul3A_6, %mul3A_12 : vector<4x64xf32>
    %mul3A_14 = arith.constant 2.500000e+01 : f32
    %mul3A_15 = vector.broadcast %mul3A_14 : f32 to vector<4x64xf32>
    %mul3A_16 = arith.mulf %cos3A_7, %mul3A_15 : vector<4x64xf32>
    %mul3A_17 = arith.mulf %mul3A, %mul3A : vector<4x64xf32>
    %mul3A_18 = arith.mulf %mul3A_6, %mul3A_6 : vector<4x64xf32>
    %add3A = arith.addf %mul3A_17, %mul3A_18 : vector<4x64xf32>
    %mul3A_19 = arith.mulf %cos3A_7, %cos3A_7 : vector<4x64xf32>
    %add3A_20 = arith.addf %add3A, %mul3A_19 : vector<4x64xf32>
    %mul3A_21 = arith.constant -1.250000e+01 : f32
    %mul3A_22 = vector.broadcast %mul3A_21 : f32 to vector<4x64xf32>
    %mul3A_23 = arith.mulf %add3A_20, %mul3A_22 : vector<4x64xf32>
    %get3A_24 = arith.constant 0 : index
    %get3A_25 = arith.constant 0 : index
    %get3A_26 = arith.constant 0 : index
    %get3A_27 = vector.load %arg0[%get3A_24, %get3A_25, %get3A_26] : memref<8x64x1024xf32, #tpu.memory_space<vmem>>, vector<8x64x1024xf32>
    %get3A_28 = arith.constant 0 : index
    %get3A_29 = vector.load %arg1[%get3A_28] : memref<73728xf32, #tpu.memory_space<vmem>>, vector<512xf32>
    %get3A_30 = arith.constant 4608 : index
    %get3A_31 = vector.load %arg1[%get3A_30] : memref<73728xf32, #tpu.memory_space<vmem>>, vector<512xf32>
    %concatenate3A = tpu.concatenate %get3A_29, %get3A_31 in 0 : vector<512xf32>, vector<512xf32> -> vector<1024xf32>
    %get3A_32 = arith.constant 9216 : index
    %get3A_33 = vector.load %arg1[%get3A_32] : memref<73728xf32, #tpu.memory_space<vmem>>, vector<512xf32>
    %get3A_34 = arith.constant 13824 : index
    %get3A_35 = vector.load %arg1[%get3A_34] : memref<73728xf32, #tpu.memory_space<vmem>>, vector<512xf32>
    %concatenate3A_36 = tpu.concatenate %get3A_33, %get3A_35 in 0 : vector<512xf32>, vector<512xf32> -> vector<1024xf32>
    %get3A_37 = arith.constant 18432 : index
    %get3A_38 = vector.load %arg1[%get3A_37] : memref<73728xf32, #tpu.memory_space<vmem>>, vector<512xf32>
    %get3A_39 = arith.constant 23040 : index
    %get3A_40 = vector.load %arg1[%get3A_39] : memref<73728xf32, #tpu.memory_space<vmem>>, vector<512xf32>
    %concatenate3A_41 = tpu.concatenate %get3A_38, %get3A_40 in 0 : vector<512xf32>, vector<512xf32> -> vector<1024xf32>
    %get3A_42 = arith.constant 27648 : index
    %get3A_43 = vector.load %arg1[%get3A_42] : memref<73728xf32, #tpu.memory_space<vmem>>, vector<512xf32>
    %get3A_44 = arith.constant 32256 : index
    %get3A_45 = vector.load %arg1[%get3A_44] : memref<73728xf32, #tpu.memory_space<vmem>>, vector<512xf32>
    %concatenate3A_46 = tpu.concatenate %get3A_43, %get3A_45 in 0 : vector<512xf32>, vector<512xf32> -> vector<1024xf32>
    %get3A_47 = arith.constant 36864 : index
    %get3A_48 = vector.load %arg1[%get3A_47] : memref<73728xf32, #tpu.memory_space<vmem>>, vector<512xf32>
    %get3A_49 = arith.constant 41472 : index
    %get3A_50 = vector.load %arg1[%get3A_49] : memref<73728xf32, #tpu.memory_space<vmem>>, vector<512xf32>
    %concatenate3A_51 = tpu.concatenate %get3A_48, %get3A_50 in 0 : vector<512xf32>, vector<512xf32> -> vector<1024xf32>
    %get3A_52 = arith.constant 46080 : index
    %get3A_53 = vector.load %arg1[%get3A_52] : memref<73728xf32, #tpu.memory_space<vmem>>, vector<512xf32>
    %get3A_54 = arith.constant 50688 : index
    %get3A_55 = vector.load %arg1[%get3A_54] : memref<73728xf32, #tpu.memory_space<vmem>>, vector<512xf32>
    %concatenate3A_56 = tpu.concatenate %get3A_53, %get3A_55 in 0 : vector<512xf32>, vector<512xf32> -> vector<1024xf32>
    %get3A_57 = arith.constant 55296 : index
    %get3A_58 = vector.load %arg1[%get3A_57] : memref<73728xf32, #tpu.memory_space<vmem>>, vector<512xf32>
    %get3A_59 = arith.constant 59904 : index
    %get3A_60 = vector.load %arg1[%get3A_59] : memref<73728xf32, #tpu.memory_space<vmem>>, vector<512xf32>
    %concatenate3A_61 = tpu.concatenate %get3A_58, %get3A_60 in 0 : vector<512xf32>, vector<512xf32> -> vector<1024xf32>
    %get3A_62 = arith.constant 64512 : index
    %get3A_63 = vector.load %arg1[%get3A_62] : memref<73728xf32, #tpu.memory_space<vmem>>, vector<512xf32>
    %get3A_64 = arith.constant 69120 : index
    %get3A_65 = vector.load %arg1[%get3A_64] : memref<73728xf32, #tpu.memory_space<vmem>>, vector<512xf32>
    %concatenate3A_66 = tpu.concatenate %get3A_63, %get3A_65 in 0 : vector<512xf32>, vector<512xf32> -> vector<1024xf32>
    %stack3A = vector.shape_cast %concatenate3A : vector<1024xf32> to vector<1x1024xf32>
    %stack3A_67 = vector.shape_cast %concatenate3A_36 : vector<1024xf32> to vector<1x1024xf32>
    %stack3A_68 = vector.shape_cast %concatenate3A_41 : vector<1024xf32> to vector<1x1024xf32>
    %stack3A_69 = vector.shape_cast %concatenate3A_46 : vector<1024xf32> to vector<1x1024xf32>
    %stack3A_70 = vector.shape_cast %concatenate3A_51 : vector<1024xf32> to vector<1x1024xf32>
    %stack3A_71 = vector.shape_cast %concatenate3A_56 : vector<1024xf32> to vector<1x1024xf32>
    %stack3A_72 = vector.shape_cast %concatenate3A_61 : vector<1024xf32> to vector<1x1024xf32>
    %stack3A_73 = vector.shape_cast %concatenate3A_66 : vector<1024xf32> to vector<1x1024xf32>
    %stack3A_74 = tpu.concatenate %stack3A, %stack3A_67, %stack3A_68, %stack3A_69, %stack3A_70, %stack3A_71, %stack3A_72, %stack3A_73 in 0 : vector<1x1024xf32>, vector<1x1024xf32>, vector<1x1024xf32>, vector<1x1024xf32>, vector<1x1024xf32>, vector<1x1024xf32>, vector<1x1024xf32>, vector<1x1024xf32> -> vector<8x1024xf32>
    %get3A_75 = arith.constant 1536 : index
    %get3A_76 = vector.load %arg1[%get3A_75] : memref<73728xf32, #tpu.memory_space<vmem>>, vector<512xf32>
    %get3A_77 = arith.constant 6144 : index
    %get3A_78 = vector.load %arg1[%get3A_77] : memref<73728xf32, #tpu.memory_space<vmem>>, vector<512xf32>
    %concatenate3A_79 = tpu.concatenate %get3A_76, %get3A_78 in 0 : vector<512xf32>, vector<512xf32> -> vector<1024xf32>
    %get3A_80 = arith.constant 10752 : index
    %get3A_81 = vector.load %arg1[%get3A_80] : memref<73728xf32, #tpu.memory_space<vmem>>, vector<512xf32>
    %get3A_82 = arith.constant 15360 : index
    %get3A_83 = vector.load %arg1[%get3A_82] : memref<73728xf32, #tpu.memory_space<vmem>>, vector<512xf32>
    %concatenate3A_84 = tpu.concatenate %get3A_81, %get3A_83 in 0 : vector<512xf32>, vector<512xf32> -> vector<1024xf32>
    %get3A_85 = arith.constant 19968 : index
    %get3A_86 = vector.load %arg1[%get3A_85] : memref<73728xf32, #tpu.memory_space<vmem>>, vector<512xf32>
    %get3A_87 = arith.constant 24576 : index
    %get3A_88 = vector.load %arg1[%get3A_87] : memref<73728xf32, #tpu.memory_space<vmem>>, vector<512xf32>
    %concatenate3A_89 = tpu.concatenate %get3A_86, %get3A_88 in 0 : vector<512xf32>, vector<512xf32> -> vector<1024xf32>
    %get3A_90 = arith.constant 29184 : index
    %get3A_91 = vector.load %arg1[%get3A_90] : memref<73728xf32, #tpu.memory_space<vmem>>, vector<512xf32>
    %get3A_92 = arith.constant 33792 : index
    %get3A_93 = vector.load %arg1[%get3A_92] : memref<73728xf32, #tpu.memory_space<vmem>>, vector<512xf32>
    %concatenate3A_94 = tpu.concatenate %get3A_91, %get3A_93 in 0 : vector<512xf32>, vector<512xf32> -> vector<1024xf32>
    %get3A_95 = arith.constant 38400 : index
    %get3A_96 = vector.load %arg1[%get3A_95] : memref<73728xf32, #tpu.memory_space<vmem>>, vector<512xf32>
    %get3A_97 = arith.constant 43008 : index
    %get3A_98 = vector.load %arg1[%get3A_97] : memref<73728xf32, #tpu.memory_space<vmem>>, vector<512xf32>
    %concatenate3A_99 = tpu.concatenate %get3A_96, %get3A_98 in 0 : vector<512xf32>, vector<512xf32> -> vector<1024xf32>
    %get3A_100 = arith.constant 47616 : index
    %get3A_101 = vector.load %arg1[%get3A_100] : memref<73728xf32, #tpu.memory_space<vmem>>, vector<512xf32>
    %get3A_102 = arith.constant 52224 : index
    %get3A_103 = vector.load %arg1[%get3A_102] : memref<73728xf32, #tpu.memory_space<vmem>>, vector<512xf32>
    %concatenate3A_104 = tpu.concatenate %get3A_101, %get3A_103 in 0 : vector<512xf32>, vector<512xf32> -> vector<1024xf32>
    %get3A_105 = arith.constant 56832 : index
    %get3A_106 = vector.load %arg1[%get3A_105] : memref<73728xf32, #tpu.memory_space<vmem>>, vector<512xf32>
    %get3A_107 = arith.constant 61440 : index
    %get3A_108 = vector.load %arg1[%get3A_107] : memref<73728xf32, #tpu.memory_space<vmem>>, vector<512xf32>
    %concatenate3A_109 = tpu.concatenate %get3A_106, %get3A_108 in 0 : vector<512xf32>, vector<512xf32> -> vector<1024xf32>
    %get3A_110 = arith.constant 66048 : index
    %get3A_111 = vector.load %arg1[%get3A_110] : memref<73728xf32, #tpu.memory_space<vmem>>, vector<512xf32>
    %get3A_112 = arith.constant 70656 : index
    %get3A_113 = vector.load %arg1[%get3A_112] : memref<73728xf32, #tpu.memory_space<vmem>>, vector<512xf32>
    %concatenate3A_114 = tpu.concatenate %get3A_111, %get3A_113 in 0 : vector<512xf32>, vector<512xf32> -> vector<1024xf32>
    %stack3A_115 = vector.shape_cast %concatenate3A_79 : vector<1024xf32> to vector<1x1024xf32>
    %stack3A_116 = vector.shape_cast %concatenate3A_84 : vector<1024xf32> to vector<1x1024xf32>
    %stack3A_117 = vector.shape_cast %concatenate3A_89 : vector<1024xf32> to vector<1x1024xf32>
    %stack3A_118 = vector.shape_cast %concatenate3A_94 : vector<1024xf32> to vector<1x1024xf32>
    %stack3A_119 = vector.shape_cast %concatenate3A_99 : vector<1024xf32> to vector<1x1024xf32>
    %stack3A_120 = vector.shape_cast %concatenate3A_104 : vector<1024xf32> to vector<1x1024xf32>
    %stack3A_121 = vector.shape_cast %concatenate3A_109 : vector<1024xf32> to vector<1x1024xf32>
    %stack3A_122 = vector.shape_cast %concatenate3A_114 : vector<1024xf32> to vector<1x1024xf32>
    %stack3A_123 = tpu.concatenate %stack3A_115, %stack3A_116, %stack3A_117, %stack3A_118, %stack3A_119, %stack3A_120, %stack3A_121, %stack3A_122 in 0 : vector<1x1024xf32>, vector<1x1024xf32>, vector<1x1024xf32>, vector<1x1024xf32>, vector<1x1024xf32>, vector<1x1024xf32>, vector<1x1024xf32>, vector<1x1024xf32> -> vector<8x1024xf32>
    %get3A_124 = arith.constant 3072 : index
    %get3A_125 = vector.load %arg1[%get3A_124] : memref<73728xf32, #tpu.memory_space<vmem>>, vector<512xf32>
    %get3A_126 = arith.constant 7680 : index
    %get3A_127 = vector.load %arg1[%get3A_126] : memref<73728xf32, #tpu.memory_space<vmem>>, vector<512xf32>
    %concatenate3A_128 = tpu.concatenate %get3A_125, %get3A_127 in 0 : vector<512xf32>, vector<512xf32> -> vector<1024xf32>
    %get3A_129 = arith.constant 12288 : index
    %get3A_130 = vector.load %arg1[%get3A_129] : memref<73728xf32, #tpu.memory_space<vmem>>, vector<512xf32>
    %get3A_131 = arith.constant 16896 : index
    %get3A_132 = vector.load %arg1[%get3A_131] : memref<73728xf32, #tpu.memory_space<vmem>>, vector<512xf32>
    %concatenate3A_133 = tpu.concatenate %get3A_130, %get3A_132 in 0 : vector<512xf32>, vector<512xf32> -> vector<1024xf32>
    %get3A_134 = arith.constant 21504 : index
    %get3A_135 = vector.load %arg1[%get3A_134] : memref<73728xf32, #tpu.memory_space<vmem>>, vector<512xf32>
    %get3A_136 = arith.constant 26112 : index
    %get3A_137 = vector.load %arg1[%get3A_136] : memref<73728xf32, #tpu.memory_space<vmem>>, vector<512xf32>
    %concatenate3A_138 = tpu.concatenate %get3A_135, %get3A_137 in 0 : vector<512xf32>, vector<512xf32> -> vector<1024xf32>
    %get3A_139 = arith.constant 30720 : index
    %get3A_140 = vector.load %arg1[%get3A_139] : memref<73728xf32, #tpu.memory_space<vmem>>, vector<512xf32>
    %get3A_141 = arith.constant 35328 : index
    %get3A_142 = vector.load %arg1[%get3A_141] : memref<73728xf32, #tpu.memory_space<vmem>>, vector<512xf32>
    %concatenate3A_143 = tpu.concatenate %get3A_140, %get3A_142 in 0 : vector<512xf32>, vector<512xf32> -> vector<1024xf32>
    %get3A_144 = arith.constant 39936 : index
    %get3A_145 = vector.load %arg1[%get3A_144] : memref<73728xf32, #tpu.memory_space<vmem>>, vector<512xf32>
    %get3A_146 = arith.constant 44544 : index
    %get3A_147 = vector.load %arg1[%get3A_146] : memref<73728xf32, #tpu.memory_space<vmem>>, vector<512xf32>
    %concatenate3A_148 = tpu.concatenate %get3A_145, %get3A_147 in 0 : vector<512xf32>, vector<512xf32> -> vector<1024xf32>
    %get3A_149 = arith.constant 49152 : index
    %get3A_150 = vector.load %arg1[%get3A_149] : memref<73728xf32, #tpu.memory_space<vmem>>, vector<512xf32>
    %get3A_151 = arith.constant 53760 : index
    %get3A_152 = vector.load %arg1[%get3A_151] : memref<73728xf32, #tpu.memory_space<vmem>>, vector<512xf32>
    %concatenate3A_153 = tpu.concatenate %get3A_150, %get3A_152 in 0 : vector<512xf32>, vector<512xf32> -> vector<1024xf32>
    %get3A_154 = arith.constant 58368 : index
    %get3A_155 = vector.load %arg1[%get3A_154] : memref<73728xf32, #tpu.memory_space<vmem>>, vector<512xf32>
    %get3A_156 = arith.constant 62976 : index
    %get3A_157 = vector.load %arg1[%get3A_156] : memref<73728xf32, #tpu.memory_space<vmem>>, vector<512xf32>
    %concatenate3A_158 = tpu.concatenate %get3A_155, %get3A_157 in 0 : vector<512xf32>, vector<512xf32> -> vector<1024xf32>
    %get3A_159 = arith.constant 67584 : index
    %get3A_160 = vector.load %arg1[%get3A_159] : memref<73728xf32, #tpu.memory_space<vmem>>, vector<512xf32>
    %get3A_161 = arith.constant 72192 : index
    %get3A_162 = vector.load %arg1[%get3A_161] : memref<73728xf32, #tpu.memory_space<vmem>>, vector<512xf32>
    %concatenate3A_163 = tpu.concatenate %get3A_160, %get3A_162 in 0 : vector<512xf32>, vector<512xf32> -> vector<1024xf32>
    %stack3A_164 = vector.shape_cast %concatenate3A_128 : vector<1024xf32> to vector<1x1024xf32>
    %stack3A_165 = vector.shape_cast %concatenate3A_133 : vector<1024xf32> to vector<1x1024xf32>
    %stack3A_166 = vector.shape_cast %concatenate3A_138 : vector<1024xf32> to vector<1x1024xf32>
    %stack3A_167 = vector.shape_cast %concatenate3A_143 : vector<1024xf32> to vector<1x1024xf32>
    %stack3A_168 = vector.shape_cast %concatenate3A_148 : vector<1024xf32> to vector<1x1024xf32>
    %stack3A_169 = vector.shape_cast %concatenate3A_153 : vector<1024xf32> to vector<1x1024xf32>
    %stack3A_170 = vector.shape_cast %concatenate3A_158 : vector<1024xf32> to vector<1x1024xf32>
    %stack3A_171 = vector.shape_cast %concatenate3A_163 : vector<1024xf32> to vector<1x1024xf32>
    %stack3A_172 = tpu.concatenate %stack3A_164, %stack3A_165, %stack3A_166, %stack3A_167, %stack3A_168, %stack3A_169, %stack3A_170, %stack3A_171 in 0 : vector<1x1024xf32>, vector<1x1024xf32>, vector<1x1024xf32>, vector<1x1024xf32>, vector<1x1024xf32>, vector<1x1024xf32>, vector<1x1024xf32>, vector<1x1024xf32> -> vector<8x1024xf32>
    %mul3A_173 = arith.mulf %stack3A_74, %stack3A_74 : vector<8x1024xf32>
    %mul3A_174 = arith.mulf %stack3A_123, %stack3A_123 : vector<8x1024xf32>
    %add3A_175 = arith.addf %mul3A_173, %mul3A_174 : vector<8x1024xf32>
    %mul3A_176 = arith.mulf %stack3A_172, %stack3A_172 : vector<8x1024xf32>
    %add3A_177 = arith.addf %add3A_175, %mul3A_176 : vector<8x1024xf32>
    %mul3A_178 = arith.constant -1.250000e+01 : f32
    %mul3A_179 = vector.broadcast %mul3A_178 : f32 to vector<8x1024xf32>
    %mul3A_180 = arith.mulf %add3A_177, %mul3A_179 : vector<8x1024xf32>
    %broadcast_in_dim3A = vector.shape_cast %stack3A_74 : vector<8x1024xf32> to vector<8x1x1024xf32>
    %broadcast_in_dim3A_181 = vector.shape_cast %stack3A_123 : vector<8x1024xf32> to vector<8x1x1024xf32>
    %broadcast_in_dim3A_182 = vector.shape_cast %stack3A_172 : vector<8x1024xf32> to vector<8x1x1024xf32>
    %broadcast_in_dim3A_183 = vector.shape_cast %mul3A_180 : vector<8x1024xf32> to vector<8x1x1024xf32>
    %slice3A = vector.extract_strided_slice %mul3A_23 {offsets = [0, 0], sizes = [1, 64], strides = [1, 1]} : vector<4x64xf32> to vector<1x64xf32>
    %squeeze3A = vector.shape_cast %slice3A : vector<1x64xf32> to vector<64xf32>
    %broadcast_in_dim3A_184 = vector.shape_cast %squeeze3A : vector<64xf32> to vector<1x64x1xf32>
    %add3A_185 = vector.broadcast %broadcast_in_dim3A_183 : vector<8x1x1024xf32> to vector<8x64x1024xf32>
    %add3A_186 = vector.broadcast %broadcast_in_dim3A_184 : vector<1x64x1xf32> to vector<8x64x1024xf32>
    %add3A_187 = arith.addf %add3A_185, %add3A_186 : vector<8x64x1024xf32>
    %slice3A_188 = vector.extract_strided_slice %mul3A_10 {offsets = [0, 0], sizes = [1, 64], strides = [1, 1]} : vector<4x64xf32> to vector<1x64xf32>
    %squeeze3A_189 = vector.shape_cast %slice3A_188 : vector<1x64xf32> to vector<64xf32>
    %broadcast_in_dim3A_190 = vector.shape_cast %squeeze3A_189 : vector<64xf32> to vector<1x64x1xf32>
    %mul3A_191 = vector.broadcast %broadcast_in_dim3A : vector<8x1x1024xf32> to vector<8x64x1024xf32>
    %mul3A_192 = vector.broadcast %broadcast_in_dim3A_190 : vector<1x64x1xf32> to vector<8x64x1024xf32>
    %mul3A_193 = arith.mulf %mul3A_191, %mul3A_192 : vector<8x64x1024xf32>
    %slice3A_194 = vector.extract_strided_slice %mul3A_13 {offsets = [0, 0], sizes = [1, 64], strides = [1, 1]} : vector<4x64xf32> to vector<1x64xf32>
    %squeeze3A_195 = vector.shape_cast %slice3A_194 : vector<1x64xf32> to vector<64xf32>
    %broadcast_in_dim3A_196 = vector.shape_cast %squeeze3A_195 : vector<64xf32> to vector<1x64x1xf32>
    %mul3A_197 = vector.broadcast %broadcast_in_dim3A_181 : vector<8x1x1024xf32> to vector<8x64x1024xf32>
    %mul3A_198 = vector.broadcast %broadcast_in_dim3A_196 : vector<1x64x1xf32> to vector<8x64x1024xf32>
    %mul3A_199 = arith.mulf %mul3A_197, %mul3A_198 : vector<8x64x1024xf32>
    %add3A_200 = arith.addf %mul3A_193, %mul3A_199 : vector<8x64x1024xf32>
    %slice3A_201 = vector.extract_strided_slice %mul3A_16 {offsets = [0, 0], sizes = [1, 64], strides = [1, 1]} : vector<4x64xf32> to vector<1x64xf32>
    %squeeze3A_202 = vector.shape_cast %slice3A_201 : vector<1x64xf32> to vector<64xf32>
    %broadcast_in_dim3A_203 = vector.shape_cast %squeeze3A_202 : vector<64xf32> to vector<1x64x1xf32>
    %mul3A_204 = vector.broadcast %broadcast_in_dim3A_182 : vector<8x1x1024xf32> to vector<8x64x1024xf32>
    %mul3A_205 = vector.broadcast %broadcast_in_dim3A_203 : vector<1x64x1xf32> to vector<8x64x1024xf32>
    %mul3A_206 = arith.mulf %mul3A_204, %mul3A_205 : vector<8x64x1024xf32>
    %add3A_207 = arith.addf %add3A_200, %mul3A_206 : vector<8x64x1024xf32>
    %add3A_208 = arith.addf %add3A_207, %add3A_187 : vector<8x64x1024xf32>
    %exp3A = math.exp %add3A_208 : vector<8x64x1024xf32>
    %add3A_209 = arith.addf %get3A_27, %exp3A : vector<8x64x1024xf32>
    %slice3A_210 = vector.extract_strided_slice %mul3A_23 {offsets = [1, 0], sizes = [1, 64], strides = [1, 1]} : vector<4x64xf32> to vector<1x64xf32>
    %squeeze3A_211 = vector.shape_cast %slice3A_210 : vector<1x64xf32> to vector<64xf32>
    %broadcast_in_dim3A_212 = vector.shape_cast %squeeze3A_211 : vector<64xf32> to vector<1x64x1xf32>
    %add3A_213 = vector.broadcast %broadcast_in_dim3A_183 : vector<8x1x1024xf32> to vector<8x64x1024xf32>
    %add3A_214 = vector.broadcast %broadcast_in_dim3A_212 : vector<1x64x1xf32> to vector<8x64x1024xf32>
    %add3A_215 = arith.addf %add3A_213, %add3A_214 : vector<8x64x1024xf32>
    %slice3A_216 = vector.extract_strided_slice %mul3A_10 {offsets = [1, 0], sizes = [1, 64], strides = [1, 1]} : vector<4x64xf32> to vector<1x64xf32>
    %squeeze3A_217 = vector.shape_cast %slice3A_216 : vector<1x64xf32> to vector<64xf32>
    %broadcast_in_dim3A_218 = vector.shape_cast %squeeze3A_217 : vector<64xf32> to vector<1x64x1xf32>
    %mul3A_219 = vector.broadcast %broadcast_in_dim3A : vector<8x1x1024xf32> to vector<8x64x1024xf32>
    %mul3A_220 = vector.broadcast %broadcast_in_dim3A_218 : vector<1x64x1xf32> to vector<8x64x1024xf32>
    %mul3A_221 = arith.mulf %mul3A_219, %mul3A_220 : vector<8x64x1024xf32>
    %slice3A_222 = vector.extract_strided_slice %mul3A_13 {offsets = [1, 0], sizes = [1, 64], strides = [1, 1]} : vector<4x64xf32> to vector<1x64xf32>
    %squeeze3A_223 = vector.shape_cast %slice3A_222 : vector<1x64xf32> to vector<64xf32>
    %broadcast_in_dim3A_224 = vector.shape_cast %squeeze3A_223 : vector<64xf32> to vector<1x64x1xf32>
    %mul3A_225 = vector.broadcast %broadcast_in_dim3A_181 : vector<8x1x1024xf32> to vector<8x64x1024xf32>
    %mul3A_226 = vector.broadcast %broadcast_in_dim3A_224 : vector<1x64x1xf32> to vector<8x64x1024xf32>
    %mul3A_227 = arith.mulf %mul3A_225, %mul3A_226 : vector<8x64x1024xf32>
    %add3A_228 = arith.addf %mul3A_221, %mul3A_227 : vector<8x64x1024xf32>
    %slice3A_229 = vector.extract_strided_slice %mul3A_16 {offsets = [1, 0], sizes = [1, 64], strides = [1, 1]} : vector<4x64xf32> to vector<1x64xf32>
    %squeeze3A_230 = vector.shape_cast %slice3A_229 : vector<1x64xf32> to vector<64xf32>
    %broadcast_in_dim3A_231 = vector.shape_cast %squeeze3A_230 : vector<64xf32> to vector<1x64x1xf32>
    %mul3A_232 = vector.broadcast %broadcast_in_dim3A_182 : vector<8x1x1024xf32> to vector<8x64x1024xf32>
    %mul3A_233 = vector.broadcast %broadcast_in_dim3A_231 : vector<1x64x1xf32> to vector<8x64x1024xf32>
    %mul3A_234 = arith.mulf %mul3A_232, %mul3A_233 : vector<8x64x1024xf32>
    %add3A_235 = arith.addf %add3A_228, %mul3A_234 : vector<8x64x1024xf32>
    %add3A_236 = arith.addf %add3A_235, %add3A_215 : vector<8x64x1024xf32>
    %exp3A_237 = math.exp %add3A_236 : vector<8x64x1024xf32>
    %add3A_238 = arith.addf %add3A_209, %exp3A_237 : vector<8x64x1024xf32>
    %slice3A_239 = vector.extract_strided_slice %mul3A_23 {offsets = [2, 0], sizes = [1, 64], strides = [1, 1]} : vector<4x64xf32> to vector<1x64xf32>
    %squeeze3A_240 = vector.shape_cast %slice3A_239 : vector<1x64xf32> to vector<64xf32>
    %broadcast_in_dim3A_241 = vector.shape_cast %squeeze3A_240 : vector<64xf32> to vector<1x64x1xf32>
    %add3A_242 = vector.broadcast %broadcast_in_dim3A_183 : vector<8x1x1024xf32> to vector<8x64x1024xf32>
    %add3A_243 = vector.broadcast %broadcast_in_dim3A_241 : vector<1x64x1xf32> to vector<8x64x1024xf32>
    %add3A_244 = arith.addf %add3A_242, %add3A_243 : vector<8x64x1024xf32>
    %slice3A_245 = vector.extract_strided_slice %mul3A_10 {offsets = [2, 0], sizes = [1, 64], strides = [1, 1]} : vector<4x64xf32> to vector<1x64xf32>
    %squeeze3A_246 = vector.shape_cast %slice3A_245 : vector<1x64xf32> to vector<64xf32>
    %broadcast_in_dim3A_247 = vector.shape_cast %squeeze3A_246 : vector<64xf32> to vector<1x64x1xf32>
    %mul3A_248 = vector.broadcast %broadcast_in_dim3A : vector<8x1x1024xf32> to vector<8x64x1024xf32>
    %mul3A_249 = vector.broadcast %broadcast_in_dim3A_247 : vector<1x64x1xf32> to vector<8x64x1024xf32>
    %mul3A_250 = arith.mulf %mul3A_248, %mul3A_249 : vector<8x64x1024xf32>
    %slice3A_251 = vector.extract_strided_slice %mul3A_13 {offsets = [2, 0], sizes = [1, 64], strides = [1, 1]} : vector<4x64xf32> to vector<1x64xf32>
    %squeeze3A_252 = vector.shape_cast %slice3A_251 : vector<1x64xf32> to vector<64xf32>
    %broadcast_in_dim3A_253 = vector.shape_cast %squeeze3A_252 : vector<64xf32> to vector<1x64x1xf32>
    %mul3A_254 = vector.broadcast %broadcast_in_dim3A_181 : vector<8x1x1024xf32> to vector<8x64x1024xf32>
    %mul3A_255 = vector.broadcast %broadcast_in_dim3A_253 : vector<1x64x1xf32> to vector<8x64x1024xf32>
    %mul3A_256 = arith.mulf %mul3A_254, %mul3A_255 : vector<8x64x1024xf32>
    %add3A_257 = arith.addf %mul3A_250, %mul3A_256 : vector<8x64x1024xf32>
    %slice3A_258 = vector.extract_strided_slice %mul3A_16 {offsets = [2, 0], sizes = [1, 64], strides = [1, 1]} : vector<4x64xf32> to vector<1x64xf32>
    %squeeze3A_259 = vector.shape_cast %slice3A_258 : vector<1x64xf32> to vector<64xf32>
    %broadcast_in_dim3A_260 = vector.shape_cast %squeeze3A_259 : vector<64xf32> to vector<1x64x1xf32>
    %mul3A_261 = vector.broadcast %broadcast_in_dim3A_182 : vector<8x1x1024xf32> to vector<8x64x1024xf32>
    %mul3A_262 = vector.broadcast %broadcast_in_dim3A_260 : vector<1x64x1xf32> to vector<8x64x1024xf32>
    %mul3A_263 = arith.mulf %mul3A_261, %mul3A_262 : vector<8x64x1024xf32>
    %add3A_264 = arith.addf %add3A_257, %mul3A_263 : vector<8x64x1024xf32>
    %add3A_265 = arith.addf %add3A_264, %add3A_244 : vector<8x64x1024xf32>
    %exp3A_266 = math.exp %add3A_265 : vector<8x64x1024xf32>
    %add3A_267 = arith.addf %add3A_238, %exp3A_266 : vector<8x64x1024xf32>
    %slice3A_268 = vector.extract_strided_slice %mul3A_23 {offsets = [3, 0], sizes = [1, 64], strides = [1, 1]} : vector<4x64xf32> to vector<1x64xf32>
    %squeeze3A_269 = vector.shape_cast %slice3A_268 : vector<1x64xf32> to vector<64xf32>
    %broadcast_in_dim3A_270 = vector.shape_cast %squeeze3A_269 : vector<64xf32> to vector<1x64x1xf32>
    %add3A_271 = vector.broadcast %broadcast_in_dim3A_183 : vector<8x1x1024xf32> to vector<8x64x1024xf32>
    %add3A_272 = vector.broadcast %broadcast_in_dim3A_270 : vector<1x64x1xf32> to vector<8x64x1024xf32>
    %add3A_273 = arith.addf %add3A_271, %add3A_272 : vector<8x64x1024xf32>
    %slice3A_274 = vector.extract_strided_slice %mul3A_10 {offsets = [3, 0], sizes = [1, 64], strides = [1, 1]} : vector<4x64xf32> to vector<1x64xf32>
    %squeeze3A_275 = vector.shape_cast %slice3A_274 : vector<1x64xf32> to vector<64xf32>
    %broadcast_in_dim3A_276 = vector.shape_cast %squeeze3A_275 : vector<64xf32> to vector<1x64x1xf32>
    %mul3A_277 = vector.broadcast %broadcast_in_dim3A : vector<8x1x1024xf32> to vector<8x64x1024xf32>
    %mul3A_278 = vector.broadcast %broadcast_in_dim3A_276 : vector<1x64x1xf32> to vector<8x64x1024xf32>
    %mul3A_279 = arith.mulf %mul3A_277, %mul3A_278 : vector<8x64x1024xf32>
    %slice3A_280 = vector.extract_strided_slice %mul3A_13 {offsets = [3, 0], sizes = [1, 64], strides = [1, 1]} : vector<4x64xf32> to vector<1x64xf32>
    %squeeze3A_281 = vector.shape_cast %slice3A_280 : vector<1x64xf32> to vector<64xf32>
    %broadcast_in_dim3A_282 = vector.shape_cast %squeeze3A_281 : vector<64xf32> to vector<1x64x1xf32>
    %mul3A_283 = vector.broadcast %broadcast_in_dim3A_181 : vector<8x1x1024xf32> to vector<8x64x1024xf32>
    %mul3A_284 = vector.broadcast %broadcast_in_dim3A_282 : vector<1x64x1xf32> to vector<8x64x1024xf32>
    %mul3A_285 = arith.mulf %mul3A_283, %mul3A_284 : vector<8x64x1024xf32>
    %add3A_286 = arith.addf %mul3A_279, %mul3A_285 : vector<8x64x1024xf32>
    %slice3A_287 = vector.extract_strided_slice %mul3A_16 {offsets = [3, 0], sizes = [1, 64], strides = [1, 1]} : vector<4x64xf32> to vector<1x64xf32>
    %squeeze3A_288 = vector.shape_cast %slice3A_287 : vector<1x64xf32> to vector<64xf32>
    %broadcast_in_dim3A_289 = vector.shape_cast %squeeze3A_288 : vector<64xf32> to vector<1x64x1xf32>
    %mul3A_290 = vector.broadcast %broadcast_in_dim3A_182 : vector<8x1x1024xf32> to vector<8x64x1024xf32>
    %mul3A_291 = vector.broadcast %broadcast_in_dim3A_289 : vector<1x64x1xf32> to vector<8x64x1024xf32>
    %mul3A_292 = arith.mulf %mul3A_290, %mul3A_291 : vector<8x64x1024xf32>
    %add3A_293 = arith.addf %add3A_286, %mul3A_292 : vector<8x64x1024xf32>
    %add3A_294 = arith.addf %add3A_293, %add3A_273 : vector<8x64x1024xf32>
    %exp3A_295 = math.exp %add3A_294 : vector<8x64x1024xf32>
    %add3A_296 = arith.addf %add3A_267, %exp3A_295 : vector<8x64x1024xf32>
    %get3A_297 = arith.constant 512 : index
    %get3A_298 = vector.load %arg1[%get3A_297] : memref<73728xf32, #tpu.memory_space<vmem>>, vector<512xf32>
    %get3A_299 = arith.constant 5120 : index
    %get3A_300 = vector.load %arg1[%get3A_299] : memref<73728xf32, #tpu.memory_space<vmem>>, vector<512xf32>
    %concatenate3A_301 = tpu.concatenate %get3A_298, %get3A_300 in 0 : vector<512xf32>, vector<512xf32> -> vector<1024xf32>
    %get3A_302 = arith.constant 9728 : index
    %get3A_303 = vector.load %arg1[%get3A_302] : memref<73728xf32, #tpu.memory_space<vmem>>, vector<512xf32>
    %get3A_304 = arith.constant 14336 : index
    %get3A_305 = vector.load %arg1[%get3A_304] : memref<73728xf32, #tpu.memory_space<vmem>>, vector<512xf32>
    %concatenate3A_306 = tpu.concatenate %get3A_303, %get3A_305 in 0 : vector<512xf32>, vector<512xf32> -> vector<1024xf32>
    %get3A_307 = arith.constant 18944 : index
    %get3A_308 = vector.load %arg1[%get3A_307] : memref<73728xf32, #tpu.memory_space<vmem>>, vector<512xf32>
    %get3A_309 = arith.constant 23552 : index
    %get3A_310 = vector.load %arg1[%get3A_309] : memref<73728xf32, #tpu.memory_space<vmem>>, vector<512xf32>
    %concatenate3A_311 = tpu.concatenate %get3A_308, %get3A_310 in 0 : vector<512xf32>, vector<512xf32> -> vector<1024xf32>
    %get3A_312 = arith.constant 28160 : index
    %get3A_313 = vector.load %arg1[%get3A_312] : memref<73728xf32, #tpu.memory_space<vmem>>, vector<512xf32>
    %get3A_314 = arith.constant 32768 : index
    %get3A_315 = vector.load %arg1[%get3A_314] : memref<73728xf32, #tpu.memory_space<vmem>>, vector<512xf32>
    %concatenate3A_316 = tpu.concatenate %get3A_313, %get3A_315 in 0 : vector<512xf32>, vector<512xf32> -> vector<1024xf32>
    %get3A_317 = arith.constant 37376 : index
    %get3A_318 = vector.load %arg1[%get3A_317] : memref<73728xf32, #tpu.memory_space<vmem>>, vector<512xf32>
    %get3A_319 = arith.constant 41984 : index
    %get3A_320 = vector.load %arg1[%get3A_319] : memref<73728xf32, #tpu.memory_space<vmem>>, vector<512xf32>
    %concatenate3A_321 = tpu.concatenate %get3A_318, %get3A_320 in 0 : vector<512xf32>, vector<512xf32> -> vector<1024xf32>
    %get3A_322 = arith.constant 46592 : index
    %get3A_323 = vector.load %arg1[%get3A_322] : memref<73728xf32, #tpu.memory_space<vmem>>, vector<512xf32>
    %get3A_324 = arith.constant 51200 : index
    %get3A_325 = vector.load %arg1[%get3A_324] : memref<73728xf32, #tpu.memory_space<vmem>>, vector<512xf32>
    %concatenate3A_326 = tpu.concatenate %get3A_323, %get3A_325 in 0 : vector<512xf32>, vector<512xf32> -> vector<1024xf32>
    %get3A_327 = arith.constant 55808 : index
    %get3A_328 = vector.load %arg1[%get3A_327] : memref<73728xf32, #tpu.memory_space<vmem>>, vector<512xf32>
    %get3A_329 = arith.constant 60416 : index
    %get3A_330 = vector.load %arg1[%get3A_329] : memref<73728xf32, #tpu.memory_space<vmem>>, vector<512xf32>
    %concatenate3A_331 = tpu.concatenate %get3A_328, %get3A_330 in 0 : vector<512xf32>, vector<512xf32> -> vector<1024xf32>
    %get3A_332 = arith.constant 65024 : index
    %get3A_333 = vector.load %arg1[%get3A_332] : memref<73728xf32, #tpu.memory_space<vmem>>, vector<512xf32>
    %get3A_334 = arith.constant 69632 : index
    %get3A_335 = vector.load %arg1[%get3A_334] : memref<73728xf32, #tpu.memory_space<vmem>>, vector<512xf32>
    %concatenate3A_336 = tpu.concatenate %get3A_333, %get3A_335 in 0 : vector<512xf32>, vector<512xf32> -> vector<1024xf32>
    %stack3A_337 = vector.shape_cast %concatenate3A_301 : vector<1024xf32> to vector<1x1024xf32>
    %stack3A_338 = vector.shape_cast %concatenate3A_306 : vector<1024xf32> to vector<1x1024xf32>
    %stack3A_339 = vector.shape_cast %concatenate3A_311 : vector<1024xf32> to vector<1x1024xf32>
    %stack3A_340 = vector.shape_cast %concatenate3A_316 : vector<1024xf32> to vector<1x1024xf32>
    %stack3A_341 = vector.shape_cast %concatenate3A_321 : vector<1024xf32> to vector<1x1024xf32>
    %stack3A_342 = vector.shape_cast %concatenate3A_326 : vector<1024xf32> to vector<1x1024xf32>
    %stack3A_343 = vector.shape_cast %concatenate3A_331 : vector<1024xf32> to vector<1x1024xf32>
    %stack3A_344 = vector.shape_cast %concatenate3A_336 : vector<1024xf32> to vector<1x1024xf32>
    %stack3A_345 = tpu.concatenate %stack3A_337, %stack3A_338, %stack3A_339, %stack3A_340, %stack3A_341, %stack3A_342, %stack3A_343, %stack3A_344 in 0 : vector<1x1024xf32>, vector<1x1024xf32>, vector<1x1024xf32>, vector<1x1024xf32>, vector<1x1024xf32>, vector<1x1024xf32>, vector<1x1024xf32>, vector<1x1024xf32> -> vector<8x1024xf32>
    %get3A_346 = arith.constant 2048 : index
    %get3A_347 = vector.load %arg1[%get3A_346] : memref<73728xf32, #tpu.memory_space<vmem>>, vector<512xf32>
    %get3A_348 = arith.constant 6656 : index
    %get3A_349 = vector.load %arg1[%get3A_348] : memref<73728xf32, #tpu.memory_space<vmem>>, vector<512xf32>
    %concatenate3A_350 = tpu.concatenate %get3A_347, %get3A_349 in 0 : vector<512xf32>, vector<512xf32> -> vector<1024xf32>
    %get3A_351 = arith.constant 11264 : index
    %get3A_352 = vector.load %arg1[%get3A_351] : memref<73728xf32, #tpu.memory_space<vmem>>, vector<512xf32>
    %get3A_353 = arith.constant 15872 : index
    %get3A_354 = vector.load %arg1[%get3A_353] : memref<73728xf32, #tpu.memory_space<vmem>>, vector<512xf32>
    %concatenate3A_355 = tpu.concatenate %get3A_352, %get3A_354 in 0 : vector<512xf32>, vector<512xf32> -> vector<1024xf32>
    %get3A_356 = arith.constant 20480 : index
    %get3A_357 = vector.load %arg1[%get3A_356] : memref<73728xf32, #tpu.memory_space<vmem>>, vector<512xf32>
    %get3A_358 = arith.constant 25088 : index
    %get3A_359 = vector.load %arg1[%get3A_358] : memref<73728xf32, #tpu.memory_space<vmem>>, vector<512xf32>
    %concatenate3A_360 = tpu.concatenate %get3A_357, %get3A_359 in 0 : vector<512xf32>, vector<512xf32> -> vector<1024xf32>
    %get3A_361 = arith.constant 29696 : index
    %get3A_362 = vector.load %arg1[%get3A_361] : memref<73728xf32, #tpu.memory_space<vmem>>, vector<512xf32>
    %get3A_363 = arith.constant 34304 : index
    %get3A_364 = vector.load %arg1[%get3A_363] : memref<73728xf32, #tpu.memory_space<vmem>>, vector<512xf32>
    %concatenate3A_365 = tpu.concatenate %get3A_362, %get3A_364 in 0 : vector<512xf32>, vector<512xf32> -> vector<1024xf32>
    %get3A_366 = arith.constant 38912 : index
    %get3A_367 = vector.load %arg1[%get3A_366] : memref<73728xf32, #tpu.memory_space<vmem>>, vector<512xf32>
    %get3A_368 = arith.constant 43520 : index
    %get3A_369 = vector.load %arg1[%get3A_368] : memref<73728xf32, #tpu.memory_space<vmem>>, vector<512xf32>
    %concatenate3A_370 = tpu.concatenate %get3A_367, %get3A_369 in 0 : vector<512xf32>, vector<512xf32> -> vector<1024xf32>
    %get3A_371 = arith.constant 48128 : index
    %get3A_372 = vector.load %arg1[%get3A_371] : memref<73728xf32, #tpu.memory_space<vmem>>, vector<512xf32>
    %get3A_373 = arith.constant 52736 : index
    %get3A_374 = vector.load %arg1[%get3A_373] : memref<73728xf32, #tpu.memory_space<vmem>>, vector<512xf32>
    %concatenate3A_375 = tpu.concatenate %get3A_372, %get3A_374 in 0 : vector<512xf32>, vector<512xf32> -> vector<1024xf32>
    %get3A_376 = arith.constant 57344 : index
    %get3A_377 = vector.load %arg1[%get3A_376] : memref<73728xf32, #tpu.memory_space<vmem>>, vector<512xf32>
    %get3A_378 = arith.constant 61952 : index
    %get3A_379 = vector.load %arg1[%get3A_378] : memref<73728xf32, #tpu.memory_space<vmem>>, vector<512xf32>
    %concatenate3A_380 = tpu.concatenate %get3A_377, %get3A_379 in 0 : vector<512xf32>, vector<512xf32> -> vector<1024xf32>
    %get3A_381 = arith.constant 66560 : index
    %get3A_382 = vector.load %arg1[%get3A_381] : memref<73728xf32, #tpu.memory_space<vmem>>, vector<512xf32>
    %get3A_383 = arith.constant 71168 : index
    %get3A_384 = vector.load %arg1[%get3A_383] : memref<73728xf32, #tpu.memory_space<vmem>>, vector<512xf32>
    %concatenate3A_385 = tpu.concatenate %get3A_382, %get3A_384 in 0 : vector<512xf32>, vector<512xf32> -> vector<1024xf32>
    %stack3A_386 = vector.shape_cast %concatenate3A_350 : vector<1024xf32> to vector<1x1024xf32>
    %stack3A_387 = vector.shape_cast %concatenate3A_355 : vector<1024xf32> to vector<1x1024xf32>
    %stack3A_388 = vector.shape_cast %concatenate3A_360 : vector<1024xf32> to vector<1x1024xf32>
    %stack3A_389 = vector.shape_cast %concatenate3A_365 : vector<1024xf32> to vector<1x1024xf32>
    %stack3A_390 = vector.shape_cast %concatenate3A_370 : vector<1024xf32> to vector<1x1024xf32>
    %stack3A_391 = vector.shape_cast %concatenate3A_375 : vector<1024xf32> to vector<1x1024xf32>
    %stack3A_392 = vector.shape_cast %concatenate3A_380 : vector<1024xf32> to vector<1x1024xf32>
    %stack3A_393 = vector.shape_cast %concatenate3A_385 : vector<1024xf32> to vector<1x1024xf32>
    %stack3A_394 = tpu.concatenate %stack3A_386, %stack3A_387, %stack3A_388, %stack3A_389, %stack3A_390, %stack3A_391, %stack3A_392, %stack3A_393 in 0 : vector<1x1024xf32>, vector<1x1024xf32>, vector<1x1024xf32>, vector<1x1024xf32>, vector<1x1024xf32>, vector<1x1024xf32>, vector<1x1024xf32>, vector<1x1024xf32> -> vector<8x1024xf32>
    %get3A_395 = arith.constant 3584 : index
    %get3A_396 = vector.load %arg1[%get3A_395] : memref<73728xf32, #tpu.memory_space<vmem>>, vector<512xf32>
    %get3A_397 = arith.constant 8192 : index
    %get3A_398 = vector.load %arg1[%get3A_397] : memref<73728xf32, #tpu.memory_space<vmem>>, vector<512xf32>
    %concatenate3A_399 = tpu.concatenate %get3A_396, %get3A_398 in 0 : vector<512xf32>, vector<512xf32> -> vector<1024xf32>
    %get3A_400 = arith.constant 12800 : index
    %get3A_401 = vector.load %arg1[%get3A_400] : memref<73728xf32, #tpu.memory_space<vmem>>, vector<512xf32>
    %get3A_402 = arith.constant 17408 : index
    %get3A_403 = vector.load %arg1[%get3A_402] : memref<73728xf32, #tpu.memory_space<vmem>>, vector<512xf32>
    %concatenate3A_404 = tpu.concatenate %get3A_401, %get3A_403 in 0 : vector<512xf32>, vector<512xf32> -> vector<1024xf32>
    %get3A_405 = arith.constant 22016 : index
    %get3A_406 = vector.load %arg1[%get3A_405] : memref<73728xf32, #tpu.memory_space<vmem>>, vector<512xf32>
    %get3A_407 = arith.constant 26624 : index
    %get3A_408 = vector.load %arg1[%get3A_407] : memref<73728xf32, #tpu.memory_space<vmem>>, vector<512xf32>
    %concatenate3A_409 = tpu.concatenate %get3A_406, %get3A_408 in 0 : vector<512xf32>, vector<512xf32> -> vector<1024xf32>
    %get3A_410 = arith.constant 31232 : index
    %get3A_411 = vector.load %arg1[%get3A_410] : memref<73728xf32, #tpu.memory_space<vmem>>, vector<512xf32>
    %get3A_412 = arith.constant 35840 : index
    %get3A_413 = vector.load %arg1[%get3A_412] : memref<73728xf32, #tpu.memory_space<vmem>>, vector<512xf32>
    %concatenate3A_414 = tpu.concatenate %get3A_411, %get3A_413 in 0 : vector<512xf32>, vector<512xf32> -> vector<1024xf32>
    %get3A_415 = arith.constant 40448 : index
    %get3A_416 = vector.load %arg1[%get3A_415] : memref<73728xf32, #tpu.memory_space<vmem>>, vector<512xf32>
    %get3A_417 = arith.constant 45056 : index
    %get3A_418 = vector.load %arg1[%get3A_417] : memref<73728xf32, #tpu.memory_space<vmem>>, vector<512xf32>
    %concatenate3A_419 = tpu.concatenate %get3A_416, %get3A_418 in 0 : vector<512xf32>, vector<512xf32> -> vector<1024xf32>
    %get3A_420 = arith.constant 49664 : index
    %get3A_421 = vector.load %arg1[%get3A_420] : memref<73728xf32, #tpu.memory_space<vmem>>, vector<512xf32>
    %get3A_422 = arith.constant 54272 : index
    %get3A_423 = vector.load %arg1[%get3A_422] : memref<73728xf32, #tpu.memory_space<vmem>>, vector<512xf32>
    %concatenate3A_424 = tpu.concatenate %get3A_421, %get3A_423 in 0 : vector<512xf32>, vector<512xf32> -> vector<1024xf32>
    %get3A_425 = arith.constant 58880 : index
    %get3A_426 = vector.load %arg1[%get3A_425] : memref<73728xf32, #tpu.memory_space<vmem>>, vector<512xf32>
    %get3A_427 = arith.constant 63488 : index
    %get3A_428 = vector.load %arg1[%get3A_427] : memref<73728xf32, #tpu.memory_space<vmem>>, vector<512xf32>
    %concatenate3A_429 = tpu.concatenate %get3A_426, %get3A_428 in 0 : vector<512xf32>, vector<512xf32> -> vector<1024xf32>
    %get3A_430 = arith.constant 68096 : index
    %get3A_431 = vector.load %arg1[%get3A_430] : memref<73728xf32, #tpu.memory_space<vmem>>, vector<512xf32>
    %get3A_432 = arith.constant 72704 : index
    %get3A_433 = vector.load %arg1[%get3A_432] : memref<73728xf32, #tpu.memory_space<vmem>>, vector<512xf32>
    %concatenate3A_434 = tpu.concatenate %get3A_431, %get3A_433 in 0 : vector<512xf32>, vector<512xf32> -> vector<1024xf32>
    %stack3A_435 = vector.shape_cast %concatenate3A_399 : vector<1024xf32> to vector<1x1024xf32>
    %stack3A_436 = vector.shape_cast %concatenate3A_404 : vector<1024xf32> to vector<1x1024xf32>
    %stack3A_437 = vector.shape_cast %concatenate3A_409 : vector<1024xf32> to vector<1x1024xf32>
    %stack3A_438 = vector.shape_cast %concatenate3A_414 : vector<1024xf32> to vector<1x1024xf32>
    %stack3A_439 = vector.shape_cast %concatenate3A_419 : vector<1024xf32> to vector<1x1024xf32>
    %stack3A_440 = vector.shape_cast %concatenate3A_424 : vector<1024xf32> to vector<1x1024xf32>
    %stack3A_441 = vector.shape_cast %concatenate3A_429 : vector<1024xf32> to vector<1x1024xf32>
    %stack3A_442 = vector.shape_cast %concatenate3A_434 : vector<1024xf32> to vector<1x1024xf32>
    %stack3A_443 = tpu.concatenate %stack3A_435, %stack3A_436, %stack3A_437, %stack3A_438, %stack3A_439, %stack3A_440, %stack3A_441, %stack3A_442 in 0 : vector<1x1024xf32>, vector<1x1024xf32>, vector<1x1024xf32>, vector<1x1024xf32>, vector<1x1024xf32>, vector<1x1024xf32>, vector<1x1024xf32>, vector<1x1024xf32> -> vector<8x1024xf32>
    %mul3A_444 = arith.mulf %stack3A_345, %stack3A_345 : vector<8x1024xf32>
    %mul3A_445 = arith.mulf %stack3A_394, %stack3A_394 : vector<8x1024xf32>
    %add3A_446 = arith.addf %mul3A_444, %mul3A_445 : vector<8x1024xf32>
    %mul3A_447 = arith.mulf %stack3A_443, %stack3A_443 : vector<8x1024xf32>
    %add3A_448 = arith.addf %add3A_446, %mul3A_447 : vector<8x1024xf32>
    %mul3A_449 = arith.constant -1.250000e+01 : f32
    %mul3A_450 = vector.broadcast %mul3A_449 : f32 to vector<8x1024xf32>
    %mul3A_451 = arith.mulf %add3A_448, %mul3A_450 : vector<8x1024xf32>
    %broadcast_in_dim3A_452 = vector.shape_cast %stack3A_345 : vector<8x1024xf32> to vector<8x1x1024xf32>
    %broadcast_in_dim3A_453 = vector.shape_cast %stack3A_394 : vector<8x1024xf32> to vector<8x1x1024xf32>
    %broadcast_in_dim3A_454 = vector.shape_cast %stack3A_443 : vector<8x1024xf32> to vector<8x1x1024xf32>
    %broadcast_in_dim3A_455 = vector.shape_cast %mul3A_451 : vector<8x1024xf32> to vector<8x1x1024xf32>
    %slice3A_456 = vector.extract_strided_slice %mul3A_23 {offsets = [0, 0], sizes = [1, 64], strides = [1, 1]} : vector<4x64xf32> to vector<1x64xf32>
    %squeeze3A_457 = vector.shape_cast %slice3A_456 : vector<1x64xf32> to vector<64xf32>
    %broadcast_in_dim3A_458 = vector.shape_cast %squeeze3A_457 : vector<64xf32> to vector<1x64x1xf32>
    %add3A_459 = vector.broadcast %broadcast_in_dim3A_455 : vector<8x1x1024xf32> to vector<8x64x1024xf32>
    %add3A_460 = vector.broadcast %broadcast_in_dim3A_458 : vector<1x64x1xf32> to vector<8x64x1024xf32>
    %add3A_461 = arith.addf %add3A_459, %add3A_460 : vector<8x64x1024xf32>
    %slice3A_462 = vector.extract_strided_slice %mul3A_10 {offsets = [0, 0], sizes = [1, 64], strides = [1, 1]} : vector<4x64xf32> to vector<1x64xf32>
    %squeeze3A_463 = vector.shape_cast %slice3A_462 : vector<1x64xf32> to vector<64xf32>
    %broadcast_in_dim3A_464 = vector.shape_cast %squeeze3A_463 : vector<64xf32> to vector<1x64x1xf32>
    %mul3A_465 = vector.broadcast %broadcast_in_dim3A_452 : vector<8x1x1024xf32> to vector<8x64x1024xf32>
    %mul3A_466 = vector.broadcast %broadcast_in_dim3A_464 : vector<1x64x1xf32> to vector<8x64x1024xf32>
    %mul3A_467 = arith.mulf %mul3A_465, %mul3A_466 : vector<8x64x1024xf32>
    %slice3A_468 = vector.extract_strided_slice %mul3A_13 {offsets = [0, 0], sizes = [1, 64], strides = [1, 1]} : vector<4x64xf32> to vector<1x64xf32>
    %squeeze3A_469 = vector.shape_cast %slice3A_468 : vector<1x64xf32> to vector<64xf32>
    %broadcast_in_dim3A_470 = vector.shape_cast %squeeze3A_469 : vector<64xf32> to vector<1x64x1xf32>
    %mul3A_471 = vector.broadcast %broadcast_in_dim3A_453 : vector<8x1x1024xf32> to vector<8x64x1024xf32>
    %mul3A_472 = vector.broadcast %broadcast_in_dim3A_470 : vector<1x64x1xf32> to vector<8x64x1024xf32>
    %mul3A_473 = arith.mulf %mul3A_471, %mul3A_472 : vector<8x64x1024xf32>
    %add3A_474 = arith.addf %mul3A_467, %mul3A_473 : vector<8x64x1024xf32>
    %slice3A_475 = vector.extract_strided_slice %mul3A_16 {offsets = [0, 0], sizes = [1, 64], strides = [1, 1]} : vector<4x64xf32> to vector<1x64xf32>
    %squeeze3A_476 = vector.shape_cast %slice3A_475 : vector<1x64xf32> to vector<64xf32>
    %broadcast_in_dim3A_477 = vector.shape_cast %squeeze3A_476 : vector<64xf32> to vector<1x64x1xf32>
    %mul3A_478 = vector.broadcast %broadcast_in_dim3A_454 : vector<8x1x1024xf32> to vector<8x64x1024xf32>
    %mul3A_479 = vector.broadcast %broadcast_in_dim3A_477 : vector<1x64x1xf32> to vector<8x64x1024xf32>
    %mul3A_480 = arith.mulf %mul3A_478, %mul3A_479 : vector<8x64x1024xf32>
    %add3A_481 = arith.addf %add3A_474, %mul3A_480 : vector<8x64x1024xf32>
    %add3A_482 = arith.addf %add3A_481, %add3A_461 : vector<8x64x1024xf32>
    %exp3A_483 = math.exp %add3A_482 : vector<8x64x1024xf32>
    %add3A_484 = arith.addf %add3A_296, %exp3A_483 : vector<8x64x1024xf32>
    %slice3A_485 = vector.extract_strided_slice %mul3A_23 {offsets = [1, 0], sizes = [1, 64], strides = [1, 1]} : vector<4x64xf32> to vector<1x64xf32>
    %squeeze3A_486 = vector.shape_cast %slice3A_485 : vector<1x64xf32> to vector<64xf32>
    %broadcast_in_dim3A_487 = vector.shape_cast %squeeze3A_486 : vector<64xf32> to vector<1x64x1xf32>
    %add3A_488 = vector.broadcast %broadcast_in_dim3A_455 : vector<8x1x1024xf32> to vector<8x64x1024xf32>
    %add3A_489 = vector.broadcast %broadcast_in_dim3A_487 : vector<1x64x1xf32> to vector<8x64x1024xf32>
    %add3A_490 = arith.addf %add3A_488, %add3A_489 : vector<8x64x1024xf32>
    %slice3A_491 = vector.extract_strided_slice %mul3A_10 {offsets = [1, 0], sizes = [1, 64], strides = [1, 1]} : vector<4x64xf32> to vector<1x64xf32>
    %squeeze3A_492 = vector.shape_cast %slice3A_491 : vector<1x64xf32> to vector<64xf32>
    %broadcast_in_dim3A_493 = vector.shape_cast %squeeze3A_492 : vector<64xf32> to vector<1x64x1xf32>
    %mul3A_494 = vector.broadcast %broadcast_in_dim3A_452 : vector<8x1x1024xf32> to vector<8x64x1024xf32>
    %mul3A_495 = vector.broadcast %broadcast_in_dim3A_493 : vector<1x64x1xf32> to vector<8x64x1024xf32>
    %mul3A_496 = arith.mulf %mul3A_494, %mul3A_495 : vector<8x64x1024xf32>
    %slice3A_497 = vector.extract_strided_slice %mul3A_13 {offsets = [1, 0], sizes = [1, 64], strides = [1, 1]} : vector<4x64xf32> to vector<1x64xf32>
    %squeeze3A_498 = vector.shape_cast %slice3A_497 : vector<1x64xf32> to vector<64xf32>
    %broadcast_in_dim3A_499 = vector.shape_cast %squeeze3A_498 : vector<64xf32> to vector<1x64x1xf32>
    %mul3A_500 = vector.broadcast %broadcast_in_dim3A_453 : vector<8x1x1024xf32> to vector<8x64x1024xf32>
    %mul3A_501 = vector.broadcast %broadcast_in_dim3A_499 : vector<1x64x1xf32> to vector<8x64x1024xf32>
    %mul3A_502 = arith.mulf %mul3A_500, %mul3A_501 : vector<8x64x1024xf32>
    %add3A_503 = arith.addf %mul3A_496, %mul3A_502 : vector<8x64x1024xf32>
    %slice3A_504 = vector.extract_strided_slice %mul3A_16 {offsets = [1, 0], sizes = [1, 64], strides = [1, 1]} : vector<4x64xf32> to vector<1x64xf32>
    %squeeze3A_505 = vector.shape_cast %slice3A_504 : vector<1x64xf32> to vector<64xf32>
    %broadcast_in_dim3A_506 = vector.shape_cast %squeeze3A_505 : vector<64xf32> to vector<1x64x1xf32>
    %mul3A_507 = vector.broadcast %broadcast_in_dim3A_454 : vector<8x1x1024xf32> to vector<8x64x1024xf32>
    %mul3A_508 = vector.broadcast %broadcast_in_dim3A_506 : vector<1x64x1xf32> to vector<8x64x1024xf32>
    %mul3A_509 = arith.mulf %mul3A_507, %mul3A_508 : vector<8x64x1024xf32>
    %add3A_510 = arith.addf %add3A_503, %mul3A_509 : vector<8x64x1024xf32>
    %add3A_511 = arith.addf %add3A_510, %add3A_490 : vector<8x64x1024xf32>
    %exp3A_512 = math.exp %add3A_511 : vector<8x64x1024xf32>
    %add3A_513 = arith.addf %add3A_484, %exp3A_512 : vector<8x64x1024xf32>
    %slice3A_514 = vector.extract_strided_slice %mul3A_23 {offsets = [2, 0], sizes = [1, 64], strides = [1, 1]} : vector<4x64xf32> to vector<1x64xf32>
    %squeeze3A_515 = vector.shape_cast %slice3A_514 : vector<1x64xf32> to vector<64xf32>
    %broadcast_in_dim3A_516 = vector.shape_cast %squeeze3A_515 : vector<64xf32> to vector<1x64x1xf32>
    %add3A_517 = vector.broadcast %broadcast_in_dim3A_455 : vector<8x1x1024xf32> to vector<8x64x1024xf32>
    %add3A_518 = vector.broadcast %broadcast_in_dim3A_516 : vector<1x64x1xf32> to vector<8x64x1024xf32>
    %add3A_519 = arith.addf %add3A_517, %add3A_518 : vector<8x64x1024xf32>
    %slice3A_520 = vector.extract_strided_slice %mul3A_10 {offsets = [2, 0], sizes = [1, 64], strides = [1, 1]} : vector<4x64xf32> to vector<1x64xf32>
    %squeeze3A_521 = vector.shape_cast %slice3A_520 : vector<1x64xf32> to vector<64xf32>
    %broadcast_in_dim3A_522 = vector.shape_cast %squeeze3A_521 : vector<64xf32> to vector<1x64x1xf32>
    %mul3A_523 = vector.broadcast %broadcast_in_dim3A_452 : vector<8x1x1024xf32> to vector<8x64x1024xf32>
    %mul3A_524 = vector.broadcast %broadcast_in_dim3A_522 : vector<1x64x1xf32> to vector<8x64x1024xf32>
    %mul3A_525 = arith.mulf %mul3A_523, %mul3A_524 : vector<8x64x1024xf32>
    %slice3A_526 = vector.extract_strided_slice %mul3A_13 {offsets = [2, 0], sizes = [1, 64], strides = [1, 1]} : vector<4x64xf32> to vector<1x64xf32>
    %squeeze3A_527 = vector.shape_cast %slice3A_526 : vector<1x64xf32> to vector<64xf32>
    %broadcast_in_dim3A_528 = vector.shape_cast %squeeze3A_527 : vector<64xf32> to vector<1x64x1xf32>
    %mul3A_529 = vector.broadcast %broadcast_in_dim3A_453 : vector<8x1x1024xf32> to vector<8x64x1024xf32>
    %mul3A_530 = vector.broadcast %broadcast_in_dim3A_528 : vector<1x64x1xf32> to vector<8x64x1024xf32>
    %mul3A_531 = arith.mulf %mul3A_529, %mul3A_530 : vector<8x64x1024xf32>
    %add3A_532 = arith.addf %mul3A_525, %mul3A_531 : vector<8x64x1024xf32>
    %slice3A_533 = vector.extract_strided_slice %mul3A_16 {offsets = [2, 0], sizes = [1, 64], strides = [1, 1]} : vector<4x64xf32> to vector<1x64xf32>
    %squeeze3A_534 = vector.shape_cast %slice3A_533 : vector<1x64xf32> to vector<64xf32>
    %broadcast_in_dim3A_535 = vector.shape_cast %squeeze3A_534 : vector<64xf32> to vector<1x64x1xf32>
    %mul3A_536 = vector.broadcast %broadcast_in_dim3A_454 : vector<8x1x1024xf32> to vector<8x64x1024xf32>
    %mul3A_537 = vector.broadcast %broadcast_in_dim3A_535 : vector<1x64x1xf32> to vector<8x64x1024xf32>
    %mul3A_538 = arith.mulf %mul3A_536, %mul3A_537 : vector<8x64x1024xf32>
    %add3A_539 = arith.addf %add3A_532, %mul3A_538 : vector<8x64x1024xf32>
    %add3A_540 = arith.addf %add3A_539, %add3A_519 : vector<8x64x1024xf32>
    %exp3A_541 = math.exp %add3A_540 : vector<8x64x1024xf32>
    %add3A_542 = arith.addf %add3A_513, %exp3A_541 : vector<8x64x1024xf32>
    %slice3A_543 = vector.extract_strided_slice %mul3A_23 {offsets = [3, 0], sizes = [1, 64], strides = [1, 1]} : vector<4x64xf32> to vector<1x64xf32>
    %squeeze3A_544 = vector.shape_cast %slice3A_543 : vector<1x64xf32> to vector<64xf32>
    %broadcast_in_dim3A_545 = vector.shape_cast %squeeze3A_544 : vector<64xf32> to vector<1x64x1xf32>
    %add3A_546 = vector.broadcast %broadcast_in_dim3A_455 : vector<8x1x1024xf32> to vector<8x64x1024xf32>
    %add3A_547 = vector.broadcast %broadcast_in_dim3A_545 : vector<1x64x1xf32> to vector<8x64x1024xf32>
    %add3A_548 = arith.addf %add3A_546, %add3A_547 : vector<8x64x1024xf32>
    %slice3A_549 = vector.extract_strided_slice %mul3A_10 {offsets = [3, 0], sizes = [1, 64], strides = [1, 1]} : vector<4x64xf32> to vector<1x64xf32>
    %squeeze3A_550 = vector.shape_cast %slice3A_549 : vector<1x64xf32> to vector<64xf32>
    %broadcast_in_dim3A_551 = vector.shape_cast %squeeze3A_550 : vector<64xf32> to vector<1x64x1xf32>
    %mul3A_552 = vector.broadcast %broadcast_in_dim3A_452 : vector<8x1x1024xf32> to vector<8x64x1024xf32>
    %mul3A_553 = vector.broadcast %broadcast_in_dim3A_551 : vector<1x64x1xf32> to vector<8x64x1024xf32>
    %mul3A_554 = arith.mulf %mul3A_552, %mul3A_553 : vector<8x64x1024xf32>
    %slice3A_555 = vector.extract_strided_slice %mul3A_13 {offsets = [3, 0], sizes = [1, 64], strides = [1, 1]} : vector<4x64xf32> to vector<1x64xf32>
    %squeeze3A_556 = vector.shape_cast %slice3A_555 : vector<1x64xf32> to vector<64xf32>
    %broadcast_in_dim3A_557 = vector.shape_cast %squeeze3A_556 : vector<64xf32> to vector<1x64x1xf32>
    %mul3A_558 = vector.broadcast %broadcast_in_dim3A_453 : vector<8x1x1024xf32> to vector<8x64x1024xf32>
    %mul3A_559 = vector.broadcast %broadcast_in_dim3A_557 : vector<1x64x1xf32> to vector<8x64x1024xf32>
    %mul3A_560 = arith.mulf %mul3A_558, %mul3A_559 : vector<8x64x1024xf32>
    %add3A_561 = arith.addf %mul3A_554, %mul3A_560 : vector<8x64x1024xf32>
    %slice3A_562 = vector.extract_strided_slice %mul3A_16 {offsets = [3, 0], sizes = [1, 64], strides = [1, 1]} : vector<4x64xf32> to vector<1x64xf32>
    %squeeze3A_563 = vector.shape_cast %slice3A_562 : vector<1x64xf32> to vector<64xf32>
    %broadcast_in_dim3A_564 = vector.shape_cast %squeeze3A_563 : vector<64xf32> to vector<1x64x1xf32>
    %mul3A_565 = vector.broadcast %broadcast_in_dim3A_454 : vector<8x1x1024xf32> to vector<8x64x1024xf32>
    %mul3A_566 = vector.broadcast %broadcast_in_dim3A_564 : vector<1x64x1xf32> to vector<8x64x1024xf32>
    %mul3A_567 = arith.mulf %mul3A_565, %mul3A_566 : vector<8x64x1024xf32>
    %add3A_568 = arith.addf %add3A_561, %mul3A_567 : vector<8x64x1024xf32>
    %add3A_569 = arith.addf %add3A_568, %add3A_548 : vector<8x64x1024xf32>
    %exp3A_570 = math.exp %add3A_569 : vector<8x64x1024xf32>
    %add3A_571 = arith.addf %add3A_542, %exp3A_570 : vector<8x64x1024xf32>
    %get3A_572 = arith.constant 1024 : index
    %get3A_573 = vector.load %arg1[%get3A_572] : memref<73728xf32, #tpu.memory_space<vmem>>, vector<512xf32>
    %get3A_574 = arith.constant 5632 : index
    %get3A_575 = vector.load %arg1[%get3A_574] : memref<73728xf32, #tpu.memory_space<vmem>>, vector<512xf32>
    %concatenate3A_576 = tpu.concatenate %get3A_573, %get3A_575 in 0 : vector<512xf32>, vector<512xf32> -> vector<1024xf32>
    %get3A_577 = arith.constant 10240 : index
    %get3A_578 = vector.load %arg1[%get3A_577] : memref<73728xf32, #tpu.memory_space<vmem>>, vector<512xf32>
    %get3A_579 = arith.constant 14848 : index
    %get3A_580 = vector.load %arg1[%get3A_579] : memref<73728xf32, #tpu.memory_space<vmem>>, vector<512xf32>
    %concatenate3A_581 = tpu.concatenate %get3A_578, %get3A_580 in 0 : vector<512xf32>, vector<512xf32> -> vector<1024xf32>
    %get3A_582 = arith.constant 19456 : index
    %get3A_583 = vector.load %arg1[%get3A_582] : memref<73728xf32, #tpu.memory_space<vmem>>, vector<512xf32>
    %get3A_584 = arith.constant 24064 : index
    %get3A_585 = vector.load %arg1[%get3A_584] : memref<73728xf32, #tpu.memory_space<vmem>>, vector<512xf32>
    %concatenate3A_586 = tpu.concatenate %get3A_583, %get3A_585 in 0 : vector<512xf32>, vector<512xf32> -> vector<1024xf32>
    %get3A_587 = arith.constant 28672 : index
    %get3A_588 = vector.load %arg1[%get3A_587] : memref<73728xf32, #tpu.memory_space<vmem>>, vector<512xf32>
    %get3A_589 = arith.constant 33280 : index
    %get3A_590 = vector.load %arg1[%get3A_589] : memref<73728xf32, #tpu.memory_space<vmem>>, vector<512xf32>
    %concatenate3A_591 = tpu.concatenate %get3A_588, %get3A_590 in 0 : vector<512xf32>, vector<512xf32> -> vector<1024xf32>
    %get3A_592 = arith.constant 37888 : index
    %get3A_593 = vector.load %arg1[%get3A_592] : memref<73728xf32, #tpu.memory_space<vmem>>, vector<512xf32>
    %get3A_594 = arith.constant 42496 : index
    %get3A_595 = vector.load %arg1[%get3A_594] : memref<73728xf32, #tpu.memory_space<vmem>>, vector<512xf32>
    %concatenate3A_596 = tpu.concatenate %get3A_593, %get3A_595 in 0 : vector<512xf32>, vector<512xf32> -> vector<1024xf32>
    %get3A_597 = arith.constant 47104 : index
    %get3A_598 = vector.load %arg1[%get3A_597] : memref<73728xf32, #tpu.memory_space<vmem>>, vector<512xf32>
    %get3A_599 = arith.constant 51712 : index
    %get3A_600 = vector.load %arg1[%get3A_599] : memref<73728xf32, #tpu.memory_space<vmem>>, vector<512xf32>
    %concatenate3A_601 = tpu.concatenate %get3A_598, %get3A_600 in 0 : vector<512xf32>, vector<512xf32> -> vector<1024xf32>
    %get3A_602 = arith.constant 56320 : index
    %get3A_603 = vector.load %arg1[%get3A_602] : memref<73728xf32, #tpu.memory_space<vmem>>, vector<512xf32>
    %get3A_604 = arith.constant 60928 : index
    %get3A_605 = vector.load %arg1[%get3A_604] : memref<73728xf32, #tpu.memory_space<vmem>>, vector<512xf32>
    %concatenate3A_606 = tpu.concatenate %get3A_603, %get3A_605 in 0 : vector<512xf32>, vector<512xf32> -> vector<1024xf32>
    %get3A_607 = arith.constant 65536 : index
    %get3A_608 = vector.load %arg1[%get3A_607] : memref<73728xf32, #tpu.memory_space<vmem>>, vector<512xf32>
    %get3A_609 = arith.constant 70144 : index
    %get3A_610 = vector.load %arg1[%get3A_609] : memref<73728xf32, #tpu.memory_space<vmem>>, vector<512xf32>
    %concatenate3A_611 = tpu.concatenate %get3A_608, %get3A_610 in 0 : vector<512xf32>, vector<512xf32> -> vector<1024xf32>
    %stack3A_612 = vector.shape_cast %concatenate3A_576 : vector<1024xf32> to vector<1x1024xf32>
    %stack3A_613 = vector.shape_cast %concatenate3A_581 : vector<1024xf32> to vector<1x1024xf32>
    %stack3A_614 = vector.shape_cast %concatenate3A_586 : vector<1024xf32> to vector<1x1024xf32>
    %stack3A_615 = vector.shape_cast %concatenate3A_591 : vector<1024xf32> to vector<1x1024xf32>
    %stack3A_616 = vector.shape_cast %concatenate3A_596 : vector<1024xf32> to vector<1x1024xf32>
    %stack3A_617 = vector.shape_cast %concatenate3A_601 : vector<1024xf32> to vector<1x1024xf32>
    %stack3A_618 = vector.shape_cast %concatenate3A_606 : vector<1024xf32> to vector<1x1024xf32>
    %stack3A_619 = vector.shape_cast %concatenate3A_611 : vector<1024xf32> to vector<1x1024xf32>
    %stack3A_620 = tpu.concatenate %stack3A_612, %stack3A_613, %stack3A_614, %stack3A_615, %stack3A_616, %stack3A_617, %stack3A_618, %stack3A_619 in 0 : vector<1x1024xf32>, vector<1x1024xf32>, vector<1x1024xf32>, vector<1x1024xf32>, vector<1x1024xf32>, vector<1x1024xf32>, vector<1x1024xf32>, vector<1x1024xf32> -> vector<8x1024xf32>
    %get3A_621 = arith.constant 2560 : index
    %get3A_622 = vector.load %arg1[%get3A_621] : memref<73728xf32, #tpu.memory_space<vmem>>, vector<512xf32>
    %get3A_623 = arith.constant 7168 : index
    %get3A_624 = vector.load %arg1[%get3A_623] : memref<73728xf32, #tpu.memory_space<vmem>>, vector<512xf32>
    %concatenate3A_625 = tpu.concatenate %get3A_622, %get3A_624 in 0 : vector<512xf32>, vector<512xf32> -> vector<1024xf32>
    %get3A_626 = arith.constant 11776 : index
    %get3A_627 = vector.load %arg1[%get3A_626] : memref<73728xf32, #tpu.memory_space<vmem>>, vector<512xf32>
    %get3A_628 = arith.constant 16384 : index
    %get3A_629 = vector.load %arg1[%get3A_628] : memref<73728xf32, #tpu.memory_space<vmem>>, vector<512xf32>
    %concatenate3A_630 = tpu.concatenate %get3A_627, %get3A_629 in 0 : vector<512xf32>, vector<512xf32> -> vector<1024xf32>
    %get3A_631 = arith.constant 20992 : index
    %get3A_632 = vector.load %arg1[%get3A_631] : memref<73728xf32, #tpu.memory_space<vmem>>, vector<512xf32>
    %get3A_633 = arith.constant 25600 : index
    %get3A_634 = vector.load %arg1[%get3A_633] : memref<73728xf32, #tpu.memory_space<vmem>>, vector<512xf32>
    %concatenate3A_635 = tpu.concatenate %get3A_632, %get3A_634 in 0 : vector<512xf32>, vector<512xf32> -> vector<1024xf32>
    %get3A_636 = arith.constant 30208 : index
    %get3A_637 = vector.load %arg1[%get3A_636] : memref<73728xf32, #tpu.memory_space<vmem>>, vector<512xf32>
    %get3A_638 = arith.constant 34816 : index
    %get3A_639 = vector.load %arg1[%get3A_638] : memref<73728xf32, #tpu.memory_space<vmem>>, vector<512xf32>
    %concatenate3A_640 = tpu.concatenate %get3A_637, %get3A_639 in 0 : vector<512xf32>, vector<512xf32> -> vector<1024xf32>
    %get3A_641 = arith.constant 39424 : index
    %get3A_642 = vector.load %arg1[%get3A_641] : memref<73728xf32, #tpu.memory_space<vmem>>, vector<512xf32>
    %get3A_643 = arith.constant 44032 : index
    %get3A_644 = vector.load %arg1[%get3A_643] : memref<73728xf32, #tpu.memory_space<vmem>>, vector<512xf32>
    %concatenate3A_645 = tpu.concatenate %get3A_642, %get3A_644 in 0 : vector<512xf32>, vector<512xf32> -> vector<1024xf32>
    %get3A_646 = arith.constant 48640 : index
    %get3A_647 = vector.load %arg1[%get3A_646] : memref<73728xf32, #tpu.memory_space<vmem>>, vector<512xf32>
    %get3A_648 = arith.constant 53248 : index
    %get3A_649 = vector.load %arg1[%get3A_648] : memref<73728xf32, #tpu.memory_space<vmem>>, vector<512xf32>
    %concatenate3A_650 = tpu.concatenate %get3A_647, %get3A_649 in 0 : vector<512xf32>, vector<512xf32> -> vector<1024xf32>
    %get3A_651 = arith.constant 57856 : index
    %get3A_652 = vector.load %arg1[%get3A_651] : memref<73728xf32, #tpu.memory_space<vmem>>, vector<512xf32>
    %get3A_653 = arith.constant 62464 : index
    %get3A_654 = vector.load %arg1[%get3A_653] : memref<73728xf32, #tpu.memory_space<vmem>>, vector<512xf32>
    %concatenate3A_655 = tpu.concatenate %get3A_652, %get3A_654 in 0 : vector<512xf32>, vector<512xf32> -> vector<1024xf32>
    %get3A_656 = arith.constant 67072 : index
    %get3A_657 = vector.load %arg1[%get3A_656] : memref<73728xf32, #tpu.memory_space<vmem>>, vector<512xf32>
    %get3A_658 = arith.constant 71680 : index
    %get3A_659 = vector.load %arg1[%get3A_658] : memref<73728xf32, #tpu.memory_space<vmem>>, vector<512xf32>
    %concatenate3A_660 = tpu.concatenate %get3A_657, %get3A_659 in 0 : vector<512xf32>, vector<512xf32> -> vector<1024xf32>
    %stack3A_661 = vector.shape_cast %concatenate3A_625 : vector<1024xf32> to vector<1x1024xf32>
    %stack3A_662 = vector.shape_cast %concatenate3A_630 : vector<1024xf32> to vector<1x1024xf32>
    %stack3A_663 = vector.shape_cast %concatenate3A_635 : vector<1024xf32> to vector<1x1024xf32>
    %stack3A_664 = vector.shape_cast %concatenate3A_640 : vector<1024xf32> to vector<1x1024xf32>
    %stack3A_665 = vector.shape_cast %concatenate3A_645 : vector<1024xf32> to vector<1x1024xf32>
    %stack3A_666 = vector.shape_cast %concatenate3A_650 : vector<1024xf32> to vector<1x1024xf32>
    %stack3A_667 = vector.shape_cast %concatenate3A_655 : vector<1024xf32> to vector<1x1024xf32>
    %stack3A_668 = vector.shape_cast %concatenate3A_660 : vector<1024xf32> to vector<1x1024xf32>
    %stack3A_669 = tpu.concatenate %stack3A_661, %stack3A_662, %stack3A_663, %stack3A_664, %stack3A_665, %stack3A_666, %stack3A_667, %stack3A_668 in 0 : vector<1x1024xf32>, vector<1x1024xf32>, vector<1x1024xf32>, vector<1x1024xf32>, vector<1x1024xf32>, vector<1x1024xf32>, vector<1x1024xf32>, vector<1x1024xf32> -> vector<8x1024xf32>
    %get3A_670 = arith.constant 4096 : index
    %get3A_671 = vector.load %arg1[%get3A_670] : memref<73728xf32, #tpu.memory_space<vmem>>, vector<512xf32>
    %get3A_672 = arith.constant 8704 : index
    %get3A_673 = vector.load %arg1[%get3A_672] : memref<73728xf32, #tpu.memory_space<vmem>>, vector<512xf32>
    %concatenate3A_674 = tpu.concatenate %get3A_671, %get3A_673 in 0 : vector<512xf32>, vector<512xf32> -> vector<1024xf32>
    %get3A_675 = arith.constant 13312 : index
    %get3A_676 = vector.load %arg1[%get3A_675] : memref<73728xf32, #tpu.memory_space<vmem>>, vector<512xf32>
    %get3A_677 = arith.constant 17920 : index
    %get3A_678 = vector.load %arg1[%get3A_677] : memref<73728xf32, #tpu.memory_space<vmem>>, vector<512xf32>
    %concatenate3A_679 = tpu.concatenate %get3A_676, %get3A_678 in 0 : vector<512xf32>, vector<512xf32> -> vector<1024xf32>
    %get3A_680 = arith.constant 22528 : index
    %get3A_681 = vector.load %arg1[%get3A_680] : memref<73728xf32, #tpu.memory_space<vmem>>, vector<512xf32>
    %get3A_682 = arith.constant 27136 : index
    %get3A_683 = vector.load %arg1[%get3A_682] : memref<73728xf32, #tpu.memory_space<vmem>>, vector<512xf32>
    %concatenate3A_684 = tpu.concatenate %get3A_681, %get3A_683 in 0 : vector<512xf32>, vector<512xf32> -> vector<1024xf32>
    %get3A_685 = arith.constant 31744 : index
    %get3A_686 = vector.load %arg1[%get3A_685] : memref<73728xf32, #tpu.memory_space<vmem>>, vector<512xf32>
    %get3A_687 = arith.constant 36352 : index
    %get3A_688 = vector.load %arg1[%get3A_687] : memref<73728xf32, #tpu.memory_space<vmem>>, vector<512xf32>
    %concatenate3A_689 = tpu.concatenate %get3A_686, %get3A_688 in 0 : vector<512xf32>, vector<512xf32> -> vector<1024xf32>
    %get3A_690 = arith.constant 40960 : index
    %get3A_691 = vector.load %arg1[%get3A_690] : memref<73728xf32, #tpu.memory_space<vmem>>, vector<512xf32>
    %get3A_692 = arith.constant 45568 : index
    %get3A_693 = vector.load %arg1[%get3A_692] : memref<73728xf32, #tpu.memory_space<vmem>>, vector<512xf32>
    %concatenate3A_694 = tpu.concatenate %get3A_691, %get3A_693 in 0 : vector<512xf32>, vector<512xf32> -> vector<1024xf32>
    %get3A_695 = arith.constant 50176 : index
    %get3A_696 = vector.load %arg1[%get3A_695] : memref<73728xf32, #tpu.memory_space<vmem>>, vector<512xf32>
    %get3A_697 = arith.constant 54784 : index
    %get3A_698 = vector.load %arg1[%get3A_697] : memref<73728xf32, #tpu.memory_space<vmem>>, vector<512xf32>
    %concatenate3A_699 = tpu.concatenate %get3A_696, %get3A_698 in 0 : vector<512xf32>, vector<512xf32> -> vector<1024xf32>
    %get3A_700 = arith.constant 59392 : index
    %get3A_701 = vector.load %arg1[%get3A_700] : memref<73728xf32, #tpu.memory_space<vmem>>, vector<512xf32>
    %get3A_702 = arith.constant 64000 : index
    %get3A_703 = vector.load %arg1[%get3A_702] : memref<73728xf32, #tpu.memory_space<vmem>>, vector<512xf32>
    %concatenate3A_704 = tpu.concatenate %get3A_701, %get3A_703 in 0 : vector<512xf32>, vector<512xf32> -> vector<1024xf32>
    %get3A_705 = arith.constant 68608 : index
    %get3A_706 = vector.load %arg1[%get3A_705] : memref<73728xf32, #tpu.memory_space<vmem>>, vector<512xf32>
    %get3A_707 = arith.constant 73216 : index
    %get3A_708 = vector.load %arg1[%get3A_707] : memref<73728xf32, #tpu.memory_space<vmem>>, vector<512xf32>
    %concatenate3A_709 = tpu.concatenate %get3A_706, %get3A_708 in 0 : vector<512xf32>, vector<512xf32> -> vector<1024xf32>
    %stack3A_710 = vector.shape_cast %concatenate3A_674 : vector<1024xf32> to vector<1x1024xf32>
    %stack3A_711 = vector.shape_cast %concatenate3A_679 : vector<1024xf32> to vector<1x1024xf32>
    %stack3A_712 = vector.shape_cast %concatenate3A_684 : vector<1024xf32> to vector<1x1024xf32>
    %stack3A_713 = vector.shape_cast %concatenate3A_689 : vector<1024xf32> to vector<1x1024xf32>
    %stack3A_714 = vector.shape_cast %concatenate3A_694 : vector<1024xf32> to vector<1x1024xf32>
    %stack3A_715 = vector.shape_cast %concatenate3A_699 : vector<1024xf32> to vector<1x1024xf32>
    %stack3A_716 = vector.shape_cast %concatenate3A_704 : vector<1024xf32> to vector<1x1024xf32>
    %stack3A_717 = vector.shape_cast %concatenate3A_709 : vector<1024xf32> to vector<1x1024xf32>
    %stack3A_718 = tpu.concatenate %stack3A_710, %stack3A_711, %stack3A_712, %stack3A_713, %stack3A_714, %stack3A_715, %stack3A_716, %stack3A_717 in 0 : vector<1x1024xf32>, vector<1x1024xf32>, vector<1x1024xf32>, vector<1x1024xf32>, vector<1x1024xf32>, vector<1x1024xf32>, vector<1x1024xf32>, vector<1x1024xf32> -> vector<8x1024xf32>
    %mul3A_719 = arith.mulf %stack3A_620, %stack3A_620 : vector<8x1024xf32>
    %mul3A_720 = arith.mulf %stack3A_669, %stack3A_669 : vector<8x1024xf32>
    %add3A_721 = arith.addf %mul3A_719, %mul3A_720 : vector<8x1024xf32>
    %mul3A_722 = arith.mulf %stack3A_718, %stack3A_718 : vector<8x1024xf32>
    %add3A_723 = arith.addf %add3A_721, %mul3A_722 : vector<8x1024xf32>
    %mul3A_724 = arith.constant -1.250000e+01 : f32
    %mul3A_725 = vector.broadcast %mul3A_724 : f32 to vector<8x1024xf32>
    %mul3A_726 = arith.mulf %add3A_723, %mul3A_725 : vector<8x1024xf32>
    %broadcast_in_dim3A_727 = vector.shape_cast %stack3A_620 : vector<8x1024xf32> to vector<8x1x1024xf32>
    %broadcast_in_dim3A_728 = vector.shape_cast %stack3A_669 : vector<8x1024xf32> to vector<8x1x1024xf32>
    %broadcast_in_dim3A_729 = vector.shape_cast %stack3A_718 : vector<8x1024xf32> to vector<8x1x1024xf32>
    %broadcast_in_dim3A_730 = vector.shape_cast %mul3A_726 : vector<8x1024xf32> to vector<8x1x1024xf32>
    %slice3A_731 = vector.extract_strided_slice %mul3A_23 {offsets = [0, 0], sizes = [1, 64], strides = [1, 1]} : vector<4x64xf32> to vector<1x64xf32>
    %squeeze3A_732 = vector.shape_cast %slice3A_731 : vector<1x64xf32> to vector<64xf32>
    %broadcast_in_dim3A_733 = vector.shape_cast %squeeze3A_732 : vector<64xf32> to vector<1x64x1xf32>
    %add3A_734 = vector.broadcast %broadcast_in_dim3A_730 : vector<8x1x1024xf32> to vector<8x64x1024xf32>
    %add3A_735 = vector.broadcast %broadcast_in_dim3A_733 : vector<1x64x1xf32> to vector<8x64x1024xf32>
    %add3A_736 = arith.addf %add3A_734, %add3A_735 : vector<8x64x1024xf32>
    %slice3A_737 = vector.extract_strided_slice %mul3A_10 {offsets = [0, 0], sizes = [1, 64], strides = [1, 1]} : vector<4x64xf32> to vector<1x64xf32>
    %squeeze3A_738 = vector.shape_cast %slice3A_737 : vector<1x64xf32> to vector<64xf32>
    %broadcast_in_dim3A_739 = vector.shape_cast %squeeze3A_738 : vector<64xf32> to vector<1x64x1xf32>
    %mul3A_740 = vector.broadcast %broadcast_in_dim3A_727 : vector<8x1x1024xf32> to vector<8x64x1024xf32>
    %mul3A_741 = vector.broadcast %broadcast_in_dim3A_739 : vector<1x64x1xf32> to vector<8x64x1024xf32>
    %mul3A_742 = arith.mulf %mul3A_740, %mul3A_741 : vector<8x64x1024xf32>
    %slice3A_743 = vector.extract_strided_slice %mul3A_13 {offsets = [0, 0], sizes = [1, 64], strides = [1, 1]} : vector<4x64xf32> to vector<1x64xf32>
    %squeeze3A_744 = vector.shape_cast %slice3A_743 : vector<1x64xf32> to vector<64xf32>
    %broadcast_in_dim3A_745 = vector.shape_cast %squeeze3A_744 : vector<64xf32> to vector<1x64x1xf32>
    %mul3A_746 = vector.broadcast %broadcast_in_dim3A_728 : vector<8x1x1024xf32> to vector<8x64x1024xf32>
    %mul3A_747 = vector.broadcast %broadcast_in_dim3A_745 : vector<1x64x1xf32> to vector<8x64x1024xf32>
    %mul3A_748 = arith.mulf %mul3A_746, %mul3A_747 : vector<8x64x1024xf32>
    %add3A_749 = arith.addf %mul3A_742, %mul3A_748 : vector<8x64x1024xf32>
    %slice3A_750 = vector.extract_strided_slice %mul3A_16 {offsets = [0, 0], sizes = [1, 64], strides = [1, 1]} : vector<4x64xf32> to vector<1x64xf32>
    %squeeze3A_751 = vector.shape_cast %slice3A_750 : vector<1x64xf32> to vector<64xf32>
    %broadcast_in_dim3A_752 = vector.shape_cast %squeeze3A_751 : vector<64xf32> to vector<1x64x1xf32>
    %mul3A_753 = vector.broadcast %broadcast_in_dim3A_729 : vector<8x1x1024xf32> to vector<8x64x1024xf32>
    %mul3A_754 = vector.broadcast %broadcast_in_dim3A_752 : vector<1x64x1xf32> to vector<8x64x1024xf32>
    %mul3A_755 = arith.mulf %mul3A_753, %mul3A_754 : vector<8x64x1024xf32>
    %add3A_756 = arith.addf %add3A_749, %mul3A_755 : vector<8x64x1024xf32>
    %add3A_757 = arith.addf %add3A_756, %add3A_736 : vector<8x64x1024xf32>
    %exp3A_758 = math.exp %add3A_757 : vector<8x64x1024xf32>
    %add3A_759 = arith.addf %add3A_571, %exp3A_758 : vector<8x64x1024xf32>
    %slice3A_760 = vector.extract_strided_slice %mul3A_23 {offsets = [1, 0], sizes = [1, 64], strides = [1, 1]} : vector<4x64xf32> to vector<1x64xf32>
    %squeeze3A_761 = vector.shape_cast %slice3A_760 : vector<1x64xf32> to vector<64xf32>
    %broadcast_in_dim3A_762 = vector.shape_cast %squeeze3A_761 : vector<64xf32> to vector<1x64x1xf32>
    %add3A_763 = vector.broadcast %broadcast_in_dim3A_730 : vector<8x1x1024xf32> to vector<8x64x1024xf32>
    %add3A_764 = vector.broadcast %broadcast_in_dim3A_762 : vector<1x64x1xf32> to vector<8x64x1024xf32>
    %add3A_765 = arith.addf %add3A_763, %add3A_764 : vector<8x64x1024xf32>
    %slice3A_766 = vector.extract_strided_slice %mul3A_10 {offsets = [1, 0], sizes = [1, 64], strides = [1, 1]} : vector<4x64xf32> to vector<1x64xf32>
    %squeeze3A_767 = vector.shape_cast %slice3A_766 : vector<1x64xf32> to vector<64xf32>
    %broadcast_in_dim3A_768 = vector.shape_cast %squeeze3A_767 : vector<64xf32> to vector<1x64x1xf32>
    %mul3A_769 = vector.broadcast %broadcast_in_dim3A_727 : vector<8x1x1024xf32> to vector<8x64x1024xf32>
    %mul3A_770 = vector.broadcast %broadcast_in_dim3A_768 : vector<1x64x1xf32> to vector<8x64x1024xf32>
    %mul3A_771 = arith.mulf %mul3A_769, %mul3A_770 : vector<8x64x1024xf32>
    %slice3A_772 = vector.extract_strided_slice %mul3A_13 {offsets = [1, 0], sizes = [1, 64], strides = [1, 1]} : vector<4x64xf32> to vector<1x64xf32>
    %squeeze3A_773 = vector.shape_cast %slice3A_772 : vector<1x64xf32> to vector<64xf32>
    %broadcast_in_dim3A_774 = vector.shape_cast %squeeze3A_773 : vector<64xf32> to vector<1x64x1xf32>
    %mul3A_775 = vector.broadcast %broadcast_in_dim3A_728 : vector<8x1x1024xf32> to vector<8x64x1024xf32>
    %mul3A_776 = vector.broadcast %broadcast_in_dim3A_774 : vector<1x64x1xf32> to vector<8x64x1024xf32>
    %mul3A_777 = arith.mulf %mul3A_775, %mul3A_776 : vector<8x64x1024xf32>
    %add3A_778 = arith.addf %mul3A_771, %mul3A_777 : vector<8x64x1024xf32>
    %slice3A_779 = vector.extract_strided_slice %mul3A_16 {offsets = [1, 0], sizes = [1, 64], strides = [1, 1]} : vector<4x64xf32> to vector<1x64xf32>
    %squeeze3A_780 = vector.shape_cast %slice3A_779 : vector<1x64xf32> to vector<64xf32>
    %broadcast_in_dim3A_781 = vector.shape_cast %squeeze3A_780 : vector<64xf32> to vector<1x64x1xf32>
    %mul3A_782 = vector.broadcast %broadcast_in_dim3A_729 : vector<8x1x1024xf32> to vector<8x64x1024xf32>
    %mul3A_783 = vector.broadcast %broadcast_in_dim3A_781 : vector<1x64x1xf32> to vector<8x64x1024xf32>
    %mul3A_784 = arith.mulf %mul3A_782, %mul3A_783 : vector<8x64x1024xf32>
    %add3A_785 = arith.addf %add3A_778, %mul3A_784 : vector<8x64x1024xf32>
    %add3A_786 = arith.addf %add3A_785, %add3A_765 : vector<8x64x1024xf32>
    %exp3A_787 = math.exp %add3A_786 : vector<8x64x1024xf32>
    %add3A_788 = arith.addf %add3A_759, %exp3A_787 : vector<8x64x1024xf32>
    %slice3A_789 = vector.extract_strided_slice %mul3A_23 {offsets = [2, 0], sizes = [1, 64], strides = [1, 1]} : vector<4x64xf32> to vector<1x64xf32>
    %squeeze3A_790 = vector.shape_cast %slice3A_789 : vector<1x64xf32> to vector<64xf32>
    %broadcast_in_dim3A_791 = vector.shape_cast %squeeze3A_790 : vector<64xf32> to vector<1x64x1xf32>
    %add3A_792 = vector.broadcast %broadcast_in_dim3A_730 : vector<8x1x1024xf32> to vector<8x64x1024xf32>
    %add3A_793 = vector.broadcast %broadcast_in_dim3A_791 : vector<1x64x1xf32> to vector<8x64x1024xf32>
    %add3A_794 = arith.addf %add3A_792, %add3A_793 : vector<8x64x1024xf32>
    %slice3A_795 = vector.extract_strided_slice %mul3A_10 {offsets = [2, 0], sizes = [1, 64], strides = [1, 1]} : vector<4x64xf32> to vector<1x64xf32>
    %squeeze3A_796 = vector.shape_cast %slice3A_795 : vector<1x64xf32> to vector<64xf32>
    %broadcast_in_dim3A_797 = vector.shape_cast %squeeze3A_796 : vector<64xf32> to vector<1x64x1xf32>
    %mul3A_798 = vector.broadcast %broadcast_in_dim3A_727 : vector<8x1x1024xf32> to vector<8x64x1024xf32>
    %mul3A_799 = vector.broadcast %broadcast_in_dim3A_797 : vector<1x64x1xf32> to vector<8x64x1024xf32>
    %mul3A_800 = arith.mulf %mul3A_798, %mul3A_799 : vector<8x64x1024xf32>
    %slice3A_801 = vector.extract_strided_slice %mul3A_13 {offsets = [2, 0], sizes = [1, 64], strides = [1, 1]} : vector<4x64xf32> to vector<1x64xf32>
    %squeeze3A_802 = vector.shape_cast %slice3A_801 : vector<1x64xf32> to vector<64xf32>
    %broadcast_in_dim3A_803 = vector.shape_cast %squeeze3A_802 : vector<64xf32> to vector<1x64x1xf32>
    %mul3A_804 = vector.broadcast %broadcast_in_dim3A_728 : vector<8x1x1024xf32> to vector<8x64x1024xf32>
    %mul3A_805 = vector.broadcast %broadcast_in_dim3A_803 : vector<1x64x1xf32> to vector<8x64x1024xf32>
    %mul3A_806 = arith.mulf %mul3A_804, %mul3A_805 : vector<8x64x1024xf32>
    %add3A_807 = arith.addf %mul3A_800, %mul3A_806 : vector<8x64x1024xf32>
    %slice3A_808 = vector.extract_strided_slice %mul3A_16 {offsets = [2, 0], sizes = [1, 64], strides = [1, 1]} : vector<4x64xf32> to vector<1x64xf32>
    %squeeze3A_809 = vector.shape_cast %slice3A_808 : vector<1x64xf32> to vector<64xf32>
    %broadcast_in_dim3A_810 = vector.shape_cast %squeeze3A_809 : vector<64xf32> to vector<1x64x1xf32>
    %mul3A_811 = vector.broadcast %broadcast_in_dim3A_729 : vector<8x1x1024xf32> to vector<8x64x1024xf32>
    %mul3A_812 = vector.broadcast %broadcast_in_dim3A_810 : vector<1x64x1xf32> to vector<8x64x1024xf32>
    %mul3A_813 = arith.mulf %mul3A_811, %mul3A_812 : vector<8x64x1024xf32>
    %add3A_814 = arith.addf %add3A_807, %mul3A_813 : vector<8x64x1024xf32>
    %add3A_815 = arith.addf %add3A_814, %add3A_794 : vector<8x64x1024xf32>
    %exp3A_816 = math.exp %add3A_815 : vector<8x64x1024xf32>
    %add3A_817 = arith.addf %add3A_788, %exp3A_816 : vector<8x64x1024xf32>
    %slice3A_818 = vector.extract_strided_slice %mul3A_23 {offsets = [3, 0], sizes = [1, 64], strides = [1, 1]} : vector<4x64xf32> to vector<1x64xf32>
    %squeeze3A_819 = vector.shape_cast %slice3A_818 : vector<1x64xf32> to vector<64xf32>
    %broadcast_in_dim3A_820 = vector.shape_cast %squeeze3A_819 : vector<64xf32> to vector<1x64x1xf32>
    %add3A_821 = vector.broadcast %broadcast_in_dim3A_730 : vector<8x1x1024xf32> to vector<8x64x1024xf32>
    %add3A_822 = vector.broadcast %broadcast_in_dim3A_820 : vector<1x64x1xf32> to vector<8x64x1024xf32>
    %add3A_823 = arith.addf %add3A_821, %add3A_822 : vector<8x64x1024xf32>
    %slice3A_824 = vector.extract_strided_slice %mul3A_10 {offsets = [3, 0], sizes = [1, 64], strides = [1, 1]} : vector<4x64xf32> to vector<1x64xf32>
    %squeeze3A_825 = vector.shape_cast %slice3A_824 : vector<1x64xf32> to vector<64xf32>
    %broadcast_in_dim3A_826 = vector.shape_cast %squeeze3A_825 : vector<64xf32> to vector<1x64x1xf32>
    %mul3A_827 = vector.broadcast %broadcast_in_dim3A_727 : vector<8x1x1024xf32> to vector<8x64x1024xf32>
    %mul3A_828 = vector.broadcast %broadcast_in_dim3A_826 : vector<1x64x1xf32> to vector<8x64x1024xf32>
    %mul3A_829 = arith.mulf %mul3A_827, %mul3A_828 : vector<8x64x1024xf32>
    %slice3A_830 = vector.extract_strided_slice %mul3A_13 {offsets = [3, 0], sizes = [1, 64], strides = [1, 1]} : vector<4x64xf32> to vector<1x64xf32>
    %squeeze3A_831 = vector.shape_cast %slice3A_830 : vector<1x64xf32> to vector<64xf32>
    %broadcast_in_dim3A_832 = vector.shape_cast %squeeze3A_831 : vector<64xf32> to vector<1x64x1xf32>
    %mul3A_833 = vector.broadcast %broadcast_in_dim3A_728 : vector<8x1x1024xf32> to vector<8x64x1024xf32>
    %mul3A_834 = vector.broadcast %broadcast_in_dim3A_832 : vector<1x64x1xf32> to vector<8x64x1024xf32>
    %mul3A_835 = arith.mulf %mul3A_833, %mul3A_834 : vector<8x64x1024xf32>
    %add3A_836 = arith.addf %mul3A_829, %mul3A_835 : vector<8x64x1024xf32>
    %slice3A_837 = vector.extract_strided_slice %mul3A_16 {offsets = [3, 0], sizes = [1, 64], strides = [1, 1]} : vector<4x64xf32> to vector<1x64xf32>
    %squeeze3A_838 = vector.shape_cast %slice3A_837 : vector<1x64xf32> to vector<64xf32>
    %broadcast_in_dim3A_839 = vector.shape_cast %squeeze3A_838 : vector<64xf32> to vector<1x64x1xf32>
    %mul3A_840 = vector.broadcast %broadcast_in_dim3A_729 : vector<8x1x1024xf32> to vector<8x64x1024xf32>
    %mul3A_841 = vector.broadcast %broadcast_in_dim3A_839 : vector<1x64x1xf32> to vector<8x64x1024xf32>
    %mul3A_842 = arith.mulf %mul3A_840, %mul3A_841 : vector<8x64x1024xf32>
    %add3A_843 = arith.addf %add3A_836, %mul3A_842 : vector<8x64x1024xf32>
    %add3A_844 = arith.addf %add3A_843, %add3A_823 : vector<8x64x1024xf32>
    %exp3A_845 = math.exp %add3A_844 : vector<8x64x1024xf32>
    %add3A_846 = arith.addf %add3A_817, %exp3A_845 : vector<8x64x1024xf32>
    %reduce_sum3A = arith.constant dense<0.000000e+00> : vector<8x64xf32>
    %reduce_sum3A_847 = vector.multi_reduction <add>, %add3A_846, %reduce_sum3A [2] : vector<8x64x1024xf32> to vector<8x64xf32>
    %broadcast_in_dim3A_848 = vector.shape_cast %reduce_sum3A_847 : vector<8x64xf32> to vector<8x64x1xf32>
    %reduce_sum3A_849 = arith.constant dense<0.000000e+00> : vector<64x1xf32>
    %reduce_sum3A_850 = vector.multi_reduction <add>, %broadcast_in_dim3A_848, %reduce_sum3A_849 [0] : vector<8x64x1xf32> to vector<64x1xf32>
    %broadcast_in_dim3A_851 = vector.shape_cast %reduce_sum3A_850 : vector<64x1xf32> to vector<1x64x1xf32>
    %mul3A_852 = arith.mulf %add3A_846, %add3A_846 : vector<8x64x1024xf32>
    %reduce_sum3A_853 = arith.constant dense<0.000000e+00> : vector<8x64xf32>
    %reduce_sum3A_854 = vector.multi_reduction <add>, %mul3A_852, %reduce_sum3A_853 [2] : vector<8x64x1024xf32> to vector<8x64xf32>
    %broadcast_in_dim3A_855 = vector.shape_cast %reduce_sum3A_854 : vector<8x64xf32> to vector<8x64x1xf32>
    %reduce_sum3A_856 = arith.constant dense<0.000000e+00> : vector<64x1xf32>
    %reduce_sum3A_857 = vector.multi_reduction <add>, %broadcast_in_dim3A_855, %reduce_sum3A_856 [0] : vector<8x64x1xf32> to vector<64x1xf32>
    %broadcast_in_dim3A_858 = vector.shape_cast %reduce_sum3A_857 : vector<64x1xf32> to vector<1x64x1xf32>
    %mul3A_859 = arith.constant 1.22070313E-4 : f32
    %mul3A_860 = vector.broadcast %mul3A_859 : f32 to vector<1x64x1xf32>
    %mul3A_861 = arith.mulf %broadcast_in_dim3A_851, %mul3A_860 : vector<1x64x1xf32>
    %mul3A_862 = arith.constant 1.22070313E-4 : f32
    %mul3A_863 = vector.broadcast %mul3A_862 : f32 to vector<1x64x1xf32>
    %mul3A_864 = arith.mulf %broadcast_in_dim3A_858, %mul3A_863 : vector<1x64x1xf32>
    %mul3A_865 = arith.mulf %mul3A_861, %mul3A_861 : vector<1x64x1xf32>
    %sub3A = arith.subf %mul3A_864, %mul3A_865 : vector<1x64x1xf32>
    %add3A_866 = arith.constant 2.560000e-03 : f32
    %add3A_867 = vector.broadcast %add3A_866 : f32 to vector<1x64x1xf32>
    %add3A_868 = arith.addf %sub3A, %add3A_867 : vector<1x64x1xf32>
    %rsqrt3A = math.rsqrt %add3A_868 : vector<1x64x1xf32>
    %get3A_869 = arith.constant 0 : index
    %get3A_870 = arith.constant 0 : index
    %get3A_871 = vector.load %arg4[%get3A_869, %get3A_870] : memref<1x64xf32, #tpu.memory_space<vmem>>, vector<1x64xf32>
    %squeeze3A_872 = vector.shape_cast %get3A_871 : vector<1x64xf32> to vector<64xf32>
    %broadcast_in_dim3A_873 = vector.shape_cast %squeeze3A_872 : vector<64xf32> to vector<1x64x1xf32>
    %get3A_874 = arith.constant 0 : index
    %get3A_875 = arith.constant 0 : index
    %get3A_876 = vector.load %arg5[%get3A_874, %get3A_875] : memref<1x64xf32, #tpu.memory_space<vmem>>, vector<1x64xf32>
    %squeeze3A_877 = vector.shape_cast %get3A_876 : vector<1x64xf32> to vector<64xf32>
    %broadcast_in_dim3A_878 = vector.shape_cast %squeeze3A_877 : vector<64xf32> to vector<1x64x1xf32>
    %mul3A_879 = arith.mulf %rsqrt3A, %broadcast_in_dim3A_873 : vector<1x64x1xf32>
    %mul3A_880 = arith.mulf %mul3A_861, %mul3A_879 : vector<1x64x1xf32>
    %sub3A_881 = arith.subf %broadcast_in_dim3A_878, %mul3A_880 : vector<1x64x1xf32>
    %mul3A_882 = vector.broadcast %mul3A_879 : vector<1x64x1xf32> to vector<8x64x1024xf32>
    %mul3A_883 = arith.mulf %add3A_846, %mul3A_882 : vector<8x64x1024xf32>
    %add3A_884 = vector.broadcast %sub3A_881 : vector<1x64x1xf32> to vector<8x64x1024xf32>
    %add3A_885 = arith.addf %mul3A_883, %add3A_884 : vector<8x64x1024xf32>
    %max3A = arith.constant 0.000000e+00 : f32
    %max3A_886 = vector.broadcast %max3A : f32 to vector<8x64x1024xf32>
    %max3A_887 = arith.maximumf %add3A_885, %max3A_886 : vector<8x64x1024xf32>
    %swap3A = arith.constant 0 : index
    %swap3A_888 = arith.constant 0 : index
    %swap3A_889 = arith.constant 0 : index
    %swap3A_890 = vector.load %arg6[%swap3A, %swap3A_888, %swap3A_889] : memref<8x64x1024xf32, #tpu.memory_space<vmem>>, vector<8x64x1024xf32>
    tpu.vector_store %arg6[%swap3A, %swap3A_888, %swap3A_889], %max3A_887 {strides = array<i32>} : memref<8x64x1024xf32, #tpu.memory_space<vmem>>, vector<8x64x1024xf32>,
    return
  }
}

</mosaic_0001>

<sc_bundles>
// kernel: kernel.5.cloned.1.call-start
scs
__scs_entry_jumppad:
0x0: {  	(pc) =	sbr.rel $0x88, $3  }
0x1: {  	(tag) =	ssettag $0x0;
	lr =	simm.s32 $0x1  }
0x2: {  	[smem:$0x3F9B] =	sst lr;
	_ =	strace $0xD0000000  }
0x3: {  	_ = 	snop  }
0x4: {  	_ = 	snop  }
0x5: {  	_ = 	snop  }
0x6: {  	_ = 	snop  }
0x7: {  	_ = 	snop  }
__scs_overlays_trampoline_lowered:
0x8: {  	[smem:$0x3FAA] =	sst s0  }
0x9: {  	[smem:$0x3FAB] =	sst s1  }
0xa: {  	[smem:$0x3FAC] =	sst s2  }
0xb: {  	[smem:$0x3FAD] =	sst s3  }
0xc: {  	[smem:$0x3FAE] =	sst s4  }
0xd: {  	[smem:$0x3FAF] =	sst s5  }
0xe: {  	[smem:$0x3FB0] =	sst s6  }
0xf: {  	[smem:$0x3FB1] =	sst s7  }
0x10: {  	[smem:$0x3FB2] =	sst s8  }
0x11: {  	[smem:$0x3FB3] =	sst s9;
	s0 =	simm.s32 @!p0 $0x0  }
0x12: {  	s1 =	sld [smem:$0x3F99];
	s0 =	simm.s32 @p0 $0x1  }
0x13: {  	[smem:$0x3FB4] =	sst s0;
	s0 =	simm.s32 @!p1 $0x0  }
0x14: {  	s2 =	sld [smem:$0x3F98];
	s0 =	simm.s32 @p1 $0x1  }
0x15: {  	[smem:$0x3FB5] =	sst s0;
	s0 =	simm.s32 @!p2 $0x0  }
0x16: {  	s3 =	sld [smem:$0x3FDB];
	s0 =	simm.s32 @p2 $0x1  }
0x17: {  	s4 =	simm.s32 $0x1BF5;
	[smem:$0x3FB7] =	sst s0  }
0x18: {  	s0 =	sld [smem:$0x3F9A];
	_ =	swait.ge [sflag:s4], $0x0  }
0x19: {  	s7 =	sld [smem:$0x3F9B]  }
0x1a: {  	s8 =	sadd.s32 $0xFFFFE003, lr  }
0x1b: {  	s9 =	sadd.s32 $0xFFFFFEF7, lr;
	s5 =	simm.s32 $0xFFFFFFFF;
	p2 =	slt.u32 s8, $0xFFFFF086  }
0x1c: {  	p1 =	slt.u32 s9, $0xF7A;
	s5 =	simm.s32 @!p2 $0x0  }
0x1d: {  	s5 =	simm.s32 @p1 $0x1;
	p0 =	seq.s32 s7, s2  }
0x1e: {  	s7 =	smul.u32 @!p0 $0xF7A, s2;
	p2 =	seq.s32 @!p0 s5, $0x0  }
0x1f: {  	s9 =	smul.u32 $0xF7A, s1;
	s8 =	simm.s32 @!p0 $0x1BF5;
	p2 =	por !p2, p0  }
0x20: {  	[sflag:s8] =	ssyncset.s32 @!p0 $0xFFFFF086;
	s6 =	sadd.s32 @!p0 s3, s7;
	s7 =	simm.s32 @!p0 $0x108  }
0x21: {  	s3 =	sadd.s32 s3, s9;
	s6 =	sadd.s32 @!p0 $0x88, s6;
	s7 =	simm.s32 @p2 $0x1082  }
0x22: {  	[simem:s7], [sflag:s8] =	dma.local @!p0 [hbm:s6], $0xF7A  }
0x23: {  	s9 =	sor.u32 $0xD0000000, s2;
	s6 =	simm.s32 $0x108;
	_ =	swait.ge @!p0 [sflag:s8], $0x0  }
0x24: {  	s3 =	sadd.s32 $0x88, s3;
	s6 =	simm.s32 @!p1 $0x1082;
	[sflag:s4] =	ssyncset.s32 $0xFFFFF086  }
0x25: {  	[simem:s6], [sflag:s4] =	dma.local [hbm:s3], $0xF7A  }
0x26: {  	[smem:$0x3F9B] =	sst s1;
	(tag) =	ssettag s2;
	_ =	strace s9  }
0x27: {  	s1 =	sld [smem:$0x3FAB]  }
0x28: {  	s2 =	sld [smem:$0x3FAC]  }
0x29: {  	s4 =	sld [smem:$0x3FAE]  }
0x2a: {  	p0 =	seq.s32 s5, $0x0;
	s5 =	sld [smem:$0x3FAF]  }
0x2b: {  	s6 =	sld [smem:$0x3FB0]  }
0x2c: {  	s7 =	sld [smem:$0x3FB1]  }
0x2d: {  	s3 =	simm.s32 $0x108;
	s8 =	sld [smem:$0x3FB2]  }
0x2e: {  	s3 =	simm.s32 @!p0 $0x1082;
	s9 =	sld [smem:$0x3FB3]  }
0x2f: {  	lr =	sadd.s32 s0, s3;
	s0 =	sld [smem:$0x3FAA]  }
0x30: {  	s3 =	sld [smem:$0x3FAD]  }
0x31: {  	[smem:$0x3FB6] =	sst s10  }
0x32: {  	s10 =	sld [smem:$0x3FB4];
	_ =	sdelay $0x3  }
0x33: {  	p0 =	seq.s32 s10, $0x1;
	s10 =	sld [smem:$0x3FB6];
	_ =	sdelay $0x3  }
0x34: {  	[smem:$0x3FB6] =	sst s10  }
0x35: {  	s10 =	sld [smem:$0x3FB5];
	_ =	sdelay $0x3  }
0x36: {  	p1 =	seq.s32 s10, $0x1;
	s10 =	sld [smem:$0x3FB6];
	_ =	sdelay $0x3  }
0x37: {  	[smem:$0x3FB6] =	sst s10  }
0x38: {  	s10 =	sld [smem:$0x3FB7]  }
0x39: {  	_ = 	snop;
	(pc) =	sbr.ind lr, $3  }
0x3a: {  	_ = 	snop  }
0x3b: {  	_ = 	snop  }
0x3c: {  	p2 =	seq.s32 s10, $0x1;
	s10 =	sld [smem:$0x3FB6]  }
0x3d: {  	_ =	shalt  }
0x3e: {  	_ =	shalt  }
0x3f: {  	_ =	shalt  }
0x40: {  	_ =	shalt  }
0x41: {  	_ =	shalt  }
0x42: {  	_ =	shalt  }
0x43: {  	_ =	shalt  }
0x44: {  	_ =	shalt  }
0x45: {  	_ =	shalt  }
0x46: {  	_ =	shalt  }
0x47: {  	_ =	shalt  }
0x48: {  	_ =	shalt  }
0x49: {  	_ =	shalt  }
0x4a: {  	_ =	shalt  }
0x4b: {  	_ =	shalt  }
0x4c: {  	_ =	shalt  }
0x4d: {  	_ =	shalt  }
0x4e: {  	_ =	shalt  }
0x4f: {  	_ =	shalt  }
0x50: {  	_ =	shalt  }
0x51: {  	_ =	shalt  }
0x52: {  	_ =	shalt  }
0x53: {  	_ =	shalt  }
0x54: {  	_ =	shalt  }
0x55: {  	_ =	shalt  }
0x56: {  	_ =	shalt  }
0x57: {  	_ =	shalt  }
0x58: {  	_ =	shalt  }
0x59: {  	_ =	shalt  }
0x5a: {  	_ =	shalt  }
0x5b: {  	_ =	shalt  }
0x5c: {  	_ =	shalt  }
0x5d: {  	_ =	shalt  }
0x5e: {  	_ =	shalt  }
0x5f: {  	_ =	shalt  }
0x60: {  	_ =	shalt  }
0x61: {  	_ =	shalt  }
0x62: {  	_ =	shalt  }
0x63: {  	_ =	shalt  }
0x64: {  	_ =	shalt  }
0x65: {  	_ =	shalt  }
0x66: {  	_ =	shalt  }
0x67: {  	_ =	shalt  }
0x68: {  	_ =	shalt  }
0x69: {  	_ =	shalt  }
0x6a: {  	_ =	shalt  }
0x6b: {  	_ =	shalt  }
0x6c: {  	_ =	shalt  }
0x6d: {  	_ =	shalt  }
0x6e: {  	_ =	shalt  }
0x6f: {  	_ =	shalt  }
0x70: {  	_ =	shalt  }
0x71: {  	_ =	shalt  }
0x72: {  	_ =	shalt  }
0x73: {  	_ =	shalt  }
0x74: {  	_ =	shalt  }
0x75: {  	_ =	shalt  }
0x76: {  	_ =	shalt  }
0x77: {  	_ =	shalt  }
0x78: {  	_ =	shalt  }
0x79: {  	_ =	shalt  }
0x7a: {  	_ =	shalt  }
0x7b: {  	_ =	shalt  }
0x7c: {  	_ =	shalt  }
0x7d: {  	_ =	shalt  }
0x7e: {  	_ =	shalt  }
0x7f: {  	_ =	shalt  }
0x80: {  	_ =	shalt  }
0x81: {  	_ =	shalt  }
0x82: {  	_ =	shalt  }
0x83: {  	_ =	shalt  }
0x84: {  	_ =	shalt  }
0x85: {  	_ =	shalt  }
0x86: {  	_ =	shalt  }
0x87: {  	_ =	shalt  }
.Lfunc_end0:
.L_simem_size_0:
called_computation_lowered:
.L_overlay_start_0:
0x88: {  	s0 =	sld [smem:$0x3FD9]  }
0x89: {  	s1 =	sld [smem:$0x3FFE];
	_ =	sdelay $0x3  }
0x8a: {  	s0 =	sadd.s32 s1, s0  }
0x8b: {  	[smem:$0x3FC2] =	sst s0  }
0x8c: {  	_ = 	snop  }
0x8d: {  	s0 =	sld [smem:$0x3FD0];
	(tm) =	ssettm $0x1  }
0x8e: {  	s16 =	sld [smem:$0x3FFB];
	_ =	sdelay $0x3  }
0x8f: {  	_ =	strace s16  }
0x90: {  	s1 =	sld [smem:$0x3FFC];
	_ =	sdelay $0x3  }
0x91: {  	_ =	strace s1  }
0x92: {  	s1 =	sld [smem:$0x3FFD];
	_ =	sdelay $0x3  }
0x93: {  	_ =	strace s1  }
0x94: {  	_ =	strace $0x8FFFFFFF  }
0x95: {  	s17 =	sld [smem:$0x3FDB];
	_ =	sdelay $0x1  }
0x96: {  	s2 =	simm.s32 $_scs_section_size  }
0x97: {  	s3 =	simm.s32 $_size__tile_overlayer_lowered;
	s4 =	simm.s32 $_tile_overlayer_lowered  }
0x98: {  	s20 =	simm.s32 $0x1BFF;
	s19 =	sshll.u32 s4, $0x1;
	s1 =	sadd.s32 s2, s17  }
0x99: {  	s5 =	simm.s32 $0x0;
	s18 =	sshll.u32 s3, $0x1;
	s3 =	sadd.s32 s19, s1  }
0x9a: {  	[timem:s5], [sflag:s20] =	dma.local [hbm:s3], s18  }
0x9b: {  	_ =	swait.ge [sflag:s20], s18  }
0x9c: {  	s2 =	ssub.s32 $0x0, s18;
	[sflag:s20] =	ssyncset.done $0x0  }
0x9d: {  	[sflag:s20] =	ssyncadd.s32 s2;
	_ =	sdelay $0x1  }
0x9e: {  	s21 =	simm.s32 $0x1B8B  }
0x9f: {  	_ =	swait.ge [sflag:s21], $0x1  }
0xa0: {  	[sflag:s21] =	ssyncset.done $0x0  }
0xa1: {  	s23 =	simm.s32 $0x1B8E;
	s22 =	sld [smem:$0x3FFE];
	[sflag:s21] =	ssyncadd.s32 $0xFFFFFFFF  }
0xa2: {  	s24 =	simm.s32 $execute0_lowered;
	[smem:$0x3FD2] =	sst s23  }
0xa3: {  	s3 =	sshll.u32 s24, $0x1;
	_ =	strace $0x80000046;
	[dreg:$0x1] =	wrdreg $0xFFFFFFFF  }
0xa4: {  	s25 =	simm.s32 $_size_execute0_lowered;
	s1 =	sadd.s32 s1, s3;
	[dreg:$0x0] =	wrdreg $0x0  }
0xa5: {  	s3 =	sshll.u32 s25, $0x1;
	[dreg:$0x2] =	wrdreg s1  }
0xa6: {  	[dreg:$0x3] =	wrdreg s3  }
0xa7: {  	[dreg:$0x4] =	wrdreg $0xC0  }
0xa8: {  	_ =	task [dreg:s5], $0x5FFFF  }
0xa9: {  	[dreg:$0x1] =	wrdreg $0xFFFFFFFF  }
0xaa: {  	[dreg:$0x0] =	wrdreg $0x60  }
0xab: {  	[dreg:$0x2] =	wrdreg s22  }
0xac: {  	[dreg:$0x3] =	wrdreg s0  }
0xad: {  	[dreg:$0x4] =	wrdreg $0x9  }
0xae: {  	_ =	task.clear_ibuf [dreg:s5], $0x5FFFF;
	_ =	strace $0x90000046  }
0xaf: {  	s26 =	simm.s32 $0x9;
	_ =	strace $0x80000048  }
0xb0: {  	_ =	swait.ge [sflag:s26], $0x1  }
0xb1: {  	[sflag:s26] =	ssyncadd.s32 $0xFFFFFFFF  }
0xb2: {  	_ =	strace $0x90000048  }
0xb3: {  	_ =	sfence  }
0xb4: {  	s28 =	sld [smem:$0x0];
	_ =	sdelay $0x1  }
0xb5: {  	s29 =	srdreg.scid  }
0xb6: {  	s30 =	sshll.u32 s29, $0xD;
	s31 =	sshrl.u32 s29, $0x2  }
0xb7: {  	s2 =	sand.u32 $0x4000, s30;
	s1 =	sand.u32 $0x1, s29;
	s0 =	sadd.s32 s31, s28  }
0xb8: {  	s1 =	sor.u32 s2, s1;
	s0 =	sshll.u32 s0, $0x11  }
0xb9: {  	s0 =	sor.u32 s0, s1  }
0xba: {  	s0 =	sadd.s32 $0x8F2B, s0  }
0xbb: {  	[sflag:s0] =	ssyncadd.remote.s32 $0x1  }
0xbc: {  	_ =	sfence.sel $0xFFFF  }
0xbd: {  	[dreg:$0x0] =	wrdreg $0xFFFFFFFF;
	(pc) =	sbr.abs _section_cstart, $3  }
0xbe: {  	[dreg:$0x1] =	wrdreg $0xFFFFFFFF  }
0xbf: {  	_ =	task.clear_ibuf [dreg:s5], $0x2FFFF;
	_ =	strace $0x9FFFFFFF  }
0xc0: {  	(tm) =	ssettm $0x7FFFFFFF  }
0xc1: {  	_ =	shalt  }
tec
execute0_lowered:
.L_overlay_start_1:
0x0: {  	(tag) =	ssettag $0x1  }
0x1: {  	s0 =	stileid.u32  }
0x2: {  	s4 =	rddreg [dreg:$0x0];
	s1 =	sshrl.u32 s0, $0x1  }
0x3: {  	s2 =	rddreg [dreg:$0x1];
	s3 =	simm.s32 $0x0;
	s5 =	smul.u32 $0x180, s1  }
0x4: {  	s6 =	smul.u32 $0xC0, s0;
	[smem:$0x7FF] =	sst s3  }
0x5: {  	s1 =	rddreg [dreg:$0x2];
	s5 =	sadd.s32 s5, s4  }
0x6: {  	_ =	strace $0x80000047;
	s4 =	sadd.s32 s6, s4;
	s5 =	sadd.s32 $0xE00, s5  }
0x7: {  	[tilespmem:s3], [sflag:$0x1] =	stream.linear.gather [hbm4b:s5+s3], $0xC00, $0x38;
	[tilespmem:$0x2400] =	vst v63  }
0x8: {  	s26 =	simm.s32 $0xC00;
	s28 =	simm.s32 $0x1;
	s4 =	sadd.s32 $0x1A00, s4  }
0x9: {  	[tilespmem:s26], [sflag:$0x1] =	stream.linear.gather [hbm4b:s4+s3], $0x600, $0x38;
	[tilespmem:$0x2400] =	vst v63  }
0xa: {  	_ =	swait.ge [sflag:s28], $0xC00  }
0xb: {  	[sflag:s28] =	ssyncset.done $0x0  }
0xc: {  	[sflag:s28] =	ssyncadd.s32 $0xFFFFF400  }
0xd: {  	_ =	swait.ge [sflag:s28], $0x600  }
0xe: {  	[sflag:s28] =	ssyncset.done $0x0  }
0xf: {  	[sflag:s28] =	ssyncadd.s32 $0xFFFFFA00  }
0x10: {  	v0 =	vld [tilespmem:$0xC00];
	_ =	sdelay $0x5  }
0x11: {  	v1 =	vld [tilespmem:$0xC10];
	_ =	sdelay $0x1  }
0x12: {  	v0 =	vld.idx.msk [tilespmem:v0+s3+$0x0], $0xffff;
	_ =	sdelay $0x3  }
0x13: {  	v2 =	vld [tilespmem:$0xC20]  }
0x14: {  	[tilespmem:$0x1200] =	vst v0  }
0x15: {  	v0 =	vld.idx.msk [tilespmem:v1+s3+$0x0], $0xffff;
	_ =	sdelay $0x3  }
0x16: {  	v10 =	vld [tilespmem:$0xC30]  }
0x17: {  	[tilespmem:$0x1210] =	vst v0  }
0x18: {  	v0 =	vld.idx.msk [tilespmem:v2+s3+$0x0], $0xffff;
	_ =	sdelay $0x3  }
0x19: {  	v11 =	vld [tilespmem:$0xC40]  }
0x1a: {  	[tilespmem:$0x1220] =	vst v0  }
0x1b: {  	v0 =	vld.idx.msk [tilespmem:v10+s3+$0x0], $0xffff;
	_ =	sdelay $0x3  }
0x1c: {  	v12 =	vld [tilespmem:$0xC50]  }
0x1d: {  	[tilespmem:$0x1230] =	vst v0  }
0x1e: {  	v0 =	vld.idx.msk [tilespmem:v11+s3+$0x0], $0xffff;
	_ =	sdelay $0x3  }
0x1f: {  	v13 =	vld [tilespmem:$0xC60]  }
0x20: {  	[tilespmem:$0x1240] =	vst v0  }
0x21: {  	v0 =	vld.idx.msk [tilespmem:v12+s3+$0x0], $0xffff;
	_ =	sdelay $0x3  }
0x22: {  	v14 =	vld [tilespmem:$0xC70]  }
0x23: {  	[tilespmem:$0x1250] =	vst v0  }
0x24: {  	v0 =	vld.idx.msk [tilespmem:v13+s3+$0x0], $0xffff;
	_ =	sdelay $0x3  }
0x25: {  	v15 =	vld [tilespmem:$0xC80]  }
0x26: {  	[tilespmem:$0x1260] =	vst v0  }
0x27: {  	v0 =	vld.idx.msk [tilespmem:v14+s3+$0x0], $0xffff;
	_ =	sdelay $0x3  }
0x28: {  	v16 =	vld [tilespmem:$0xC90]  }
0x29: {  	[tilespmem:$0x1270] =	vst v0  }
0x2a: {  	v0 =	vld.idx.msk [tilespmem:v15+s3+$0x0], $0xffff;
	_ =	sdelay $0x3  }
0x2b: {  	v17 =	vld [tilespmem:$0xCA0]  }
0x2c: {  	[tilespmem:$0x1280] =	vst v0  }
0x2d: {  	v0 =	vld.idx.msk [tilespmem:v16+s3+$0x0], $0xffff;
	_ =	sdelay $0x3  }
0x2e: {  	v18 =	vld [tilespmem:$0xCB0]  }
0x2f: {  	[tilespmem:$0x1290] =	vst v0  }
0x30: {  	v0 =	vld.idx.msk [tilespmem:v17+s3+$0x0], $0xffff;
	_ =	sdelay $0x3  }
0x31: {  	v19 =	vld [tilespmem:$0xCC0]  }
0x32: {  	[tilespmem:$0x12A0] =	vst v0  }
0x33: {  	v0 =	vld.idx.msk [tilespmem:v18+s3+$0x0], $0xffff;
	_ =	sdelay $0x3  }
0x34: {  	v20 =	vld [tilespmem:$0xCD0]  }
0x35: {  	[tilespmem:$0x12B0] =	vst v0  }
0x36: {  	v0 =	vld.idx.msk [tilespmem:v19+s3+$0x0], $0xffff;
	_ =	sdelay $0x3  }
0x37: {  	v21 =	vld [tilespmem:$0xCE0]  }
0x38: {  	[tilespmem:$0x12C0] =	vst v0  }
0x39: {  	v0 =	vld.idx.msk [tilespmem:v20+s3+$0x0], $0xffff;
	_ =	sdelay $0x3  }
0x3a: {  	v22 =	vld [tilespmem:$0xCF0]  }
0x3b: {  	[tilespmem:$0x12D0] =	vst v0  }
0x3c: {  	v0 =	vld.idx.msk [tilespmem:v21+s3+$0x0], $0xffff;
	_ =	sdelay $0x3  }
0x3d: {  	v23 =	vld [tilespmem:$0xD00]  }
0x3e: {  	[tilespmem:$0x12E0] =	vst v0  }
0x3f: {  	v0 =	vld.idx.msk [tilespmem:v22+s3+$0x0], $0xffff;
	_ =	sdelay $0x3  }
0x40: {  	v24 =	vld [tilespmem:$0xD10]  }
0x41: {  	[tilespmem:$0x12F0] =	vst v0  }
0x42: {  	v0 =	vld.idx.msk [tilespmem:v23+s3+$0x0], $0xffff;
	_ =	sdelay $0x3  }
0x43: {  	v25 =	vld [tilespmem:$0xD20]  }
0x44: {  	[tilespmem:$0x1300] =	vst v0  }
0x45: {  	v0 =	vld.idx.msk [tilespmem:v24+s3+$0x0], $0xffff;
	_ =	sdelay $0x3  }
0x46: {  	v26 =	vld [tilespmem:$0xD30]  }
0x47: {  	[tilespmem:$0x1310] =	vst v0  }
0x48: {  	v0 =	vld.idx.msk [tilespmem:v25+s3+$0x0], $0xffff;
	_ =	sdelay $0x3  }
0x49: {  	v27 =	vld [tilespmem:$0xD40]  }
0x4a: {  	[tilespmem:$0x1320] =	vst v0  }
0x4b: {  	v0 =	vld.idx.msk [tilespmem:v26+s3+$0x0], $0xffff;
	_ =	sdelay $0x3  }
0x4c: {  	v28 =	vld [tilespmem:$0xD50]  }
0x4d: {  	[tilespmem:$0x1330] =	vst v0  }
0x4e: {  	v0 =	vld.idx.msk [tilespmem:v27+s3+$0x0], $0xffff;
	_ =	sdelay $0x3  }
0x4f: {  	v29 =	vld [tilespmem:$0xD60]  }
0x50: {  	[tilespmem:$0x1340] =	vst v0  }
0x51: {  	v0 =	vld.idx.msk [tilespmem:v28+s3+$0x0], $0xffff;
	_ =	sdelay $0x3  }
0x52: {  	v30 =	vld [tilespmem:$0xD70]  }
0x53: {  	[tilespmem:$0x1350] =	vst v0  }
0x54: {  	v0 =	vld.idx.msk [tilespmem:v29+s3+$0x0], $0xffff;
	_ =	sdelay $0x3  }
0x55: {  	v31 =	vld [tilespmem:$0xD80]  }
0x56: {  	[tilespmem:$0x1360] =	vst v0  }
0x57: {  	v0 =	vld.idx.msk [tilespmem:v30+s3+$0x0], $0xffff;
	_ =	sdelay $0x3  }
0x58: {  	v32 =	vld [tilespmem:$0xD90]  }
0x59: {  	[tilespmem:$0x1370] =	vst v0  }
0x5a: {  	v0 =	vld.idx.msk [tilespmem:v31+s3+$0x0], $0xffff;
	_ =	sdelay $0x3  }
0x5b: {  	v33 =	vld [tilespmem:$0xDA0]  }
0x5c: {  	[tilespmem:$0x1380] =	vst v0  }
0x5d: {  	v0 =	vld.idx.msk [tilespmem:v32+s3+$0x0], $0xffff;
	_ =	sdelay $0x3  }
0x5e: {  	v34 =	vld [tilespmem:$0xDB0]  }
0x5f: {  	[tilespmem:$0x1390] =	vst v0  }
0x60: {  	v0 =	vld.idx.msk [tilespmem:v33+s3+$0x0], $0xffff;
	_ =	sdelay $0x3  }
0x61: {  	v35 =	vld [tilespmem:$0xDC0]  }
0x62: {  	[tilespmem:$0x13A0] =	vst v0  }
0x63: {  	v0 =	vld.idx.msk [tilespmem:v34+s3+$0x0], $0xffff;
	_ =	sdelay $0x3  }
0x64: {  	v36 =	vld [tilespmem:$0xDD0]  }
0x65: {  	[tilespmem:$0x13B0] =	vst v0  }
0x66: {  	v0 =	vld.idx.msk [tilespmem:v35+s3+$0x0], $0xffff;
	_ =	sdelay $0x3  }
0x67: {  	v37 =	vld [tilespmem:$0xDE0]  }
0x68: {  	[tilespmem:$0x13C0] =	vst v0  }
0x69: {  	v0 =	vld.idx.msk [tilespmem:v36+s3+$0x0], $0xffff;
	_ =	sdelay $0x3  }
0x6a: {  	v38 =	vld [tilespmem:$0xDF0]  }
0x6b: {  	[tilespmem:$0x13D0] =	vst v0  }
0x6c: {  	v0 =	vld.idx.msk [tilespmem:v37+s3+$0x0], $0xffff;
	_ =	sdelay $0x3  }
0x6d: {  	v39 =	vld [tilespmem:$0xE00]  }
0x6e: {  	[tilespmem:$0x13E0] =	vst v0  }
0x6f: {  	v0 =	vld.idx.msk [tilespmem:v38+s3+$0x0], $0xffff;
	_ =	sdelay $0x3  }
0x70: {  	v40 =	vld [tilespmem:$0xE10]  }
0x71: {  	[tilespmem:$0x13F0] =	vst v0  }
0x72: {  	v0 =	vld.idx.msk [tilespmem:v39+s3+$0x0], $0xffff;
	_ =	sdelay $0x3  }
0x73: {  	v41 =	vld [tilespmem:$0xE20]  }
0x74: {  	[tilespmem:$0x1400] =	vst v0  }
0x75: {  	v0 =	vld.idx.msk [tilespmem:v40+s3+$0x0], $0xffff;
	_ =	sdelay $0x3  }
0x76: {  	v42 =	vld [tilespmem:$0xE30]  }
0x77: {  	[tilespmem:$0x1410] =	vst v0  }
0x78: {  	v0 =	vld.idx.msk [tilespmem:v41+s3+$0x0], $0xffff;
	_ =	sdelay $0x3  }
0x79: {  	v43 =	vld [tilespmem:$0xE40]  }
0x7a: {  	[tilespmem:$0x1420] =	vst v0  }
0x7b: {  	v0 =	vld.idx.msk [tilespmem:v42+s3+$0x0], $0xffff;
	_ =	sdelay $0x3  }
0x7c: {  	v44 =	vld [tilespmem:$0xE50]  }
0x7d: {  	[tilespmem:$0x1430] =	vst v0  }
0x7e: {  	v0 =	vld.idx.msk [tilespmem:v43+s3+$0x0], $0xffff;
	_ =	sdelay $0x3  }
0x7f: {  	v45 =	vld [tilespmem:$0xE60]  }
0x80: {  	[tilespmem:$0x1440] =	vst v0  }
0x81: {  	v0 =	vld.idx.msk [tilespmem:v44+s3+$0x0], $0xffff;
	_ =	sdelay $0x3  }
0x82: {  	v46 =	vld [tilespmem:$0xE70]  }
0x83: {  	[tilespmem:$0x1450] =	vst v0  }
0x84: {  	v0 =	vld.idx.msk [tilespmem:v45+s3+$0x0], $0xffff;
	_ =	sdelay $0x3  }
0x85: {  	v47 =	vld [tilespmem:$0xE80]  }
0x86: {  	[tilespmem:$0x1460] =	vst v0  }
0x87: {  	v0 =	vld.idx.msk [tilespmem:v46+s3+$0x0], $0xffff;
	_ =	sdelay $0x3  }
0x88: {  	v48 =	vld [tilespmem:$0xE90]  }
0x89: {  	[tilespmem:$0x1470] =	vst v0  }
0x8a: {  	v0 =	vld.idx.msk [tilespmem:v47+s3+$0x0], $0xffff;
	_ =	sdelay $0x3  }
0x8b: {  	v49 =	vld [tilespmem:$0xEA0]  }
0x8c: {  	[tilespmem:$0x1480] =	vst v0  }
0x8d: {  	v0 =	vld.idx.msk [tilespmem:v48+s3+$0x0], $0xffff;
	_ =	sdelay $0x3  }
0x8e: {  	v50 =	vld [tilespmem:$0xEB0]  }
0x8f: {  	[tilespmem:$0x1490] =	vst v0  }
0x90: {  	v0 =	vld.idx.msk [tilespmem:v49+s3+$0x0], $0xffff;
	_ =	sdelay $0x3  }
0x91: {  	v51 =	vld [tilespmem:$0xEC0]  }
0x92: {  	[tilespmem:$0x14A0] =	vst v0  }
0x93: {  	v0 =	vld.idx.msk [tilespmem:v50+s3+$0x0], $0xffff;
	_ =	sdelay $0x3  }
0x94: {  	v52 =	vld [tilespmem:$0xED0]  }
0x95: {  	[tilespmem:$0x14B0] =	vst v0  }
0x96: {  	v0 =	vld.idx.msk [tilespmem:v51+s3+$0x0], $0xffff;
	_ =	sdelay $0x3  }
0x97: {  	v53 =	vld [tilespmem:$0xEE0]  }
0x98: {  	[tilespmem:$0x14C0] =	vst v0  }
0x99: {  	v0 =	vld.idx.msk [tilespmem:v52+s3+$0x0], $0xffff;
	_ =	sdelay $0x3  }
0x9a: {  	v54 =	vld [tilespmem:$0xEF0]  }
0x9b: {  	[tilespmem:$0x14D0] =	vst v0  }
0x9c: {  	v0 =	vld.idx.msk [tilespmem:v53+s3+$0x0], $0xffff;
	_ =	sdelay $0x3  }
0x9d: {  	v55 =	vld [tilespmem:$0xF00]  }
0x9e: {  	[tilespmem:$0x14E0] =	vst v0  }
0x9f: {  	v0 =	vld.idx.msk [tilespmem:v54+s3+$0x0], $0xffff;
	_ =	sdelay $0x3  }
0xa0: {  	v56 =	vld [tilespmem:$0xF10]  }
0xa1: {  	[tilespmem:$0x14F0] =	vst v0  }
0xa2: {  	v0 =	vld.idx.msk [tilespmem:v55+s3+$0x0], $0xffff;
	_ =	sdelay $0x3  }
0xa3: {  	v57 =	vld [tilespmem:$0xF20]  }
0xa4: {  	[tilespmem:$0x1500] =	vst v0  }
0xa5: {  	v0 =	vld.idx.msk [tilespmem:v56+s3+$0x0], $0xffff;
	_ =	sdelay $0x3  }
0xa6: {  	v58 =	vld [tilespmem:$0xF30]  }
0xa7: {  	[tilespmem:$0x1510] =	vst v0  }
0xa8: {  	v0 =	vld.idx.msk [tilespmem:v57+s3+$0x0], $0xffff;
	_ =	sdelay $0x3  }
0xa9: {  	v59 =	vld [tilespmem:$0xF40]  }
0xaa: {  	[tilespmem:$0x1520] =	vst v0  }
0xab: {  	v0 =	vld.idx.msk [tilespmem:v58+s3+$0x0], $0xffff;
	_ =	sdelay $0x3  }
0xac: {  	v60 =	vld [tilespmem:$0xF50]  }
0xad: {  	[tilespmem:$0x1530] =	vst v0  }
0xae: {  	v0 =	vld.idx.msk [tilespmem:v59+s3+$0x0], $0xffff;
	_ =	sdelay $0x3  }
0xaf: {  	v61 =	vld [tilespmem:$0xF60]  }
0xb0: {  	[tilespmem:$0x1540] =	vst v0  }
0xb1: {  	v0 =	vld.idx.msk [tilespmem:v60+s3+$0x0], $0xffff;
	_ =	sdelay $0x3  }
0xb2: {  	v62 =	vld [tilespmem:$0xF70]  }
0xb3: {  	[tilespmem:$0x1550] =	vst v0  }
0xb4: {  	v0 =	vld.idx.msk [tilespmem:v61+s3+$0x0], $0xffff;
	_ =	sdelay $0x3  }
0xb5: {  	v63 =	vld [tilespmem:$0xF80]  }
0xb6: {  	[tilespmem:$0x1560] =	vst v0  }
0xb7: {  	v0 =	vld.idx.msk [tilespmem:v62+s3+$0x0], $0xffff;
	_ =	sdelay $0x3  }
0xb8: {  	v4 =	vld [tilespmem:$0xF90]  }
0xb9: {  	[tilespmem:$0x1570] =	vst v0  }
0xba: {  	v0 =	vld.idx.msk [tilespmem:v63+s3+$0x0], $0xffff;
	_ =	sdelay $0x3  }
0xbb: {  	v5 =	vld [tilespmem:$0xFA0]  }
0xbc: {  	[tilespmem:$0x1580] =	vst v0  }
0xbd: {  	v0 =	vld.idx.msk [tilespmem:v4+s3+$0x0], $0xffff;
	_ =	sdelay $0x3  }
0xbe: {  	v6 =	vld [tilespmem:$0xFB0]  }
0xbf: {  	[tilespmem:$0x1590] =	vst v0  }
0xc0: {  	v0 =	vld.idx.msk [tilespmem:v5+s3+$0x0], $0xffff;
	_ =	sdelay $0x3  }
0xc1: {  	v7 =	vld [tilespmem:$0xFC0]  }
0xc2: {  	[tilespmem:$0x15A0] =	vst v0  }
0xc3: {  	v0 =	vld.idx.msk [tilespmem:v6+s3+$0x0], $0xffff;
	_ =	sdelay $0x3  }
0xc4: {  	v8 =	vld [tilespmem:$0xFD0]  }
0xc5: {  	[tilespmem:$0x15B0] =	vst v0  }
0xc6: {  	v0 =	vld.idx.msk [tilespmem:v7+s3+$0x0], $0xffff;
	_ =	sdelay $0x3  }
0xc7: {  	v9 =	vld [tilespmem:$0xFE0]  }
0xc8: {  	[tilespmem:$0x15C0] =	vst v0  }
0xc9: {  	v0 =	vld.idx.msk [tilespmem:v8+s3+$0x0], $0xffff;
	_ =	sdelay $0x3  }
0xca: {  	v10 =	vld [tilespmem:$0xFF0]  }
0xcb: {  	[tilespmem:$0x15D0] =	vst v0  }
0xcc: {  	v0 =	vld.idx.msk [tilespmem:v9+s3+$0x0], $0xffff;
	_ =	sdelay $0x3  }
0xcd: {  	v11 =	vld [tilespmem:$0x1000]  }
0xce: {  	[tilespmem:$0x15E0] =	vst v0  }
0xcf: {  	v0 =	vld.idx.msk [tilespmem:v10+s3+$0x0], $0xffff;
	_ =	sdelay $0x3  }
0xd0: {  	v12 =	vld [tilespmem:$0x1010]  }
0xd1: {  	[tilespmem:$0x15F0] =	vst v0  }
0xd2: {  	v0 =	vld.idx.msk [tilespmem:v11+s3+$0x0], $0xffff;
	_ =	sdelay $0x3  }
0xd3: {  	v13 =	vld [tilespmem:$0x1020]  }
0xd4: {  	[tilespmem:$0x1600] =	vst v0  }
0xd5: {  	v0 =	vld.idx.msk [tilespmem:v12+s3+$0x0], $0xffff;
	_ =	sdelay $0x3  }
0xd6: {  	v14 =	vld [tilespmem:$0x1030]  }
0xd7: {  	[tilespmem:$0x1610] =	vst v0  }
0xd8: {  	v0 =	vld.idx.msk [tilespmem:v13+s3+$0x0], $0xffff;
	_ =	sdelay $0x3  }
0xd9: {  	v15 =	vld [tilespmem:$0x1040]  }
0xda: {  	[tilespmem:$0x1620] =	vst v0  }
0xdb: {  	v0 =	vld.idx.msk [tilespmem:v14+s3+$0x0], $0xffff;
	_ =	sdelay $0x3  }
0xdc: {  	v16 =	vld [tilespmem:$0x1050]  }
0xdd: {  	[tilespmem:$0x1630] =	vst v0  }
0xde: {  	v0 =	vld.idx.msk [tilespmem:v15+s3+$0x0], $0xffff;
	_ =	sdelay $0x3  }
0xdf: {  	v17 =	vld [tilespmem:$0x1060]  }
0xe0: {  	[tilespmem:$0x1640] =	vst v0  }
0xe1: {  	v0 =	vld.idx.msk [tilespmem:v16+s3+$0x0], $0xffff;
	_ =	sdelay $0x3  }
0xe2: {  	v18 =	vld [tilespmem:$0x1070]  }
0xe3: {  	[tilespmem:$0x1650] =	vst v0  }
0xe4: {  	v0 =	vld.idx.msk [tilespmem:v17+s3+$0x0], $0xffff;
	_ =	sdelay $0x3  }
0xe5: {  	v19 =	vld [tilespmem:$0x1080]  }
0xe6: {  	[tilespmem:$0x1660] =	vst v0  }
0xe7: {  	v0 =	vld.idx.msk [tilespmem:v18+s3+$0x0], $0xffff;
	_ =	sdelay $0x3  }
0xe8: {  	v20 =	vld [tilespmem:$0x1090]  }
0xe9: {  	[tilespmem:$0x1670] =	vst v0  }
0xea: {  	v0 =	vld.idx.msk [tilespmem:v19+s3+$0x0], $0xffff;
	_ =	sdelay $0x3  }
0xeb: {  	v21 =	vld [tilespmem:$0x10A0]  }
0xec: {  	[tilespmem:$0x1680] =	vst v0  }
0xed: {  	v0 =	vld.idx.msk [tilespmem:v20+s3+$0x0], $0xffff;
	_ =	sdelay $0x3  }
0xee: {  	v22 =	vld [tilespmem:$0x10B0]  }
0xef: {  	[tilespmem:$0x1690] =	vst v0  }
0xf0: {  	v0 =	vld.idx.msk [tilespmem:v21+s3+$0x0], $0xffff;
	_ =	sdelay $0x3  }
0xf1: {  	v23 =	vld [tilespmem:$0x10C0]  }
0xf2: {  	[tilespmem:$0x16A0] =	vst v0  }
0xf3: {  	v0 =	vld.idx.msk [tilespmem:v22+s3+$0x0], $0xffff;
	_ =	sdelay $0x3  }
0xf4: {  	v24 =	vld [tilespmem:$0x10D0]  }
0xf5: {  	[tilespmem:$0x16B0] =	vst v0  }
0xf6: {  	v0 =	vld.idx.msk [tilespmem:v23+s3+$0x0], $0xffff;
	_ =	sdelay $0x3  }
0xf7: {  	v25 =	vld [tilespmem:$0x10E0]  }
0xf8: {  	[tilespmem:$0x16C0] =	vst v0  }
0xf9: {  	v0 =	vld.idx.msk [tilespmem:v24+s3+$0x0], $0xffff;
	_ =	sdelay $0x3  }
0xfa: {  	v26 =	vld [tilespmem:$0x10F0]  }
0xfb: {  	[tilespmem:$0x16D0] =	vst v0  }
0xfc: {  	v0 =	vld.idx.msk [tilespmem:v25+s3+$0x0], $0xffff;
	_ =	sdelay $0x3  }
0xfd: {  	v27 =	vld [tilespmem:$0x1100]  }
0xfe: {  	[tilespmem:$0x16E0] =	vst v0  }
0xff: {  	v0 =	vld.idx.msk [tilespmem:v26+s3+$0x0], $0xffff;
	_ =	sdelay $0x3  }
0x100: {  	v28 =	vld [tilespmem:$0x1110]  }
0x101: {  	[tilespmem:$0x16F0] =	vst v0  }
0x102: {  	v0 =	vld.idx.msk [tilespmem:v27+s3+$0x0], $0xffff;
	_ =	sdelay $0x3  }
0x103: {  	v29 =	vld [tilespmem:$0x1120]  }
0x104: {  	[tilespmem:$0x1700] =	vst v0  }
0x105: {  	v0 =	vld.idx.msk [tilespmem:v28+s3+$0x0], $0xffff;
	_ =	sdelay $0x3  }
0x106: {  	v30 =	vld [tilespmem:$0x1130]  }
0x107: {  	[tilespmem:$0x1710] =	vst v0  }
0x108: {  	v0 =	vld.idx.msk [tilespmem:v29+s3+$0x0], $0xffff;
	_ =	sdelay $0x3  }
0x109: {  	v31 =	vld [tilespmem:$0x1140]  }
0x10a: {  	[tilespmem:$0x1720] =	vst v0  }
0x10b: {  	v0 =	vld.idx.msk [tilespmem:v30+s3+$0x0], $0xffff;
	_ =	sdelay $0x3  }
0x10c: {  	v32 =	vld [tilespmem:$0x1150]  }
0x10d: {  	[tilespmem:$0x1730] =	vst v0  }
0x10e: {  	v0 =	vld.idx.msk [tilespmem:v31+s3+$0x0], $0xffff;
	_ =	sdelay $0x3  }
0x10f: {  	v33 =	vld [tilespmem:$0x1160]  }
0x110: {  	[tilespmem:$0x1740] =	vst v0  }
0x111: {  	v0 =	vld.idx.msk [tilespmem:v32+s3+$0x0], $0xffff;
	_ =	sdelay $0x3  }
0x112: {  	v34 =	vld [tilespmem:$0x1170]  }
0x113: {  	[tilespmem:$0x1750] =	vst v0  }
0x114: {  	v0 =	vld.idx.msk [tilespmem:v33+s3+$0x0], $0xffff;
	_ =	sdelay $0x3  }
0x115: {  	v35 =	vld [tilespmem:$0x1180]  }
0x116: {  	[tilespmem:$0x1760] =	vst v0  }
0x117: {  	v0 =	vld.idx.msk [tilespmem:v34+s3+$0x0], $0xffff;
	_ =	sdelay $0x3  }
0x118: {  	v36 =	vld [tilespmem:$0x1190]  }
0x119: {  	[tilespmem:$0x1770] =	vst v0  }
0x11a: {  	v0 =	vld.idx.msk [tilespmem:v35+s3+$0x0], $0xffff;
	_ =	sdelay $0x3  }
0x11b: {  	v37 =	vld [tilespmem:$0x11A0]  }
0x11c: {  	[tilespmem:$0x1780] =	vst v0  }
0x11d: {  	v0 =	vld.idx.msk [tilespmem:v36+s3+$0x0], $0xffff;
	_ =	sdelay $0x3  }
0x11e: {  	v38 =	vld [tilespmem:$0x11B0]  }
0x11f: {  	[tilespmem:$0x1790] =	vst v0  }
0x120: {  	v0 =	vld.idx.msk [tilespmem:v37+s3+$0x0], $0xffff;
	_ =	sdelay $0x3  }
0x121: {  	v39 =	vld [tilespmem:$0x11C0]  }
0x122: {  	[tilespmem:$0x17A0] =	vst v0  }
0x123: {  	v0 =	vld.idx.msk [tilespmem:v38+s3+$0x0], $0xffff;
	_ =	sdelay $0x3  }
0x124: {  	v40 =	vld [tilespmem:$0x11D0]  }
0x125: {  	[tilespmem:$0x17B0] =	vst v0  }
0x126: {  	v0 =	vld.idx.msk [tilespmem:v39+s3+$0x0], $0xffff;
	_ =	sdelay $0x3  }
0x127: {  	v41 =	vld [tilespmem:$0x11E0]  }
0x128: {  	[tilespmem:$0x17C0] =	vst v0  }
0x129: {  	v0 =	vld.idx.msk [tilespmem:v40+s3+$0x0], $0xffff;
	_ =	sdelay $0x3  }
0x12a: {  	v42 =	vld [tilespmem:$0x11F0]  }
0x12b: {  	[tilespmem:$0x17D0] =	vst v0  }
0x12c: {  	v0 =	vld.idx.msk [tilespmem:v41+s3+$0x0], $0xffff;
	_ =	sdelay $0x1  }
0x12d: {  	v43 =	vld [tilespmem:$0xC00];
	_ =	sdelay $0x2  }
0x12e: {  	[tilespmem:$0x17E0] =	vst v0  }
0x12f: {  	v0 =	vld.idx.msk [tilespmem:v42+s3+$0x0], $0xffff  }
0x130: {  	v44 =	vadd.s32 $0x400, v43  }
0x131: {  	v45 =	vld [tilespmem:$0xC10];
	_ =	sdelay $0x2  }
0x132: {  	[tilespmem:$0x17F0] =	vst v0  }
0x133: {  	v0 =	vld.idx.msk [tilespmem:v44+s3+$0x0], $0xffff  }
0x134: {  	v46 =	vadd.s32 $0x400, v45  }
0x135: {  	v47 =	vld [tilespmem:$0xC20];
	_ =	sdelay $0x2  }
0x136: {  	[tilespmem:$0x1800] =	vst v0  }
0x137: {  	v0 =	vld.idx.msk [tilespmem:v46+s3+$0x0], $0xffff  }
0x138: {  	v48 =	vadd.s32 $0x400, v47  }
0x139: {  	v49 =	vld [tilespmem:$0xC30];
	_ =	sdelay $0x2  }
0x13a: {  	[tilespmem:$0x1810] =	vst v0  }
0x13b: {  	v0 =	vld.idx.msk [tilespmem:v48+s3+$0x0], $0xffff  }
0x13c: {  	v50 =	vadd.s32 $0x400, v49  }
0x13d: {  	v51 =	vld [tilespmem:$0xC40];
	_ =	sdelay $0x2  }
0x13e: {  	[tilespmem:$0x1820] =	vst v0  }
0x13f: {  	v0 =	vld.idx.msk [tilespmem:v50+s3+$0x0], $0xffff  }
0x140: {  	v52 =	vadd.s32 $0x400, v51  }
0x141: {  	v53 =	vld [tilespmem:$0xC50];
	_ =	sdelay $0x2  }
0x142: {  	[tilespmem:$0x1830] =	vst v0  }
0x143: {  	v0 =	vld.idx.msk [tilespmem:v52+s3+$0x0], $0xffff  }
0x144: {  	v54 =	vadd.s32 $0x400, v53  }
0x145: {  	v55 =	vld [tilespmem:$0xC60];
	_ =	sdelay $0x2  }
0x146: {  	[tilespmem:$0x1840] =	vst v0  }
0x147: {  	v0 =	vld.idx.msk [tilespmem:v54+s3+$0x0], $0xffff  }
0x148: {  	v56 =	vadd.s32 $0x400, v55  }
0x149: {  	v57 =	vld [tilespmem:$0xC70];
	_ =	sdelay $0x2  }
0x14a: {  	[tilespmem:$0x1850] =	vst v0  }
0x14b: {  	v0 =	vld.idx.msk [tilespmem:v56+s3+$0x0], $0xffff  }
0x14c: {  	v58 =	vadd.s32 $0x400, v57  }
0x14d: {  	v59 =	vld [tilespmem:$0xC80];
	_ =	sdelay $0x2  }
0x14e: {  	[tilespmem:$0x1860] =	vst v0  }
0x14f: {  	v0 =	vld.idx.msk [tilespmem:v58+s3+$0x0], $0xffff  }
0x150: {  	v60 =	vadd.s32 $0x400, v59  }
0x151: {  	v61 =	vld [tilespmem:$0xC90];
	_ =	sdelay $0x2  }
0x152: {  	[tilespmem:$0x1870] =	vst v0  }
0x153: {  	v0 =	vld.idx.msk [tilespmem:v60+s3+$0x0], $0xffff  }
0x154: {  	v62 =	vadd.s32 $0x400, v61  }
0x155: {  	v63 =	vld [tilespmem:$0xCA0];
	_ =	sdelay $0x2  }
0x156: {  	[tilespmem:$0x1880] =	vst v0  }
0x157: {  	v0 =	vld.idx.msk [tilespmem:v62+s3+$0x0], $0xffff  }
0x158: {  	v4 =	vadd.s32 $0x400, v63  }
0x159: {  	v5 =	vld [tilespmem:$0xCB0];
	_ =	sdelay $0x2  }
0x15a: {  	[tilespmem:$0x1890] =	vst v0  }
0x15b: {  	v0 =	vld.idx.msk [tilespmem:v4+s3+$0x0], $0xffff  }
0x15c: {  	v6 =	vadd.s32 $0x400, v5  }
0x15d: {  	v7 =	vld [tilespmem:$0xCC0];
	_ =	sdelay $0x2  }
0x15e: {  	[tilespmem:$0x18A0] =	vst v0  }
0x15f: {  	v0 =	vld.idx.msk [tilespmem:v6+s3+$0x0], $0xffff  }
0x160: {  	v8 =	vadd.s32 $0x400, v7  }
0x161: {  	v9 =	vld [tilespmem:$0xCD0];
	_ =	sdelay $0x2  }
0x162: {  	[tilespmem:$0x18B0] =	vst v0  }
0x163: {  	v0 =	vld.idx.msk [tilespmem:v8+s3+$0x0], $0xffff  }
0x164: {  	v10 =	vadd.s32 $0x400, v9  }
0x165: {  	v11 =	vld [tilespmem:$0xCE0];
	_ =	sdelay $0x2  }
0x166: {  	[tilespmem:$0x18C0] =	vst v0  }
0x167: {  	v0 =	vld.idx.msk [tilespmem:v10+s3+$0x0], $0xffff  }
0x168: {  	v12 =	vadd.s32 $0x400, v11  }
0x169: {  	v13 =	vld [tilespmem:$0xCF0];
	_ =	sdelay $0x2  }
0x16a: {  	[tilespmem:$0x18D0] =	vst v0  }
0x16b: {  	v0 =	vld.idx.msk [tilespmem:v12+s3+$0x0], $0xffff  }
0x16c: {  	v14 =	vadd.s32 $0x400, v13  }
0x16d: {  	v15 =	vld [tilespmem:$0xD00];
	_ =	sdelay $0x2  }
0x16e: {  	[tilespmem:$0x18E0] =	vst v0  }
0x16f: {  	v0 =	vld.idx.msk [tilespmem:v14+s3+$0x0], $0xffff  }
0x170: {  	v16 =	vadd.s32 $0x400, v15  }
0x171: {  	v17 =	vld [tilespmem:$0xD10];
	_ =	sdelay $0x2  }
0x172: {  	[tilespmem:$0x18F0] =	vst v0  }
0x173: {  	v0 =	vld.idx.msk [tilespmem:v16+s3+$0x0], $0xffff  }
0x174: {  	v18 =	vadd.s32 $0x400, v17  }
0x175: {  	v19 =	vld [tilespmem:$0xD20];
	_ =	sdelay $0x2  }
0x176: {  	[tilespmem:$0x1900] =	vst v0  }
0x177: {  	v0 =	vld.idx.msk [tilespmem:v18+s3+$0x0], $0xffff  }
0x178: {  	v20 =	vadd.s32 $0x400, v19  }
0x179: {  	v21 =	vld [tilespmem:$0xD30];
	_ =	sdelay $0x2  }
0x17a: {  	[tilespmem:$0x1910] =	vst v0  }
0x17b: {  	v0 =	vld.idx.msk [tilespmem:v20+s3+$0x0], $0xffff  }
0x17c: {  	v22 =	vadd.s32 $0x400, v21  }
0x17d: {  	v23 =	vld [tilespmem:$0xD40];
	_ =	sdelay $0x2  }
0x17e: {  	[tilespmem:$0x1920] =	vst v0  }
0x17f: {  	v0 =	vld.idx.msk [tilespmem:v22+s3+$0x0], $0xffff  }
0x180: {  	v24 =	vadd.s32 $0x400, v23  }
0x181: {  	v25 =	vld [tilespmem:$0xD50];
	_ =	sdelay $0x2  }
0x182: {  	[tilespmem:$0x1930] =	vst v0  }
0x183: {  	v0 =	vld.idx.msk [tilespmem:v24+s3+$0x0], $0xffff  }
0x184: {  	v26 =	vadd.s32 $0x400, v25  }
0x185: {  	v27 =	vld [tilespmem:$0xD60];
	_ =	sdelay $0x2  }
0x186: {  	[tilespmem:$0x1940] =	vst v0  }
0x187: {  	v0 =	vld.idx.msk [tilespmem:v26+s3+$0x0], $0xffff  }
0x188: {  	v28 =	vadd.s32 $0x400, v27  }
0x189: {  	v29 =	vld [tilespmem:$0xD70];
	_ =	sdelay $0x2  }
0x18a: {  	[tilespmem:$0x1950] =	vst v0  }
0x18b: {  	v0 =	vld.idx.msk [tilespmem:v28+s3+$0x0], $0xffff  }
0x18c: {  	v30 =	vadd.s32 $0x400, v29  }
0x18d: {  	v31 =	vld [tilespmem:$0xD80];
	_ =	sdelay $0x2  }
0x18e: {  	[tilespmem:$0x1960] =	vst v0  }
0x18f: {  	v0 =	vld.idx.msk [tilespmem:v30+s3+$0x0], $0xffff  }
0x190: {  	v32 =	vadd.s32 $0x400, v31  }
0x191: {  	v33 =	vld [tilespmem:$0xD90];
	_ =	sdelay $0x2  }
0x192: {  	[tilespmem:$0x1970] =	vst v0  }
0x193: {  	v0 =	vld.idx.msk [tilespmem:v32+s3+$0x0], $0xffff  }
0x194: {  	v34 =	vadd.s32 $0x400, v33  }
0x195: {  	v35 =	vld [tilespmem:$0xDA0];
	_ =	sdelay $0x2  }
0x196: {  	[tilespmem:$0x1980] =	vst v0  }
0x197: {  	v0 =	vld.idx.msk [tilespmem:v34+s3+$0x0], $0xffff  }
0x198: {  	v36 =	vadd.s32 $0x400, v35;
	_ =	sdelay $0x3  }
0x199: {  	[tilespmem:$0x1990] =	vst v0  }
0x19a: {  	v0 =	vld.idx.msk [tilespmem:v36+s3+$0x0], $0xffff;
	_ =	sdelay $0x4  }
0x19b: {  	[tilespmem:$0x19A0] =	vst v0  }
0x19c: {  	v0 =	vld [tilespmem:$0xDB0];
	_ =	sdelay $0x4  }
0x19d: {  	v0 =	vadd.s32 $0x400, v0  }
0x19e: {  	v37 =	vld [tilespmem:$0xDC0];
	_ =	sdelay $0x3  }
0x19f: {  	v0 =	vld.idx.msk [tilespmem:v0+s3+$0x0], $0xffff  }
0x1a0: {  	v1 =	vadd.s32 $0x400, v37  }
0x1a1: {  	v38 =	vld [tilespmem:$0xDD0];
	_ =	sdelay $0x2  }
0x1a2: {  	[tilespmem:$0x19B0] =	vst v0  }
0x1a3: {  	v0 =	vld.idx.msk [tilespmem:v1+s3+$0x0], $0xffff  }
0x1a4: {  	v39 =	vadd.s32 $0x400, v38  }
0x1a5: {  	v40 =	vld [tilespmem:$0xDE0];
	_ =	sdelay $0x2  }
0x1a6: {  	[tilespmem:$0x19C0] =	vst v0  }
0x1a7: {  	v0 =	vld.idx.msk [tilespmem:v39+s3+$0x0], $0xffff  }
0x1a8: {  	v41 =	vadd.s32 $0x400, v40  }
0x1a9: {  	v42 =	vld [tilespmem:$0xDF0];
	_ =	sdelay $0x2  }
0x1aa: {  	[tilespmem:$0x19D0] =	vst v0  }
0x1ab: {  	v0 =	vld.idx.msk [tilespmem:v41+s3+$0x0], $0xffff  }
0x1ac: {  	v43 =	vadd.s32 $0x400, v42  }
0x1ad: {  	v44 =	vld [tilespmem:$0xE00];
	_ =	sdelay $0x2  }
0x1ae: {  	[tilespmem:$0x19E0] =	vst v0  }
0x1af: {  	v0 =	vld.idx.msk [tilespmem:v43+s3+$0x0], $0xffff  }
0x1b0: {  	v45 =	vadd.s32 $0x400, v44  }
0x1b1: {  	v46 =	vld [tilespmem:$0xE10];
	_ =	sdelay $0x2  }
0x1b2: {  	[tilespmem:$0x19F0] =	vst v0  }
0x1b3: {  	v0 =	vld.idx.msk [tilespmem:v45+s3+$0x0], $0xffff  }
0x1b4: {  	v47 =	vadd.s32 $0x400, v46  }
0x1b5: {  	v48 =	vld [tilespmem:$0xE20];
	_ =	sdelay $0x2  }
0x1b6: {  	[tilespmem:$0x1A00] =	vst v0  }
0x1b7: {  	v0 =	vld.idx.msk [tilespmem:v47+s3+$0x0], $0xffff  }
0x1b8: {  	v49 =	vadd.s32 $0x400, v48  }
0x1b9: {  	v50 =	vld [tilespmem:$0xE30];
	_ =	sdelay $0x2  }
0x1ba: {  	[tilespmem:$0x1A10] =	vst v0  }
0x1bb: {  	v0 =	vld.idx.msk [tilespmem:v49+s3+$0x0], $0xffff  }
0x1bc: {  	v51 =	vadd.s32 $0x400, v50  }
0x1bd: {  	v52 =	vld [tilespmem:$0xE40];
	_ =	sdelay $0x2  }
0x1be: {  	[tilespmem:$0x1A20] =	vst v0  }
0x1bf: {  	v0 =	vld.idx.msk [tilespmem:v51+s3+$0x0], $0xffff  }
0x1c0: {  	v53 =	vadd.s32 $0x400, v52  }
0x1c1: {  	v54 =	vld [tilespmem:$0xE50];
	_ =	sdelay $0x2  }
0x1c2: {  	[tilespmem:$0x1A30] =	vst v0  }
0x1c3: {  	v0 =	vld.idx.msk [tilespmem:v53+s3+$0x0], $0xffff  }
0x1c4: {  	v55 =	vadd.s32 $0x400, v54  }
0x1c5: {  	v56 =	vld [tilespmem:$0xE60];
	_ =	sdelay $0x2  }
0x1c6: {  	[tilespmem:$0x1A40] =	vst v0  }
0x1c7: {  	v0 =	vld.idx.msk [tilespmem:v55+s3+$0x0], $0xffff  }
0x1c8: {  	v57 =	vadd.s32 $0x400, v56  }
0x1c9: {  	v58 =	vld [tilespmem:$0xE70];
	_ =	sdelay $0x2  }
0x1ca: {  	[tilespmem:$0x1A50] =	vst v0  }
0x1cb: {  	v0 =	vld.idx.msk [tilespmem:v57+s3+$0x0], $0xffff  }
0x1cc: {  	v59 =	vadd.s32 $0x400, v58  }
0x1cd: {  	v60 =	vld [tilespmem:$0xE80];
	_ =	sdelay $0x2  }
0x1ce: {  	[tilespmem:$0x1A60] =	vst v0  }
0x1cf: {  	v0 =	vld.idx.msk [tilespmem:v59+s3+$0x0], $0xffff  }
0x1d0: {  	v61 =	vadd.s32 $0x400, v60  }
0x1d1: {  	v62 =	vld [tilespmem:$0xE90];
	_ =	sdelay $0x2  }
0x1d2: {  	[tilespmem:$0x1A70] =	vst v0  }
0x1d3: {  	v0 =	vld.idx.msk [tilespmem:v61+s3+$0x0], $0xffff  }
0x1d4: {  	v63 =	vadd.s32 $0x400, v62  }
0x1d5: {  	v4 =	vld [tilespmem:$0xEA0];
	_ =	sdelay $0x2  }
0x1d6: {  	[tilespmem:$0x1A80] =	vst v0  }
0x1d7: {  	v0 =	vld.idx.msk [tilespmem:v63+s3+$0x0], $0xffff  }
0x1d8: {  	v5 =	vadd.s32 $0x400, v4  }
0x1d9: {  	v6 =	vld [tilespmem:$0xEB0];
	_ =	sdelay $0x2  }
0x1da: {  	[tilespmem:$0x1A90] =	vst v0  }
0x1db: {  	v0 =	vld.idx.msk [tilespmem:v5+s3+$0x0], $0xffff  }
0x1dc: {  	v7 =	vadd.s32 $0x400, v6  }
0x1dd: {  	v8 =	vld [tilespmem:$0xEC0];
	_ =	sdelay $0x2  }
0x1de: {  	[tilespmem:$0x1AA0] =	vst v0  }
0x1df: {  	v0 =	vld.idx.msk [tilespmem:v7+s3+$0x0], $0xffff  }
0x1e0: {  	v9 =	vadd.s32 $0x400, v8  }
0x1e1: {  	v10 =	vld [tilespmem:$0xED0];
	_ =	sdelay $0x2  }
0x1e2: {  	[tilespmem:$0x1AB0] =	vst v0  }
0x1e3: {  	v0 =	vld.idx.msk [tilespmem:v9+s3+$0x0], $0xffff  }
0x1e4: {  	v11 =	vadd.s32 $0x400, v10  }
0x1e5: {  	v12 =	vld [tilespmem:$0xEE0];
	_ =	sdelay $0x2  }
0x1e6: {  	[tilespmem:$0x1AC0] =	vst v0  }
0x1e7: {  	v0 =	vld.idx.msk [tilespmem:v11+s3+$0x0], $0xffff  }
0x1e8: {  	v13 =	vadd.s32 $0x400, v12  }
0x1e9: {  	v14 =	vld [tilespmem:$0xEF0];
	_ =	sdelay $0x2  }
0x1ea: {  	[tilespmem:$0x1AD0] =	vst v0  }
0x1eb: {  	v0 =	vld.idx.msk [tilespmem:v13+s3+$0x0], $0xffff  }
0x1ec: {  	v15 =	vadd.s32 $0x400, v14  }
0x1ed: {  	v16 =	vld [tilespmem:$0xF00];
	_ =	sdelay $0x2  }
0x1ee: {  	[tilespmem:$0x1AE0] =	vst v0  }
0x1ef: {  	v0 =	vld.idx.msk [tilespmem:v15+s3+$0x0], $0xffff  }
0x1f0: {  	v17 =	vadd.s32 $0x400, v16  }
0x1f1: {  	v18 =	vld [tilespmem:$0xF10];
	_ =	sdelay $0x2  }
0x1f2: {  	[tilespmem:$0x1AF0] =	vst v0  }
0x1f3: {  	v0 =	vld.idx.msk [tilespmem:v17+s3+$0x0], $0xffff  }
0x1f4: {  	v19 =	vadd.s32 $0x400, v18  }
0x1f5: {  	v20 =	vld [tilespmem:$0xF20];
	_ =	sdelay $0x2  }
0x1f6: {  	[tilespmem:$0x1B00] =	vst v0  }
0x1f7: {  	v0 =	vld.idx.msk [tilespmem:v19+s3+$0x0], $0xffff  }
0x1f8: {  	v21 =	vadd.s32 $0x400, v20  }
0x1f9: {  	v22 =	vld [tilespmem:$0xF30];
	_ =	sdelay $0x2  }
0x1fa: {  	[tilespmem:$0x1B10] =	vst v0  }
0x1fb: {  	v0 =	vld.idx.msk [tilespmem:v21+s3+$0x0], $0xffff  }
0x1fc: {  	v23 =	vadd.s32 $0x400, v22  }
0x1fd: {  	v24 =	vld [tilespmem:$0xF40];
	_ =	sdelay $0x2  }
0x1fe: {  	[tilespmem:$0x1B20] =	vst v0  }
0x1ff: {  	v0 =	vld.idx.msk [tilespmem:v23+s3+$0x0], $0xffff  }
0x200: {  	v25 =	vadd.s32 $0x400, v24  }
0x201: {  	v26 =	vld [tilespmem:$0xF50];
	_ =	sdelay $0x2  }
0x202: {  	[tilespmem:$0x1B30] =	vst v0  }
0x203: {  	v0 =	vld.idx.msk [tilespmem:v25+s3+$0x0], $0xffff  }
0x204: {  	v27 =	vadd.s32 $0x400, v26  }
0x205: {  	v28 =	vld [tilespmem:$0xF60];
	_ =	sdelay $0x2  }
0x206: {  	[tilespmem:$0x1B40] =	vst v0  }
0x207: {  	v0 =	vld.idx.msk [tilespmem:v27+s3+$0x0], $0xffff  }
0x208: {  	v29 =	vadd.s32 $0x400, v28  }
0x209: {  	v30 =	vld [tilespmem:$0xF70];
	_ =	sdelay $0x2  }
0x20a: {  	[tilespmem:$0x1B50] =	vst v0  }
0x20b: {  	v0 =	vld.idx.msk [tilespmem:v29+s3+$0x0], $0xffff  }
0x20c: {  	v31 =	vadd.s32 $0x400, v30  }
0x20d: {  	v32 =	vld [tilespmem:$0xF80];
	_ =	sdelay $0x2  }
0x20e: {  	[tilespmem:$0x1B60] =	vst v0  }
0x20f: {  	v0 =	vld.idx.msk [tilespmem:v31+s3+$0x0], $0xffff  }
0x210: {  	v33 =	vadd.s32 $0x400, v32  }
0x211: {  	v34 =	vld [tilespmem:$0xF90];
	_ =	sdelay $0x2  }
0x212: {  	[tilespmem:$0x1B70] =	vst v0  }
0x213: {  	v0 =	vld.idx.msk [tilespmem:v33+s3+$0x0], $0xffff  }
0x214: {  	v35 =	vadd.s32 $0x400, v34  }
0x215: {  	v36 =	vld [tilespmem:$0xFA0];
	_ =	sdelay $0x2  }
0x216: {  	[tilespmem:$0x1B80] =	vst v0  }
0x217: {  	v0 =	vld.idx.msk [tilespmem:v35+s3+$0x0], $0xffff  }
0x218: {  	v37 =	vadd.s32 $0x400, v36  }
0x219: {  	v38 =	vld [tilespmem:$0xFB0];
	_ =	sdelay $0x2  }
0x21a: {  	[tilespmem:$0x1B90] =	vst v0  }
0x21b: {  	v0 =	vld.idx.msk [tilespmem:v37+s3+$0x0], $0xffff  }
0x21c: {  	v39 =	vadd.s32 $0x400, v38  }
0x21d: {  	v40 =	vld [tilespmem:$0xFC0];
	_ =	sdelay $0x2  }
0x21e: {  	[tilespmem:$0x1BA0] =	vst v0  }
0x21f: {  	v0 =	vld.idx.msk [tilespmem:v39+s3+$0x0], $0xffff  }
0x220: {  	v41 =	vadd.s32 $0x400, v40  }
0x221: {  	v42 =	vld [tilespmem:$0xFD0];
	_ =	sdelay $0x2  }
0x222: {  	[tilespmem:$0x1BB0] =	vst v0  }
0x223: {  	v0 =	vld.idx.msk [tilespmem:v41+s3+$0x0], $0xffff  }
0x224: {  	v43 =	vadd.s32 $0x400, v42  }
0x225: {  	v44 =	vld [tilespmem:$0xFE0];
	_ =	sdelay $0x2  }
0x226: {  	[tilespmem:$0x1BC0] =	vst v0  }
0x227: {  	v0 =	vld.idx.msk [tilespmem:v43+s3+$0x0], $0xffff  }
0x228: {  	v45 =	vadd.s32 $0x400, v44  }
0x229: {  	v46 =	vld [tilespmem:$0xFF0];
	_ =	sdelay $0x2  }
0x22a: {  	[tilespmem:$0x1BD0] =	vst v0  }
0x22b: {  	v0 =	vld.idx.msk [tilespmem:v45+s3+$0x0], $0xffff  }
0x22c: {  	v47 =	vadd.s32 $0x400, v46  }
0x22d: {  	v48 =	vld [tilespmem:$0x1000];
	_ =	sdelay $0x2  }
0x22e: {  	[tilespmem:$0x1BE0] =	vst v0  }
0x22f: {  	v0 =	vld.idx.msk [tilespmem:v47+s3+$0x0], $0xffff  }
0x230: {  	v49 =	vadd.s32 $0x400, v48  }
0x231: {  	v50 =	vld [tilespmem:$0x1010];
	_ =	sdelay $0x2  }
0x232: {  	[tilespmem:$0x1BF0] =	vst v0  }
0x233: {  	v0 =	vld.idx.msk [tilespmem:v49+s3+$0x0], $0xffff  }
0x234: {  	v51 =	vadd.s32 $0x400, v50  }
0x235: {  	v52 =	vld [tilespmem:$0x1020];
	_ =	sdelay $0x2  }
0x236: {  	[tilespmem:$0x1C00] =	vst v0  }
0x237: {  	v0 =	vld.idx.msk [tilespmem:v51+s3+$0x0], $0xffff  }
0x238: {  	v53 =	vadd.s32 $0x400, v52  }
0x239: {  	v54 =	vld [tilespmem:$0x1030];
	_ =	sdelay $0x2  }
0x23a: {  	[tilespmem:$0x1C10] =	vst v0  }
0x23b: {  	v0 =	vld.idx.msk [tilespmem:v53+s3+$0x0], $0xffff  }
0x23c: {  	v55 =	vadd.s32 $0x400, v54  }
0x23d: {  	v56 =	vld [tilespmem:$0x1040];
	_ =	sdelay $0x2  }
0x23e: {  	[tilespmem:$0x1C20] =	vst v0  }
0x23f: {  	v0 =	vld.idx.msk [tilespmem:v55+s3+$0x0], $0xffff  }
0x240: {  	v57 =	vadd.s32 $0x400, v56  }
0x241: {  	v58 =	vld [tilespmem:$0x1050];
	_ =	sdelay $0x2  }
0x242: {  	[tilespmem:$0x1C30] =	vst v0  }
0x243: {  	v0 =	vld.idx.msk [tilespmem:v57+s3+$0x0], $0xffff  }
0x244: {  	v59 =	vadd.s32 $0x400, v58  }
0x245: {  	v60 =	vld [tilespmem:$0x1060];
	_ =	sdelay $0x2  }
0x246: {  	[tilespmem:$0x1C40] =	vst v0  }
0x247: {  	v0 =	vld.idx.msk [tilespmem:v59+s3+$0x0], $0xffff  }
0x248: {  	v61 =	vadd.s32 $0x400, v60  }
0x249: {  	v62 =	vld [tilespmem:$0x1070];
	_ =	sdelay $0x2  }
0x24a: {  	[tilespmem:$0x1C50] =	vst v0  }
0x24b: {  	v0 =	vld.idx.msk [tilespmem:v61+s3+$0x0], $0xffff  }
0x24c: {  	v63 =	vadd.s32 $0x400, v62  }
0x24d: {  	v4 =	vld [tilespmem:$0x1080];
	_ =	sdelay $0x2  }
0x24e: {  	[tilespmem:$0x1C60] =	vst v0  }
0x24f: {  	v0 =	vld.idx.msk [tilespmem:v63+s3+$0x0], $0xffff  }
0x250: {  	v5 =	vadd.s32 $0x400, v4  }
0x251: {  	v6 =	vld [tilespmem:$0x1090];
	_ =	sdelay $0x2  }
0x252: {  	[tilespmem:$0x1C70] =	vst v0  }
0x253: {  	v0 =	vld.idx.msk [tilespmem:v5+s3+$0x0], $0xffff  }
0x254: {  	v7 =	vadd.s32 $0x400, v6  }
0x255: {  	v8 =	vld [tilespmem:$0x10A0];
	_ =	sdelay $0x2  }
0x256: {  	[tilespmem:$0x1C80] =	vst v0  }
0x257: {  	v0 =	vld.idx.msk [tilespmem:v7+s3+$0x0], $0xffff  }
0x258: {  	v9 =	vadd.s32 $0x400, v8  }
0x259: {  	v10 =	vld [tilespmem:$0x10B0];
	_ =	sdelay $0x2  }
0x25a: {  	[tilespmem:$0x1C90] =	vst v0  }
0x25b: {  	v0 =	vld.idx.msk [tilespmem:v9+s3+$0x0], $0xffff  }
0x25c: {  	v11 =	vadd.s32 $0x400, v10  }
0x25d: {  	v12 =	vld [tilespmem:$0x10C0];
	_ =	sdelay $0x2  }
0x25e: {  	[tilespmem:$0x1CA0] =	vst v0  }
0x25f: {  	v0 =	vld.idx.msk [tilespmem:v11+s3+$0x0], $0xffff  }
0x260: {  	v13 =	vadd.s32 $0x400, v12  }
0x261: {  	v14 =	vld [tilespmem:$0x10D0];
	_ =	sdelay $0x2  }
0x262: {  	[tilespmem:$0x1CB0] =	vst v0  }
0x263: {  	v0 =	vld.idx.msk [tilespmem:v13+s3+$0x0], $0xffff  }
0x264: {  	v15 =	vadd.s32 $0x400, v14  }
0x265: {  	v16 =	vld [tilespmem:$0x10E0];
	_ =	sdelay $0x2  }
0x266: {  	[tilespmem:$0x1CC0] =	vst v0  }
0x267: {  	v0 =	vld.idx.msk [tilespmem:v15+s3+$0x0], $0xffff  }
0x268: {  	v17 =	vadd.s32 $0x400, v16  }
0x269: {  	v18 =	vld [tilespmem:$0x10F0];
	_ =	sdelay $0x2  }
0x26a: {  	[tilespmem:$0x1CD0] =	vst v0  }
0x26b: {  	v0 =	vld.idx.msk [tilespmem:v17+s3+$0x0], $0xffff  }
0x26c: {  	v19 =	vadd.s32 $0x400, v18  }
0x26d: {  	v20 =	vld [tilespmem:$0x1100];
	_ =	sdelay $0x2  }
0x26e: {  	[tilespmem:$0x1CE0] =	vst v0  }
0x26f: {  	v0 =	vld.idx.msk [tilespmem:v19+s3+$0x0], $0xffff  }
0x270: {  	v21 =	vadd.s32 $0x400, v20  }
0x271: {  	v22 =	vld [tilespmem:$0x1110];
	_ =	sdelay $0x2  }
0x272: {  	[tilespmem:$0x1CF0] =	vst v0  }
0x273: {  	v0 =	vld.idx.msk [tilespmem:v21+s3+$0x0], $0xffff  }
0x274: {  	v23 =	vadd.s32 $0x400, v22  }
0x275: {  	v24 =	vld [tilespmem:$0x1120];
	_ =	sdelay $0x2  }
0x276: {  	[tilespmem:$0x1D00] =	vst v0  }
0x277: {  	v0 =	vld.idx.msk [tilespmem:v23+s3+$0x0], $0xffff  }
0x278: {  	v25 =	vadd.s32 $0x400, v24  }
0x279: {  	v26 =	vld [tilespmem:$0x1130];
	_ =	sdelay $0x2  }
0x27a: {  	[tilespmem:$0x1D10] =	vst v0  }
0x27b: {  	v0 =	vld.idx.msk [tilespmem:v25+s3+$0x0], $0xffff  }
0x27c: {  	v27 =	vadd.s32 $0x400, v26  }
0x27d: {  	v28 =	vld [tilespmem:$0x1140];
	_ =	sdelay $0x2  }
0x27e: {  	[tilespmem:$0x1D20] =	vst v0  }
0x27f: {  	v0 =	vld.idx.msk [tilespmem:v27+s3+$0x0], $0xffff  }
0x280: {  	v29 =	vadd.s32 $0x400, v28  }
0x281: {  	v30 =	vld [tilespmem:$0x1150];
	_ =	sdelay $0x2  }
0x282: {  	[tilespmem:$0x1D30] =	vst v0  }
0x283: {  	v0 =	vld.idx.msk [tilespmem:v29+s3+$0x0], $0xffff  }
0x284: {  	v31 =	vadd.s32 $0x400, v30  }
0x285: {  	v32 =	vld [tilespmem:$0x1160];
	_ =	sdelay $0x2  }
0x286: {  	[tilespmem:$0x1D40] =	vst v0  }
0x287: {  	v0 =	vld.idx.msk [tilespmem:v31+s3+$0x0], $0xffff  }
0x288: {  	v33 =	vadd.s32 $0x400, v32  }
0x289: {  	v34 =	vld [tilespmem:$0x1170];
	_ =	sdelay $0x2  }
0x28a: {  	[tilespmem:$0x1D50] =	vst v0  }
0x28b: {  	v0 =	vld.idx.msk [tilespmem:v33+s3+$0x0], $0xffff  }
0x28c: {  	v35 =	vadd.s32 $0x400, v34  }
0x28d: {  	v36 =	vld [tilespmem:$0x1180];
	_ =	sdelay $0x2  }
0x28e: {  	[tilespmem:$0x1D60] =	vst v0  }
0x28f: {  	v0 =	vld.idx.msk [tilespmem:v35+s3+$0x0], $0xffff  }
0x290: {  	v37 =	vadd.s32 $0x400, v36  }
0x291: {  	v38 =	vld [tilespmem:$0x1190];
	_ =	sdelay $0x2  }
0x292: {  	[tilespmem:$0x1D70] =	vst v0  }
0x293: {  	v0 =	vld.idx.msk [tilespmem:v37+s3+$0x0], $0xffff  }
0x294: {  	v39 =	vadd.s32 $0x400, v38  }
0x295: {  	v40 =	vld [tilespmem:$0x11A0];
	_ =	sdelay $0x2  }
0x296: {  	[tilespmem:$0x1D80] =	vst v0  }
0x297: {  	v0 =	vld.idx.msk [tilespmem:v39+s3+$0x0], $0xffff  }
0x298: {  	v41 =	vadd.s32 $0x400, v40  }
0x299: {  	v42 =	vld [tilespmem:$0x11B0];
	_ =	sdelay $0x2  }
0x29a: {  	[tilespmem:$0x1D90] =	vst v0  }
0x29b: {  	v0 =	vld.idx.msk [tilespmem:v41+s3+$0x0], $0xffff  }
0x29c: {  	v43 =	vadd.s32 $0x400, v42  }
0x29d: {  	v44 =	vld [tilespmem:$0x11C0];
	_ =	sdelay $0x2  }
0x29e: {  	[tilespmem:$0x1DA0] =	vst v0  }
0x29f: {  	v0 =	vld.idx.msk [tilespmem:v43+s3+$0x0], $0xffff  }
0x2a0: {  	v45 =	vadd.s32 $0x400, v44  }
0x2a1: {  	v46 =	vld [tilespmem:$0x11D0];
	_ =	sdelay $0x2  }
0x2a2: {  	[tilespmem:$0x1DB0] =	vst v0  }
0x2a3: {  	v0 =	vld.idx.msk [tilespmem:v45+s3+$0x0], $0xffff  }
0x2a4: {  	v47 =	vadd.s32 $0x400, v46  }
0x2a5: {  	v48 =	vld [tilespmem:$0x11E0];
	_ =	sdelay $0x2  }
0x2a6: {  	[tilespmem:$0x1DC0] =	vst v0  }
0x2a7: {  	v0 =	vld.idx.msk [tilespmem:v47+s3+$0x0], $0xffff  }
0x2a8: {  	v49 =	vadd.s32 $0x400, v48  }
0x2a9: {  	v50 =	vld [tilespmem:$0x11F0];
	_ =	sdelay $0x2  }
0x2aa: {  	[tilespmem:$0x1DD0] =	vst v0  }
0x2ab: {  	v0 =	vld.idx.msk [tilespmem:v49+s3+$0x0], $0xffff  }
0x2ac: {  	v51 =	vadd.s32 $0x400, v50  }
0x2ad: {  	v52 =	vld [tilespmem:$0xC00];
	_ =	sdelay $0x2  }
0x2ae: {  	[tilespmem:$0x1DE0] =	vst v0  }
0x2af: {  	v0 =	vld.idx.msk [tilespmem:v51+s3+$0x0], $0xffff  }
0x2b0: {  	v53 =	vadd.s32 $0x800, v52  }
0x2b1: {  	v54 =	vld [tilespmem:$0xC10];
	_ =	sdelay $0x2  }
0x2b2: {  	[tilespmem:$0x1DF0] =	vst v0  }
0x2b3: {  	v0 =	vld.idx.msk [tilespmem:v53+s3+$0x0], $0xffff  }
0x2b4: {  	v55 =	vadd.s32 $0x800, v54  }
0x2b5: {  	v56 =	vld [tilespmem:$0xC20];
	_ =	sdelay $0x2  }
0x2b6: {  	[tilespmem:$0x1E00] =	vst v0  }
0x2b7: {  	v0 =	vld.idx.msk [tilespmem:v55+s3+$0x0], $0xffff  }
0x2b8: {  	v57 =	vadd.s32 $0x800, v56  }
0x2b9: {  	v58 =	vld [tilespmem:$0xC30];
	_ =	sdelay $0x2  }
0x2ba: {  	[tilespmem:$0x1E10] =	vst v0  }
0x2bb: {  	v0 =	vld.idx.msk [tilespmem:v57+s3+$0x0], $0xffff  }
0x2bc: {  	v59 =	vadd.s32 $0x800, v58  }
0x2bd: {  	v60 =	vld [tilespmem:$0xC40];
	_ =	sdelay $0x2  }
0x2be: {  	[tilespmem:$0x1E20] =	vst v0  }
0x2bf: {  	v0 =	vld.idx.msk [tilespmem:v59+s3+$0x0], $0xffff  }
0x2c0: {  	v61 =	vadd.s32 $0x800, v60  }
0x2c1: {  	v62 =	vld [tilespmem:$0xC50];
	_ =	sdelay $0x2  }
0x2c2: {  	[tilespmem:$0x1E30] =	vst v0  }
0x2c3: {  	v0 =	vld.idx.msk [tilespmem:v61+s3+$0x0], $0xffff  }
0x2c4: {  	v63 =	vadd.s32 $0x800, v62  }
0x2c5: {  	v4 =	vld [tilespmem:$0xC60];
	_ =	sdelay $0x2  }
0x2c6: {  	[tilespmem:$0x1E40] =	vst v0  }
0x2c7: {  	v0 =	vld.idx.msk [tilespmem:v63+s3+$0x0], $0xffff  }
0x2c8: {  	v5 =	vadd.s32 $0x800, v4  }
0x2c9: {  	v6 =	vld [tilespmem:$0xC70];
	_ =	sdelay $0x2  }
0x2ca: {  	[tilespmem:$0x1E50] =	vst v0  }
0x2cb: {  	v0 =	vld.idx.msk [tilespmem:v5+s3+$0x0], $0xffff  }
0x2cc: {  	v7 =	vadd.s32 $0x800, v6  }
0x2cd: {  	v8 =	vld [tilespmem:$0xC80];
	_ =	sdelay $0x2  }
0x2ce: {  	[tilespmem:$0x1E60] =	vst v0  }
0x2cf: {  	v0 =	vld.idx.msk [tilespmem:v7+s3+$0x0], $0xffff  }
0x2d0: {  	v9 =	vadd.s32 $0x800, v8  }
0x2d1: {  	v10 =	vld [tilespmem:$0xC90];
	_ =	sdelay $0x2  }
0x2d2: {  	[tilespmem:$0x1E70] =	vst v0  }
0x2d3: {  	v0 =	vld.idx.msk [tilespmem:v9+s3+$0x0], $0xffff  }
0x2d4: {  	v11 =	vadd.s32 $0x800, v10  }
0x2d5: {  	v12 =	vld [tilespmem:$0xCA0];
	_ =	sdelay $0x2  }
0x2d6: {  	[tilespmem:$0x1E80] =	vst v0  }
0x2d7: {  	v0 =	vld.idx.msk [tilespmem:v11+s3+$0x0], $0xffff  }
0x2d8: {  	v13 =	vadd.s32 $0x800, v12  }
0x2d9: {  	v14 =	vld [tilespmem:$0xCB0];
	_ =	sdelay $0x2  }
0x2da: {  	[tilespmem:$0x1E90] =	vst v0  }
0x2db: {  	v0 =	vld.idx.msk [tilespmem:v13+s3+$0x0], $0xffff  }
0x2dc: {  	v15 =	vadd.s32 $0x800, v14  }
0x2dd: {  	v16 =	vld [tilespmem:$0xCC0];
	_ =	sdelay $0x2  }
0x2de: {  	[tilespmem:$0x1EA0] =	vst v0  }
0x2df: {  	v0 =	vld.idx.msk [tilespmem:v15+s3+$0x0], $0xffff  }
0x2e0: {  	v17 =	vadd.s32 $0x800, v16  }
0x2e1: {  	v18 =	vld [tilespmem:$0xCD0];
	_ =	sdelay $0x2  }
0x2e2: {  	[tilespmem:$0x1EB0] =	vst v0  }
0x2e3: {  	v0 =	vld.idx.msk [tilespmem:v17+s3+$0x0], $0xffff  }
0x2e4: {  	v19 =	vadd.s32 $0x800, v18  }
0x2e5: {  	v20 =	vld [tilespmem:$0xCE0];
	_ =	sdelay $0x2  }
0x2e6: {  	[tilespmem:$0x1EC0] =	vst v0  }
0x2e7: {  	v0 =	vld.idx.msk [tilespmem:v19+s3+$0x0], $0xffff  }
0x2e8: {  	v21 =	vadd.s32 $0x800, v20  }
0x2e9: {  	v22 =	vld [tilespmem:$0xCF0];
	_ =	sdelay $0x2  }
0x2ea: {  	[tilespmem:$0x1ED0] =	vst v0  }
0x2eb: {  	v0 =	vld.idx.msk [tilespmem:v21+s3+$0x0], $0xffff  }
0x2ec: {  	v23 =	vadd.s32 $0x800, v22  }
0x2ed: {  	v24 =	vld [tilespmem:$0xD00];
	_ =	sdelay $0x2  }
0x2ee: {  	[tilespmem:$0x1EE0] =	vst v0  }
0x2ef: {  	v0 =	vld.idx.msk [tilespmem:v23+s3+$0x0], $0xffff  }
0x2f0: {  	v25 =	vadd.s32 $0x800, v24  }
0x2f1: {  	v26 =	vld [tilespmem:$0xD10];
	_ =	sdelay $0x2  }
0x2f2: {  	[tilespmem:$0x1EF0] =	vst v0  }
0x2f3: {  	v0 =	vld.idx.msk [tilespmem:v25+s3+$0x0], $0xffff  }
0x2f4: {  	v27 =	vadd.s32 $0x800, v26  }
0x2f5: {  	v28 =	vld [tilespmem:$0xD20];
	_ =	sdelay $0x2  }
0x2f6: {  	[tilespmem:$0x1F00] =	vst v0  }
0x2f7: {  	v0 =	vld.idx.msk [tilespmem:v27+s3+$0x0], $0xffff  }
0x2f8: {  	v29 =	vadd.s32 $0x800, v28  }
0x2f9: {  	v30 =	vld [tilespmem:$0xD30];
	_ =	sdelay $0x2  }
0x2fa: {  	[tilespmem:$0x1F10] =	vst v0  }
0x2fb: {  	v0 =	vld.idx.msk [tilespmem:v29+s3+$0x0], $0xffff  }
0x2fc: {  	v31 =	vadd.s32 $0x800, v30  }
0x2fd: {  	v32 =	vld [tilespmem:$0xD40];
	_ =	sdelay $0x2  }
0x2fe: {  	[tilespmem:$0x1F20] =	vst v0  }
0x2ff: {  	v0 =	vld.idx.msk [tilespmem:v31+s3+$0x0], $0xffff  }
0x300: {  	v33 =	vadd.s32 $0x800, v32  }
0x301: {  	v34 =	vld [tilespmem:$0xD50];
	_ =	sdelay $0x2  }
0x302: {  	[tilespmem:$0x1F30] =	vst v0  }
0x303: {  	v0 =	vld.idx.msk [tilespmem:v33+s3+$0x0], $0xffff  }
0x304: {  	v35 =	vadd.s32 $0x800, v34  }
0x305: {  	v36 =	vld [tilespmem:$0xD60];
	_ =	sdelay $0x2  }
0x306: {  	[tilespmem:$0x1F40] =	vst v0  }
0x307: {  	v0 =	vld.idx.msk [tilespmem:v35+s3+$0x0], $0xffff  }
0x308: {  	v37 =	vadd.s32 $0x800, v36  }
0x309: {  	v38 =	vld [tilespmem:$0xD70];
	_ =	sdelay $0x2  }
0x30a: {  	[tilespmem:$0x1F50] =	vst v0  }
0x30b: {  	v0 =	vld.idx.msk [tilespmem:v37+s3+$0x0], $0xffff  }
0x30c: {  	v39 =	vadd.s32 $0x800, v38  }
0x30d: {  	v40 =	vld [tilespmem:$0xD80];
	_ =	sdelay $0x2  }
0x30e: {  	[tilespmem:$0x1F60] =	vst v0  }
0x30f: {  	v0 =	vld.idx.msk [tilespmem:v39+s3+$0x0], $0xffff  }
0x310: {  	v41 =	vadd.s32 $0x800, v40  }
0x311: {  	v42 =	vld [tilespmem:$0xD90];
	_ =	sdelay $0x2  }
0x312: {  	[tilespmem:$0x1F70] =	vst v0  }
0x313: {  	v0 =	vld.idx.msk [tilespmem:v41+s3+$0x0], $0xffff  }
0x314: {  	v43 =	vadd.s32 $0x800, v42  }
0x315: {  	v44 =	vld [tilespmem:$0xDA0];
	_ =	sdelay $0x2  }
0x316: {  	[tilespmem:$0x1F80] =	vst v0  }
0x317: {  	v0 =	vld.idx.msk [tilespmem:v43+s3+$0x0], $0xffff  }
0x318: {  	v45 =	vadd.s32 $0x800, v44  }
0x319: {  	v46 =	vld [tilespmem:$0xDB0];
	_ =	sdelay $0x2  }
0x31a: {  	[tilespmem:$0x1F90] =	vst v0  }
0x31b: {  	v0 =	vld.idx.msk [tilespmem:v45+s3+$0x0], $0xffff  }
0x31c: {  	v47 =	vadd.s32 $0x800, v46  }
0x31d: {  	v48 =	vld [tilespmem:$0xDC0];
	_ =	sdelay $0x2  }
0x31e: {  	[tilespmem:$0x1FA0] =	vst v0  }
0x31f: {  	v0 =	vld.idx.msk [tilespmem:v47+s3+$0x0], $0xffff  }
0x320: {  	v49 =	vadd.s32 $0x800, v48  }
0x321: {  	v50 =	vld [tilespmem:$0xDD0];
	_ =	sdelay $0x2  }
0x322: {  	[tilespmem:$0x1FB0] =	vst v0  }
0x323: {  	v0 =	vld.idx.msk [tilespmem:v49+s3+$0x0], $0xffff  }
0x324: {  	v51 =	vadd.s32 $0x800, v50  }
0x325: {  	v52 =	vld [tilespmem:$0xDE0];
	_ =	sdelay $0x2  }
0x326: {  	[tilespmem:$0x1FC0] =	vst v0  }
0x327: {  	v0 =	vld.idx.msk [tilespmem:v51+s3+$0x0], $0xffff  }
0x328: {  	v53 =	vadd.s32 $0x800, v52  }
0x329: {  	v54 =	vld [tilespmem:$0xDF0];
	_ =	sdelay $0x2  }
0x32a: {  	[tilespmem:$0x1FD0] =	vst v0  }
0x32b: {  	v0 =	vld.idx.msk [tilespmem:v53+s3+$0x0], $0xffff  }
0x32c: {  	v55 =	vadd.s32 $0x800, v54  }
0x32d: {  	v56 =	vld [tilespmem:$0xE00];
	_ =	sdelay $0x2  }
0x32e: {  	[tilespmem:$0x1FE0] =	vst v0  }
0x32f: {  	v0 =	vld.idx.msk [tilespmem:v55+s3+$0x0], $0xffff  }
0x330: {  	v57 =	vadd.s32 $0x800, v56  }
0x331: {  	v58 =	vld [tilespmem:$0xE10];
	_ =	sdelay $0x2  }
0x332: {  	[tilespmem:$0x1FF0] =	vst v0  }
0x333: {  	v0 =	vld.idx.msk [tilespmem:v57+s3+$0x0], $0xffff  }
0x334: {  	v59 =	vadd.s32 $0x800, v58  }
0x335: {  	v60 =	vld [tilespmem:$0xE20];
	_ =	sdelay $0x2  }
0x336: {  	[tilespmem:$0x2000] =	vst v0  }
0x337: {  	v0 =	vld.idx.msk [tilespmem:v59+s3+$0x0], $0xffff  }
0x338: {  	v61 =	vadd.s32 $0x800, v60  }
0x339: {  	v62 =	vld [tilespmem:$0xE30];
	_ =	sdelay $0x2  }
0x33a: {  	[tilespmem:$0x2010] =	vst v0  }
0x33b: {  	v0 =	vld.idx.msk [tilespmem:v61+s3+$0x0], $0xffff  }
0x33c: {  	v63 =	vadd.s32 $0x800, v62  }
0x33d: {  	v4 =	vld [tilespmem:$0xE40];
	_ =	sdelay $0x2  }
0x33e: {  	[tilespmem:$0x2020] =	vst v0  }
0x33f: {  	v0 =	vld.idx.msk [tilespmem:v63+s3+$0x0], $0xffff  }
0x340: {  	v5 =	vadd.s32 $0x800, v4  }
0x341: {  	v6 =	vld [tilespmem:$0xE50];
	_ =	sdelay $0x2  }
0x342: {  	[tilespmem:$0x2030] =	vst v0  }
0x343: {  	v0 =	vld.idx.msk [tilespmem:v5+s3+$0x0], $0xffff  }
0x344: {  	v7 =	vadd.s32 $0x800, v6  }
0x345: {  	v8 =	vld [tilespmem:$0xE60];
	_ =	sdelay $0x2  }
0x346: {  	[tilespmem:$0x2040] =	vst v0  }
0x347: {  	v0 =	vld.idx.msk [tilespmem:v7+s3+$0x0], $0xffff  }
0x348: {  	v9 =	vadd.s32 $0x800, v8  }
0x349: {  	v10 =	vld [tilespmem:$0xE70];
	_ =	sdelay $0x2  }
0x34a: {  	[tilespmem:$0x2050] =	vst v0  }
0x34b: {  	v0 =	vld.idx.msk [tilespmem:v9+s3+$0x0], $0xffff  }
0x34c: {  	v11 =	vadd.s32 $0x800, v10  }
0x34d: {  	v12 =	vld [tilespmem:$0xE80];
	_ =	sdelay $0x2  }
0x34e: {  	[tilespmem:$0x2060] =	vst v0  }
0x34f: {  	v0 =	vld.idx.msk [tilespmem:v11+s3+$0x0], $0xffff  }
0x350: {  	v13 =	vadd.s32 $0x800, v12  }
0x351: {  	v14 =	vld [tilespmem:$0xE90];
	_ =	sdelay $0x2  }
0x352: {  	[tilespmem:$0x2070] =	vst v0  }
0x353: {  	v0 =	vld.idx.msk [tilespmem:v13+s3+$0x0], $0xffff  }
0x354: {  	v15 =	vadd.s32 $0x800, v14  }
0x355: {  	v16 =	vld [tilespmem:$0xEA0];
	_ =	sdelay $0x2  }
0x356: {  	[tilespmem:$0x2080] =	vst v0  }
0x357: {  	v0 =	vld.idx.msk [tilespmem:v15+s3+$0x0], $0xffff  }
0x358: {  	v17 =	vadd.s32 $0x800, v16  }
0x359: {  	v18 =	vld [tilespmem:$0xEB0];
	_ =	sdelay $0x2  }
0x35a: {  	[tilespmem:$0x2090] =	vst v0  }
0x35b: {  	v0 =	vld.idx.msk [tilespmem:v17+s3+$0x0], $0xffff  }
0x35c: {  	v19 =	vadd.s32 $0x800, v18  }
0x35d: {  	v20 =	vld [tilespmem:$0xEC0];
	_ =	sdelay $0x2  }
0x35e: {  	[tilespmem:$0x20A0] =	vst v0  }
0x35f: {  	v0 =	vld.idx.msk [tilespmem:v19+s3+$0x0], $0xffff  }
0x360: {  	v21 =	vadd.s32 $0x800, v20  }
0x361: {  	v22 =	vld [tilespmem:$0xED0];
	_ =	sdelay $0x2  }
0x362: {  	[tilespmem:$0x20B0] =	vst v0  }
0x363: {  	v0 =	vld.idx.msk [tilespmem:v21+s3+$0x0], $0xffff  }
0x364: {  	v23 =	vadd.s32 $0x800, v22  }
0x365: {  	v24 =	vld [tilespmem:$0xEE0];
	_ =	sdelay $0x2  }
0x366: {  	[tilespmem:$0x20C0] =	vst v0  }
0x367: {  	v0 =	vld.idx.msk [tilespmem:v23+s3+$0x0], $0xffff  }
0x368: {  	v25 =	vadd.s32 $0x800, v24  }
0x369: {  	v26 =	vld [tilespmem:$0xEF0];
	_ =	sdelay $0x2  }
0x36a: {  	[tilespmem:$0x20D0] =	vst v0  }
0x36b: {  	v0 =	vld.idx.msk [tilespmem:v25+s3+$0x0], $0xffff  }
0x36c: {  	v27 =	vadd.s32 $0x800, v26  }
0x36d: {  	v28 =	vld [tilespmem:$0xF00];
	_ =	sdelay $0x2  }
0x36e: {  	[tilespmem:$0x20E0] =	vst v0  }
0x36f: {  	v0 =	vld.idx.msk [tilespmem:v27+s3+$0x0], $0xffff  }
0x370: {  	v29 =	vadd.s32 $0x800, v28  }
0x371: {  	v30 =	vld [tilespmem:$0xF10];
	_ =	sdelay $0x2  }
0x372: {  	[tilespmem:$0x20F0] =	vst v0  }
0x373: {  	v0 =	vld.idx.msk [tilespmem:v29+s3+$0x0], $0xffff  }
0x374: {  	v31 =	vadd.s32 $0x800, v30  }
0x375: {  	v32 =	vld [tilespmem:$0xF20];
	_ =	sdelay $0x2  }
0x376: {  	[tilespmem:$0x2100] =	vst v0  }
0x377: {  	v0 =	vld.idx.msk [tilespmem:v31+s3+$0x0], $0xffff  }
0x378: {  	v33 =	vadd.s32 $0x800, v32  }
0x379: {  	v34 =	vld [tilespmem:$0xF30];
	_ =	sdelay $0x2  }
0x37a: {  	[tilespmem:$0x2110] =	vst v0  }
0x37b: {  	v0 =	vld.idx.msk [tilespmem:v33+s3+$0x0], $0xffff  }
0x37c: {  	v35 =	vadd.s32 $0x800, v34  }
0x37d: {  	v36 =	vld [tilespmem:$0xF40];
	_ =	sdelay $0x2  }
0x37e: {  	[tilespmem:$0x2120] =	vst v0  }
0x37f: {  	v0 =	vld.idx.msk [tilespmem:v35+s3+$0x0], $0xffff  }
0x380: {  	v37 =	vadd.s32 $0x800, v36  }
0x381: {  	v38 =	vld [tilespmem:$0xF50];
	_ =	sdelay $0x2  }
0x382: {  	[tilespmem:$0x2130] =	vst v0  }
0x383: {  	v0 =	vld.idx.msk [tilespmem:v37+s3+$0x0], $0xffff  }
0x384: {  	v39 =	vadd.s32 $0x800, v38  }
0x385: {  	v40 =	vld [tilespmem:$0xF60];
	_ =	sdelay $0x2  }
0x386: {  	[tilespmem:$0x2140] =	vst v0  }
0x387: {  	v0 =	vld.idx.msk [tilespmem:v39+s3+$0x0], $0xffff  }
0x388: {  	v41 =	vadd.s32 $0x800, v40  }
0x389: {  	v42 =	vld [tilespmem:$0xF70];
	_ =	sdelay $0x2  }
0x38a: {  	[tilespmem:$0x2150] =	vst v0  }
0x38b: {  	v0 =	vld.idx.msk [tilespmem:v41+s3+$0x0], $0xffff  }
0x38c: {  	v43 =	vadd.s32 $0x800, v42  }
0x38d: {  	v44 =	vld [tilespmem:$0xF80];
	_ =	sdelay $0x2  }
0x38e: {  	[tilespmem:$0x2160] =	vst v0  }
0x38f: {  	v0 =	vld.idx.msk [tilespmem:v43+s3+$0x0], $0xffff  }
0x390: {  	v45 =	vadd.s32 $0x800, v44  }
0x391: {  	v46 =	vld [tilespmem:$0xF90];
	_ =	sdelay $0x2  }
0x392: {  	[tilespmem:$0x2170] =	vst v0  }
0x393: {  	v0 =	vld.idx.msk [tilespmem:v45+s3+$0x0], $0xffff  }
0x394: {  	v47 =	vadd.s32 $0x800, v46  }
0x395: {  	v48 =	vld [tilespmem:$0xFA0];
	_ =	sdelay $0x2  }
0x396: {  	[tilespmem:$0x2180] =	vst v0  }
0x397: {  	v0 =	vld.idx.msk [tilespmem:v47+s3+$0x0], $0xffff  }
0x398: {  	v49 =	vadd.s32 $0x800, v48  }
0x399: {  	v50 =	vld [tilespmem:$0xFB0];
	_ =	sdelay $0x2  }
0x39a: {  	[tilespmem:$0x2190] =	vst v0  }
0x39b: {  	v0 =	vld.idx.msk [tilespmem:v49+s3+$0x0], $0xffff  }
0x39c: {  	v51 =	vadd.s32 $0x800, v50  }
0x39d: {  	v52 =	vld [tilespmem:$0xFC0];
	_ =	sdelay $0x2  }
0x39e: {  	[tilespmem:$0x21A0] =	vst v0  }
0x39f: {  	v0 =	vld.idx.msk [tilespmem:v51+s3+$0x0], $0xffff  }
0x3a0: {  	v53 =	vadd.s32 $0x800, v52  }
0x3a1: {  	v54 =	vld [tilespmem:$0xFD0];
	_ =	sdelay $0x2  }
0x3a2: {  	[tilespmem:$0x21B0] =	vst v0  }
0x3a3: {  	v0 =	vld.idx.msk [tilespmem:v53+s3+$0x0], $0xffff  }
0x3a4: {  	v55 =	vadd.s32 $0x800, v54  }
0x3a5: {  	v56 =	vld [tilespmem:$0xFE0];
	_ =	sdelay $0x2  }
0x3a6: {  	[tilespmem:$0x21C0] =	vst v0  }
0x3a7: {  	v0 =	vld.idx.msk [tilespmem:v55+s3+$0x0], $0xffff  }
0x3a8: {  	v57 =	vadd.s32 $0x800, v56  }
0x3a9: {  	v58 =	vld [tilespmem:$0xFF0];
	_ =	sdelay $0x2  }
0x3aa: {  	[tilespmem:$0x21D0] =	vst v0  }
0x3ab: {  	v0 =	vld.idx.msk [tilespmem:v57+s3+$0x0], $0xffff  }
0x3ac: {  	v59 =	vadd.s32 $0x800, v58  }
0x3ad: {  	v60 =	vld [tilespmem:$0x1000];
	_ =	sdelay $0x2  }
0x3ae: {  	[tilespmem:$0x21E0] =	vst v0  }
0x3af: {  	v0 =	vld.idx.msk [tilespmem:v59+s3+$0x0], $0xffff  }
0x3b0: {  	v61 =	vadd.s32 $0x800, v60  }
0x3b1: {  	v62 =	vld [tilespmem:$0x1010];
	_ =	sdelay $0x2  }
0x3b2: {  	[tilespmem:$0x21F0] =	vst v0  }
0x3b3: {  	v0 =	vld.idx.msk [tilespmem:v61+s3+$0x0], $0xffff  }
0x3b4: {  	v63 =	vadd.s32 $0x800, v62  }
0x3b5: {  	v4 =	vld [tilespmem:$0x1020];
	_ =	sdelay $0x2  }
0x3b6: {  	[tilespmem:$0x2200] =	vst v0  }
0x3b7: {  	v0 =	vld.idx.msk [tilespmem:v63+s3+$0x0], $0xffff  }
0x3b8: {  	v5 =	vadd.s32 $0x800, v4  }
0x3b9: {  	v6 =	vld [tilespmem:$0x1030];
	_ =	sdelay $0x2  }
0x3ba: {  	[tilespmem:$0x2210] =	vst v0  }
0x3bb: {  	v0 =	vld.idx.msk [tilespmem:v5+s3+$0x0], $0xffff  }
0x3bc: {  	v7 =	vadd.s32 $0x800, v6  }
0x3bd: {  	v8 =	vld [tilespmem:$0x1040];
	_ =	sdelay $0x2  }
0x3be: {  	[tilespmem:$0x2220] =	vst v0  }
0x3bf: {  	v0 =	vld.idx.msk [tilespmem:v7+s3+$0x0], $0xffff  }
0x3c0: {  	v9 =	vadd.s32 $0x800, v8  }
0x3c1: {  	v10 =	vld [tilespmem:$0x1050];
	_ =	sdelay $0x2  }
0x3c2: {  	[tilespmem:$0x2230] =	vst v0  }
0x3c3: {  	v0 =	vld.idx.msk [tilespmem:v9+s3+$0x0], $0xffff  }
0x3c4: {  	v11 =	vadd.s32 $0x800, v10  }
0x3c5: {  	v12 =	vld [tilespmem:$0x1060];
	_ =	sdelay $0x2  }
0x3c6: {  	[tilespmem:$0x2240] =	vst v0  }
0x3c7: {  	v0 =	vld.idx.msk [tilespmem:v11+s3+$0x0], $0xffff  }
0x3c8: {  	v13 =	vadd.s32 $0x800, v12  }
0x3c9: {  	v14 =	vld [tilespmem:$0x1070];
	_ =	sdelay $0x2  }
0x3ca: {  	[tilespmem:$0x2250] =	vst v0  }
0x3cb: {  	v0 =	vld.idx.msk [tilespmem:v13+s3+$0x0], $0xffff  }
0x3cc: {  	v15 =	vadd.s32 $0x800, v14  }
0x3cd: {  	v16 =	vld [tilespmem:$0x1080];
	_ =	sdelay $0x2  }
0x3ce: {  	[tilespmem:$0x2260] =	vst v0  }
0x3cf: {  	v0 =	vld.idx.msk [tilespmem:v15+s3+$0x0], $0xffff  }
0x3d0: {  	v17 =	vadd.s32 $0x800, v16  }
0x3d1: {  	v18 =	vld [tilespmem:$0x1090];
	_ =	sdelay $0x2  }
0x3d2: {  	[tilespmem:$0x2270] =	vst v0  }
0x3d3: {  	v0 =	vld.idx.msk [tilespmem:v17+s3+$0x0], $0xffff  }
0x3d4: {  	v19 =	vadd.s32 $0x800, v18  }
0x3d5: {  	v20 =	vld [tilespmem:$0x10A0];
	_ =	sdelay $0x2  }
0x3d6: {  	[tilespmem:$0x2280] =	vst v0  }
0x3d7: {  	v0 =	vld.idx.msk [tilespmem:v19+s3+$0x0], $0xffff  }
0x3d8: {  	v21 =	vadd.s32 $0x800, v20  }
0x3d9: {  	v22 =	vld [tilespmem:$0x10B0];
	_ =	sdelay $0x2  }
0x3da: {  	[tilespmem:$0x2290] =	vst v0  }
0x3db: {  	v0 =	vld.idx.msk [tilespmem:v21+s3+$0x0], $0xffff  }
0x3dc: {  	v23 =	vadd.s32 $0x800, v22  }
0x3dd: {  	v24 =	vld [tilespmem:$0x10C0];
	_ =	sdelay $0x2  }
0x3de: {  	[tilespmem:$0x22A0] =	vst v0  }
0x3df: {  	v0 =	vld.idx.msk [tilespmem:v23+s3+$0x0], $0xffff  }
0x3e0: {  	v25 =	vadd.s32 $0x800, v24  }
0x3e1: {  	v26 =	vld [tilespmem:$0x10D0];
	_ =	sdelay $0x2  }
0x3e2: {  	[tilespmem:$0x22B0] =	vst v0  }
0x3e3: {  	v0 =	vld.idx.msk [tilespmem:v25+s3+$0x0], $0xffff  }
0x3e4: {  	v27 =	vadd.s32 $0x800, v26  }
0x3e5: {  	v28 =	vld [tilespmem:$0x10E0];
	_ =	sdelay $0x2  }
0x3e6: {  	[tilespmem:$0x22C0] =	vst v0  }
0x3e7: {  	v0 =	vld.idx.msk [tilespmem:v27+s3+$0x0], $0xffff  }
0x3e8: {  	v29 =	vadd.s32 $0x800, v28  }
0x3e9: {  	v30 =	vld [tilespmem:$0x10F0];
	_ =	sdelay $0x2  }
0x3ea: {  	[tilespmem:$0x22D0] =	vst v0  }
0x3eb: {  	v0 =	vld.idx.msk [tilespmem:v29+s3+$0x0], $0xffff  }
0x3ec: {  	v31 =	vadd.s32 $0x800, v30  }
0x3ed: {  	v32 =	vld [tilespmem:$0x1100];
	_ =	sdelay $0x2  }
0x3ee: {  	[tilespmem:$0x22E0] =	vst v0  }
0x3ef: {  	v0 =	vld.idx.msk [tilespmem:v31+s3+$0x0], $0xffff  }
0x3f0: {  	v33 =	vadd.s32 $0x800, v32  }
0x3f1: {  	v34 =	vld [tilespmem:$0x1110];
	_ =	sdelay $0x2  }
0x3f2: {  	[tilespmem:$0x22F0] =	vst v0  }
0x3f3: {  	v0 =	vld.idx.msk [tilespmem:v33+s3+$0x0], $0xffff  }
0x3f4: {  	v35 =	vadd.s32 $0x800, v34  }
0x3f5: {  	v36 =	vld [tilespmem:$0x1120];
	_ =	sdelay $0x2  }
0x3f6: {  	[tilespmem:$0x2300] =	vst v0  }
0x3f7: {  	v0 =	vld.idx.msk [tilespmem:v35+s3+$0x0], $0xffff  }
0x3f8: {  	v37 =	vadd.s32 $0x800, v36  }
0x3f9: {  	v38 =	vld [tilespmem:$0x1130];
	_ =	sdelay $0x2  }
0x3fa: {  	[tilespmem:$0x2310] =	vst v0  }
0x3fb: {  	v0 =	vld.idx.msk [tilespmem:v37+s3+$0x0], $0xffff  }
0x3fc: {  	v39 =	vadd.s32 $0x800, v38  }
0x3fd: {  	v40 =	vld [tilespmem:$0x1140];
	_ =	sdelay $0x2  }
0x3fe: {  	[tilespmem:$0x2320] =	vst v0  }
0x3ff: {  	v0 =	vld.idx.msk [tilespmem:v39+s3+$0x0], $0xffff  }
0x400: {  	v41 =	vadd.s32 $0x800, v40  }
0x401: {  	v42 =	vld [tilespmem:$0x1150];
	_ =	sdelay $0x2  }
0x402: {  	[tilespmem:$0x2330] =	vst v0  }
0x403: {  	v0 =	vld.idx.msk [tilespmem:v41+s3+$0x0], $0xffff  }
0x404: {  	v43 =	vadd.s32 $0x800, v42  }
0x405: {  	v44 =	vld [tilespmem:$0x1160];
	_ =	sdelay $0x2  }
0x406: {  	[tilespmem:$0x2340] =	vst v0  }
0x407: {  	v0 =	vld.idx.msk [tilespmem:v43+s3+$0x0], $0xffff  }
0x408: {  	v45 =	vadd.s32 $0x800, v44  }
0x409: {  	v46 =	vld [tilespmem:$0x1170];
	_ =	sdelay $0x2  }
0x40a: {  	[tilespmem:$0x2350] =	vst v0  }
0x40b: {  	v0 =	vld.idx.msk [tilespmem:v45+s3+$0x0], $0xffff  }
0x40c: {  	v47 =	vadd.s32 $0x800, v46  }
0x40d: {  	v48 =	vld [tilespmem:$0x1180];
	_ =	sdelay $0x2  }
0x40e: {  	[tilespmem:$0x2360] =	vst v0  }
0x40f: {  	v0 =	vld.idx.msk [tilespmem:v47+s3+$0x0], $0xffff  }
0x410: {  	v49 =	vadd.s32 $0x800, v48  }
0x411: {  	v50 =	vld [tilespmem:$0x1190];
	_ =	sdelay $0x2  }
0x412: {  	[tilespmem:$0x2370] =	vst v0  }
0x413: {  	v0 =	vld.idx.msk [tilespmem:v49+s3+$0x0], $0xffff  }
0x414: {  	v51 =	vadd.s32 $0x800, v50  }
0x415: {  	v52 =	vld [tilespmem:$0x11A0];
	_ =	sdelay $0x2  }
0x416: {  	[tilespmem:$0x2380] =	vst v0  }
0x417: {  	v0 =	vld.idx.msk [tilespmem:v51+s3+$0x0], $0xffff  }
0x418: {  	v53 =	vadd.s32 $0x800, v52  }
0x419: {  	v54 =	vld [tilespmem:$0x11B0];
	_ =	sdelay $0x2  }
0x41a: {  	[tilespmem:$0x2390] =	vst v0  }
0x41b: {  	v0 =	vld.idx.msk [tilespmem:v53+s3+$0x0], $0xffff  }
0x41c: {  	v55 =	vadd.s32 $0x800, v54  }
0x41d: {  	v56 =	vld [tilespmem:$0x11C0];
	_ =	sdelay $0x2  }
0x41e: {  	[tilespmem:$0x23A0] =	vst v0  }
0x41f: {  	v0 =	vld.idx.msk [tilespmem:v55+s3+$0x0], $0xffff  }
0x420: {  	v57 =	vadd.s32 $0x800, v56  }
0x421: {  	v58 =	vld [tilespmem:$0x11D0];
	_ =	sdelay $0x2  }
0x422: {  	[tilespmem:$0x23B0] =	vst v0  }
0x423: {  	v0 =	vld.idx.msk [tilespmem:v57+s3+$0x0], $0xffff  }
0x424: {  	v59 =	vadd.s32 $0x800, v58  }
0x425: {  	v60 =	vld [tilespmem:$0x11E0];
	_ =	sdelay $0x2  }
0x426: {  	[tilespmem:$0x23C0] =	vst v0  }
0x427: {  	v0 =	vld.idx.msk [tilespmem:v59+s3+$0x0], $0xffff  }
0x428: {  	v61 =	vadd.s32 $0x800, v60  }
0x429: {  	v62 =	vld [tilespmem:$0x11F0];
	_ =	sdelay $0x2  }
0x42a: {  	[tilespmem:$0x23D0] =	vst v0  }
0x42b: {  	v0 =	vld.idx.msk [tilespmem:v61+s3+$0x0], $0xffff  }
0x42c: {  	v63 =	vadd.s32 $0x800, v62;
	_ =	sdelay $0x3  }
0x42d: {  	[tilespmem:$0x23E0] =	vst v0  }
0x42e: {  	v0 =	vld.idx.msk [tilespmem:v63+s3+$0x0], $0xffff;
	_ =	sdelay $0x2  }
0x42f: {  	s29 =	smul.u32 $0x240, s0;
	_ =	sdelay $0x1  }
0x430: {  	s30 =	simm.s32 $0x1200;
	s31 =	simm.s32 $0x2;
	s2 =	sadd.s32 s2, s29;
	[tilespmem:$0x23F0] =	vst v0  }
0x431: {  	[hbm4b:s2+s3] =	stream.linear.scatter [tilespmem:s30], [sflag:$0x2], $0x1200, $0x38;
	[tilespmem:$0x2400] =	vst v63  }
0x432: {  	_ =	swait.ge [sflag:s31], $0x1200  }
0x433: {  	[sflag:s31] =	ssyncset.done $0x0  }
0x434: {  	[sflag:s31] =	ssyncadd.s32 $0xFFFFEE00  }
0x435: {  	_ =	sfence.sel $0x180000  }
0x436: {  	[bflag:$0x0] =	sbarrier.arrive $0xFFFF  }
0x437: {  	p0 =	sne.s32 s0, $0x0;
	_ =	strace $0x90000047  }
0x438: {  	s0 =	sadd.s32 @!p0 $0x100000, s1;
	[bflag:$0x2] =	sbarrier.arrive $0xFFFF  }
0x439: {  	[sflag:s0] =	ssyncadd.tile.s32 @!p0 $0x1;
	_ =	shalt  }
.Lfunc_end2:
_tile_overlayer_lowered:
.L_overlay_start_2:
0x43a: {  	(tag) =	ssettag $0x2  }
0x43b: {  	s0 =	rddreg [dreg:$0x0];
	s2 =	stileid.u32  }
0x43c: {  	s1 =	rddreg [dreg:$0x1];
	p0 =	sne.s32 s2, $0x0  }
0x43d: {  	s3 =	rddreg [dreg:$0x2];
	[bflag:$0x3] =	sbarrier.arrive $0xFFFF;
	s2 =	simm.s32 @!p0 $0x1C02  }
0x43e: {  	[timem:s3], [sflag:s2] =	dma.local @!p0 [hbm:s0], s1  }
0x43f: {  	s0 =	simm.s32 @!p0 $0x2  }
0x440: {  	_ =	swait.ge @!p0 [sflag:s0], s1  }
0x441: {  	s1 =	ssub.s32 @!p0 $0x0, s1;
	[sflag:s0] =	ssyncset.done @!p0 $0x0  }
0x442: {  	[sflag:s0] =	ssyncadd.s32 @!p0 s1  }
0x443: {  	[bflag:$0x3] =	sbarrier.arrive $0xFFFF  }
0x444: {  	_ =	shalt  }

</sc_bundles>
